<compile_context>
chip_gen: v7x
topology: tpu7x:2x2x1
jax: 0.10.2.dev20260603
libtpu: 0.0.44.dev20260713+nightly
codegen_flags: <defaults>
</compile_context>

<pallas_src>
import functools

import jax
import jax.numpy as jnp
from jax import lax
from jax.experimental import pallas as pl
from jax.experimental.pallas import tpu as pltpu
from jax.experimental.pallas import tpu_sc as plsc

_NC = 2
_NS = 16
_NW = _NC * _NS
_CH = 128
_L = 16


@functools.lru_cache(maxsize=None)
def _make_decode(K, D, N):
    per_w = N // _NW
    n_ch = per_w // _CH
    mesh = plsc.VectorSubcoreMesh(core_axis_name="c", subcore_axis_name="s")

    @functools.partial(
        pl.kernel,
        mesh=mesh,
        out_type=jax.ShapeDtypeStruct((N, D), jnp.float32),
        scratch_types=[
            pltpu.VMEM((n_ch, _CH), jnp.int32),
            pltpu.VMEM((per_w,), jnp.float32),
            pltpu.VMEM((per_w * _L,), jnp.float32),
            pltpu.VMEM((_CH, D), jnp.float32),
            pltpu.VMEM((_CH, D), jnp.float32),
            pltpu.VMEM((_CH, D), jnp.float32),
            pltpu.SemaphoreType.DMA,
            pltpu.SemaphoreType.DMA,
            pltpu.SemaphoreType.DMA,
            pltpu.SemaphoreType.DMA,
            pltpu.SemaphoreType.DMA,
            pltpu.SemaphoreType.DMA,
            pltpu.SemaphoreType.DMA,
        ],
    )
    def decode_k(emb_hbm, usage_hbm, idx_hbm, out_hbm,
                 idx_v, recip_v, rsp_v, rows_a, rows_b, rows_c,
                 gsem_a, gsem_b, gsem_c, osem_a, osem_b, osem_c, usem):
        wid = lax.axis_index("s") * _NC + lax.axis_index("c")
        base = wid * per_w
        bufs = (rows_a, rows_b, rows_c)
        gsems = (gsem_a, gsem_b, gsem_c)
        osems = (osem_a, osem_b, osem_c)
        nb = len(bufs)

        pltpu.sync_copy(idx_hbm.at[wid], idx_v)

        def start_gather(c):
            b = c % nb
            return pltpu.async_copy(emb_hbm.at[idx_v.at[c]], bufs[b], gsems[b])

        ucopies = [
            pltpu.async_copy(usage_hbm.at[idx_v.at[c]],
                             recip_v.at[pl.ds(c * _CH, _CH)], usem)
            for c in range(n_ch)
        ]
        gathers = {0: start_gather(0), 1: start_gather(1)}
        for cp in ucopies:
            cp.wait()

        def splat_body(g, carry):
            r16 = 1.0 / recip_v[pl.ds(g * _L, _L)]
            for rr in range(_L):
                rsp_v[pl.ds((g * _L + rr) * _L, _L)] = jnp.full(
                    (_L,), r16[rr], jnp.float32)
            return carry

        lax.fori_loop(0, per_w // _L, splat_body, 0)

        def scale_chunk(c):
            buf = bufs[c % nb]

            def srow(r, carry):
                s = rsp_v[pl.ds((c * _CH + r) * _L, _L)]
                for j in range(D // _L):
                    buf[r, pl.ds(j * _L, _L)] = buf[r, pl.ds(j * _L, _L)] * s
                return carry

            lax.fori_loop(0, _CH, srow, 0)

        outs = {}
        for c in range(n_ch):
            b = c % nb
            gathers[c].wait()
            if c + 2 < n_ch:
                if c + 2 - nb >= 0:
                    outs[c + 2 - nb].wait()
                gathers[c + 2] = start_gather(c + 2)
            scale_chunk(c)
            outs[c] = pltpu.async_copy(
                bufs[b], out_hbm.at[pl.ds(base + c * _CH, _CH)], osems[b])
        for c in range(max(0, n_ch - nb), n_ch):
            outs[c].wait()

    return decode_k


def kernel(indices, embedding_sum, cluster_usage):
    K, D = embedding_sum.shape
    B, T = indices.shape
    N = B * T
    idx3 = indices.reshape(_NW, N // _NW // _CH, _CH).astype(jnp.int32)
    out = _make_decode(K, D, N)(embedding_sum, cluster_usage, idx3)
    return out.reshape(B, T, D)

# --- scband reference (transcript-rebuilt; emitter-appended) ---
"""Pipeline reference for scband-voxtral-tts-quantizer-20023137534974 (READ-ONLY COPY).

The authoritative reference and input builder live on the scoring server;
editing this copy changes nothing except your own understanding.
"""

import jax, jax.numpy as jnp
import numpy as np

K = 8192
D = 256
B = 8
T = 4096

def setup_inputs(seed: int = 0) -> dict:
    key = jax.random.key(seed)
    k1, k2, k3 = jax.random.split(key, 3)
    indices = jax.random.randint(k1, (B, T), 0, K, dtype=jnp.int64) if jax.config.jax_enable_x64 else jax.random.randint(k1, (B, T), 0, K, dtype=jnp.int32)
    # buffers: cluster_usage initialized to ones, embedding_sum as learned running sums
    cluster_usage = jnp.ones((K,), dtype=jnp.float32) + jax.random.uniform(k2, (K,), dtype=jnp.float32)
    embedding_sum = jax.random.normal(k3, (K, D), dtype=jnp.float32)
    return {"indices": indices, "embedding_sum": embedding_sum, "cluster_usage": cluster_usage}

def reference(indices, embedding_sum, cluster_usage):
    # embeddings = embedding_sum / cluster_usage.unsqueeze(-1)
    embeddings = embedding_sum / cluster_usage[:, None]
    # nn.functional.embedding(indices, embeddings)
    out = jnp.take(embeddings, indices, axis=0)
    return out

if __name__ == "__main__":
    import jax
    _d = setup_inputs()
    print(jax.jit(kernel)(*tuple(_d.values())))

</pallas_src>

<mosaic_0001>
#map = affine_map<(d0, d1) -> (0, 0)>
#map1 = affine_map<(d0, d1) -> (0)>
#map2 = affine_map<(d0, d1) -> (0, 0, 0)>
module attributes {stable_mosaic.version = 14 : i64} {
  func.func @decode_k(%arg0: i32, %arg1: i32, %arg2: memref<8192x256xf32, #tpu.memory_space<hbm>>, %arg3: memref<8192xf32, #tpu.memory_space<hbm>>, %arg4: memref<32x8x128xi32, #tpu.memory_space<hbm>>, %arg5: memref<32768x256xf32, #tpu.memory_space<hbm>>, %arg6: memref<8x128xi32, #tpu.memory_space<vmem>>, %arg7: memref<1024xf32, #tpu.memory_space<vmem>>, %arg8: memref<16384xf32, #tpu.memory_space<vmem>>, %arg9: memref<128x256xf32, #tpu.memory_space<vmem>>, %arg10: memref<128x256xf32, #tpu.memory_space<vmem>>, %arg11: memref<128x256xf32, #tpu.memory_space<vmem>>, %arg12: memref<!tpu.dma_semaphore, #tpu.memory_space<semaphore_mem>>, %arg13: memref<!tpu.dma_semaphore, #tpu.memory_space<semaphore_mem>>, %arg14: memref<!tpu.dma_semaphore, #tpu.memory_space<semaphore_mem>>, %arg15: memref<!tpu.dma_semaphore, #tpu.memory_space<semaphore_mem>>, %arg16: memref<!tpu.dma_semaphore, #tpu.memory_space<semaphore_mem>>, %arg17: memref<!tpu.dma_semaphore, #tpu.memory_space<semaphore_mem>>, %arg18: memref<!tpu.dma_semaphore, #tpu.memory_space<semaphore_mem>>) attributes {dimension_semantics = [#tpu.dimension_semantics<core_parallel>, #tpu.dimension_semantics<subcore_parallel>], iteration_bounds = array<i64: 2, 16>, scalar_prefetch = 0 : i64, scratch_operands = 13 : i64, tpu.core_type = #tpu.core_type<sc_vector_subcore>, window_params = [{transform_indices = #map}, {transform_indices = #map1}, {transform_indices = #map2}, {transform_indices = #map}]} {
    %mul3A = arith.constant 2 : i32
    %mul3A_0 = arith.muli %arg1, %mul3A : i32
    %add3A = arith.addi %mul3A_0, %arg0 : i32
    %mul3A_1 = arith.constant 1024 : i32
    %mul3A_2 = arith.muli %add3A, %mul3A_1 : i32
    "tpu.region"() ({
      %run_scoped3A = tpu.sem_alloc : memref<!tpu.dma_semaphore, #tpu.memory_space<semaphore_mem>>
      %dma_start3A_374 = arith.constant 0 : i32
      %dma_start3A_375 = arith.constant 0 : i32
      %dma_start3A_376 = tpu.memref_slice %arg4[%add3A, %dma_start3A_374, %dma_start3A_375] : memref<32x8x128xi32, #tpu.memory_space<hbm>> -> memref<1x8x128xi32, #tpu.memory_space<hbm>>
      %dma_start3A_377 = tpu.memref_squeeze %dma_start3A_376 : memref<1x8x128xi32, #tpu.memory_space<hbm>> -> memref<8x128xi32, #tpu.memory_space<hbm>>
      %dma_start3A_378 = arith.constant 0 : i32
      %dma_start3A_379 = arith.constant 0 : i32
      %dma_start3A_380 = tpu.memref_slice %arg4[%add3A, %dma_start3A_378, %dma_start3A_379] : memref<32x8x128xi32, #tpu.memory_space<hbm>> -> memref<1x8x128xi32, #tpu.memory_space<hbm>>
      %dma_start3A_381 = tpu.memref_squeeze %dma_start3A_380 : memref<1x8x128xi32, #tpu.memory_space<hbm>> -> memref<8x128xi32, #tpu.memory_space<hbm>>
      tpu.enqueue_dma source(%dma_start3A_381 : memref<8x128xi32, #tpu.memory_space<hbm>>) target(%arg6 : memref<8x128xi32, #tpu.memory_space<vmem>>) target_semaphore(%run_scoped3A : memref<!tpu.dma_semaphore, #tpu.memory_space<semaphore_mem>>)
      %dma_wait3A_382 = arith.constant 0 : i32
      %dma_wait3A_383 = arith.constant 0 : i32
      %dma_wait3A_384 = tpu.memref_slice %arg4[%add3A, %dma_wait3A_382, %dma_wait3A_383] : memref<32x8x128xi32, #tpu.memory_space<hbm>> -> memref<1x8x128xi32, #tpu.memory_space<hbm>>
      %dma_wait3A_385 = tpu.memref_squeeze %dma_wait3A_384 : memref<1x8x128xi32, #tpu.memory_space<hbm>> -> memref<8x128xi32, #tpu.memory_space<hbm>>
      %dma_wait3A_386 = arith.constant 0 : i32
      %dma_wait3A_387 = arith.constant 0 : i32
      %dma_wait3A_388 = tpu.memref_slice %arg4[%add3A, %dma_wait3A_386, %dma_wait3A_387] : memref<32x8x128xi32, #tpu.memory_space<hbm>> -> memref<1x8x128xi32, #tpu.memory_space<hbm>>
      %dma_wait3A_389 = tpu.memref_squeeze %dma_wait3A_388 : memref<1x8x128xi32, #tpu.memory_space<hbm>> -> memref<8x128xi32, #tpu.memory_space<hbm>>
      tpu.wait_dma2 semaphore(%run_scoped3A : memref<!tpu.dma_semaphore, #tpu.memory_space<semaphore_mem>>) src(%dma_wait3A_389 : memref<8x128xi32, #tpu.memory_space<hbm>>) dst(%arg6 : memref<8x128xi32, #tpu.memory_space<vmem>>)
      tpu.yield
    }) : () -> ()
    %dma_start3A = arith.constant 0 : i32
    %dma_start3A_3 = arith.constant 0 : i32
    %dma_start3A_4 = tpu.memref_slice %arg7[%dma_start3A_3] : memref<1024xf32, #tpu.memory_space<vmem>> -> memref<128xf32, #tpu.memory_space<vmem>>
    %dma_start3A_5 = arith.constant 0 : i32
    %dma_start3A_6 = tpu.memref_slice %arg6[%dma_start3A, %dma_start3A_5] : memref<8x128xi32, #tpu.memory_space<vmem>> -> memref<1x128xi32, #tpu.memory_space<vmem>>
    %dma_start3A_7 = tpu.memref_squeeze %dma_start3A_6 : memref<1x128xi32, #tpu.memory_space<vmem>> -> memref<128xi32, #tpu.memory_space<vmem>>
    %dma_start3A_8 = arith.constant 0 : i32
    %dma_start3A_9 = tpu.memref_slice %arg3[%dma_start3A_8] : memref<8192xf32, #tpu.memory_space<hbm>> -> memref<8192xf32, #tpu.memory_space<hbm>>
    tpu.enqueue_indirect_dma source(%dma_start3A_9 : memref<8192xf32, #tpu.memory_space<hbm>>) target(%dma_start3A_4 : memref<128xf32, #tpu.memory_space<vmem>>) offsets(%dma_start3A_7 : memref<128xi32, #tpu.memory_space<vmem>>) semaphore(%arg18 : memref<!tpu.dma_semaphore, #tpu.memory_space<semaphore_mem>>)
    %dma_start3A_10 = arith.constant 1 : i32
    %dma_start3A_11 = arith.constant 128 : i32
    %dma_start3A_12 = tpu.memref_slice %arg7[%dma_start3A_11] : memref<1024xf32, #tpu.memory_space<vmem>> -> memref<128xf32, #tpu.memory_space<vmem>>
    %dma_start3A_13 = arith.constant 0 : i32
    %dma_start3A_14 = tpu.memref_slice %arg6[%dma_start3A_10, %dma_start3A_13] : memref<8x128xi32, #tpu.memory_space<vmem>> -> memref<1x128xi32, #tpu.memory_space<vmem>>
    %dma_start3A_15 = tpu.memref_squeeze %dma_start3A_14 : memref<1x128xi32, #tpu.memory_space<vmem>> -> memref<128xi32, #tpu.memory_space<vmem>>
    %dma_start3A_16 = arith.constant 0 : i32
    %dma_start3A_17 = tpu.memref_slice %arg3[%dma_start3A_16] : memref<8192xf32, #tpu.memory_space<hbm>> -> memref<8192xf32, #tpu.memory_space<hbm>>
    tpu.enqueue_indirect_dma source(%dma_start3A_17 : memref<8192xf32, #tpu.memory_space<hbm>>) target(%dma_start3A_12 : memref<128xf32, #tpu.memory_space<vmem>>) offsets(%dma_start3A_15 : memref<128xi32, #tpu.memory_space<vmem>>) semaphore(%arg18 : memref<!tpu.dma_semaphore, #tpu.memory_space<semaphore_mem>>)
    %dma_start3A_18 = arith.constant 2 : i32
    %dma_start3A_19 = arith.constant 256 : i32
    %dma_start3A_20 = tpu.memref_slice %arg7[%dma_start3A_19] : memref<1024xf32, #tpu.memory_space<vmem>> -> memref<128xf32, #tpu.memory_space<vmem>>
    %dma_start3A_21 = arith.constant 0 : i32
    %dma_start3A_22 = tpu.memref_slice %arg6[%dma_start3A_18, %dma_start3A_21] : memref<8x128xi32, #tpu.memory_space<vmem>> -> memref<1x128xi32, #tpu.memory_space<vmem>>
    %dma_start3A_23 = tpu.memref_squeeze %dma_start3A_22 : memref<1x128xi32, #tpu.memory_space<vmem>> -> memref<128xi32, #tpu.memory_space<vmem>>
    %dma_start3A_24 = arith.constant 0 : i32
    %dma_start3A_25 = tpu.memref_slice %arg3[%dma_start3A_24] : memref<8192xf32, #tpu.memory_space<hbm>> -> memref<8192xf32, #tpu.memory_space<hbm>>
    tpu.enqueue_indirect_dma source(%dma_start3A_25 : memref<8192xf32, #tpu.memory_space<hbm>>) target(%dma_start3A_20 : memref<128xf32, #tpu.memory_space<vmem>>) offsets(%dma_start3A_23 : memref<128xi32, #tpu.memory_space<vmem>>) semaphore(%arg18 : memref<!tpu.dma_semaphore, #tpu.memory_space<semaphore_mem>>)
    %dma_start3A_26 = arith.constant 3 : i32
    %dma_start3A_27 = arith.constant 384 : i32
    %dma_start3A_28 = tpu.memref_slice %arg7[%dma_start3A_27] : memref<1024xf32, #tpu.memory_space<vmem>> -> memref<128xf32, #tpu.memory_space<vmem>>
    %dma_start3A_29 = arith.constant 0 : i32
    %dma_start3A_30 = tpu.memref_slice %arg6[%dma_start3A_26, %dma_start3A_29] : memref<8x128xi32, #tpu.memory_space<vmem>> -> memref<1x128xi32, #tpu.memory_space<vmem>>
    %dma_start3A_31 = tpu.memref_squeeze %dma_start3A_30 : memref<1x128xi32, #tpu.memory_space<vmem>> -> memref<128xi32, #tpu.memory_space<vmem>>
    %dma_start3A_32 = arith.constant 0 : i32
    %dma_start3A_33 = tpu.memref_slice %arg3[%dma_start3A_32] : memref<8192xf32, #tpu.memory_space<hbm>> -> memref<8192xf32, #tpu.memory_space<hbm>>
    tpu.enqueue_indirect_dma source(%dma_start3A_33 : memref<8192xf32, #tpu.memory_space<hbm>>) target(%dma_start3A_28 : memref<128xf32, #tpu.memory_space<vmem>>) offsets(%dma_start3A_31 : memref<128xi32, #tpu.memory_space<vmem>>) semaphore(%arg18 : memref<!tpu.dma_semaphore, #tpu.memory_space<semaphore_mem>>)
    %dma_start3A_34 = arith.constant 4 : i32
    %dma_start3A_35 = arith.constant 512 : i32
    %dma_start3A_36 = tpu.memref_slice %arg7[%dma_start3A_35] : memref<1024xf32, #tpu.memory_space<vmem>> -> memref<128xf32, #tpu.memory_space<vmem>>
    %dma_start3A_37 = arith.constant 0 : i32
    %dma_start3A_38 = tpu.memref_slice %arg6[%dma_start3A_34, %dma_start3A_37] : memref<8x128xi32, #tpu.memory_space<vmem>> -> memref<1x128xi32, #tpu.memory_space<vmem>>
    %dma_start3A_39 = tpu.memref_squeeze %dma_start3A_38 : memref<1x128xi32, #tpu.memory_space<vmem>> -> memref<128xi32, #tpu.memory_space<vmem>>
    %dma_start3A_40 = arith.constant 0 : i32
    %dma_start3A_41 = tpu.memref_slice %arg3[%dma_start3A_40] : memref<8192xf32, #tpu.memory_space<hbm>> -> memref<8192xf32, #tpu.memory_space<hbm>>
    tpu.enqueue_indirect_dma source(%dma_start3A_41 : memref<8192xf32, #tpu.memory_space<hbm>>) target(%dma_start3A_36 : memref<128xf32, #tpu.memory_space<vmem>>) offsets(%dma_start3A_39 : memref<128xi32, #tpu.memory_space<vmem>>) semaphore(%arg18 : memref<!tpu.dma_semaphore, #tpu.memory_space<semaphore_mem>>)
    %dma_start3A_42 = arith.constant 5 : i32
    %dma_start3A_43 = arith.constant 640 : i32
    %dma_start3A_44 = tpu.memref_slice %arg7[%dma_start3A_43] : memref<1024xf32, #tpu.memory_space<vmem>> -> memref<128xf32, #tpu.memory_space<vmem>>
    %dma_start3A_45 = arith.constant 0 : i32
    %dma_start3A_46 = tpu.memref_slice %arg6[%dma_start3A_42, %dma_start3A_45] : memref<8x128xi32, #tpu.memory_space<vmem>> -> memref<1x128xi32, #tpu.memory_space<vmem>>
    %dma_start3A_47 = tpu.memref_squeeze %dma_start3A_46 : memref<1x128xi32, #tpu.memory_space<vmem>> -> memref<128xi32, #tpu.memory_space<vmem>>
    %dma_start3A_48 = arith.constant 0 : i32
    %dma_start3A_49 = tpu.memref_slice %arg3[%dma_start3A_48] : memref<8192xf32, #tpu.memory_space<hbm>> -> memref<8192xf32, #tpu.memory_space<hbm>>
    tpu.enqueue_indirect_dma source(%dma_start3A_49 : memref<8192xf32, #tpu.memory_space<hbm>>) target(%dma_start3A_44 : memref<128xf32, #tpu.memory_space<vmem>>) offsets(%dma_start3A_47 : memref<128xi32, #tpu.memory_space<vmem>>) semaphore(%arg18 : memref<!tpu.dma_semaphore, #tpu.memory_space<semaphore_mem>>)
    %dma_start3A_50 = arith.constant 6 : i32
    %dma_start3A_51 = arith.constant 768 : i32
    %dma_start3A_52 = tpu.memref_slice %arg7[%dma_start3A_51] : memref<1024xf32, #tpu.memory_space<vmem>> -> memref<128xf32, #tpu.memory_space<vmem>>
    %dma_start3A_53 = arith.constant 0 : i32
    %dma_start3A_54 = tpu.memref_slice %arg6[%dma_start3A_50, %dma_start3A_53] : memref<8x128xi32, #tpu.memory_space<vmem>> -> memref<1x128xi32, #tpu.memory_space<vmem>>
    %dma_start3A_55 = tpu.memref_squeeze %dma_start3A_54 : memref<1x128xi32, #tpu.memory_space<vmem>> -> memref<128xi32, #tpu.memory_space<vmem>>
    %dma_start3A_56 = arith.constant 0 : i32
    %dma_start3A_57 = tpu.memref_slice %arg3[%dma_start3A_56] : memref<8192xf32, #tpu.memory_space<hbm>> -> memref<8192xf32, #tpu.memory_space<hbm>>
    tpu.enqueue_indirect_dma source(%dma_start3A_57 : memref<8192xf32, #tpu.memory_space<hbm>>) target(%dma_start3A_52 : memref<128xf32, #tpu.memory_space<vmem>>) offsets(%dma_start3A_55 : memref<128xi32, #tpu.memory_space<vmem>>) semaphore(%arg18 : memref<!tpu.dma_semaphore, #tpu.memory_space<semaphore_mem>>)
    %dma_start3A_58 = arith.constant 7 : i32
    %dma_start3A_59 = arith.constant 896 : i32
    %dma_start3A_60 = tpu.memref_slice %arg7[%dma_start3A_59] : memref<1024xf32, #tpu.memory_space<vmem>> -> memref<128xf32, #tpu.memory_space<vmem>>
    %dma_start3A_61 = arith.constant 0 : i32
    %dma_start3A_62 = tpu.memref_slice %arg6[%dma_start3A_58, %dma_start3A_61] : memref<8x128xi32, #tpu.memory_space<vmem>> -> memref<1x128xi32, #tpu.memory_space<vmem>>
    %dma_start3A_63 = tpu.memref_squeeze %dma_start3A_62 : memref<1x128xi32, #tpu.memory_space<vmem>> -> memref<128xi32, #tpu.memory_space<vmem>>
    %dma_start3A_64 = arith.constant 0 : i32
    %dma_start3A_65 = tpu.memref_slice %arg3[%dma_start3A_64] : memref<8192xf32, #tpu.memory_space<hbm>> -> memref<8192xf32, #tpu.memory_space<hbm>>
    tpu.enqueue_indirect_dma source(%dma_start3A_65 : memref<8192xf32, #tpu.memory_space<hbm>>) target(%dma_start3A_60 : memref<128xf32, #tpu.memory_space<vmem>>) offsets(%dma_start3A_63 : memref<128xi32, #tpu.memory_space<vmem>>) semaphore(%arg18 : memref<!tpu.dma_semaphore, #tpu.memory_space<semaphore_mem>>)
    %dma_start3A_66 = arith.constant 0 : i32
    %dma_start3A_67 = arith.constant 0 : i32
    %dma_start3A_68 = tpu.memref_slice %arg6[%dma_start3A_66, %dma_start3A_67] : memref<8x128xi32, #tpu.memory_space<vmem>> -> memref<1x128xi32, #tpu.memory_space<vmem>>
    %dma_start3A_69 = tpu.memref_squeeze %dma_start3A_68 : memref<1x128xi32, #tpu.memory_space<vmem>> -> memref<128xi32, #tpu.memory_space<vmem>>
    %dma_start3A_70 = arith.constant 0 : i32
    %dma_start3A_71 = arith.constant 0 : i32
    %dma_start3A_72 = tpu.memref_slice %arg2[%dma_start3A_70, %dma_start3A_71] : memref<8192x256xf32, #tpu.memory_space<hbm>> -> memref<8192x256xf32, #tpu.memory_space<hbm>>
    tpu.enqueue_indirect_dma source(%dma_start3A_72 : memref<8192x256xf32, #tpu.memory_space<hbm>>) target(%arg9 : memref<128x256xf32, #tpu.memory_space<vmem>>) offsets(%dma_start3A_69 : memref<128xi32, #tpu.memory_space<vmem>>) semaphore(%arg12 : memref<!tpu.dma_semaphore, #tpu.memory_space<semaphore_mem>>)
    %dma_start3A_73 = arith.constant 1 : i32
    %dma_start3A_74 = arith.constant 0 : i32
    %dma_start3A_75 = tpu.memref_slice %arg6[%dma_start3A_73, %dma_start3A_74] : memref<8x128xi32, #tpu.memory_space<vmem>> -> memref<1x128xi32, #tpu.memory_space<vmem>>
    %dma_start3A_76 = tpu.memref_squeeze %dma_start3A_75 : memref<1x128xi32, #tpu.memory_space<vmem>> -> memref<128xi32, #tpu.memory_space<vmem>>
    %dma_start3A_77 = arith.constant 0 : i32
    %dma_start3A_78 = arith.constant 0 : i32
    %dma_start3A_79 = tpu.memref_slice %arg2[%dma_start3A_77, %dma_start3A_78] : memref<8192x256xf32, #tpu.memory_space<hbm>> -> memref<8192x256xf32, #tpu.memory_space<hbm>>
    tpu.enqueue_indirect_dma source(%dma_start3A_79 : memref<8192x256xf32, #tpu.memory_space<hbm>>) target(%arg10 : memref<128x256xf32, #tpu.memory_space<vmem>>) offsets(%dma_start3A_76 : memref<128xi32, #tpu.memory_space<vmem>>) semaphore(%arg13 : memref<!tpu.dma_semaphore, #tpu.memory_space<semaphore_mem>>)
    %dma_wait3A = arith.constant 0 : i32
    %dma_wait3A_80 = arith.constant 0 : i32
    %dma_wait3A_81 = tpu.memref_slice %arg7[%dma_wait3A_80] : memref<1024xf32, #tpu.memory_space<vmem>> -> memref<128xf32, #tpu.memory_space<vmem>>
    %dma_wait3A_82 = arith.constant 0 : i32
    %dma_wait3A_83 = tpu.memref_slice %arg6[%dma_wait3A, %dma_wait3A_82] : memref<8x128xi32, #tpu.memory_space<vmem>> -> memref<1x128xi32, #tpu.memory_space<vmem>>
    %dma_wait3A_84 = tpu.memref_squeeze %dma_wait3A_83 : memref<1x128xi32, #tpu.memory_space<vmem>> -> memref<128xi32, #tpu.memory_space<vmem>>
    %dma_wait3A_85 = arith.constant 0 : i32
    %dma_wait3A_86 = tpu.memref_slice %arg3[%dma_wait3A_85] : memref<8192xf32, #tpu.memory_space<hbm>> -> memref<8192xf32, #tpu.memory_space<hbm>>
    tpu.wait_indirect_dma semaphore(%arg18 : memref<!tpu.dma_semaphore, #tpu.memory_space<semaphore_mem>>) src(%dma_wait3A_86 : memref<8192xf32, #tpu.memory_space<hbm>>) dst(%dma_wait3A_81 : memref<128xf32, #tpu.memory_space<vmem>>)
    %dma_wait3A_87 = arith.constant 1 : i32
    %dma_wait3A_88 = arith.constant 128 : i32
    %dma_wait3A_89 = tpu.memref_slice %arg7[%dma_wait3A_88] : memref<1024xf32, #tpu.memory_space<vmem>> -> memref<128xf32, #tpu.memory_space<vmem>>
    %dma_wait3A_90 = arith.constant 0 : i32
    %dma_wait3A_91 = tpu.memref_slice %arg6[%dma_wait3A_87, %dma_wait3A_90] : memref<8x128xi32, #tpu.memory_space<vmem>> -> memref<1x128xi32, #tpu.memory_space<vmem>>
    %dma_wait3A_92 = tpu.memref_squeeze %dma_wait3A_91 : memref<1x128xi32, #tpu.memory_space<vmem>> -> memref<128xi32, #tpu.memory_space<vmem>>
    %dma_wait3A_93 = arith.constant 0 : i32
    %dma_wait3A_94 = tpu.memref_slice %arg3[%dma_wait3A_93] : memref<8192xf32, #tpu.memory_space<hbm>> -> memref<8192xf32, #tpu.memory_space<hbm>>
    tpu.wait_indirect_dma semaphore(%arg18 : memref<!tpu.dma_semaphore, #tpu.memory_space<semaphore_mem>>) src(%dma_wait3A_94 : memref<8192xf32, #tpu.memory_space<hbm>>) dst(%dma_wait3A_89 : memref<128xf32, #tpu.memory_space<vmem>>)
    %dma_wait3A_95 = arith.constant 2 : i32
    %dma_wait3A_96 = arith.constant 256 : i32
    %dma_wait3A_97 = tpu.memref_slice %arg7[%dma_wait3A_96] : memref<1024xf32, #tpu.memory_space<vmem>> -> memref<128xf32, #tpu.memory_space<vmem>>
    %dma_wait3A_98 = arith.constant 0 : i32
    %dma_wait3A_99 = tpu.memref_slice %arg6[%dma_wait3A_95, %dma_wait3A_98] : memref<8x128xi32, #tpu.memory_space<vmem>> -> memref<1x128xi32, #tpu.memory_space<vmem>>
    %dma_wait3A_100 = tpu.memref_squeeze %dma_wait3A_99 : memref<1x128xi32, #tpu.memory_space<vmem>> -> memref<128xi32, #tpu.memory_space<vmem>>
    %dma_wait3A_101 = arith.constant 0 : i32
    %dma_wait3A_102 = tpu.memref_slice %arg3[%dma_wait3A_101] : memref<8192xf32, #tpu.memory_space<hbm>> -> memref<8192xf32, #tpu.memory_space<hbm>>
    tpu.wait_indirect_dma semaphore(%arg18 : memref<!tpu.dma_semaphore, #tpu.memory_space<semaphore_mem>>) src(%dma_wait3A_102 : memref<8192xf32, #tpu.memory_space<hbm>>) dst(%dma_wait3A_97 : memref<128xf32, #tpu.memory_space<vmem>>)
    %dma_wait3A_103 = arith.constant 3 : i32
    %dma_wait3A_104 = arith.constant 384 : i32
    %dma_wait3A_105 = tpu.memref_slice %arg7[%dma_wait3A_104] : memref<1024xf32, #tpu.memory_space<vmem>> -> memref<128xf32, #tpu.memory_space<vmem>>
    %dma_wait3A_106 = arith.constant 0 : i32
    %dma_wait3A_107 = tpu.memref_slice %arg6[%dma_wait3A_103, %dma_wait3A_106] : memref<8x128xi32, #tpu.memory_space<vmem>> -> memref<1x128xi32, #tpu.memory_space<vmem>>
    %dma_wait3A_108 = tpu.memref_squeeze %dma_wait3A_107 : memref<1x128xi32, #tpu.memory_space<vmem>> -> memref<128xi32, #tpu.memory_space<vmem>>
    %dma_wait3A_109 = arith.constant 0 : i32
    %dma_wait3A_110 = tpu.memref_slice %arg3[%dma_wait3A_109] : memref<8192xf32, #tpu.memory_space<hbm>> -> memref<8192xf32, #tpu.memory_space<hbm>>
    tpu.wait_indirect_dma semaphore(%arg18 : memref<!tpu.dma_semaphore, #tpu.memory_space<semaphore_mem>>) src(%dma_wait3A_110 : memref<8192xf32, #tpu.memory_space<hbm>>) dst(%dma_wait3A_105 : memref<128xf32, #tpu.memory_space<vmem>>)
    %dma_wait3A_111 = arith.constant 4 : i32
    %dma_wait3A_112 = arith.constant 512 : i32
    %dma_wait3A_113 = tpu.memref_slice %arg7[%dma_wait3A_112] : memref<1024xf32, #tpu.memory_space<vmem>> -> memref<128xf32, #tpu.memory_space<vmem>>
    %dma_wait3A_114 = arith.constant 0 : i32
    %dma_wait3A_115 = tpu.memref_slice %arg6[%dma_wait3A_111, %dma_wait3A_114] : memref<8x128xi32, #tpu.memory_space<vmem>> -> memref<1x128xi32, #tpu.memory_space<vmem>>
    %dma_wait3A_116 = tpu.memref_squeeze %dma_wait3A_115 : memref<1x128xi32, #tpu.memory_space<vmem>> -> memref<128xi32, #tpu.memory_space<vmem>>
    %dma_wait3A_117 = arith.constant 0 : i32
    %dma_wait3A_118 = tpu.memref_slice %arg3[%dma_wait3A_117] : memref<8192xf32, #tpu.memory_space<hbm>> -> memref<8192xf32, #tpu.memory_space<hbm>>
    tpu.wait_indirect_dma semaphore(%arg18 : memref<!tpu.dma_semaphore, #tpu.memory_space<semaphore_mem>>) src(%dma_wait3A_118 : memref<8192xf32, #tpu.memory_space<hbm>>) dst(%dma_wait3A_113 : memref<128xf32, #tpu.memory_space<vmem>>)
    %dma_wait3A_119 = arith.constant 5 : i32
    %dma_wait3A_120 = arith.constant 640 : i32
    %dma_wait3A_121 = tpu.memref_slice %arg7[%dma_wait3A_120] : memref<1024xf32, #tpu.memory_space<vmem>> -> memref<128xf32, #tpu.memory_space<vmem>>
    %dma_wait3A_122 = arith.constant 0 : i32
    %dma_wait3A_123 = tpu.memref_slice %arg6[%dma_wait3A_119, %dma_wait3A_122] : memref<8x128xi32, #tpu.memory_space<vmem>> -> memref<1x128xi32, #tpu.memory_space<vmem>>
    %dma_wait3A_124 = tpu.memref_squeeze %dma_wait3A_123 : memref<1x128xi32, #tpu.memory_space<vmem>> -> memref<128xi32, #tpu.memory_space<vmem>>
    %dma_wait3A_125 = arith.constant 0 : i32
    %dma_wait3A_126 = tpu.memref_slice %arg3[%dma_wait3A_125] : memref<8192xf32, #tpu.memory_space<hbm>> -> memref<8192xf32, #tpu.memory_space<hbm>>
    tpu.wait_indirect_dma semaphore(%arg18 : memref<!tpu.dma_semaphore, #tpu.memory_space<semaphore_mem>>) src(%dma_wait3A_126 : memref<8192xf32, #tpu.memory_space<hbm>>) dst(%dma_wait3A_121 : memref<128xf32, #tpu.memory_space<vmem>>)
    %dma_wait3A_127 = arith.constant 6 : i32
    %dma_wait3A_128 = arith.constant 768 : i32
    %dma_wait3A_129 = tpu.memref_slice %arg7[%dma_wait3A_128] : memref<1024xf32, #tpu.memory_space<vmem>> -> memref<128xf32, #tpu.memory_space<vmem>>
    %dma_wait3A_130 = arith.constant 0 : i32
    %dma_wait3A_131 = tpu.memref_slice %arg6[%dma_wait3A_127, %dma_wait3A_130] : memref<8x128xi32, #tpu.memory_space<vmem>> -> memref<1x128xi32, #tpu.memory_space<vmem>>
    %dma_wait3A_132 = tpu.memref_squeeze %dma_wait3A_131 : memref<1x128xi32, #tpu.memory_space<vmem>> -> memref<128xi32, #tpu.memory_space<vmem>>
    %dma_wait3A_133 = arith.constant 0 : i32
    %dma_wait3A_134 = tpu.memref_slice %arg3[%dma_wait3A_133] : memref<8192xf32, #tpu.memory_space<hbm>> -> memref<8192xf32, #tpu.memory_space<hbm>>
    tpu.wait_indirect_dma semaphore(%arg18 : memref<!tpu.dma_semaphore, #tpu.memory_space<semaphore_mem>>) src(%dma_wait3A_134 : memref<8192xf32, #tpu.memory_space<hbm>>) dst(%dma_wait3A_129 : memref<128xf32, #tpu.memory_space<vmem>>)
    %dma_wait3A_135 = arith.constant 7 : i32
    %dma_wait3A_136 = arith.constant 896 : i32
    %dma_wait3A_137 = tpu.memref_slice %arg7[%dma_wait3A_136] : memref<1024xf32, #tpu.memory_space<vmem>> -> memref<128xf32, #tpu.memory_space<vmem>>
    %dma_wait3A_138 = arith.constant 0 : i32
    %dma_wait3A_139 = tpu.memref_slice %arg6[%dma_wait3A_135, %dma_wait3A_138] : memref<8x128xi32, #tpu.memory_space<vmem>> -> memref<1x128xi32, #tpu.memory_space<vmem>>
    %dma_wait3A_140 = tpu.memref_squeeze %dma_wait3A_139 : memref<1x128xi32, #tpu.memory_space<vmem>> -> memref<128xi32, #tpu.memory_space<vmem>>
    %dma_wait3A_141 = arith.constant 0 : i32
    %dma_wait3A_142 = tpu.memref_slice %arg3[%dma_wait3A_141] : memref<8192xf32, #tpu.memory_space<hbm>> -> memref<8192xf32, #tpu.memory_space<hbm>>
    tpu.wait_indirect_dma semaphore(%arg18 : memref<!tpu.dma_semaphore, #tpu.memory_space<semaphore_mem>>) src(%dma_wait3A_142 : memref<8192xf32, #tpu.memory_space<hbm>>) dst(%dma_wait3A_137 : memref<128xf32, #tpu.memory_space<vmem>>)
    %scan3A = arith.constant 0 : i32
    %scan3A_143 = arith.constant 0 : i32
    %scan3A_144 = arith.constant 64 : i32
    %scan3A_145 = arith.addi %scan3A_143, %scan3A_144 : i32
    %scan3A_146 = arith.constant 1 : i32
    scf.for %scan3A_374 = %scan3A_143 to %scan3A_145 step %scan3A_146  : i32 {
      %mul3A_375 = arith.constant 16 : i32
      %mul3A_376 = arith.muli %scan3A_374, %mul3A_375 : i32
      %get3A = arith.index_cast %mul3A_376 : i32 to index
      %get3A_377 = tpu.vector_load %arg7[%get3A] {strides = array<i32>} : memref<1024xf32, #tpu.memory_space<vmem>>, vector<16xf32>,
      %get3A_378 = vector.shape_cast %get3A_377 : vector<16xf32> to vector<16xf32>
      %div3A = arith.constant 1.000000e+00 : f32
      %div3A_379 = vector.broadcast %div3A : f32 to vector<16xf32>
      %div3A_380 = arith.divf %div3A_379, %get3A_378 : vector<16xf32>
      %slice3A = vector.extract_strided_slice %div3A_380 {offsets = [0], sizes = [1], strides = [1]} : vector<16xf32> to vector<1xf32>
      %squeeze3A = vector.extract %slice3A[0] : f32 from vector<1xf32>
      %broadcast_in_dim3A = vector.broadcast %squeeze3A : f32 to vector<16xf32>
      %mul3A_381 = arith.constant 16 : i32
      %mul3A_382 = arith.muli %scan3A_374, %mul3A_381 : i32
      %add3A_383 = arith.constant 0 : i32
      %add3A_384 = arith.addi %mul3A_382, %add3A_383 : i32
      %mul3A_385 = arith.constant 16 : i32
      %mul3A_386 = arith.muli %add3A_384, %mul3A_385 : i32
      %swap3A = arith.index_cast %mul3A_386 : i32 to index
      %swap3A_387 = tpu.vector_load %arg8[%swap3A] {strides = array<i32>} : memref<16384xf32, #tpu.memory_space<vmem>>, vector<16xf32>,
      %swap3A_388 = vector.shape_cast %swap3A_387 : vector<16xf32> to vector<16xf32>
      %swap3A_389 = vector.shape_cast %broadcast_in_dim3A : vector<16xf32> to vector<16xf32>
      tpu.vector_store %arg8[%swap3A], %swap3A_389 {strides = array<i32>} : memref<16384xf32, #tpu.memory_space<vmem>>, vector<16xf32>,
      %slice3A_390 = vector.extract_strided_slice %div3A_380 {offsets = [1], sizes = [1], strides = [1]} : vector<16xf32> to vector<1xf32>
      %squeeze3A_391 = vector.extract %slice3A_390[0] : f32 from vector<1xf32>
      %broadcast_in_dim3A_392 = vector.broadcast %squeeze3A_391 : f32 to vector<16xf32>
      %mul3A_393 = arith.constant 16 : i32
      %mul3A_394 = arith.muli %scan3A_374, %mul3A_393 : i32
      %add3A_395 = arith.constant 1 : i32
      %add3A_396 = arith.addi %mul3A_394, %add3A_395 : i32
      %mul3A_397 = arith.constant 16 : i32
      %mul3A_398 = arith.muli %add3A_396, %mul3A_397 : i32
      %swap3A_399 = arith.index_cast %mul3A_398 : i32 to index
      %swap3A_400 = tpu.vector_load %arg8[%swap3A_399] {strides = array<i32>} : memref<16384xf32, #tpu.memory_space<vmem>>, vector<16xf32>,
      %swap3A_401 = vector.shape_cast %swap3A_400 : vector<16xf32> to vector<16xf32>
      %swap3A_402 = vector.shape_cast %broadcast_in_dim3A_392 : vector<16xf32> to vector<16xf32>
      tpu.vector_store %arg8[%swap3A_399], %swap3A_402 {strides = array<i32>} : memref<16384xf32, #tpu.memory_space<vmem>>, vector<16xf32>,
      %slice3A_403 = vector.extract_strided_slice %div3A_380 {offsets = [2], sizes = [1], strides = [1]} : vector<16xf32> to vector<1xf32>
      %squeeze3A_404 = vector.extract %slice3A_403[0] : f32 from vector<1xf32>
      %broadcast_in_dim3A_405 = vector.broadcast %squeeze3A_404 : f32 to vector<16xf32>
      %mul3A_406 = arith.constant 16 : i32
      %mul3A_407 = arith.muli %scan3A_374, %mul3A_406 : i32
      %add3A_408 = arith.constant 2 : i32
      %add3A_409 = arith.addi %mul3A_407, %add3A_408 : i32
      %mul3A_410 = arith.constant 16 : i32
      %mul3A_411 = arith.muli %add3A_409, %mul3A_410 : i32
      %swap3A_412 = arith.index_cast %mul3A_411 : i32 to index
      %swap3A_413 = tpu.vector_load %arg8[%swap3A_412] {strides = array<i32>} : memref<16384xf32, #tpu.memory_space<vmem>>, vector<16xf32>,
      %swap3A_414 = vector.shape_cast %swap3A_413 : vector<16xf32> to vector<16xf32>
      %swap3A_415 = vector.shape_cast %broadcast_in_dim3A_405 : vector<16xf32> to vector<16xf32>
      tpu.vector_store %arg8[%swap3A_412], %swap3A_415 {strides = array<i32>} : memref<16384xf32, #tpu.memory_space<vmem>>, vector<16xf32>,
      %slice3A_416 = vector.extract_strided_slice %div3A_380 {offsets = [3], sizes = [1], strides = [1]} : vector<16xf32> to vector<1xf32>
      %squeeze3A_417 = vector.extract %slice3A_416[0] : f32 from vector<1xf32>
      %broadcast_in_dim3A_418 = vector.broadcast %squeeze3A_417 : f32 to vector<16xf32>
      %mul3A_419 = arith.constant 16 : i32
      %mul3A_420 = arith.muli %scan3A_374, %mul3A_419 : i32
      %add3A_421 = arith.constant 3 : i32
      %add3A_422 = arith.addi %mul3A_420, %add3A_421 : i32
      %mul3A_423 = arith.constant 16 : i32
      %mul3A_424 = arith.muli %add3A_422, %mul3A_423 : i32
      %swap3A_425 = arith.index_cast %mul3A_424 : i32 to index
      %swap3A_426 = tpu.vector_load %arg8[%swap3A_425] {strides = array<i32>} : memref<16384xf32, #tpu.memory_space<vmem>>, vector<16xf32>,
      %swap3A_427 = vector.shape_cast %swap3A_426 : vector<16xf32> to vector<16xf32>
      %swap3A_428 = vector.shape_cast %broadcast_in_dim3A_418 : vector<16xf32> to vector<16xf32>
      tpu.vector_store %arg8[%swap3A_425], %swap3A_428 {strides = array<i32>} : memref<16384xf32, #tpu.memory_space<vmem>>, vector<16xf32>,
      %slice3A_429 = vector.extract_strided_slice %div3A_380 {offsets = [4], sizes = [1], strides = [1]} : vector<16xf32> to vector<1xf32>
      %squeeze3A_430 = vector.extract %slice3A_429[0] : f32 from vector<1xf32>
      %broadcast_in_dim3A_431 = vector.broadcast %squeeze3A_430 : f32 to vector<16xf32>
      %mul3A_432 = arith.constant 16 : i32
      %mul3A_433 = arith.muli %scan3A_374, %mul3A_432 : i32
      %add3A_434 = arith.constant 4 : i32
      %add3A_435 = arith.addi %mul3A_433, %add3A_434 : i32
      %mul3A_436 = arith.constant 16 : i32
      %mul3A_437 = arith.muli %add3A_435, %mul3A_436 : i32
      %swap3A_438 = arith.index_cast %mul3A_437 : i32 to index
      %swap3A_439 = tpu.vector_load %arg8[%swap3A_438] {strides = array<i32>} : memref<16384xf32, #tpu.memory_space<vmem>>, vector<16xf32>,
      %swap3A_440 = vector.shape_cast %swap3A_439 : vector<16xf32> to vector<16xf32>
      %swap3A_441 = vector.shape_cast %broadcast_in_dim3A_431 : vector<16xf32> to vector<16xf32>
      tpu.vector_store %arg8[%swap3A_438], %swap3A_441 {strides = array<i32>} : memref<16384xf32, #tpu.memory_space<vmem>>, vector<16xf32>,
      %slice3A_442 = vector.extract_strided_slice %div3A_380 {offsets = [5], sizes = [1], strides = [1]} : vector<16xf32> to vector<1xf32>
      %squeeze3A_443 = vector.extract %slice3A_442[0] : f32 from vector<1xf32>
      %broadcast_in_dim3A_444 = vector.broadcast %squeeze3A_443 : f32 to vector<16xf32>
      %mul3A_445 = arith.constant 16 : i32
      %mul3A_446 = arith.muli %scan3A_374, %mul3A_445 : i32
      %add3A_447 = arith.constant 5 : i32
      %add3A_448 = arith.addi %mul3A_446, %add3A_447 : i32
      %mul3A_449 = arith.constant 16 : i32
      %mul3A_450 = arith.muli %add3A_448, %mul3A_449 : i32
      %swap3A_451 = arith.index_cast %mul3A_450 : i32 to index
      %swap3A_452 = tpu.vector_load %arg8[%swap3A_451] {strides = array<i32>} : memref<16384xf32, #tpu.memory_space<vmem>>, vector<16xf32>,
      %swap3A_453 = vector.shape_cast %swap3A_452 : vector<16xf32> to vector<16xf32>
      %swap3A_454 = vector.shape_cast %broadcast_in_dim3A_444 : vector<16xf32> to vector<16xf32>
      tpu.vector_store %arg8[%swap3A_451], %swap3A_454 {strides = array<i32>} : memref<16384xf32, #tpu.memory_space<vmem>>, vector<16xf32>,
      %slice3A_455 = vector.extract_strided_slice %div3A_380 {offsets = [6], sizes = [1], strides = [1]} : vector<16xf32> to vector<1xf32>
      %squeeze3A_456 = vector.extract %slice3A_455[0] : f32 from vector<1xf32>
      %broadcast_in_dim3A_457 = vector.broadcast %squeeze3A_456 : f32 to vector<16xf32>
      %mul3A_458 = arith.constant 16 : i32
      %mul3A_459 = arith.muli %scan3A_374, %mul3A_458 : i32
      %add3A_460 = arith.constant 6 : i32
      %add3A_461 = arith.addi %mul3A_459, %add3A_460 : i32
      %mul3A_462 = arith.constant 16 : i32
      %mul3A_463 = arith.muli %add3A_461, %mul3A_462 : i32
      %swap3A_464 = arith.index_cast %mul3A_463 : i32 to index
      %swap3A_465 = tpu.vector_load %arg8[%swap3A_464] {strides = array<i32>} : memref<16384xf32, #tpu.memory_space<vmem>>, vector<16xf32>,
      %swap3A_466 = vector.shape_cast %swap3A_465 : vector<16xf32> to vector<16xf32>
      %swap3A_467 = vector.shape_cast %broadcast_in_dim3A_457 : vector<16xf32> to vector<16xf32>
      tpu.vector_store %arg8[%swap3A_464], %swap3A_467 {strides = array<i32>} : memref<16384xf32, #tpu.memory_space<vmem>>, vector<16xf32>,
      %slice3A_468 = vector.extract_strided_slice %div3A_380 {offsets = [7], sizes = [1], strides = [1]} : vector<16xf32> to vector<1xf32>
      %squeeze3A_469 = vector.extract %slice3A_468[0] : f32 from vector<1xf32>
      %broadcast_in_dim3A_470 = vector.broadcast %squeeze3A_469 : f32 to vector<16xf32>
      %mul3A_471 = arith.constant 16 : i32
      %mul3A_472 = arith.muli %scan3A_374, %mul3A_471 : i32
      %add3A_473 = arith.constant 7 : i32
      %add3A_474 = arith.addi %mul3A_472, %add3A_473 : i32
      %mul3A_475 = arith.constant 16 : i32
      %mul3A_476 = arith.muli %add3A_474, %mul3A_475 : i32
      %swap3A_477 = arith.index_cast %mul3A_476 : i32 to index
      %swap3A_478 = tpu.vector_load %arg8[%swap3A_477] {strides = array<i32>} : memref<16384xf32, #tpu.memory_space<vmem>>, vector<16xf32>,
      %swap3A_479 = vector.shape_cast %swap3A_478 : vector<16xf32> to vector<16xf32>
      %swap3A_480 = vector.shape_cast %broadcast_in_dim3A_470 : vector<16xf32> to vector<16xf32>
      tpu.vector_store %arg8[%swap3A_477], %swap3A_480 {strides = array<i32>} : memref<16384xf32, #tpu.memory_space<vmem>>, vector<16xf32>,
      %slice3A_481 = vector.extract_strided_slice %div3A_380 {offsets = [8], sizes = [1], strides = [1]} : vector<16xf32> to vector<1xf32>
      %squeeze3A_482 = vector.extract %slice3A_481[0] : f32 from vector<1xf32>
      %broadcast_in_dim3A_483 = vector.broadcast %squeeze3A_482 : f32 to vector<16xf32>
      %mul3A_484 = arith.constant 16 : i32
      %mul3A_485 = arith.muli %scan3A_374, %mul3A_484 : i32
      %add3A_486 = arith.constant 8 : i32
      %add3A_487 = arith.addi %mul3A_485, %add3A_486 : i32
      %mul3A_488 = arith.constant 16 : i32
      %mul3A_489 = arith.muli %add3A_487, %mul3A_488 : i32
      %swap3A_490 = arith.index_cast %mul3A_489 : i32 to index
      %swap3A_491 = tpu.vector_load %arg8[%swap3A_490] {strides = array<i32>} : memref<16384xf32, #tpu.memory_space<vmem>>, vector<16xf32>,
      %swap3A_492 = vector.shape_cast %swap3A_491 : vector<16xf32> to vector<16xf32>
      %swap3A_493 = vector.shape_cast %broadcast_in_dim3A_483 : vector<16xf32> to vector<16xf32>
      tpu.vector_store %arg8[%swap3A_490], %swap3A_493 {strides = array<i32>} : memref<16384xf32, #tpu.memory_space<vmem>>, vector<16xf32>,
      %slice3A_494 = vector.extract_strided_slice %div3A_380 {offsets = [9], sizes = [1], strides = [1]} : vector<16xf32> to vector<1xf32>
      %squeeze3A_495 = vector.extract %slice3A_494[0] : f32 from vector<1xf32>
      %broadcast_in_dim3A_496 = vector.broadcast %squeeze3A_495 : f32 to vector<16xf32>
      %mul3A_497 = arith.constant 16 : i32
      %mul3A_498 = arith.muli %scan3A_374, %mul3A_497 : i32
      %add3A_499 = arith.constant 9 : i32
      %add3A_500 = arith.addi %mul3A_498, %add3A_499 : i32
      %mul3A_501 = arith.constant 16 : i32
      %mul3A_502 = arith.muli %add3A_500, %mul3A_501 : i32
      %swap3A_503 = arith.index_cast %mul3A_502 : i32 to index
      %swap3A_504 = tpu.vector_load %arg8[%swap3A_503] {strides = array<i32>} : memref<16384xf32, #tpu.memory_space<vmem>>, vector<16xf32>,
      %swap3A_505 = vector.shape_cast %swap3A_504 : vector<16xf32> to vector<16xf32>
      %swap3A_506 = vector.shape_cast %broadcast_in_dim3A_496 : vector<16xf32> to vector<16xf32>
      tpu.vector_store %arg8[%swap3A_503], %swap3A_506 {strides = array<i32>} : memref<16384xf32, #tpu.memory_space<vmem>>, vector<16xf32>,
      %slice3A_507 = vector.extract_strided_slice %div3A_380 {offsets = [10], sizes = [1], strides = [1]} : vector<16xf32> to vector<1xf32>
      %squeeze3A_508 = vector.extract %slice3A_507[0] : f32 from vector<1xf32>
      %broadcast_in_dim3A_509 = vector.broadcast %squeeze3A_508 : f32 to vector<16xf32>
      %mul3A_510 = arith.constant 16 : i32
      %mul3A_511 = arith.muli %scan3A_374, %mul3A_510 : i32
      %add3A_512 = arith.constant 10 : i32
      %add3A_513 = arith.addi %mul3A_511, %add3A_512 : i32
      %mul3A_514 = arith.constant 16 : i32
      %mul3A_515 = arith.muli %add3A_513, %mul3A_514 : i32
      %swap3A_516 = arith.index_cast %mul3A_515 : i32 to index
      %swap3A_517 = tpu.vector_load %arg8[%swap3A_516] {strides = array<i32>} : memref<16384xf32, #tpu.memory_space<vmem>>, vector<16xf32>,
      %swap3A_518 = vector.shape_cast %swap3A_517 : vector<16xf32> to vector<16xf32>
      %swap3A_519 = vector.shape_cast %broadcast_in_dim3A_509 : vector<16xf32> to vector<16xf32>
      tpu.vector_store %arg8[%swap3A_516], %swap3A_519 {strides = array<i32>} : memref<16384xf32, #tpu.memory_space<vmem>>, vector<16xf32>,
      %slice3A_520 = vector.extract_strided_slice %div3A_380 {offsets = [11], sizes = [1], strides = [1]} : vector<16xf32> to vector<1xf32>
      %squeeze3A_521 = vector.extract %slice3A_520[0] : f32 from vector<1xf32>
      %broadcast_in_dim3A_522 = vector.broadcast %squeeze3A_521 : f32 to vector<16xf32>
      %mul3A_523 = arith.constant 16 : i32
      %mul3A_524 = arith.muli %scan3A_374, %mul3A_523 : i32
      %add3A_525 = arith.constant 11 : i32
      %add3A_526 = arith.addi %mul3A_524, %add3A_525 : i32
      %mul3A_527 = arith.constant 16 : i32
      %mul3A_528 = arith.muli %add3A_526, %mul3A_527 : i32
      %swap3A_529 = arith.index_cast %mul3A_528 : i32 to index
      %swap3A_530 = tpu.vector_load %arg8[%swap3A_529] {strides = array<i32>} : memref<16384xf32, #tpu.memory_space<vmem>>, vector<16xf32>,
      %swap3A_531 = vector.shape_cast %swap3A_530 : vector<16xf32> to vector<16xf32>
      %swap3A_532 = vector.shape_cast %broadcast_in_dim3A_522 : vector<16xf32> to vector<16xf32>
      tpu.vector_store %arg8[%swap3A_529], %swap3A_532 {strides = array<i32>} : memref<16384xf32, #tpu.memory_space<vmem>>, vector<16xf32>,
      %slice3A_533 = vector.extract_strided_slice %div3A_380 {offsets = [12], sizes = [1], strides = [1]} : vector<16xf32> to vector<1xf32>
      %squeeze3A_534 = vector.extract %slice3A_533[0] : f32 from vector<1xf32>
      %broadcast_in_dim3A_535 = vector.broadcast %squeeze3A_534 : f32 to vector<16xf32>
      %mul3A_536 = arith.constant 16 : i32
      %mul3A_537 = arith.muli %scan3A_374, %mul3A_536 : i32
      %add3A_538 = arith.constant 12 : i32
      %add3A_539 = arith.addi %mul3A_537, %add3A_538 : i32
      %mul3A_540 = arith.constant 16 : i32
      %mul3A_541 = arith.muli %add3A_539, %mul3A_540 : i32
      %swap3A_542 = arith.index_cast %mul3A_541 : i32 to index
      %swap3A_543 = tpu.vector_load %arg8[%swap3A_542] {strides = array<i32>} : memref<16384xf32, #tpu.memory_space<vmem>>, vector<16xf32>,
      %swap3A_544 = vector.shape_cast %swap3A_543 : vector<16xf32> to vector<16xf32>
      %swap3A_545 = vector.shape_cast %broadcast_in_dim3A_535 : vector<16xf32> to vector<16xf32>
      tpu.vector_store %arg8[%swap3A_542], %swap3A_545 {strides = array<i32>} : memref<16384xf32, #tpu.memory_space<vmem>>, vector<16xf32>,
      %slice3A_546 = vector.extract_strided_slice %div3A_380 {offsets = [13], sizes = [1], strides = [1]} : vector<16xf32> to vector<1xf32>
      %squeeze3A_547 = vector.extract %slice3A_546[0] : f32 from vector<1xf32>
      %broadcast_in_dim3A_548 = vector.broadcast %squeeze3A_547 : f32 to vector<16xf32>
      %mul3A_549 = arith.constant 16 : i32
      %mul3A_550 = arith.muli %scan3A_374, %mul3A_549 : i32
      %add3A_551 = arith.constant 13 : i32
      %add3A_552 = arith.addi %mul3A_550, %add3A_551 : i32
      %mul3A_553 = arith.constant 16 : i32
      %mul3A_554 = arith.muli %add3A_552, %mul3A_553 : i32
      %swap3A_555 = arith.index_cast %mul3A_554 : i32 to index
      %swap3A_556 = tpu.vector_load %arg8[%swap3A_555] {strides = array<i32>} : memref<16384xf32, #tpu.memory_space<vmem>>, vector<16xf32>,
      %swap3A_557 = vector.shape_cast %swap3A_556 : vector<16xf32> to vector<16xf32>
      %swap3A_558 = vector.shape_cast %broadcast_in_dim3A_548 : vector<16xf32> to vector<16xf32>
      tpu.vector_store %arg8[%swap3A_555], %swap3A_558 {strides = array<i32>} : memref<16384xf32, #tpu.memory_space<vmem>>, vector<16xf32>,
      %slice3A_559 = vector.extract_strided_slice %div3A_380 {offsets = [14], sizes = [1], strides = [1]} : vector<16xf32> to vector<1xf32>
      %squeeze3A_560 = vector.extract %slice3A_559[0] : f32 from vector<1xf32>
      %broadcast_in_dim3A_561 = vector.broadcast %squeeze3A_560 : f32 to vector<16xf32>
      %mul3A_562 = arith.constant 16 : i32
      %mul3A_563 = arith.muli %scan3A_374, %mul3A_562 : i32
      %add3A_564 = arith.constant 14 : i32
      %add3A_565 = arith.addi %mul3A_563, %add3A_564 : i32
      %mul3A_566 = arith.constant 16 : i32
      %mul3A_567 = arith.muli %add3A_565, %mul3A_566 : i32
      %swap3A_568 = arith.index_cast %mul3A_567 : i32 to index
      %swap3A_569 = tpu.vector_load %arg8[%swap3A_568] {strides = array<i32>} : memref<16384xf32, #tpu.memory_space<vmem>>, vector<16xf32>,
      %swap3A_570 = vector.shape_cast %swap3A_569 : vector<16xf32> to vector<16xf32>
      %swap3A_571 = vector.shape_cast %broadcast_in_dim3A_561 : vector<16xf32> to vector<16xf32>
      tpu.vector_store %arg8[%swap3A_568], %swap3A_571 {strides = array<i32>} : memref<16384xf32, #tpu.memory_space<vmem>>, vector<16xf32>,
      %slice3A_572 = vector.extract_strided_slice %div3A_380 {offsets = [15], sizes = [1], strides = [1]} : vector<16xf32> to vector<1xf32>
      %squeeze3A_573 = vector.extract %slice3A_572[0] : f32 from vector<1xf32>
      %broadcast_in_dim3A_574 = vector.broadcast %squeeze3A_573 : f32 to vector<16xf32>
      %mul3A_575 = arith.constant 16 : i32
      %mul3A_576 = arith.muli %scan3A_374, %mul3A_575 : i32
      %add3A_577 = arith.constant 15 : i32
      %add3A_578 = arith.addi %mul3A_576, %add3A_577 : i32
      %mul3A_579 = arith.constant 16 : i32
      %mul3A_580 = arith.muli %add3A_578, %mul3A_579 : i32
      %swap3A_581 = arith.index_cast %mul3A_580 : i32 to index
      %swap3A_582 = tpu.vector_load %arg8[%swap3A_581] {strides = array<i32>} : memref<16384xf32, #tpu.memory_space<vmem>>, vector<16xf32>,
      %swap3A_583 = vector.shape_cast %swap3A_582 : vector<16xf32> to vector<16xf32>
      %swap3A_584 = vector.shape_cast %broadcast_in_dim3A_574 : vector<16xf32> to vector<16xf32>
      tpu.vector_store %arg8[%swap3A_581], %swap3A_584 {strides = array<i32>} : memref<16384xf32, #tpu.memory_space<vmem>>, vector<16xf32>,
    }
    %scan3A_147 = arith.constant 64 : i32
    %dma_wait3A_148 = arith.constant 0 : i32
    %dma_wait3A_149 = arith.constant 0 : i32
    %dma_wait3A_150 = tpu.memref_slice %arg6[%dma_wait3A_148, %dma_wait3A_149] : memref<8x128xi32, #tpu.memory_space<vmem>> -> memref<1x128xi32, #tpu.memory_space<vmem>>
    %dma_wait3A_151 = tpu.memref_squeeze %dma_wait3A_150 : memref<1x128xi32, #tpu.memory_space<vmem>> -> memref<128xi32, #tpu.memory_space<vmem>>
    %dma_wait3A_152 = arith.constant 0 : i32
    %dma_wait3A_153 = arith.constant 0 : i32
    %dma_wait3A_154 = tpu.memref_slice %arg2[%dma_wait3A_152, %dma_wait3A_153] : memref<8192x256xf32, #tpu.memory_space<hbm>> -> memref<8192x256xf32, #tpu.memory_space<hbm>>
    tpu.wait_indirect_dma semaphore(%arg12 : memref<!tpu.dma_semaphore, #tpu.memory_space<semaphore_mem>>) src(%dma_wait3A_154 : memref<8192x256xf32, #tpu.memory_space<hbm>>) dst(%arg9 : memref<128x256xf32, #tpu.memory_space<vmem>>)
    %dma_start3A_155 = arith.constant 2 : i32
    %dma_start3A_156 = arith.constant 0 : i32
    %dma_start3A_157 = tpu.memref_slice %arg6[%dma_start3A_155, %dma_start3A_156] : memref<8x128xi32, #tpu.memory_space<vmem>> -> memref<1x128xi32, #tpu.memory_space<vmem>>
    %dma_start3A_158 = tpu.memref_squeeze %dma_start3A_157 : memref<1x128xi32, #tpu.memory_space<vmem>> -> memref<128xi32, #tpu.memory_space<vmem>>
    %dma_start3A_159 = arith.constant 0 : i32
    %dma_start3A_160 = arith.constant 0 : i32
    %dma_start3A_161 = tpu.memref_slice %arg2[%dma_start3A_159, %dma_start3A_160] : memref<8192x256xf32, #tpu.memory_space<hbm>> -> memref<8192x256xf32, #tpu.memory_space<hbm>>
    tpu.enqueue_indirect_dma source(%dma_start3A_161 : memref<8192x256xf32, #tpu.memory_space<hbm>>) target(%arg11 : memref<128x256xf32, #tpu.memory_space<vmem>>) offsets(%dma_start3A_158 : memref<128xi32, #tpu.memory_space<vmem>>) semaphore(%arg14 : memref<!tpu.dma_semaphore, #tpu.memory_space<semaphore_mem>>)
    %scan3A_162 = arith.constant 0 : i32
    %scan3A_163 = arith.constant 0 : i32
    %scan3A_164 = arith.constant 128 : i32
    %scan3A_165 = arith.addi %scan3A_163, %scan3A_164 : i32
    %scan3A_166 = arith.constant 1 : i32
    scf.for %scan3A_374 = %scan3A_163 to %scan3A_165 step %scan3A_166  : i32 {
      %add3A_375 = arith.constant 0 : i32
      %add3A_376 = arith.addi %add3A_375, %scan3A_374 : i32
      %mul3A_377 = arith.constant 16 : i32
      %mul3A_378 = arith.muli %add3A_376, %mul3A_377 : i32
      %get3A = arith.index_cast %mul3A_378 : i32 to index
      %get3A_379 = tpu.vector_load %arg8[%get3A] {strides = array<i32>} : memref<16384xf32, #tpu.memory_space<vmem>>, vector<16xf32>,
      %get3A_380 = vector.shape_cast %get3A_379 : vector<16xf32> to vector<16xf32>
      %get3A_381 = arith.index_cast %scan3A_374 : i32 to index
      %get3A_382 = arith.constant 0 : index
      %get3A_383 = tpu.vector_load %arg9[%get3A_381, %get3A_382] {strides = array<i32>} : memref<128x256xf32, #tpu.memory_space<vmem>>, vector<1x16xf32>,
      %get3A_384 = vector.shape_cast %get3A_383 : vector<1x16xf32> to vector<16xf32>
      %mul3A_385 = arith.mulf %get3A_384, %get3A_380 : vector<16xf32>
      %swap3A = arith.index_cast %scan3A_374 : i32 to index
      %swap3A_386 = arith.constant 0 : index
      %swap3A_387 = tpu.vector_load %arg9[%swap3A, %swap3A_386] {strides = array<i32>} : memref<128x256xf32, #tpu.memory_space<vmem>>, vector<1x16xf32>,
      %swap3A_388 = vector.shape_cast %swap3A_387 : vector<1x16xf32> to vector<16xf32>
      %swap3A_389 = vector.shape_cast %mul3A_385 : vector<16xf32> to vector<1x16xf32>
      tpu.vector_store %arg9[%swap3A, %swap3A_386], %swap3A_389 {strides = array<i32>} : memref<128x256xf32, #tpu.memory_space<vmem>>, vector<1x16xf32>,
      %get3A_390 = arith.index_cast %scan3A_374 : i32 to index
      %get3A_391 = arith.constant 16 : index
      %get3A_392 = tpu.vector_load %arg9[%get3A_390, %get3A_391] {strides = array<i32>} : memref<128x256xf32, #tpu.memory_space<vmem>>, vector<1x16xf32>,
      %get3A_393 = vector.shape_cast %get3A_392 : vector<1x16xf32> to vector<16xf32>
      %mul3A_394 = arith.mulf %get3A_393, %get3A_380 : vector<16xf32>
      %swap3A_395 = arith.index_cast %scan3A_374 : i32 to index
      %swap3A_396 = arith.constant 16 : index
      %swap3A_397 = tpu.vector_load %arg9[%swap3A_395, %swap3A_396] {strides = array<i32>} : memref<128x256xf32, #tpu.memory_space<vmem>>, vector<1x16xf32>,
      %swap3A_398 = vector.shape_cast %swap3A_397 : vector<1x16xf32> to vector<16xf32>
      %swap3A_399 = vector.shape_cast %mul3A_394 : vector<16xf32> to vector<1x16xf32>
      tpu.vector_store %arg9[%swap3A_395, %swap3A_396], %swap3A_399 {strides = array<i32>} : memref<128x256xf32, #tpu.memory_space<vmem>>, vector<1x16xf32>,
      %get3A_400 = arith.index_cast %scan3A_374 : i32 to index
      %get3A_401 = arith.constant 32 : index
      %get3A_402 = tpu.vector_load %arg9[%get3A_400, %get3A_401] {strides = array<i32>} : memref<128x256xf32, #tpu.memory_space<vmem>>, vector<1x16xf32>,
      %get3A_403 = vector.shape_cast %get3A_402 : vector<1x16xf32> to vector<16xf32>
      %mul3A_404 = arith.mulf %get3A_403, %get3A_380 : vector<16xf32>
      %swap3A_405 = arith.index_cast %scan3A_374 : i32 to index
      %swap3A_406 = arith.constant 32 : index
      %swap3A_407 = tpu.vector_load %arg9[%swap3A_405, %swap3A_406] {strides = array<i32>} : memref<128x256xf32, #tpu.memory_space<vmem>>, vector<1x16xf32>,
      %swap3A_408 = vector.shape_cast %swap3A_407 : vector<1x16xf32> to vector<16xf32>
      %swap3A_409 = vector.shape_cast %mul3A_404 : vector<16xf32> to vector<1x16xf32>
      tpu.vector_store %arg9[%swap3A_405, %swap3A_406], %swap3A_409 {strides = array<i32>} : memref<128x256xf32, #tpu.memory_space<vmem>>, vector<1x16xf32>,
      %get3A_410 = arith.index_cast %scan3A_374 : i32 to index
      %get3A_411 = arith.constant 48 : index
      %get3A_412 = tpu.vector_load %arg9[%get3A_410, %get3A_411] {strides = array<i32>} : memref<128x256xf32, #tpu.memory_space<vmem>>, vector<1x16xf32>,
      %get3A_413 = vector.shape_cast %get3A_412 : vector<1x16xf32> to vector<16xf32>
      %mul3A_414 = arith.mulf %get3A_413, %get3A_380 : vector<16xf32>
      %swap3A_415 = arith.index_cast %scan3A_374 : i32 to index
      %swap3A_416 = arith.constant 48 : index
      %swap3A_417 = tpu.vector_load %arg9[%swap3A_415, %swap3A_416] {strides = array<i32>} : memref<128x256xf32, #tpu.memory_space<vmem>>, vector<1x16xf32>,
      %swap3A_418 = vector.shape_cast %swap3A_417 : vector<1x16xf32> to vector<16xf32>
      %swap3A_419 = vector.shape_cast %mul3A_414 : vector<16xf32> to vector<1x16xf32>
      tpu.vector_store %arg9[%swap3A_415, %swap3A_416], %swap3A_419 {strides = array<i32>} : memref<128x256xf32, #tpu.memory_space<vmem>>, vector<1x16xf32>,
      %get3A_420 = arith.index_cast %scan3A_374 : i32 to index
      %get3A_421 = arith.constant 64 : index
      %get3A_422 = tpu.vector_load %arg9[%get3A_420, %get3A_421] {strides = array<i32>} : memref<128x256xf32, #tpu.memory_space<vmem>>, vector<1x16xf32>,
      %get3A_423 = vector.shape_cast %get3A_422 : vector<1x16xf32> to vector<16xf32>
      %mul3A_424 = arith.mulf %get3A_423, %get3A_380 : vector<16xf32>
      %swap3A_425 = arith.index_cast %scan3A_374 : i32 to index
      %swap3A_426 = arith.constant 64 : index
      %swap3A_427 = tpu.vector_load %arg9[%swap3A_425, %swap3A_426] {strides = array<i32>} : memref<128x256xf32, #tpu.memory_space<vmem>>, vector<1x16xf32>,
      %swap3A_428 = vector.shape_cast %swap3A_427 : vector<1x16xf32> to vector<16xf32>
      %swap3A_429 = vector.shape_cast %mul3A_424 : vector<16xf32> to vector<1x16xf32>
      tpu.vector_store %arg9[%swap3A_425, %swap3A_426], %swap3A_429 {strides = array<i32>} : memref<128x256xf32, #tpu.memory_space<vmem>>, vector<1x16xf32>,
      %get3A_430 = arith.index_cast %scan3A_374 : i32 to index
      %get3A_431 = arith.constant 80 : index
      %get3A_432 = tpu.vector_load %arg9[%get3A_430, %get3A_431] {strides = array<i32>} : memref<128x256xf32, #tpu.memory_space<vmem>>, vector<1x16xf32>,
      %get3A_433 = vector.shape_cast %get3A_432 : vector<1x16xf32> to vector<16xf32>
      %mul3A_434 = arith.mulf %get3A_433, %get3A_380 : vector<16xf32>
      %swap3A_435 = arith.index_cast %scan3A_374 : i32 to index
      %swap3A_436 = arith.constant 80 : index
      %swap3A_437 = tpu.vector_load %arg9[%swap3A_435, %swap3A_436] {strides = array<i32>} : memref<128x256xf32, #tpu.memory_space<vmem>>, vector<1x16xf32>,
      %swap3A_438 = vector.shape_cast %swap3A_437 : vector<1x16xf32> to vector<16xf32>
      %swap3A_439 = vector.shape_cast %mul3A_434 : vector<16xf32> to vector<1x16xf32>
      tpu.vector_store %arg9[%swap3A_435, %swap3A_436], %swap3A_439 {strides = array<i32>} : memref<128x256xf32, #tpu.memory_space<vmem>>, vector<1x16xf32>,
      %get3A_440 = arith.index_cast %scan3A_374 : i32 to index
      %get3A_441 = arith.constant 96 : index
      %get3A_442 = tpu.vector_load %arg9[%get3A_440, %get3A_441] {strides = array<i32>} : memref<128x256xf32, #tpu.memory_space<vmem>>, vector<1x16xf32>,
      %get3A_443 = vector.shape_cast %get3A_442 : vector<1x16xf32> to vector<16xf32>
      %mul3A_444 = arith.mulf %get3A_443, %get3A_380 : vector<16xf32>
      %swap3A_445 = arith.index_cast %scan3A_374 : i32 to index
      %swap3A_446 = arith.constant 96 : index
      %swap3A_447 = tpu.vector_load %arg9[%swap3A_445, %swap3A_446] {strides = array<i32>} : memref<128x256xf32, #tpu.memory_space<vmem>>, vector<1x16xf32>,
      %swap3A_448 = vector.shape_cast %swap3A_447 : vector<1x16xf32> to vector<16xf32>
      %swap3A_449 = vector.shape_cast %mul3A_444 : vector<16xf32> to vector<1x16xf32>
      tpu.vector_store %arg9[%swap3A_445, %swap3A_446], %swap3A_449 {strides = array<i32>} : memref<128x256xf32, #tpu.memory_space<vmem>>, vector<1x16xf32>,
      %get3A_450 = arith.index_cast %scan3A_374 : i32 to index
      %get3A_451 = arith.constant 112 : index
      %get3A_452 = tpu.vector_load %arg9[%get3A_450, %get3A_451] {strides = array<i32>} : memref<128x256xf32, #tpu.memory_space<vmem>>, vector<1x16xf32>,
      %get3A_453 = vector.shape_cast %get3A_452 : vector<1x16xf32> to vector<16xf32>
      %mul3A_454 = arith.mulf %get3A_453, %get3A_380 : vector<16xf32>
      %swap3A_455 = arith.index_cast %scan3A_374 : i32 to index
      %swap3A_456 = arith.constant 112 : index
      %swap3A_457 = tpu.vector_load %arg9[%swap3A_455, %swap3A_456] {strides = array<i32>} : memref<128x256xf32, #tpu.memory_space<vmem>>, vector<1x16xf32>,
      %swap3A_458 = vector.shape_cast %swap3A_457 : vector<1x16xf32> to vector<16xf32>
      %swap3A_459 = vector.shape_cast %mul3A_454 : vector<16xf32> to vector<1x16xf32>
      tpu.vector_store %arg9[%swap3A_455, %swap3A_456], %swap3A_459 {strides = array<i32>} : memref<128x256xf32, #tpu.memory_space<vmem>>, vector<1x16xf32>,
      %get3A_460 = arith.index_cast %scan3A_374 : i32 to index
      %get3A_461 = arith.constant 128 : index
      %get3A_462 = tpu.vector_load %arg9[%get3A_460, %get3A_461] {strides = array<i32>} : memref<128x256xf32, #tpu.memory_space<vmem>>, vector<1x16xf32>,
      %get3A_463 = vector.shape_cast %get3A_462 : vector<1x16xf32> to vector<16xf32>
      %mul3A_464 = arith.mulf %get3A_463, %get3A_380 : vector<16xf32>
      %swap3A_465 = arith.index_cast %scan3A_374 : i32 to index
      %swap3A_466 = arith.constant 128 : index
      %swap3A_467 = tpu.vector_load %arg9[%swap3A_465, %swap3A_466] {strides = array<i32>} : memref<128x256xf32, #tpu.memory_space<vmem>>, vector<1x16xf32>,
      %swap3A_468 = vector.shape_cast %swap3A_467 : vector<1x16xf32> to vector<16xf32>
      %swap3A_469 = vector.shape_cast %mul3A_464 : vector<16xf32> to vector<1x16xf32>
      tpu.vector_store %arg9[%swap3A_465, %swap3A_466], %swap3A_469 {strides = array<i32>} : memref<128x256xf32, #tpu.memory_space<vmem>>, vector<1x16xf32>,
      %get3A_470 = arith.index_cast %scan3A_374 : i32 to index
      %get3A_471 = arith.constant 144 : index
      %get3A_472 = tpu.vector_load %arg9[%get3A_470, %get3A_471] {strides = array<i32>} : memref<128x256xf32, #tpu.memory_space<vmem>>, vector<1x16xf32>,
      %get3A_473 = vector.shape_cast %get3A_472 : vector<1x16xf32> to vector<16xf32>
      %mul3A_474 = arith.mulf %get3A_473, %get3A_380 : vector<16xf32>
      %swap3A_475 = arith.index_cast %scan3A_374 : i32 to index
      %swap3A_476 = arith.constant 144 : index
      %swap3A_477 = tpu.vector_load %arg9[%swap3A_475, %swap3A_476] {strides = array<i32>} : memref<128x256xf32, #tpu.memory_space<vmem>>, vector<1x16xf32>,
      %swap3A_478 = vector.shape_cast %swap3A_477 : vector<1x16xf32> to vector<16xf32>
      %swap3A_479 = vector.shape_cast %mul3A_474 : vector<16xf32> to vector<1x16xf32>
      tpu.vector_store %arg9[%swap3A_475, %swap3A_476], %swap3A_479 {strides = array<i32>} : memref<128x256xf32, #tpu.memory_space<vmem>>, vector<1x16xf32>,
      %get3A_480 = arith.index_cast %scan3A_374 : i32 to index
      %get3A_481 = arith.constant 160 : index
      %get3A_482 = tpu.vector_load %arg9[%get3A_480, %get3A_481] {strides = array<i32>} : memref<128x256xf32, #tpu.memory_space<vmem>>, vector<1x16xf32>,
      %get3A_483 = vector.shape_cast %get3A_482 : vector<1x16xf32> to vector<16xf32>
      %mul3A_484 = arith.mulf %get3A_483, %get3A_380 : vector<16xf32>
      %swap3A_485 = arith.index_cast %scan3A_374 : i32 to index
      %swap3A_486 = arith.constant 160 : index
      %swap3A_487 = tpu.vector_load %arg9[%swap3A_485, %swap3A_486] {strides = array<i32>} : memref<128x256xf32, #tpu.memory_space<vmem>>, vector<1x16xf32>,
      %swap3A_488 = vector.shape_cast %swap3A_487 : vector<1x16xf32> to vector<16xf32>
      %swap3A_489 = vector.shape_cast %mul3A_484 : vector<16xf32> to vector<1x16xf32>
      tpu.vector_store %arg9[%swap3A_485, %swap3A_486], %swap3A_489 {strides = array<i32>} : memref<128x256xf32, #tpu.memory_space<vmem>>, vector<1x16xf32>,
      %get3A_490 = arith.index_cast %scan3A_374 : i32 to index
      %get3A_491 = arith.constant 176 : index
      %get3A_492 = tpu.vector_load %arg9[%get3A_490, %get3A_491] {strides = array<i32>} : memref<128x256xf32, #tpu.memory_space<vmem>>, vector<1x16xf32>,
      %get3A_493 = vector.shape_cast %get3A_492 : vector<1x16xf32> to vector<16xf32>
      %mul3A_494 = arith.mulf %get3A_493, %get3A_380 : vector<16xf32>
      %swap3A_495 = arith.index_cast %scan3A_374 : i32 to index
      %swap3A_496 = arith.constant 176 : index
      %swap3A_497 = tpu.vector_load %arg9[%swap3A_495, %swap3A_496] {strides = array<i32>} : memref<128x256xf32, #tpu.memory_space<vmem>>, vector<1x16xf32>,
      %swap3A_498 = vector.shape_cast %swap3A_497 : vector<1x16xf32> to vector<16xf32>
      %swap3A_499 = vector.shape_cast %mul3A_494 : vector<16xf32> to vector<1x16xf32>
      tpu.vector_store %arg9[%swap3A_495, %swap3A_496], %swap3A_499 {strides = array<i32>} : memref<128x256xf32, #tpu.memory_space<vmem>>, vector<1x16xf32>,
      %get3A_500 = arith.index_cast %scan3A_374 : i32 to index
      %get3A_501 = arith.constant 192 : index
      %get3A_502 = tpu.vector_load %arg9[%get3A_500, %get3A_501] {strides = array<i32>} : memref<128x256xf32, #tpu.memory_space<vmem>>, vector<1x16xf32>,
      %get3A_503 = vector.shape_cast %get3A_502 : vector<1x16xf32> to vector<16xf32>
      %mul3A_504 = arith.mulf %get3A_503, %get3A_380 : vector<16xf32>
      %swap3A_505 = arith.index_cast %scan3A_374 : i32 to index
      %swap3A_506 = arith.constant 192 : index
      %swap3A_507 = tpu.vector_load %arg9[%swap3A_505, %swap3A_506] {strides = array<i32>} : memref<128x256xf32, #tpu.memory_space<vmem>>, vector<1x16xf32>,
      %swap3A_508 = vector.shape_cast %swap3A_507 : vector<1x16xf32> to vector<16xf32>
      %swap3A_509 = vector.shape_cast %mul3A_504 : vector<16xf32> to vector<1x16xf32>
      tpu.vector_store %arg9[%swap3A_505, %swap3A_506], %swap3A_509 {strides = array<i32>} : memref<128x256xf32, #tpu.memory_space<vmem>>, vector<1x16xf32>,
      %get3A_510 = arith.index_cast %scan3A_374 : i32 to index
      %get3A_511 = arith.constant 208 : index
      %get3A_512 = tpu.vector_load %arg9[%get3A_510, %get3A_511] {strides = array<i32>} : memref<128x256xf32, #tpu.memory_space<vmem>>, vector<1x16xf32>,
      %get3A_513 = vector.shape_cast %get3A_512 : vector<1x16xf32> to vector<16xf32>
      %mul3A_514 = arith.mulf %get3A_513, %get3A_380 : vector<16xf32>
      %swap3A_515 = arith.index_cast %scan3A_374 : i32 to index
      %swap3A_516 = arith.constant 208 : index
      %swap3A_517 = tpu.vector_load %arg9[%swap3A_515, %swap3A_516] {strides = array<i32>} : memref<128x256xf32, #tpu.memory_space<vmem>>, vector<1x16xf32>,
      %swap3A_518 = vector.shape_cast %swap3A_517 : vector<1x16xf32> to vector<16xf32>
      %swap3A_519 = vector.shape_cast %mul3A_514 : vector<16xf32> to vector<1x16xf32>
      tpu.vector_store %arg9[%swap3A_515, %swap3A_516], %swap3A_519 {strides = array<i32>} : memref<128x256xf32, #tpu.memory_space<vmem>>, vector<1x16xf32>,
      %get3A_520 = arith.index_cast %scan3A_374 : i32 to index
      %get3A_521 = arith.constant 224 : index
      %get3A_522 = tpu.vector_load %arg9[%get3A_520, %get3A_521] {strides = array<i32>} : memref<128x256xf32, #tpu.memory_space<vmem>>, vector<1x16xf32>,
      %get3A_523 = vector.shape_cast %get3A_522 : vector<1x16xf32> to vector<16xf32>
      %mul3A_524 = arith.mulf %get3A_523, %get3A_380 : vector<16xf32>
      %swap3A_525 = arith.index_cast %scan3A_374 : i32 to index
      %swap3A_526 = arith.constant 224 : index
      %swap3A_527 = tpu.vector_load %arg9[%swap3A_525, %swap3A_526] {strides = array<i32>} : memref<128x256xf32, #tpu.memory_space<vmem>>, vector<1x16xf32>,
      %swap3A_528 = vector.shape_cast %swap3A_527 : vector<1x16xf32> to vector<16xf32>
      %swap3A_529 = vector.shape_cast %mul3A_524 : vector<16xf32> to vector<1x16xf32>
      tpu.vector_store %arg9[%swap3A_525, %swap3A_526], %swap3A_529 {strides = array<i32>} : memref<128x256xf32, #tpu.memory_space<vmem>>, vector<1x16xf32>,
      %get3A_530 = arith.index_cast %scan3A_374 : i32 to index
      %get3A_531 = arith.constant 240 : index
      %get3A_532 = tpu.vector_load %arg9[%get3A_530, %get3A_531] {strides = array<i32>} : memref<128x256xf32, #tpu.memory_space<vmem>>, vector<1x16xf32>,
      %get3A_533 = vector.shape_cast %get3A_532 : vector<1x16xf32> to vector<16xf32>
      %mul3A_534 = arith.mulf %get3A_533, %get3A_380 : vector<16xf32>
      %swap3A_535 = arith.index_cast %scan3A_374 : i32 to index
      %swap3A_536 = arith.constant 240 : index
      %swap3A_537 = tpu.vector_load %arg9[%swap3A_535, %swap3A_536] {strides = array<i32>} : memref<128x256xf32, #tpu.memory_space<vmem>>, vector<1x16xf32>,
      %swap3A_538 = vector.shape_cast %swap3A_537 : vector<1x16xf32> to vector<16xf32>
      %swap3A_539 = vector.shape_cast %mul3A_534 : vector<16xf32> to vector<1x16xf32>
      tpu.vector_store %arg9[%swap3A_535, %swap3A_536], %swap3A_539 {strides = array<i32>} : memref<128x256xf32, #tpu.memory_space<vmem>>, vector<1x16xf32>,
    }
    %scan3A_167 = arith.constant 128 : i32
    %add3A_168 = arith.constant 0 : i32
    %add3A_169 = arith.addi %mul3A_2, %add3A_168 : i32
    %dma_start3A_170 = arith.constant 0 : i32
    %dma_start3A_171 = tpu.memref_slice %arg5[%add3A_169, %dma_start3A_170] : memref<32768x256xf32, #tpu.memory_space<hbm>> -> memref<128x256xf32, #tpu.memory_space<hbm>>
    %dma_start3A_172 = arith.constant 0 : i32
    %dma_start3A_173 = tpu.memref_slice %arg5[%add3A_169, %dma_start3A_172] : memref<32768x256xf32, #tpu.memory_space<hbm>> -> memref<128x256xf32, #tpu.memory_space<hbm>>
    tpu.enqueue_dma source(%arg9 : memref<128x256xf32, #tpu.memory_space<vmem>>) target(%dma_start3A_173 : memref<128x256xf32, #tpu.memory_space<hbm>>) target_semaphore(%arg15 : memref<!tpu.dma_semaphore, #tpu.memory_space<semaphore_mem>>)
    %dma_wait3A_174 = arith.constant 1 : i32
    %dma_wait3A_175 = arith.constant 0 : i32
    %dma_wait3A_176 = tpu.memref_slice %arg6[%dma_wait3A_174, %dma_wait3A_175] : memref<8x128xi32, #tpu.memory_space<vmem>> -> memref<1x128xi32, #tpu.memory_space<vmem>>
    %dma_wait3A_177 = tpu.memref_squeeze %dma_wait3A_176 : memref<1x128xi32, #tpu.memory_space<vmem>> -> memref<128xi32, #tpu.memory_space<vmem>>
    %dma_wait3A_178 = arith.constant 0 : i32
    %dma_wait3A_179 = arith.constant 0 : i32
    %dma_wait3A_180 = tpu.memref_slice %arg2[%dma_wait3A_178, %dma_wait3A_179] : memref<8192x256xf32, #tpu.memory_space<hbm>> -> memref<8192x256xf32, #tpu.memory_space<hbm>>
    tpu.wait_indirect_dma semaphore(%arg13 : memref<!tpu.dma_semaphore, #tpu.memory_space<semaphore_mem>>) src(%dma_wait3A_180 : memref<8192x256xf32, #tpu.memory_space<hbm>>) dst(%arg10 : memref<128x256xf32, #tpu.memory_space<vmem>>)
    %dma_wait3A_181 = arith.constant 0 : i32
    %dma_wait3A_182 = tpu.memref_slice %arg5[%add3A_169, %dma_wait3A_181] : memref<32768x256xf32, #tpu.memory_space<hbm>> -> memref<128x256xf32, #tpu.memory_space<hbm>>
    %dma_wait3A_183 = arith.constant 0 : i32
    %dma_wait3A_184 = tpu.memref_slice %arg5[%add3A_169, %dma_wait3A_183] : memref<32768x256xf32, #tpu.memory_space<hbm>> -> memref<128x256xf32, #tpu.memory_space<hbm>>
    tpu.wait_dma2 semaphore(%arg15 : memref<!tpu.dma_semaphore, #tpu.memory_space<semaphore_mem>>) src(%arg9 : memref<128x256xf32, #tpu.memory_space<vmem>>) dst(%dma_wait3A_184 : memref<128x256xf32, #tpu.memory_space<hbm>>)
    %dma_start3A_185 = arith.constant 3 : i32
    %dma_start3A_186 = arith.constant 0 : i32
    %dma_start3A_187 = tpu.memref_slice %arg6[%dma_start3A_185, %dma_start3A_186] : memref<8x128xi32, #tpu.memory_space<vmem>> -> memref<1x128xi32, #tpu.memory_space<vmem>>
    %dma_start3A_188 = tpu.memref_squeeze %dma_start3A_187 : memref<1x128xi32, #tpu.memory_space<vmem>> -> memref<128xi32, #tpu.memory_space<vmem>>
    %dma_start3A_189 = arith.constant 0 : i32
    %dma_start3A_190 = arith.constant 0 : i32
    %dma_start3A_191 = tpu.memref_slice %arg2[%dma_start3A_189, %dma_start3A_190] : memref<8192x256xf32, #tpu.memory_space<hbm>> -> memref<8192x256xf32, #tpu.memory_space<hbm>>
    tpu.enqueue_indirect_dma source(%dma_start3A_191 : memref<8192x256xf32, #tpu.memory_space<hbm>>) target(%arg9 : memref<128x256xf32, #tpu.memory_space<vmem>>) offsets(%dma_start3A_188 : memref<128xi32, #tpu.memory_space<vmem>>) semaphore(%arg12 : memref<!tpu.dma_semaphore, #tpu.memory_space<semaphore_mem>>)
    %scan3A_192 = arith.constant 0 : i32
    %scan3A_193 = arith.constant 0 : i32
    %scan3A_194 = arith.constant 128 : i32
    %scan3A_195 = arith.addi %scan3A_193, %scan3A_194 : i32
    %scan3A_196 = arith.constant 1 : i32
    scf.for %scan3A_374 = %scan3A_193 to %scan3A_195 step %scan3A_196  : i32 {
      %add3A_375 = arith.constant 128 : i32
      %add3A_376 = arith.addi %add3A_375, %scan3A_374 : i32
      %mul3A_377 = arith.constant 16 : i32
      %mul3A_378 = arith.muli %add3A_376, %mul3A_377 : i32
      %get3A = arith.index_cast %mul3A_378 : i32 to index
      %get3A_379 = tpu.vector_load %arg8[%get3A] {strides = array<i32>} : memref<16384xf32, #tpu.memory_space<vmem>>, vector<16xf32>,
      %get3A_380 = vector.shape_cast %get3A_379 : vector<16xf32> to vector<16xf32>
      %get3A_381 = arith.index_cast %scan3A_374 : i32 to index
      %get3A_382 = arith.constant 0 : index
      %get3A_383 = tpu.vector_load %arg10[%get3A_381, %get3A_382] {strides = array<i32>} : memref<128x256xf32, #tpu.memory_space<vmem>>, vector<1x16xf32>,
      %get3A_384 = vector.shape_cast %get3A_383 : vector<1x16xf32> to vector<16xf32>
      %mul3A_385 = arith.mulf %get3A_384, %get3A_380 : vector<16xf32>
      %swap3A = arith.index_cast %scan3A_374 : i32 to index
      %swap3A_386 = arith.constant 0 : index
      %swap3A_387 = tpu.vector_load %arg10[%swap3A, %swap3A_386] {strides = array<i32>} : memref<128x256xf32, #tpu.memory_space<vmem>>, vector<1x16xf32>,
      %swap3A_388 = vector.shape_cast %swap3A_387 : vector<1x16xf32> to vector<16xf32>
      %swap3A_389 = vector.shape_cast %mul3A_385 : vector<16xf32> to vector<1x16xf32>
      tpu.vector_store %arg10[%swap3A, %swap3A_386], %swap3A_389 {strides = array<i32>} : memref<128x256xf32, #tpu.memory_space<vmem>>, vector<1x16xf32>,
      %get3A_390 = arith.index_cast %scan3A_374 : i32 to index
      %get3A_391 = arith.constant 16 : index
      %get3A_392 = tpu.vector_load %arg10[%get3A_390, %get3A_391] {strides = array<i32>} : memref<128x256xf32, #tpu.memory_space<vmem>>, vector<1x16xf32>,
      %get3A_393 = vector.shape_cast %get3A_392 : vector<1x16xf32> to vector<16xf32>
      %mul3A_394 = arith.mulf %get3A_393, %get3A_380 : vector<16xf32>
      %swap3A_395 = arith.index_cast %scan3A_374 : i32 to index
      %swap3A_396 = arith.constant 16 : index
      %swap3A_397 = tpu.vector_load %arg10[%swap3A_395, %swap3A_396] {strides = array<i32>} : memref<128x256xf32, #tpu.memory_space<vmem>>, vector<1x16xf32>,
      %swap3A_398 = vector.shape_cast %swap3A_397 : vector<1x16xf32> to vector<16xf32>
      %swap3A_399 = vector.shape_cast %mul3A_394 : vector<16xf32> to vector<1x16xf32>
      tpu.vector_store %arg10[%swap3A_395, %swap3A_396], %swap3A_399 {strides = array<i32>} : memref<128x256xf32, #tpu.memory_space<vmem>>, vector<1x16xf32>,
      %get3A_400 = arith.index_cast %scan3A_374 : i32 to index
      %get3A_401 = arith.constant 32 : index
      %get3A_402 = tpu.vector_load %arg10[%get3A_400, %get3A_401] {strides = array<i32>} : memref<128x256xf32, #tpu.memory_space<vmem>>, vector<1x16xf32>,
      %get3A_403 = vector.shape_cast %get3A_402 : vector<1x16xf32> to vector<16xf32>
      %mul3A_404 = arith.mulf %get3A_403, %get3A_380 : vector<16xf32>
      %swap3A_405 = arith.index_cast %scan3A_374 : i32 to index
      %swap3A_406 = arith.constant 32 : index
      %swap3A_407 = tpu.vector_load %arg10[%swap3A_405, %swap3A_406] {strides = array<i32>} : memref<128x256xf32, #tpu.memory_space<vmem>>, vector<1x16xf32>,
      %swap3A_408 = vector.shape_cast %swap3A_407 : vector<1x16xf32> to vector<16xf32>
      %swap3A_409 = vector.shape_cast %mul3A_404 : vector<16xf32> to vector<1x16xf32>
      tpu.vector_store %arg10[%swap3A_405, %swap3A_406], %swap3A_409 {strides = array<i32>} : memref<128x256xf32, #tpu.memory_space<vmem>>, vector<1x16xf32>,
      %get3A_410 = arith.index_cast %scan3A_374 : i32 to index
      %get3A_411 = arith.constant 48 : index
      %get3A_412 = tpu.vector_load %arg10[%get3A_410, %get3A_411] {strides = array<i32>} : memref<128x256xf32, #tpu.memory_space<vmem>>, vector<1x16xf32>,
      %get3A_413 = vector.shape_cast %get3A_412 : vector<1x16xf32> to vector<16xf32>
      %mul3A_414 = arith.mulf %get3A_413, %get3A_380 : vector<16xf32>
      %swap3A_415 = arith.index_cast %scan3A_374 : i32 to index
      %swap3A_416 = arith.constant 48 : index
      %swap3A_417 = tpu.vector_load %arg10[%swap3A_415, %swap3A_416] {strides = array<i32>} : memref<128x256xf32, #tpu.memory_space<vmem>>, vector<1x16xf32>,
      %swap3A_418 = vector.shape_cast %swap3A_417 : vector<1x16xf32> to vector<16xf32>
      %swap3A_419 = vector.shape_cast %mul3A_414 : vector<16xf32> to vector<1x16xf32>
      tpu.vector_store %arg10[%swap3A_415, %swap3A_416], %swap3A_419 {strides = array<i32>} : memref<128x256xf32, #tpu.memory_space<vmem>>, vector<1x16xf32>,
      %get3A_420 = arith.index_cast %scan3A_374 : i32 to index
      %get3A_421 = arith.constant 64 : index
      %get3A_422 = tpu.vector_load %arg10[%get3A_420, %get3A_421] {strides = array<i32>} : memref<128x256xf32, #tpu.memory_space<vmem>>, vector<1x16xf32>,
      %get3A_423 = vector.shape_cast %get3A_422 : vector<1x16xf32> to vector<16xf32>
      %mul3A_424 = arith.mulf %get3A_423, %get3A_380 : vector<16xf32>
      %swap3A_425 = arith.index_cast %scan3A_374 : i32 to index
      %swap3A_426 = arith.constant 64 : index
      %swap3A_427 = tpu.vector_load %arg10[%swap3A_425, %swap3A_426] {strides = array<i32>} : memref<128x256xf32, #tpu.memory_space<vmem>>, vector<1x16xf32>,
      %swap3A_428 = vector.shape_cast %swap3A_427 : vector<1x16xf32> to vector<16xf32>
      %swap3A_429 = vector.shape_cast %mul3A_424 : vector<16xf32> to vector<1x16xf32>
      tpu.vector_store %arg10[%swap3A_425, %swap3A_426], %swap3A_429 {strides = array<i32>} : memref<128x256xf32, #tpu.memory_space<vmem>>, vector<1x16xf32>,
      %get3A_430 = arith.index_cast %scan3A_374 : i32 to index
      %get3A_431 = arith.constant 80 : index
      %get3A_432 = tpu.vector_load %arg10[%get3A_430, %get3A_431] {strides = array<i32>} : memref<128x256xf32, #tpu.memory_space<vmem>>, vector<1x16xf32>,
      %get3A_433 = vector.shape_cast %get3A_432 : vector<1x16xf32> to vector<16xf32>
      %mul3A_434 = arith.mulf %get3A_433, %get3A_380 : vector<16xf32>
      %swap3A_435 = arith.index_cast %scan3A_374 : i32 to index
      %swap3A_436 = arith.constant 80 : index
      %swap3A_437 = tpu.vector_load %arg10[%swap3A_435, %swap3A_436] {strides = array<i32>} : memref<128x256xf32, #tpu.memory_space<vmem>>, vector<1x16xf32>,
      %swap3A_438 = vector.shape_cast %swap3A_437 : vector<1x16xf32> to vector<16xf32>
      %swap3A_439 = vector.shape_cast %mul3A_434 : vector<16xf32> to vector<1x16xf32>
      tpu.vector_store %arg10[%swap3A_435, %swap3A_436], %swap3A_439 {strides = array<i32>} : memref<128x256xf32, #tpu.memory_space<vmem>>, vector<1x16xf32>,
      %get3A_440 = arith.index_cast %scan3A_374 : i32 to index
      %get3A_441 = arith.constant 96 : index
      %get3A_442 = tpu.vector_load %arg10[%get3A_440, %get3A_441] {strides = array<i32>} : memref<128x256xf32, #tpu.memory_space<vmem>>, vector<1x16xf32>,
      %get3A_443 = vector.shape_cast %get3A_442 : vector<1x16xf32> to vector<16xf32>
      %mul3A_444 = arith.mulf %get3A_443, %get3A_380 : vector<16xf32>
      %swap3A_445 = arith.index_cast %scan3A_374 : i32 to index
      %swap3A_446 = arith.constant 96 : index
      %swap3A_447 = tpu.vector_load %arg10[%swap3A_445, %swap3A_446] {strides = array<i32>} : memref<128x256xf32, #tpu.memory_space<vmem>>, vector<1x16xf32>,
      %swap3A_448 = vector.shape_cast %swap3A_447 : vector<1x16xf32> to vector<16xf32>
      %swap3A_449 = vector.shape_cast %mul3A_444 : vector<16xf32> to vector<1x16xf32>
      tpu.vector_store %arg10[%swap3A_445, %swap3A_446], %swap3A_449 {strides = array<i32>} : memref<128x256xf32, #tpu.memory_space<vmem>>, vector<1x16xf32>,
      %get3A_450 = arith.index_cast %scan3A_374 : i32 to index
      %get3A_451 = arith.constant 112 : index
      %get3A_452 = tpu.vector_load %arg10[%get3A_450, %get3A_451] {strides = array<i32>} : memref<128x256xf32, #tpu.memory_space<vmem>>, vector<1x16xf32>,
      %get3A_453 = vector.shape_cast %get3A_452 : vector<1x16xf32> to vector<16xf32>
      %mul3A_454 = arith.mulf %get3A_453, %get3A_380 : vector<16xf32>
      %swap3A_455 = arith.index_cast %scan3A_374 : i32 to index
      %swap3A_456 = arith.constant 112 : index
      %swap3A_457 = tpu.vector_load %arg10[%swap3A_455, %swap3A_456] {strides = array<i32>} : memref<128x256xf32, #tpu.memory_space<vmem>>, vector<1x16xf32>,
      %swap3A_458 = vector.shape_cast %swap3A_457 : vector<1x16xf32> to vector<16xf32>
      %swap3A_459 = vector.shape_cast %mul3A_454 : vector<16xf32> to vector<1x16xf32>
      tpu.vector_store %arg10[%swap3A_455, %swap3A_456], %swap3A_459 {strides = array<i32>} : memref<128x256xf32, #tpu.memory_space<vmem>>, vector<1x16xf32>,
      %get3A_460 = arith.index_cast %scan3A_374 : i32 to index
      %get3A_461 = arith.constant 128 : index
      %get3A_462 = tpu.vector_load %arg10[%get3A_460, %get3A_461] {strides = array<i32>} : memref<128x256xf32, #tpu.memory_space<vmem>>, vector<1x16xf32>,
      %get3A_463 = vector.shape_cast %get3A_462 : vector<1x16xf32> to vector<16xf32>
      %mul3A_464 = arith.mulf %get3A_463, %get3A_380 : vector<16xf32>
      %swap3A_465 = arith.index_cast %scan3A_374 : i32 to index
      %swap3A_466 = arith.constant 128 : index
      %swap3A_467 = tpu.vector_load %arg10[%swap3A_465, %swap3A_466] {strides = array<i32>} : memref<128x256xf32, #tpu.memory_space<vmem>>, vector<1x16xf32>,
      %swap3A_468 = vector.shape_cast %swap3A_467 : vector<1x16xf32> to vector<16xf32>
      %swap3A_469 = vector.shape_cast %mul3A_464 : vector<16xf32> to vector<1x16xf32>
      tpu.vector_store %arg10[%swap3A_465, %swap3A_466], %swap3A_469 {strides = array<i32>} : memref<128x256xf32, #tpu.memory_space<vmem>>, vector<1x16xf32>,
      %get3A_470 = arith.index_cast %scan3A_374 : i32 to index
      %get3A_471 = arith.constant 144 : index
      %get3A_472 = tpu.vector_load %arg10[%get3A_470, %get3A_471] {strides = array<i32>} : memref<128x256xf32, #tpu.memory_space<vmem>>, vector<1x16xf32>,
      %get3A_473 = vector.shape_cast %get3A_472 : vector<1x16xf32> to vector<16xf32>
      %mul3A_474 = arith.mulf %get3A_473, %get3A_380 : vector<16xf32>
      %swap3A_475 = arith.index_cast %scan3A_374 : i32 to index
      %swap3A_476 = arith.constant 144 : index
      %swap3A_477 = tpu.vector_load %arg10[%swap3A_475, %swap3A_476] {strides = array<i32>} : memref<128x256xf32, #tpu.memory_space<vmem>>, vector<1x16xf32>,
      %swap3A_478 = vector.shape_cast %swap3A_477 : vector<1x16xf32> to vector<16xf32>
      %swap3A_479 = vector.shape_cast %mul3A_474 : vector<16xf32> to vector<1x16xf32>
      tpu.vector_store %arg10[%swap3A_475, %swap3A_476], %swap3A_479 {strides = array<i32>} : memref<128x256xf32, #tpu.memory_space<vmem>>, vector<1x16xf32>,
      %get3A_480 = arith.index_cast %scan3A_374 : i32 to index
      %get3A_481 = arith.constant 160 : index
      %get3A_482 = tpu.vector_load %arg10[%get3A_480, %get3A_481] {strides = array<i32>} : memref<128x256xf32, #tpu.memory_space<vmem>>, vector<1x16xf32>,
      %get3A_483 = vector.shape_cast %get3A_482 : vector<1x16xf32> to vector<16xf32>
      %mul3A_484 = arith.mulf %get3A_483, %get3A_380 : vector<16xf32>
      %swap3A_485 = arith.index_cast %scan3A_374 : i32 to index
      %swap3A_486 = arith.constant 160 : index
      %swap3A_487 = tpu.vector_load %arg10[%swap3A_485, %swap3A_486] {strides = array<i32>} : memref<128x256xf32, #tpu.memory_space<vmem>>, vector<1x16xf32>,
      %swap3A_488 = vector.shape_cast %swap3A_487 : vector<1x16xf32> to vector<16xf32>
      %swap3A_489 = vector.shape_cast %mul3A_484 : vector<16xf32> to vector<1x16xf32>
      tpu.vector_store %arg10[%swap3A_485, %swap3A_486], %swap3A_489 {strides = array<i32>} : memref<128x256xf32, #tpu.memory_space<vmem>>, vector<1x16xf32>,
      %get3A_490 = arith.index_cast %scan3A_374 : i32 to index
      %get3A_491 = arith.constant 176 : index
      %get3A_492 = tpu.vector_load %arg10[%get3A_490, %get3A_491] {strides = array<i32>} : memref<128x256xf32, #tpu.memory_space<vmem>>, vector<1x16xf32>,
      %get3A_493 = vector.shape_cast %get3A_492 : vector<1x16xf32> to vector<16xf32>
      %mul3A_494 = arith.mulf %get3A_493, %get3A_380 : vector<16xf32>
      %swap3A_495 = arith.index_cast %scan3A_374 : i32 to index
      %swap3A_496 = arith.constant 176 : index
      %swap3A_497 = tpu.vector_load %arg10[%swap3A_495, %swap3A_496] {strides = array<i32>} : memref<128x256xf32, #tpu.memory_space<vmem>>, vector<1x16xf32>,
      %swap3A_498 = vector.shape_cast %swap3A_497 : vector<1x16xf32> to vector<16xf32>
      %swap3A_499 = vector.shape_cast %mul3A_494 : vector<16xf32> to vector<1x16xf32>
      tpu.vector_store %arg10[%swap3A_495, %swap3A_496], %swap3A_499 {strides = array<i32>} : memref<128x256xf32, #tpu.memory_space<vmem>>, vector<1x16xf32>,
      %get3A_500 = arith.index_cast %scan3A_374 : i32 to index
      %get3A_501 = arith.constant 192 : index
      %get3A_502 = tpu.vector_load %arg10[%get3A_500, %get3A_501] {strides = array<i32>} : memref<128x256xf32, #tpu.memory_space<vmem>>, vector<1x16xf32>,
      %get3A_503 = vector.shape_cast %get3A_502 : vector<1x16xf32> to vector<16xf32>
      %mul3A_504 = arith.mulf %get3A_503, %get3A_380 : vector<16xf32>
      %swap3A_505 = arith.index_cast %scan3A_374 : i32 to index
      %swap3A_506 = arith.constant 192 : index
      %swap3A_507 = tpu.vector_load %arg10[%swap3A_505, %swap3A_506] {strides = array<i32>} : memref<128x256xf32, #tpu.memory_space<vmem>>, vector<1x16xf32>,
      %swap3A_508 = vector.shape_cast %swap3A_507 : vector<1x16xf32> to vector<16xf32>
      %swap3A_509 = vector.shape_cast %mul3A_504 : vector<16xf32> to vector<1x16xf32>
      tpu.vector_store %arg10[%swap3A_505, %swap3A_506], %swap3A_509 {strides = array<i32>} : memref<128x256xf32, #tpu.memory_space<vmem>>, vector<1x16xf32>,
      %get3A_510 = arith.index_cast %scan3A_374 : i32 to index
      %get3A_511 = arith.constant 208 : index
      %get3A_512 = tpu.vector_load %arg10[%get3A_510, %get3A_511] {strides = array<i32>} : memref<128x256xf32, #tpu.memory_space<vmem>>, vector<1x16xf32>,
      %get3A_513 = vector.shape_cast %get3A_512 : vector<1x16xf32> to vector<16xf32>
      %mul3A_514 = arith.mulf %get3A_513, %get3A_380 : vector<16xf32>
      %swap3A_515 = arith.index_cast %scan3A_374 : i32 to index
      %swap3A_516 = arith.constant 208 : index
      %swap3A_517 = tpu.vector_load %arg10[%swap3A_515, %swap3A_516] {strides = array<i32>} : memref<128x256xf32, #tpu.memory_space<vmem>>, vector<1x16xf32>,
      %swap3A_518 = vector.shape_cast %swap3A_517 : vector<1x16xf32> to vector<16xf32>
      %swap3A_519 = vector.shape_cast %mul3A_514 : vector<16xf32> to vector<1x16xf32>
      tpu.vector_store %arg10[%swap3A_515, %swap3A_516], %swap3A_519 {strides = array<i32>} : memref<128x256xf32, #tpu.memory_space<vmem>>, vector<1x16xf32>,
      %get3A_520 = arith.index_cast %scan3A_374 : i32 to index
      %get3A_521 = arith.constant 224 : index
      %get3A_522 = tpu.vector_load %arg10[%get3A_520, %get3A_521] {strides = array<i32>} : memref<128x256xf32, #tpu.memory_space<vmem>>, vector<1x16xf32>,
      %get3A_523 = vector.shape_cast %get3A_522 : vector<1x16xf32> to vector<16xf32>
      %mul3A_524 = arith.mulf %get3A_523, %get3A_380 : vector<16xf32>
      %swap3A_525 = arith.index_cast %scan3A_374 : i32 to index
      %swap3A_526 = arith.constant 224 : index
      %swap3A_527 = tpu.vector_load %arg10[%swap3A_525, %swap3A_526] {strides = array<i32>} : memref<128x256xf32, #tpu.memory_space<vmem>>, vector<1x16xf32>,
      %swap3A_528 = vector.shape_cast %swap3A_527 : vector<1x16xf32> to vector<16xf32>
      %swap3A_529 = vector.shape_cast %mul3A_524 : vector<16xf32> to vector<1x16xf32>
      tpu.vector_store %arg10[%swap3A_525, %swap3A_526], %swap3A_529 {strides = array<i32>} : memref<128x256xf32, #tpu.memory_space<vmem>>, vector<1x16xf32>,
      %get3A_530 = arith.index_cast %scan3A_374 : i32 to index
      %get3A_531 = arith.constant 240 : index
      %get3A_532 = tpu.vector_load %arg10[%get3A_530, %get3A_531] {strides = array<i32>} : memref<128x256xf32, #tpu.memory_space<vmem>>, vector<1x16xf32>,
      %get3A_533 = vector.shape_cast %get3A_532 : vector<1x16xf32> to vector<16xf32>
      %mul3A_534 = arith.mulf %get3A_533, %get3A_380 : vector<16xf32>
      %swap3A_535 = arith.index_cast %scan3A_374 : i32 to index
      %swap3A_536 = arith.constant 240 : index
      %swap3A_537 = tpu.vector_load %arg10[%swap3A_535, %swap3A_536] {strides = array<i32>} : memref<128x256xf32, #tpu.memory_space<vmem>>, vector<1x16xf32>,
      %swap3A_538 = vector.shape_cast %swap3A_537 : vector<1x16xf32> to vector<16xf32>
      %swap3A_539 = vector.shape_cast %mul3A_534 : vector<16xf32> to vector<1x16xf32>
      tpu.vector_store %arg10[%swap3A_535, %swap3A_536], %swap3A_539 {strides = array<i32>} : memref<128x256xf32, #tpu.memory_space<vmem>>, vector<1x16xf32>,
    }
    %scan3A_197 = arith.constant 128 : i32
    %add3A_198 = arith.constant 128 : i32
    %add3A_199 = arith.addi %mul3A_2, %add3A_198 : i32
    %dma_start3A_200 = arith.constant 0 : i32
    %dma_start3A_201 = tpu.memref_slice %arg5[%add3A_199, %dma_start3A_200] : memref<32768x256xf32, #tpu.memory_space<hbm>> -> memref<128x256xf32, #tpu.memory_space<hbm>>
    %dma_start3A_202 = arith.constant 0 : i32
    %dma_start3A_203 = tpu.memref_slice %arg5[%add3A_199, %dma_start3A_202] : memref<32768x256xf32, #tpu.memory_space<hbm>> -> memref<128x256xf32, #tpu.memory_space<hbm>>
    tpu.enqueue_dma source(%arg10 : memref<128x256xf32, #tpu.memory_space<vmem>>) target(%dma_start3A_203 : memref<128x256xf32, #tpu.memory_space<hbm>>) target_semaphore(%arg16 : memref<!tpu.dma_semaphore, #tpu.memory_space<semaphore_mem>>)
    %dma_wait3A_204 = arith.constant 2 : i32
    %dma_wait3A_205 = arith.constant 0 : i32
    %dma_wait3A_206 = tpu.memref_slice %arg6[%dma_wait3A_204, %dma_wait3A_205] : memref<8x128xi32, #tpu.memory_space<vmem>> -> memref<1x128xi32, #tpu.memory_space<vmem>>
    %dma_wait3A_207 = tpu.memref_squeeze %dma_wait3A_206 : memref<1x128xi32, #tpu.memory_space<vmem>> -> memref<128xi32, #tpu.memory_space<vmem>>
    %dma_wait3A_208 = arith.constant 0 : i32
    %dma_wait3A_209 = arith.constant 0 : i32
    %dma_wait3A_210 = tpu.memref_slice %arg2[%dma_wait3A_208, %dma_wait3A_209] : memref<8192x256xf32, #tpu.memory_space<hbm>> -> memref<8192x256xf32, #tpu.memory_space<hbm>>
    tpu.wait_indirect_dma semaphore(%arg14 : memref<!tpu.dma_semaphore, #tpu.memory_space<semaphore_mem>>) src(%dma_wait3A_210 : memref<8192x256xf32, #tpu.memory_space<hbm>>) dst(%arg11 : memref<128x256xf32, #tpu.memory_space<vmem>>)
    %dma_wait3A_211 = arith.constant 0 : i32
    %dma_wait3A_212 = tpu.memref_slice %arg5[%add3A_199, %dma_wait3A_211] : memref<32768x256xf32, #tpu.memory_space<hbm>> -> memref<128x256xf32, #tpu.memory_space<hbm>>
    %dma_wait3A_213 = arith.constant 0 : i32
    %dma_wait3A_214 = tpu.memref_slice %arg5[%add3A_199, %dma_wait3A_213] : memref<32768x256xf32, #tpu.memory_space<hbm>> -> memref<128x256xf32, #tpu.memory_space<hbm>>
    tpu.wait_dma2 semaphore(%arg16 : memref<!tpu.dma_semaphore, #tpu.memory_space<semaphore_mem>>) src(%arg10 : memref<128x256xf32, #tpu.memory_space<vmem>>) dst(%dma_wait3A_214 : memref<128x256xf32, #tpu.memory_space<hbm>>)
    %dma_start3A_215 = arith.constant 4 : i32
    %dma_start3A_216 = arith.constant 0 : i32
    %dma_start3A_217 = tpu.memref_slice %arg6[%dma_start3A_215, %dma_start3A_216] : memref<8x128xi32, #tpu.memory_space<vmem>> -> memref<1x128xi32, #tpu.memory_space<vmem>>
    %dma_start3A_218 = tpu.memref_squeeze %dma_start3A_217 : memref<1x128xi32, #tpu.memory_space<vmem>> -> memref<128xi32, #tpu.memory_space<vmem>>
    %dma_start3A_219 = arith.constant 0 : i32
    %dma_start3A_220 = arith.constant 0 : i32
    %dma_start3A_221 = tpu.memref_slice %arg2[%dma_start3A_219, %dma_start3A_220] : memref<8192x256xf32, #tpu.memory_space<hbm>> -> memref<8192x256xf32, #tpu.memory_space<hbm>>
    tpu.enqueue_indirect_dma source(%dma_start3A_221 : memref<8192x256xf32, #tpu.memory_space<hbm>>) target(%arg10 : memref<128x256xf32, #tpu.memory_space<vmem>>) offsets(%dma_start3A_218 : memref<128xi32, #tpu.memory_space<vmem>>) semaphore(%arg13 : memref<!tpu.dma_semaphore, #tpu.memory_space<semaphore_mem>>)
    %scan3A_222 = arith.constant 0 : i32
    %scan3A_223 = arith.constant 0 : i32
    %scan3A_224 = arith.constant 128 : i32
    %scan3A_225 = arith.addi %scan3A_223, %scan3A_224 : i32
    %scan3A_226 = arith.constant 1 : i32
    scf.for %scan3A_374 = %scan3A_223 to %scan3A_225 step %scan3A_226  : i32 {
      %add3A_375 = arith.constant 256 : i32
      %add3A_376 = arith.addi %add3A_375, %scan3A_374 : i32
      %mul3A_377 = arith.constant 16 : i32
      %mul3A_378 = arith.muli %add3A_376, %mul3A_377 : i32
      %get3A = arith.index_cast %mul3A_378 : i32 to index
      %get3A_379 = tpu.vector_load %arg8[%get3A] {strides = array<i32>} : memref<16384xf32, #tpu.memory_space<vmem>>, vector<16xf32>,
      %get3A_380 = vector.shape_cast %get3A_379 : vector<16xf32> to vector<16xf32>
      %get3A_381 = arith.index_cast %scan3A_374 : i32 to index
      %get3A_382 = arith.constant 0 : index
      %get3A_383 = tpu.vector_load %arg11[%get3A_381, %get3A_382] {strides = array<i32>} : memref<128x256xf32, #tpu.memory_space<vmem>>, vector<1x16xf32>,
      %get3A_384 = vector.shape_cast %get3A_383 : vector<1x16xf32> to vector<16xf32>
      %mul3A_385 = arith.mulf %get3A_384, %get3A_380 : vector<16xf32>
      %swap3A = arith.index_cast %scan3A_374 : i32 to index
      %swap3A_386 = arith.constant 0 : index
      %swap3A_387 = tpu.vector_load %arg11[%swap3A, %swap3A_386] {strides = array<i32>} : memref<128x256xf32, #tpu.memory_space<vmem>>, vector<1x16xf32>,
      %swap3A_388 = vector.shape_cast %swap3A_387 : vector<1x16xf32> to vector<16xf32>
      %swap3A_389 = vector.shape_cast %mul3A_385 : vector<16xf32> to vector<1x16xf32>
      tpu.vector_store %arg11[%swap3A, %swap3A_386], %swap3A_389 {strides = array<i32>} : memref<128x256xf32, #tpu.memory_space<vmem>>, vector<1x16xf32>,
      %get3A_390 = arith.index_cast %scan3A_374 : i32 to index
      %get3A_391 = arith.constant 16 : index
      %get3A_392 = tpu.vector_load %arg11[%get3A_390, %get3A_391] {strides = array<i32>} : memref<128x256xf32, #tpu.memory_space<vmem>>, vector<1x16xf32>,
      %get3A_393 = vector.shape_cast %get3A_392 : vector<1x16xf32> to vector<16xf32>
      %mul3A_394 = arith.mulf %get3A_393, %get3A_380 : vector<16xf32>
      %swap3A_395 = arith.index_cast %scan3A_374 : i32 to index
      %swap3A_396 = arith.constant 16 : index
      %swap3A_397 = tpu.vector_load %arg11[%swap3A_395, %swap3A_396] {strides = array<i32>} : memref<128x256xf32, #tpu.memory_space<vmem>>, vector<1x16xf32>,
      %swap3A_398 = vector.shape_cast %swap3A_397 : vector<1x16xf32> to vector<16xf32>
      %swap3A_399 = vector.shape_cast %mul3A_394 : vector<16xf32> to vector<1x16xf32>
      tpu.vector_store %arg11[%swap3A_395, %swap3A_396], %swap3A_399 {strides = array<i32>} : memref<128x256xf32, #tpu.memory_space<vmem>>, vector<1x16xf32>,
      %get3A_400 = arith.index_cast %scan3A_374 : i32 to index
      %get3A_401 = arith.constant 32 : index
      %get3A_402 = tpu.vector_load %arg11[%get3A_400, %get3A_401] {strides = array<i32>} : memref<128x256xf32, #tpu.memory_space<vmem>>, vector<1x16xf32>,
      %get3A_403 = vector.shape_cast %get3A_402 : vector<1x16xf32> to vector<16xf32>
      %mul3A_404 = arith.mulf %get3A_403, %get3A_380 : vector<16xf32>
      %swap3A_405 = arith.index_cast %scan3A_374 : i32 to index
      %swap3A_406 = arith.constant 32 : index
      %swap3A_407 = tpu.vector_load %arg11[%swap3A_405, %swap3A_406] {strides = array<i32>} : memref<128x256xf32, #tpu.memory_space<vmem>>, vector<1x16xf32>,
      %swap3A_408 = vector.shape_cast %swap3A_407 : vector<1x16xf32> to vector<16xf32>
      %swap3A_409 = vector.shape_cast %mul3A_404 : vector<16xf32> to vector<1x16xf32>
      tpu.vector_store %arg11[%swap3A_405, %swap3A_406], %swap3A_409 {strides = array<i32>} : memref<128x256xf32, #tpu.memory_space<vmem>>, vector<1x16xf32>,
      %get3A_410 = arith.index_cast %scan3A_374 : i32 to index
      %get3A_411 = arith.constant 48 : index
      %get3A_412 = tpu.vector_load %arg11[%get3A_410, %get3A_411] {strides = array<i32>} : memref<128x256xf32, #tpu.memory_space<vmem>>, vector<1x16xf32>,
      %get3A_413 = vector.shape_cast %get3A_412 : vector<1x16xf32> to vector<16xf32>
      %mul3A_414 = arith.mulf %get3A_413, %get3A_380 : vector<16xf32>
      %swap3A_415 = arith.index_cast %scan3A_374 : i32 to index
      %swap3A_416 = arith.constant 48 : index
      %swap3A_417 = tpu.vector_load %arg11[%swap3A_415, %swap3A_416] {strides = array<i32>} : memref<128x256xf32, #tpu.memory_space<vmem>>, vector<1x16xf32>,
      %swap3A_418 = vector.shape_cast %swap3A_417 : vector<1x16xf32> to vector<16xf32>
      %swap3A_419 = vector.shape_cast %mul3A_414 : vector<16xf32> to vector<1x16xf32>
      tpu.vector_store %arg11[%swap3A_415, %swap3A_416], %swap3A_419 {strides = array<i32>} : memref<128x256xf32, #tpu.memory_space<vmem>>, vector<1x16xf32>,
      %get3A_420 = arith.index_cast %scan3A_374 : i32 to index
      %get3A_421 = arith.constant 64 : index
      %get3A_422 = tpu.vector_load %arg11[%get3A_420, %get3A_421] {strides = array<i32>} : memref<128x256xf32, #tpu.memory_space<vmem>>, vector<1x16xf32>,
      %get3A_423 = vector.shape_cast %get3A_422 : vector<1x16xf32> to vector<16xf32>
      %mul3A_424 = arith.mulf %get3A_423, %get3A_380 : vector<16xf32>
      %swap3A_425 = arith.index_cast %scan3A_374 : i32 to index
      %swap3A_426 = arith.constant 64 : index
      %swap3A_427 = tpu.vector_load %arg11[%swap3A_425, %swap3A_426] {strides = array<i32>} : memref<128x256xf32, #tpu.memory_space<vmem>>, vector<1x16xf32>,
      %swap3A_428 = vector.shape_cast %swap3A_427 : vector<1x16xf32> to vector<16xf32>
      %swap3A_429 = vector.shape_cast %mul3A_424 : vector<16xf32> to vector<1x16xf32>
      tpu.vector_store %arg11[%swap3A_425, %swap3A_426], %swap3A_429 {strides = array<i32>} : memref<128x256xf32, #tpu.memory_space<vmem>>, vector<1x16xf32>,
      %get3A_430 = arith.index_cast %scan3A_374 : i32 to index
      %get3A_431 = arith.constant 80 : index
      %get3A_432 = tpu.vector_load %arg11[%get3A_430, %get3A_431] {strides = array<i32>} : memref<128x256xf32, #tpu.memory_space<vmem>>, vector<1x16xf32>,
      %get3A_433 = vector.shape_cast %get3A_432 : vector<1x16xf32> to vector<16xf32>
      %mul3A_434 = arith.mulf %get3A_433, %get3A_380 : vector<16xf32>
      %swap3A_435 = arith.index_cast %scan3A_374 : i32 to index
      %swap3A_436 = arith.constant 80 : index
      %swap3A_437 = tpu.vector_load %arg11[%swap3A_435, %swap3A_436] {strides = array<i32>} : memref<128x256xf32, #tpu.memory_space<vmem>>, vector<1x16xf32>,
      %swap3A_438 = vector.shape_cast %swap3A_437 : vector<1x16xf32> to vector<16xf32>
      %swap3A_439 = vector.shape_cast %mul3A_434 : vector<16xf32> to vector<1x16xf32>
      tpu.vector_store %arg11[%swap3A_435, %swap3A_436], %swap3A_439 {strides = array<i32>} : memref<128x256xf32, #tpu.memory_space<vmem>>, vector<1x16xf32>,
      %get3A_440 = arith.index_cast %scan3A_374 : i32 to index
      %get3A_441 = arith.constant 96 : index
      %get3A_442 = tpu.vector_load %arg11[%get3A_440, %get3A_441] {strides = array<i32>} : memref<128x256xf32, #tpu.memory_space<vmem>>, vector<1x16xf32>,
      %get3A_443 = vector.shape_cast %get3A_442 : vector<1x16xf32> to vector<16xf32>
      %mul3A_444 = arith.mulf %get3A_443, %get3A_380 : vector<16xf32>
      %swap3A_445 = arith.index_cast %scan3A_374 : i32 to index
      %swap3A_446 = arith.constant 96 : index
      %swap3A_447 = tpu.vector_load %arg11[%swap3A_445, %swap3A_446] {strides = array<i32>} : memref<128x256xf32, #tpu.memory_space<vmem>>, vector<1x16xf32>,
      %swap3A_448 = vector.shape_cast %swap3A_447 : vector<1x16xf32> to vector<16xf32>
      %swap3A_449 = vector.shape_cast %mul3A_444 : vector<16xf32> to vector<1x16xf32>
      tpu.vector_store %arg11[%swap3A_445, %swap3A_446], %swap3A_449 {strides = array<i32>} : memref<128x256xf32, #tpu.memory_space<vmem>>, vector<1x16xf32>,
      %get3A_450 = arith.index_cast %scan3A_374 : i32 to index
      %get3A_451 = arith.constant 112 : index
      %get3A_452 = tpu.vector_load %arg11[%get3A_450, %get3A_451] {strides = array<i32>} : memref<128x256xf32, #tpu.memory_space<vmem>>, vector<1x16xf32>,
      %get3A_453 = vector.shape_cast %get3A_452 : vector<1x16xf32> to vector<16xf32>
      %mul3A_454 = arith.mulf %get3A_453, %get3A_380 : vector<16xf32>
      %swap3A_455 = arith.index_cast %scan3A_374 : i32 to index
      %swap3A_456 = arith.constant 112 : index
      %swap3A_457 = tpu.vector_load %arg11[%swap3A_455, %swap3A_456] {strides = array<i32>} : memref<128x256xf32, #tpu.memory_space<vmem>>, vector<1x16xf32>,
      %swap3A_458 = vector.shape_cast %swap3A_457 : vector<1x16xf32> to vector<16xf32>
      %swap3A_459 = vector.shape_cast %mul3A_454 : vector<16xf32> to vector<1x16xf32>
      tpu.vector_store %arg11[%swap3A_455, %swap3A_456], %swap3A_459 {strides = array<i32>} : memref<128x256xf32, #tpu.memory_space<vmem>>, vector<1x16xf32>,
      %get3A_460 = arith.index_cast %scan3A_374 : i32 to index
      %get3A_461 = arith.constant 128 : index
      %get3A_462 = tpu.vector_load %arg11[%get3A_460, %get3A_461] {strides = array<i32>} : memref<128x256xf32, #tpu.memory_space<vmem>>, vector<1x16xf32>,
      %get3A_463 = vector.shape_cast %get3A_462 : vector<1x16xf32> to vector<16xf32>
      %mul3A_464 = arith.mulf %get3A_463, %get3A_380 : vector<16xf32>
      %swap3A_465 = arith.index_cast %scan3A_374 : i32 to index
      %swap3A_466 = arith.constant 128 : index
      %swap3A_467 = tpu.vector_load %arg11[%swap3A_465, %swap3A_466] {strides = array<i32>} : memref<128x256xf32, #tpu.memory_space<vmem>>, vector<1x16xf32>,
      %swap3A_468 = vector.shape_cast %swap3A_467 : vector<1x16xf32> to vector<16xf32>
      %swap3A_469 = vector.shape_cast %mul3A_464 : vector<16xf32> to vector<1x16xf32>
      tpu.vector_store %arg11[%swap3A_465, %swap3A_466], %swap3A_469 {strides = array<i32>} : memref<128x256xf32, #tpu.memory_space<vmem>>, vector<1x16xf32>,
      %get3A_470 = arith.index_cast %scan3A_374 : i32 to index
      %get3A_471 = arith.constant 144 : index
      %get3A_472 = tpu.vector_load %arg11[%get3A_470, %get3A_471] {strides = array<i32>} : memref<128x256xf32, #tpu.memory_space<vmem>>, vector<1x16xf32>,
      %get3A_473 = vector.shape_cast %get3A_472 : vector<1x16xf32> to vector<16xf32>
      %mul3A_474 = arith.mulf %get3A_473, %get3A_380 : vector<16xf32>
      %swap3A_475 = arith.index_cast %scan3A_374 : i32 to index
      %swap3A_476 = arith.constant 144 : index
      %swap3A_477 = tpu.vector_load %arg11[%swap3A_475, %swap3A_476] {strides = array<i32>} : memref<128x256xf32, #tpu.memory_space<vmem>>, vector<1x16xf32>,
      %swap3A_478 = vector.shape_cast %swap3A_477 : vector<1x16xf32> to vector<16xf32>
      %swap3A_479 = vector.shape_cast %mul3A_474 : vector<16xf32> to vector<1x16xf32>
      tpu.vector_store %arg11[%swap3A_475, %swap3A_476], %swap3A_479 {strides = array<i32>} : memref<128x256xf32, #tpu.memory_space<vmem>>, vector<1x16xf32>,
      %get3A_480 = arith.index_cast %scan3A_374 : i32 to index
      %get3A_481 = arith.constant 160 : index
      %get3A_482 = tpu.vector_load %arg11[%get3A_480, %get3A_481] {strides = array<i32>} : memref<128x256xf32, #tpu.memory_space<vmem>>, vector<1x16xf32>,
      %get3A_483 = vector.shape_cast %get3A_482 : vector<1x16xf32> to vector<16xf32>
      %mul3A_484 = arith.mulf %get3A_483, %get3A_380 : vector<16xf32>
      %swap3A_485 = arith.index_cast %scan3A_374 : i32 to index
      %swap3A_486 = arith.constant 160 : index
      %swap3A_487 = tpu.vector_load %arg11[%swap3A_485, %swap3A_486] {strides = array<i32>} : memref<128x256xf32, #tpu.memory_space<vmem>>, vector<1x16xf32>,
      %swap3A_488 = vector.shape_cast %swap3A_487 : vector<1x16xf32> to vector<16xf32>
      %swap3A_489 = vector.shape_cast %mul3A_484 : vector<16xf32> to vector<1x16xf32>
      tpu.vector_store %arg11[%swap3A_485, %swap3A_486], %swap3A_489 {strides = array<i32>} : memref<128x256xf32, #tpu.memory_space<vmem>>, vector<1x16xf32>,
      %get3A_490 = arith.index_cast %scan3A_374 : i32 to index
      %get3A_491 = arith.constant 176 : index
      %get3A_492 = tpu.vector_load %arg11[%get3A_490, %get3A_491] {strides = array<i32>} : memref<128x256xf32, #tpu.memory_space<vmem>>, vector<1x16xf32>,
      %get3A_493 = vector.shape_cast %get3A_492 : vector<1x16xf32> to vector<16xf32>
      %mul3A_494 = arith.mulf %get3A_493, %get3A_380 : vector<16xf32>
      %swap3A_495 = arith.index_cast %scan3A_374 : i32 to index
      %swap3A_496 = arith.constant 176 : index
      %swap3A_497 = tpu.vector_load %arg11[%swap3A_495, %swap3A_496] {strides = array<i32>} : memref<128x256xf32, #tpu.memory_space<vmem>>, vector<1x16xf32>,
      %swap3A_498 = vector.shape_cast %swap3A_497 : vector<1x16xf32> to vector<16xf32>
      %swap3A_499 = vector.shape_cast %mul3A_494 : vector<16xf32> to vector<1x16xf32>
      tpu.vector_store %arg11[%swap3A_495, %swap3A_496], %swap3A_499 {strides = array<i32>} : memref<128x256xf32, #tpu.memory_space<vmem>>, vector<1x16xf32>,
      %get3A_500 = arith.index_cast %scan3A_374 : i32 to index
      %get3A_501 = arith.constant 192 : index
      %get3A_502 = tpu.vector_load %arg11[%get3A_500, %get3A_501] {strides = array<i32>} : memref<128x256xf32, #tpu.memory_space<vmem>>, vector<1x16xf32>,
      %get3A_503 = vector.shape_cast %get3A_502 : vector<1x16xf32> to vector<16xf32>
      %mul3A_504 = arith.mulf %get3A_503, %get3A_380 : vector<16xf32>
      %swap3A_505 = arith.index_cast %scan3A_374 : i32 to index
      %swap3A_506 = arith.constant 192 : index
      %swap3A_507 = tpu.vector_load %arg11[%swap3A_505, %swap3A_506] {strides = array<i32>} : memref<128x256xf32, #tpu.memory_space<vmem>>, vector<1x16xf32>,
      %swap3A_508 = vector.shape_cast %swap3A_507 : vector<1x16xf32> to vector<16xf32>
      %swap3A_509 = vector.shape_cast %mul3A_504 : vector<16xf32> to vector<1x16xf32>
      tpu.vector_store %arg11[%swap3A_505, %swap3A_506], %swap3A_509 {strides = array<i32>} : memref<128x256xf32, #tpu.memory_space<vmem>>, vector<1x16xf32>,
      %get3A_510 = arith.index_cast %scan3A_374 : i32 to index
      %get3A_511 = arith.constant 208 : index
      %get3A_512 = tpu.vector_load %arg11[%get3A_510, %get3A_511] {strides = array<i32>} : memref<128x256xf32, #tpu.memory_space<vmem>>, vector<1x16xf32>,
      %get3A_513 = vector.shape_cast %get3A_512 : vector<1x16xf32> to vector<16xf32>
      %mul3A_514 = arith.mulf %get3A_513, %get3A_380 : vector<16xf32>
      %swap3A_515 = arith.index_cast %scan3A_374 : i32 to index
      %swap3A_516 = arith.constant 208 : index
      %swap3A_517 = tpu.vector_load %arg11[%swap3A_515, %swap3A_516] {strides = array<i32>} : memref<128x256xf32, #tpu.memory_space<vmem>>, vector<1x16xf32>,
      %swap3A_518 = vector.shape_cast %swap3A_517 : vector<1x16xf32> to vector<16xf32>
      %swap3A_519 = vector.shape_cast %mul3A_514 : vector<16xf32> to vector<1x16xf32>
      tpu.vector_store %arg11[%swap3A_515, %swap3A_516], %swap3A_519 {strides = array<i32>} : memref<128x256xf32, #tpu.memory_space<vmem>>, vector<1x16xf32>,
      %get3A_520 = arith.index_cast %scan3A_374 : i32 to index
      %get3A_521 = arith.constant 224 : index
      %get3A_522 = tpu.vector_load %arg11[%get3A_520, %get3A_521] {strides = array<i32>} : memref<128x256xf32, #tpu.memory_space<vmem>>, vector<1x16xf32>,
      %get3A_523 = vector.shape_cast %get3A_522 : vector<1x16xf32> to vector<16xf32>
      %mul3A_524 = arith.mulf %get3A_523, %get3A_380 : vector<16xf32>
      %swap3A_525 = arith.index_cast %scan3A_374 : i32 to index
      %swap3A_526 = arith.constant 224 : index
      %swap3A_527 = tpu.vector_load %arg11[%swap3A_525, %swap3A_526] {strides = array<i32>} : memref<128x256xf32, #tpu.memory_space<vmem>>, vector<1x16xf32>,
      %swap3A_528 = vector.shape_cast %swap3A_527 : vector<1x16xf32> to vector<16xf32>
      %swap3A_529 = vector.shape_cast %mul3A_524 : vector<16xf32> to vector<1x16xf32>
      tpu.vector_store %arg11[%swap3A_525, %swap3A_526], %swap3A_529 {strides = array<i32>} : memref<128x256xf32, #tpu.memory_space<vmem>>, vector<1x16xf32>,
      %get3A_530 = arith.index_cast %scan3A_374 : i32 to index
      %get3A_531 = arith.constant 240 : index
      %get3A_532 = tpu.vector_load %arg11[%get3A_530, %get3A_531] {strides = array<i32>} : memref<128x256xf32, #tpu.memory_space<vmem>>, vector<1x16xf32>,
      %get3A_533 = vector.shape_cast %get3A_532 : vector<1x16xf32> to vector<16xf32>
      %mul3A_534 = arith.mulf %get3A_533, %get3A_380 : vector<16xf32>
      %swap3A_535 = arith.index_cast %scan3A_374 : i32 to index
      %swap3A_536 = arith.constant 240 : index
      %swap3A_537 = tpu.vector_load %arg11[%swap3A_535, %swap3A_536] {strides = array<i32>} : memref<128x256xf32, #tpu.memory_space<vmem>>, vector<1x16xf32>,
      %swap3A_538 = vector.shape_cast %swap3A_537 : vector<1x16xf32> to vector<16xf32>
      %swap3A_539 = vector.shape_cast %mul3A_534 : vector<16xf32> to vector<1x16xf32>
      tpu.vector_store %arg11[%swap3A_535, %swap3A_536], %swap3A_539 {strides = array<i32>} : memref<128x256xf32, #tpu.memory_space<vmem>>, vector<1x16xf32>,
    }
    %scan3A_227 = arith.constant 128 : i32
    %add3A_228 = arith.constant 256 : i32
    %add3A_229 = arith.addi %mul3A_2, %add3A_228 : i32
    %dma_start3A_230 = arith.constant 0 : i32
    %dma_start3A_231 = tpu.memref_slice %arg5[%add3A_229, %dma_start3A_230] : memref<32768x256xf32, #tpu.memory_space<hbm>> -> memref<128x256xf32, #tpu.memory_space<hbm>>
    %dma_start3A_232 = arith.constant 0 : i32
    %dma_start3A_233 = tpu.memref_slice %arg5[%add3A_229, %dma_start3A_232] : memref<32768x256xf32, #tpu.memory_space<hbm>> -> memref<128x256xf32, #tpu.memory_space<hbm>>
    tpu.enqueue_dma source(%arg11 : memref<128x256xf32, #tpu.memory_space<vmem>>) target(%dma_start3A_233 : memref<128x256xf32, #tpu.memory_space<hbm>>) target_semaphore(%arg17 : memref<!tpu.dma_semaphore, #tpu.memory_space<semaphore_mem>>)
    %dma_wait3A_234 = arith.constant 3 : i32
    %dma_wait3A_235 = arith.constant 0 : i32
    %dma_wait3A_236 = tpu.memref_slice %arg6[%dma_wait3A_234, %dma_wait3A_235] : memref<8x128xi32, #tpu.memory_space<vmem>> -> memref<1x128xi32, #tpu.memory_space<vmem>>
    %dma_wait3A_237 = tpu.memref_squeeze %dma_wait3A_236 : memref<1x128xi32, #tpu.memory_space<vmem>> -> memref<128xi32, #tpu.memory_space<vmem>>
    %dma_wait3A_238 = arith.constant 0 : i32
    %dma_wait3A_239 = arith.constant 0 : i32
    %dma_wait3A_240 = tpu.memref_slice %arg2[%dma_wait3A_238, %dma_wait3A_239] : memref<8192x256xf32, #tpu.memory_space<hbm>> -> memref<8192x256xf32, #tpu.memory_space<hbm>>
    tpu.wait_indirect_dma semaphore(%arg12 : memref<!tpu.dma_semaphore, #tpu.memory_space<semaphore_mem>>) src(%dma_wait3A_240 : memref<8192x256xf32, #tpu.memory_space<hbm>>) dst(%arg9 : memref<128x256xf32, #tpu.memory_space<vmem>>)
    %dma_wait3A_241 = arith.constant 0 : i32
    %dma_wait3A_242 = tpu.memref_slice %arg5[%add3A_229, %dma_wait3A_241] : memref<32768x256xf32, #tpu.memory_space<hbm>> -> memref<128x256xf32, #tpu.memory_space<hbm>>
    %dma_wait3A_243 = arith.constant 0 : i32
    %dma_wait3A_244 = tpu.memref_slice %arg5[%add3A_229, %dma_wait3A_243] : memref<32768x256xf32, #tpu.memory_space<hbm>> -> memref<128x256xf32, #tpu.memory_space<hbm>>
    tpu.wait_dma2 semaphore(%arg17 : memref<!tpu.dma_semaphore, #tpu.memory_space<semaphore_mem>>) src(%arg11 : memref<128x256xf32, #tpu.memory_space<vmem>>) dst(%dma_wait3A_244 : memref<128x256xf32, #tpu.memory_space<hbm>>)
    %dma_start3A_245 = arith.constant 5 : i32
    %dma_start3A_246 = arith.constant 0 : i32
    %dma_start3A_247 = tpu.memref_slice %arg6[%dma_start3A_245, %dma_start3A_246] : memref<8x128xi32, #tpu.memory_space<vmem>> -> memref<1x128xi32, #tpu.memory_space<vmem>>
    %dma_start3A_248 = tpu.memref_squeeze %dma_start3A_247 : memref<1x128xi32, #tpu.memory_space<vmem>> -> memref<128xi32, #tpu.memory_space<vmem>>
    %dma_start3A_249 = arith.constant 0 : i32
    %dma_start3A_250 = arith.constant 0 : i32
    %dma_start3A_251 = tpu.memref_slice %arg2[%dma_start3A_249, %dma_start3A_250] : memref<8192x256xf32, #tpu.memory_space<hbm>> -> memref<8192x256xf32, #tpu.memory_space<hbm>>
    tpu.enqueue_indirect_dma source(%dma_start3A_251 : memref<8192x256xf32, #tpu.memory_space<hbm>>) target(%arg11 : memref<128x256xf32, #tpu.memory_space<vmem>>) offsets(%dma_start3A_248 : memref<128xi32, #tpu.memory_space<vmem>>) semaphore(%arg14 : memref<!tpu.dma_semaphore, #tpu.memory_space<semaphore_mem>>)
    %scan3A_252 = arith.constant 0 : i32
    %scan3A_253 = arith.constant 0 : i32
    %scan3A_254 = arith.constant 128 : i32
    %scan3A_255 = arith.addi %scan3A_253, %scan3A_254 : i32
    %scan3A_256 = arith.constant 1 : i32
    scf.for %scan3A_374 = %scan3A_253 to %scan3A_255 step %scan3A_256  : i32 {
      %add3A_375 = arith.constant 384 : i32
      %add3A_376 = arith.addi %add3A_375, %scan3A_374 : i32
      %mul3A_377 = arith.constant 16 : i32
      %mul3A_378 = arith.muli %add3A_376, %mul3A_377 : i32
      %get3A = arith.index_cast %mul3A_378 : i32 to index
      %get3A_379 = tpu.vector_load %arg8[%get3A] {strides = array<i32>} : memref<16384xf32, #tpu.memory_space<vmem>>, vector<16xf32>,
      %get3A_380 = vector.shape_cast %get3A_379 : vector<16xf32> to vector<16xf32>
      %get3A_381 = arith.index_cast %scan3A_374 : i32 to index
      %get3A_382 = arith.constant 0 : index
      %get3A_383 = tpu.vector_load %arg9[%get3A_381, %get3A_382] {strides = array<i32>} : memref<128x256xf32, #tpu.memory_space<vmem>>, vector<1x16xf32>,
      %get3A_384 = vector.shape_cast %get3A_383 : vector<1x16xf32> to vector<16xf32>
      %mul3A_385 = arith.mulf %get3A_384, %get3A_380 : vector<16xf32>
      %swap3A = arith.index_cast %scan3A_374 : i32 to index
      %swap3A_386 = arith.constant 0 : index
      %swap3A_387 = tpu.vector_load %arg9[%swap3A, %swap3A_386] {strides = array<i32>} : memref<128x256xf32, #tpu.memory_space<vmem>>, vector<1x16xf32>,
      %swap3A_388 = vector.shape_cast %swap3A_387 : vector<1x16xf32> to vector<16xf32>
      %swap3A_389 = vector.shape_cast %mul3A_385 : vector<16xf32> to vector<1x16xf32>
      tpu.vector_store %arg9[%swap3A, %swap3A_386], %swap3A_389 {strides = array<i32>} : memref<128x256xf32, #tpu.memory_space<vmem>>, vector<1x16xf32>,
      %get3A_390 = arith.index_cast %scan3A_374 : i32 to index
      %get3A_391 = arith.constant 16 : index
      %get3A_392 = tpu.vector_load %arg9[%get3A_390, %get3A_391] {strides = array<i32>} : memref<128x256xf32, #tpu.memory_space<vmem>>, vector<1x16xf32>,
      %get3A_393 = vector.shape_cast %get3A_392 : vector<1x16xf32> to vector<16xf32>
      %mul3A_394 = arith.mulf %get3A_393, %get3A_380 : vector<16xf32>
      %swap3A_395 = arith.index_cast %scan3A_374 : i32 to index
      %swap3A_396 = arith.constant 16 : index
      %swap3A_397 = tpu.vector_load %arg9[%swap3A_395, %swap3A_396] {strides = array<i32>} : memref<128x256xf32, #tpu.memory_space<vmem>>, vector<1x16xf32>,
      %swap3A_398 = vector.shape_cast %swap3A_397 : vector<1x16xf32> to vector<16xf32>
      %swap3A_399 = vector.shape_cast %mul3A_394 : vector<16xf32> to vector<1x16xf32>
      tpu.vector_store %arg9[%swap3A_395, %swap3A_396], %swap3A_399 {strides = array<i32>} : memref<128x256xf32, #tpu.memory_space<vmem>>, vector<1x16xf32>,
      %get3A_400 = arith.index_cast %scan3A_374 : i32 to index
      %get3A_401 = arith.constant 32 : index
      %get3A_402 = tpu.vector_load %arg9[%get3A_400, %get3A_401] {strides = array<i32>} : memref<128x256xf32, #tpu.memory_space<vmem>>, vector<1x16xf32>,
      %get3A_403 = vector.shape_cast %get3A_402 : vector<1x16xf32> to vector<16xf32>
      %mul3A_404 = arith.mulf %get3A_403, %get3A_380 : vector<16xf32>
      %swap3A_405 = arith.index_cast %scan3A_374 : i32 to index
      %swap3A_406 = arith.constant 32 : index
      %swap3A_407 = tpu.vector_load %arg9[%swap3A_405, %swap3A_406] {strides = array<i32>} : memref<128x256xf32, #tpu.memory_space<vmem>>, vector<1x16xf32>,
      %swap3A_408 = vector.shape_cast %swap3A_407 : vector<1x16xf32> to vector<16xf32>
      %swap3A_409 = vector.shape_cast %mul3A_404 : vector<16xf32> to vector<1x16xf32>
      tpu.vector_store %arg9[%swap3A_405, %swap3A_406], %swap3A_409 {strides = array<i32>} : memref<128x256xf32, #tpu.memory_space<vmem>>, vector<1x16xf32>,
      %get3A_410 = arith.index_cast %scan3A_374 : i32 to index
      %get3A_411 = arith.constant 48 : index
      %get3A_412 = tpu.vector_load %arg9[%get3A_410, %get3A_411] {strides = array<i32>} : memref<128x256xf32, #tpu.memory_space<vmem>>, vector<1x16xf32>,
      %get3A_413 = vector.shape_cast %get3A_412 : vector<1x16xf32> to vector<16xf32>
      %mul3A_414 = arith.mulf %get3A_413, %get3A_380 : vector<16xf32>
      %swap3A_415 = arith.index_cast %scan3A_374 : i32 to index
      %swap3A_416 = arith.constant 48 : index
      %swap3A_417 = tpu.vector_load %arg9[%swap3A_415, %swap3A_416] {strides = array<i32>} : memref<128x256xf32, #tpu.memory_space<vmem>>, vector<1x16xf32>,
      %swap3A_418 = vector.shape_cast %swap3A_417 : vector<1x16xf32> to vector<16xf32>
      %swap3A_419 = vector.shape_cast %mul3A_414 : vector<16xf32> to vector<1x16xf32>
      tpu.vector_store %arg9[%swap3A_415, %swap3A_416], %swap3A_419 {strides = array<i32>} : memref<128x256xf32, #tpu.memory_space<vmem>>, vector<1x16xf32>,
      %get3A_420 = arith.index_cast %scan3A_374 : i32 to index
      %get3A_421 = arith.constant 64 : index
      %get3A_422 = tpu.vector_load %arg9[%get3A_420, %get3A_421] {strides = array<i32>} : memref<128x256xf32, #tpu.memory_space<vmem>>, vector<1x16xf32>,
      %get3A_423 = vector.shape_cast %get3A_422 : vector<1x16xf32> to vector<16xf32>
      %mul3A_424 = arith.mulf %get3A_423, %get3A_380 : vector<16xf32>
      %swap3A_425 = arith.index_cast %scan3A_374 : i32 to index
      %swap3A_426 = arith.constant 64 : index
      %swap3A_427 = tpu.vector_load %arg9[%swap3A_425, %swap3A_426] {strides = array<i32>} : memref<128x256xf32, #tpu.memory_space<vmem>>, vector<1x16xf32>,
      %swap3A_428 = vector.shape_cast %swap3A_427 : vector<1x16xf32> to vector<16xf32>
      %swap3A_429 = vector.shape_cast %mul3A_424 : vector<16xf32> to vector<1x16xf32>
      tpu.vector_store %arg9[%swap3A_425, %swap3A_426], %swap3A_429 {strides = array<i32>} : memref<128x256xf32, #tpu.memory_space<vmem>>, vector<1x16xf32>,
      %get3A_430 = arith.index_cast %scan3A_374 : i32 to index
      %get3A_431 = arith.constant 80 : index
      %get3A_432 = tpu.vector_load %arg9[%get3A_430, %get3A_431] {strides = array<i32>} : memref<128x256xf32, #tpu.memory_space<vmem>>, vector<1x16xf32>,
      %get3A_433 = vector.shape_cast %get3A_432 : vector<1x16xf32> to vector<16xf32>
      %mul3A_434 = arith.mulf %get3A_433, %get3A_380 : vector<16xf32>
      %swap3A_435 = arith.index_cast %scan3A_374 : i32 to index
      %swap3A_436 = arith.constant 80 : index
      %swap3A_437 = tpu.vector_load %arg9[%swap3A_435, %swap3A_436] {strides = array<i32>} : memref<128x256xf32, #tpu.memory_space<vmem>>, vector<1x16xf32>,
      %swap3A_438 = vector.shape_cast %swap3A_437 : vector<1x16xf32> to vector<16xf32>
      %swap3A_439 = vector.shape_cast %mul3A_434 : vector<16xf32> to vector<1x16xf32>
      tpu.vector_store %arg9[%swap3A_435, %swap3A_436], %swap3A_439 {strides = array<i32>} : memref<128x256xf32, #tpu.memory_space<vmem>>, vector<1x16xf32>,
      %get3A_440 = arith.index_cast %scan3A_374 : i32 to index
      %get3A_441 = arith.constant 96 : index
      %get3A_442 = tpu.vector_load %arg9[%get3A_440, %get3A_441] {strides = array<i32>} : memref<128x256xf32, #tpu.memory_space<vmem>>, vector<1x16xf32>,
      %get3A_443 = vector.shape_cast %get3A_442 : vector<1x16xf32> to vector<16xf32>
      %mul3A_444 = arith.mulf %get3A_443, %get3A_380 : vector<16xf32>
      %swap3A_445 = arith.index_cast %scan3A_374 : i32 to index
      %swap3A_446 = arith.constant 96 : index
      %swap3A_447 = tpu.vector_load %arg9[%swap3A_445, %swap3A_446] {strides = array<i32>} : memref<128x256xf32, #tpu.memory_space<vmem>>, vector<1x16xf32>,
      %swap3A_448 = vector.shape_cast %swap3A_447 : vector<1x16xf32> to vector<16xf32>
      %swap3A_449 = vector.shape_cast %mul3A_444 : vector<16xf32> to vector<1x16xf32>
      tpu.vector_store %arg9[%swap3A_445, %swap3A_446], %swap3A_449 {strides = array<i32>} : memref<128x256xf32, #tpu.memory_space<vmem>>, vector<1x16xf32>,
      %get3A_450 = arith.index_cast %scan3A_374 : i32 to index
      %get3A_451 = arith.constant 112 : index
      %get3A_452 = tpu.vector_load %arg9[%get3A_450, %get3A_451] {strides = array<i32>} : memref<128x256xf32, #tpu.memory_space<vmem>>, vector<1x16xf32>,
      %get3A_453 = vector.shape_cast %get3A_452 : vector<1x16xf32> to vector<16xf32>
      %mul3A_454 = arith.mulf %get3A_453, %get3A_380 : vector<16xf32>
      %swap3A_455 = arith.index_cast %scan3A_374 : i32 to index
      %swap3A_456 = arith.constant 112 : index
      %swap3A_457 = tpu.vector_load %arg9[%swap3A_455, %swap3A_456] {strides = array<i32>} : memref<128x256xf32, #tpu.memory_space<vmem>>, vector<1x16xf32>,
      %swap3A_458 = vector.shape_cast %swap3A_457 : vector<1x16xf32> to vector<16xf32>
      %swap3A_459 = vector.shape_cast %mul3A_454 : vector<16xf32> to vector<1x16xf32>
      tpu.vector_store %arg9[%swap3A_455, %swap3A_456], %swap3A_459 {strides = array<i32>} : memref<128x256xf32, #tpu.memory_space<vmem>>, vector<1x16xf32>,
      %get3A_460 = arith.index_cast %scan3A_374 : i32 to index
      %get3A_461 = arith.constant 128 : index
      %get3A_462 = tpu.vector_load %arg9[%get3A_460, %get3A_461] {strides = array<i32>} : memref<128x256xf32, #tpu.memory_space<vmem>>, vector<1x16xf32>,
      %get3A_463 = vector.shape_cast %get3A_462 : vector<1x16xf32> to vector<16xf32>
      %mul3A_464 = arith.mulf %get3A_463, %get3A_380 : vector<16xf32>
      %swap3A_465 = arith.index_cast %scan3A_374 : i32 to index
      %swap3A_466 = arith.constant 128 : index
      %swap3A_467 = tpu.vector_load %arg9[%swap3A_465, %swap3A_466] {strides = array<i32>} : memref<128x256xf32, #tpu.memory_space<vmem>>, vector<1x16xf32>,
      %swap3A_468 = vector.shape_cast %swap3A_467 : vector<1x16xf32> to vector<16xf32>
      %swap3A_469 = vector.shape_cast %mul3A_464 : vector<16xf32> to vector<1x16xf32>
      tpu.vector_store %arg9[%swap3A_465, %swap3A_466], %swap3A_469 {strides = array<i32>} : memref<128x256xf32, #tpu.memory_space<vmem>>, vector<1x16xf32>,
      %get3A_470 = arith.index_cast %scan3A_374 : i32 to index
      %get3A_471 = arith.constant 144 : index
      %get3A_472 = tpu.vector_load %arg9[%get3A_470, %get3A_471] {strides = array<i32>} : memref<128x256xf32, #tpu.memory_space<vmem>>, vector<1x16xf32>,
      %get3A_473 = vector.shape_cast %get3A_472 : vector<1x16xf32> to vector<16xf32>
      %mul3A_474 = arith.mulf %get3A_473, %get3A_380 : vector<16xf32>
      %swap3A_475 = arith.index_cast %scan3A_374 : i32 to index
      %swap3A_476 = arith.constant 144 : index
      %swap3A_477 = tpu.vector_load %arg9[%swap3A_475, %swap3A_476] {strides = array<i32>} : memref<128x256xf32, #tpu.memory_space<vmem>>, vector<1x16xf32>,
      %swap3A_478 = vector.shape_cast %swap3A_477 : vector<1x16xf32> to vector<16xf32>
      %swap3A_479 = vector.shape_cast %mul3A_474 : vector<16xf32> to vector<1x16xf32>
      tpu.vector_store %arg9[%swap3A_475, %swap3A_476], %swap3A_479 {strides = array<i32>} : memref<128x256xf32, #tpu.memory_space<vmem>>, vector<1x16xf32>,
      %get3A_480 = arith.index_cast %scan3A_374 : i32 to index
      %get3A_481 = arith.constant 160 : index
      %get3A_482 = tpu.vector_load %arg9[%get3A_480, %get3A_481] {strides = array<i32>} : memref<128x256xf32, #tpu.memory_space<vmem>>, vector<1x16xf32>,
      %get3A_483 = vector.shape_cast %get3A_482 : vector<1x16xf32> to vector<16xf32>
      %mul3A_484 = arith.mulf %get3A_483, %get3A_380 : vector<16xf32>
      %swap3A_485 = arith.index_cast %scan3A_374 : i32 to index
      %swap3A_486 = arith.constant 160 : index
      %swap3A_487 = tpu.vector_load %arg9[%swap3A_485, %swap3A_486] {strides = array<i32>} : memref<128x256xf32, #tpu.memory_space<vmem>>, vector<1x16xf32>,
      %swap3A_488 = vector.shape_cast %swap3A_487 : vector<1x16xf32> to vector<16xf32>
      %swap3A_489 = vector.shape_cast %mul3A_484 : vector<16xf32> to vector<1x16xf32>
      tpu.vector_store %arg9[%swap3A_485, %swap3A_486], %swap3A_489 {strides = array<i32>} : memref<128x256xf32, #tpu.memory_space<vmem>>, vector<1x16xf32>,
      %get3A_490 = arith.index_cast %scan3A_374 : i32 to index
      %get3A_491 = arith.constant 176 : index
      %get3A_492 = tpu.vector_load %arg9[%get3A_490, %get3A_491] {strides = array<i32>} : memref<128x256xf32, #tpu.memory_space<vmem>>, vector<1x16xf32>,
      %get3A_493 = vector.shape_cast %get3A_492 : vector<1x16xf32> to vector<16xf32>
      %mul3A_494 = arith.mulf %get3A_493, %get3A_380 : vector<16xf32>
      %swap3A_495 = arith.index_cast %scan3A_374 : i32 to index
      %swap3A_496 = arith.constant 176 : index
      %swap3A_497 = tpu.vector_load %arg9[%swap3A_495, %swap3A_496] {strides = array<i32>} : memref<128x256xf32, #tpu.memory_space<vmem>>, vector<1x16xf32>,
      %swap3A_498 = vector.shape_cast %swap3A_497 : vector<1x16xf32> to vector<16xf32>
      %swap3A_499 = vector.shape_cast %mul3A_494 : vector<16xf32> to vector<1x16xf32>
      tpu.vector_store %arg9[%swap3A_495, %swap3A_496], %swap3A_499 {strides = array<i32>} : memref<128x256xf32, #tpu.memory_space<vmem>>, vector<1x16xf32>,
      %get3A_500 = arith.index_cast %scan3A_374 : i32 to index
      %get3A_501 = arith.constant 192 : index
      %get3A_502 = tpu.vector_load %arg9[%get3A_500, %get3A_501] {strides = array<i32>} : memref<128x256xf32, #tpu.memory_space<vmem>>, vector<1x16xf32>,
      %get3A_503 = vector.shape_cast %get3A_502 : vector<1x16xf32> to vector<16xf32>
      %mul3A_504 = arith.mulf %get3A_503, %get3A_380 : vector<16xf32>
      %swap3A_505 = arith.index_cast %scan3A_374 : i32 to index
      %swap3A_506 = arith.constant 192 : index
      %swap3A_507 = tpu.vector_load %arg9[%swap3A_505, %swap3A_506] {strides = array<i32>} : memref<128x256xf32, #tpu.memory_space<vmem>>, vector<1x16xf32>,
      %swap3A_508 = vector.shape_cast %swap3A_507 : vector<1x16xf32> to vector<16xf32>
      %swap3A_509 = vector.shape_cast %mul3A_504 : vector<16xf32> to vector<1x16xf32>
      tpu.vector_store %arg9[%swap3A_505, %swap3A_506], %swap3A_509 {strides = array<i32>} : memref<128x256xf32, #tpu.memory_space<vmem>>, vector<1x16xf32>,
      %get3A_510 = arith.index_cast %scan3A_374 : i32 to index
      %get3A_511 = arith.constant 208 : index
      %get3A_512 = tpu.vector_load %arg9[%get3A_510, %get3A_511] {strides = array<i32>} : memref<128x256xf32, #tpu.memory_space<vmem>>, vector<1x16xf32>,
      %get3A_513 = vector.shape_cast %get3A_512 : vector<1x16xf32> to vector<16xf32>
      %mul3A_514 = arith.mulf %get3A_513, %get3A_380 : vector<16xf32>
      %swap3A_515 = arith.index_cast %scan3A_374 : i32 to index
      %swap3A_516 = arith.constant 208 : index
      %swap3A_517 = tpu.vector_load %arg9[%swap3A_515, %swap3A_516] {strides = array<i32>} : memref<128x256xf32, #tpu.memory_space<vmem>>, vector<1x16xf32>,
      %swap3A_518 = vector.shape_cast %swap3A_517 : vector<1x16xf32> to vector<16xf32>
      %swap3A_519 = vector.shape_cast %mul3A_514 : vector<16xf32> to vector<1x16xf32>
      tpu.vector_store %arg9[%swap3A_515, %swap3A_516], %swap3A_519 {strides = array<i32>} : memref<128x256xf32, #tpu.memory_space<vmem>>, vector<1x16xf32>,
      %get3A_520 = arith.index_cast %scan3A_374 : i32 to index
      %get3A_521 = arith.constant 224 : index
      %get3A_522 = tpu.vector_load %arg9[%get3A_520, %get3A_521] {strides = array<i32>} : memref<128x256xf32, #tpu.memory_space<vmem>>, vector<1x16xf32>,
      %get3A_523 = vector.shape_cast %get3A_522 : vector<1x16xf32> to vector<16xf32>
      %mul3A_524 = arith.mulf %get3A_523, %get3A_380 : vector<16xf32>
      %swap3A_525 = arith.index_cast %scan3A_374 : i32 to index
      %swap3A_526 = arith.constant 224 : index
      %swap3A_527 = tpu.vector_load %arg9[%swap3A_525, %swap3A_526] {strides = array<i32>} : memref<128x256xf32, #tpu.memory_space<vmem>>, vector<1x16xf32>,
      %swap3A_528 = vector.shape_cast %swap3A_527 : vector<1x16xf32> to vector<16xf32>
      %swap3A_529 = vector.shape_cast %mul3A_524 : vector<16xf32> to vector<1x16xf32>
      tpu.vector_store %arg9[%swap3A_525, %swap3A_526], %swap3A_529 {strides = array<i32>} : memref<128x256xf32, #tpu.memory_space<vmem>>, vector<1x16xf32>,
      %get3A_530 = arith.index_cast %scan3A_374 : i32 to index
      %get3A_531 = arith.constant 240 : index
      %get3A_532 = tpu.vector_load %arg9[%get3A_530, %get3A_531] {strides = array<i32>} : memref<128x256xf32, #tpu.memory_space<vmem>>, vector<1x16xf32>,
      %get3A_533 = vector.shape_cast %get3A_532 : vector<1x16xf32> to vector<16xf32>
      %mul3A_534 = arith.mulf %get3A_533, %get3A_380 : vector<16xf32>
      %swap3A_535 = arith.index_cast %scan3A_374 : i32 to index
      %swap3A_536 = arith.constant 240 : index
      %swap3A_537 = tpu.vector_load %arg9[%swap3A_535, %swap3A_536] {strides = array<i32>} : memref<128x256xf32, #tpu.memory_space<vmem>>, vector<1x16xf32>,
      %swap3A_538 = vector.shape_cast %swap3A_537 : vector<1x16xf32> to vector<16xf32>
      %swap3A_539 = vector.shape_cast %mul3A_534 : vector<16xf32> to vector<1x16xf32>
      tpu.vector_store %arg9[%swap3A_535, %swap3A_536], %swap3A_539 {strides = array<i32>} : memref<128x256xf32, #tpu.memory_space<vmem>>, vector<1x16xf32>,
    }
    %scan3A_257 = arith.constant 128 : i32
    %add3A_258 = arith.constant 384 : i32
    %add3A_259 = arith.addi %mul3A_2, %add3A_258 : i32
    %dma_start3A_260 = arith.constant 0 : i32
    %dma_start3A_261 = tpu.memref_slice %arg5[%add3A_259, %dma_start3A_260] : memref<32768x256xf32, #tpu.memory_space<hbm>> -> memref<128x256xf32, #tpu.memory_space<hbm>>
    %dma_start3A_262 = arith.constant 0 : i32
    %dma_start3A_263 = tpu.memref_slice %arg5[%add3A_259, %dma_start3A_262] : memref<32768x256xf32, #tpu.memory_space<hbm>> -> memref<128x256xf32, #tpu.memory_space<hbm>>
    tpu.enqueue_dma source(%arg9 : memref<128x256xf32, #tpu.memory_space<vmem>>) target(%dma_start3A_263 : memref<128x256xf32, #tpu.memory_space<hbm>>) target_semaphore(%arg15 : memref<!tpu.dma_semaphore, #tpu.memory_space<semaphore_mem>>)
    %dma_wait3A_264 = arith.constant 4 : i32
    %dma_wait3A_265 = arith.constant 0 : i32
    %dma_wait3A_266 = tpu.memref_slice %arg6[%dma_wait3A_264, %dma_wait3A_265] : memref<8x128xi32, #tpu.memory_space<vmem>> -> memref<1x128xi32, #tpu.memory_space<vmem>>
    %dma_wait3A_267 = tpu.memref_squeeze %dma_wait3A_266 : memref<1x128xi32, #tpu.memory_space<vmem>> -> memref<128xi32, #tpu.memory_space<vmem>>
    %dma_wait3A_268 = arith.constant 0 : i32
    %dma_wait3A_269 = arith.constant 0 : i32
    %dma_wait3A_270 = tpu.memref_slice %arg2[%dma_wait3A_268, %dma_wait3A_269] : memref<8192x256xf32, #tpu.memory_space<hbm>> -> memref<8192x256xf32, #tpu.memory_space<hbm>>
    tpu.wait_indirect_dma semaphore(%arg13 : memref<!tpu.dma_semaphore, #tpu.memory_space<semaphore_mem>>) src(%dma_wait3A_270 : memref<8192x256xf32, #tpu.memory_space<hbm>>) dst(%arg10 : memref<128x256xf32, #tpu.memory_space<vmem>>)
    %dma_wait3A_271 = arith.constant 0 : i32
    %dma_wait3A_272 = tpu.memref_slice %arg5[%add3A_259, %dma_wait3A_271] : memref<32768x256xf32, #tpu.memory_space<hbm>> -> memref<128x256xf32, #tpu.memory_space<hbm>>
    %dma_wait3A_273 = arith.constant 0 : i32
    %dma_wait3A_274 = tpu.memref_slice %arg5[%add3A_259, %dma_wait3A_273] : memref<32768x256xf32, #tpu.memory_space<hbm>> -> memref<128x256xf32, #tpu.memory_space<hbm>>
    tpu.wait_dma2 semaphore(%arg15 : memref<!tpu.dma_semaphore, #tpu.memory_space<semaphore_mem>>) src(%arg9 : memref<128x256xf32, #tpu.memory_space<vmem>>) dst(%dma_wait3A_274 : memref<128x256xf32, #tpu.memory_space<hbm>>)
    %dma_start3A_275 = arith.constant 6 : i32
    %dma_start3A_276 = arith.constant 0 : i32
    %dma_start3A_277 = tpu.memref_slice %arg6[%dma_start3A_275, %dma_start3A_276] : memref<8x128xi32, #tpu.memory_space<vmem>> -> memref<1x128xi32, #tpu.memory_space<vmem>>
    %dma_start3A_278 = tpu.memref_squeeze %dma_start3A_277 : memref<1x128xi32, #tpu.memory_space<vmem>> -> memref<128xi32, #tpu.memory_space<vmem>>
    %dma_start3A_279 = arith.constant 0 : i32
    %dma_start3A_280 = arith.constant 0 : i32
    %dma_start3A_281 = tpu.memref_slice %arg2[%dma_start3A_279, %dma_start3A_280] : memref<8192x256xf32, #tpu.memory_space<hbm>> -> memref<8192x256xf32, #tpu.memory_space<hbm>>
    tpu.enqueue_indirect_dma source(%dma_start3A_281 : memref<8192x256xf32, #tpu.memory_space<hbm>>) target(%arg9 : memref<128x256xf32, #tpu.memory_space<vmem>>) offsets(%dma_start3A_278 : memref<128xi32, #tpu.memory_space<vmem>>) semaphore(%arg12 : memref<!tpu.dma_semaphore, #tpu.memory_space<semaphore_mem>>)
    %scan3A_282 = arith.constant 0 : i32
    %scan3A_283 = arith.constant 0 : i32
    %scan3A_284 = arith.constant 128 : i32
    %scan3A_285 = arith.addi %scan3A_283, %scan3A_284 : i32
    %scan3A_286 = arith.constant 1 : i32
    scf.for %scan3A_374 = %scan3A_283 to %scan3A_285 step %scan3A_286  : i32 {
      %add3A_375 = arith.constant 512 : i32
      %add3A_376 = arith.addi %add3A_375, %scan3A_374 : i32
      %mul3A_377 = arith.constant 16 : i32
      %mul3A_378 = arith.muli %add3A_376, %mul3A_377 : i32
      %get3A = arith.index_cast %mul3A_378 : i32 to index
      %get3A_379 = tpu.vector_load %arg8[%get3A] {strides = array<i32>} : memref<16384xf32, #tpu.memory_space<vmem>>, vector<16xf32>,
      %get3A_380 = vector.shape_cast %get3A_379 : vector<16xf32> to vector<16xf32>
      %get3A_381 = arith.index_cast %scan3A_374 : i32 to index
      %get3A_382 = arith.constant 0 : index
      %get3A_383 = tpu.vector_load %arg10[%get3A_381, %get3A_382] {strides = array<i32>} : memref<128x256xf32, #tpu.memory_space<vmem>>, vector<1x16xf32>,
      %get3A_384 = vector.shape_cast %get3A_383 : vector<1x16xf32> to vector<16xf32>
      %mul3A_385 = arith.mulf %get3A_384, %get3A_380 : vector<16xf32>
      %swap3A = arith.index_cast %scan3A_374 : i32 to index
      %swap3A_386 = arith.constant 0 : index
      %swap3A_387 = tpu.vector_load %arg10[%swap3A, %swap3A_386] {strides = array<i32>} : memref<128x256xf32, #tpu.memory_space<vmem>>, vector<1x16xf32>,
      %swap3A_388 = vector.shape_cast %swap3A_387 : vector<1x16xf32> to vector<16xf32>
      %swap3A_389 = vector.shape_cast %mul3A_385 : vector<16xf32> to vector<1x16xf32>
      tpu.vector_store %arg10[%swap3A, %swap3A_386], %swap3A_389 {strides = array<i32>} : memref<128x256xf32, #tpu.memory_space<vmem>>, vector<1x16xf32>,
      %get3A_390 = arith.index_cast %scan3A_374 : i32 to index
      %get3A_391 = arith.constant 16 : index
      %get3A_392 = tpu.vector_load %arg10[%get3A_390, %get3A_391] {strides = array<i32>} : memref<128x256xf32, #tpu.memory_space<vmem>>, vector<1x16xf32>,
      %get3A_393 = vector.shape_cast %get3A_392 : vector<1x16xf32> to vector<16xf32>
      %mul3A_394 = arith.mulf %get3A_393, %get3A_380 : vector<16xf32>
      %swap3A_395 = arith.index_cast %scan3A_374 : i32 to index
      %swap3A_396 = arith.constant 16 : index
      %swap3A_397 = tpu.vector_load %arg10[%swap3A_395, %swap3A_396] {strides = array<i32>} : memref<128x256xf32, #tpu.memory_space<vmem>>, vector<1x16xf32>,
      %swap3A_398 = vector.shape_cast %swap3A_397 : vector<1x16xf32> to vector<16xf32>
      %swap3A_399 = vector.shape_cast %mul3A_394 : vector<16xf32> to vector<1x16xf32>
      tpu.vector_store %arg10[%swap3A_395, %swap3A_396], %swap3A_399 {strides = array<i32>} : memref<128x256xf32, #tpu.memory_space<vmem>>, vector<1x16xf32>,
      %get3A_400 = arith.index_cast %scan3A_374 : i32 to index
      %get3A_401 = arith.constant 32 : index
      %get3A_402 = tpu.vector_load %arg10[%get3A_400, %get3A_401] {strides = array<i32>} : memref<128x256xf32, #tpu.memory_space<vmem>>, vector<1x16xf32>,
      %get3A_403 = vector.shape_cast %get3A_402 : vector<1x16xf32> to vector<16xf32>
      %mul3A_404 = arith.mulf %get3A_403, %get3A_380 : vector<16xf32>
      %swap3A_405 = arith.index_cast %scan3A_374 : i32 to index
      %swap3A_406 = arith.constant 32 : index
      %swap3A_407 = tpu.vector_load %arg10[%swap3A_405, %swap3A_406] {strides = array<i32>} : memref<128x256xf32, #tpu.memory_space<vmem>>, vector<1x16xf32>,
      %swap3A_408 = vector.shape_cast %swap3A_407 : vector<1x16xf32> to vector<16xf32>
      %swap3A_409 = vector.shape_cast %mul3A_404 : vector<16xf32> to vector<1x16xf32>
      tpu.vector_store %arg10[%swap3A_405, %swap3A_406], %swap3A_409 {strides = array<i32>} : memref<128x256xf32, #tpu.memory_space<vmem>>, vector<1x16xf32>,
      %get3A_410 = arith.index_cast %scan3A_374 : i32 to index
      %get3A_411 = arith.constant 48 : index
      %get3A_412 = tpu.vector_load %arg10[%get3A_410, %get3A_411] {strides = array<i32>} : memref<128x256xf32, #tpu.memory_space<vmem>>, vector<1x16xf32>,
      %get3A_413 = vector.shape_cast %get3A_412 : vector<1x16xf32> to vector<16xf32>
      %mul3A_414 = arith.mulf %get3A_413, %get3A_380 : vector<16xf32>
      %swap3A_415 = arith.index_cast %scan3A_374 : i32 to index
      %swap3A_416 = arith.constant 48 : index
      %swap3A_417 = tpu.vector_load %arg10[%swap3A_415, %swap3A_416] {strides = array<i32>} : memref<128x256xf32, #tpu.memory_space<vmem>>, vector<1x16xf32>,
      %swap3A_418 = vector.shape_cast %swap3A_417 : vector<1x16xf32> to vector<16xf32>
      %swap3A_419 = vector.shape_cast %mul3A_414 : vector<16xf32> to vector<1x16xf32>
      tpu.vector_store %arg10[%swap3A_415, %swap3A_416], %swap3A_419 {strides = array<i32>} : memref<128x256xf32, #tpu.memory_space<vmem>>, vector<1x16xf32>,
      %get3A_420 = arith.index_cast %scan3A_374 : i32 to index
      %get3A_421 = arith.constant 64 : index
      %get3A_422 = tpu.vector_load %arg10[%get3A_420, %get3A_421] {strides = array<i32>} : memref<128x256xf32, #tpu.memory_space<vmem>>, vector<1x16xf32>,
      %get3A_423 = vector.shape_cast %get3A_422 : vector<1x16xf32> to vector<16xf32>
      %mul3A_424 = arith.mulf %get3A_423, %get3A_380 : vector<16xf32>
      %swap3A_425 = arith.index_cast %scan3A_374 : i32 to index
      %swap3A_426 = arith.constant 64 : index
      %swap3A_427 = tpu.vector_load %arg10[%swap3A_425, %swap3A_426] {strides = array<i32>} : memref<128x256xf32, #tpu.memory_space<vmem>>, vector<1x16xf32>,
      %swap3A_428 = vector.shape_cast %swap3A_427 : vector<1x16xf32> to vector<16xf32>
      %swap3A_429 = vector.shape_cast %mul3A_424 : vector<16xf32> to vector<1x16xf32>
      tpu.vector_store %arg10[%swap3A_425, %swap3A_426], %swap3A_429 {strides = array<i32>} : memref<128x256xf32, #tpu.memory_space<vmem>>, vector<1x16xf32>,
      %get3A_430 = arith.index_cast %scan3A_374 : i32 to index
      %get3A_431 = arith.constant 80 : index
      %get3A_432 = tpu.vector_load %arg10[%get3A_430, %get3A_431] {strides = array<i32>} : memref<128x256xf32, #tpu.memory_space<vmem>>, vector<1x16xf32>,
      %get3A_433 = vector.shape_cast %get3A_432 : vector<1x16xf32> to vector<16xf32>
      %mul3A_434 = arith.mulf %get3A_433, %get3A_380 : vector<16xf32>
      %swap3A_435 = arith.index_cast %scan3A_374 : i32 to index
      %swap3A_436 = arith.constant 80 : index
      %swap3A_437 = tpu.vector_load %arg10[%swap3A_435, %swap3A_436] {strides = array<i32>} : memref<128x256xf32, #tpu.memory_space<vmem>>, vector<1x16xf32>,
      %swap3A_438 = vector.shape_cast %swap3A_437 : vector<1x16xf32> to vector<16xf32>
      %swap3A_439 = vector.shape_cast %mul3A_434 : vector<16xf32> to vector<1x16xf32>
      tpu.vector_store %arg10[%swap3A_435, %swap3A_436], %swap3A_439 {strides = array<i32>} : memref<128x256xf32, #tpu.memory_space<vmem>>, vector<1x16xf32>,
      %get3A_440 = arith.index_cast %scan3A_374 : i32 to index
      %get3A_441 = arith.constant 96 : index
      %get3A_442 = tpu.vector_load %arg10[%get3A_440, %get3A_441] {strides = array<i32>} : memref<128x256xf32, #tpu.memory_space<vmem>>, vector<1x16xf32>,
      %get3A_443 = vector.shape_cast %get3A_442 : vector<1x16xf32> to vector<16xf32>
      %mul3A_444 = arith.mulf %get3A_443, %get3A_380 : vector<16xf32>
      %swap3A_445 = arith.index_cast %scan3A_374 : i32 to index
      %swap3A_446 = arith.constant 96 : index
      %swap3A_447 = tpu.vector_load %arg10[%swap3A_445, %swap3A_446] {strides = array<i32>} : memref<128x256xf32, #tpu.memory_space<vmem>>, vector<1x16xf32>,
      %swap3A_448 = vector.shape_cast %swap3A_447 : vector<1x16xf32> to vector<16xf32>
      %swap3A_449 = vector.shape_cast %mul3A_444 : vector<16xf32> to vector<1x16xf32>
      tpu.vector_store %arg10[%swap3A_445, %swap3A_446], %swap3A_449 {strides = array<i32>} : memref<128x256xf32, #tpu.memory_space<vmem>>, vector<1x16xf32>,
      %get3A_450 = arith.index_cast %scan3A_374 : i32 to index
      %get3A_451 = arith.constant 112 : index
      %get3A_452 = tpu.vector_load %arg10[%get3A_450, %get3A_451] {strides = array<i32>} : memref<128x256xf32, #tpu.memory_space<vmem>>, vector<1x16xf32>,
      %get3A_453 = vector.shape_cast %get3A_452 : vector<1x16xf32> to vector<16xf32>
      %mul3A_454 = arith.mulf %get3A_453, %get3A_380 : vector<16xf32>
      %swap3A_455 = arith.index_cast %scan3A_374 : i32 to index
      %swap3A_456 = arith.constant 112 : index
      %swap3A_457 = tpu.vector_load %arg10[%swap3A_455, %swap3A_456] {strides = array<i32>} : memref<128x256xf32, #tpu.memory_space<vmem>>, vector<1x16xf32>,
      %swap3A_458 = vector.shape_cast %swap3A_457 : vector<1x16xf32> to vector<16xf32>
      %swap3A_459 = vector.shape_cast %mul3A_454 : vector<16xf32> to vector<1x16xf32>
      tpu.vector_store %arg10[%swap3A_455, %swap3A_456], %swap3A_459 {strides = array<i32>} : memref<128x256xf32, #tpu.memory_space<vmem>>, vector<1x16xf32>,
      %get3A_460 = arith.index_cast %scan3A_374 : i32 to index
      %get3A_461 = arith.constant 128 : index
      %get3A_462 = tpu.vector_load %arg10[%get3A_460, %get3A_461] {strides = array<i32>} : memref<128x256xf32, #tpu.memory_space<vmem>>, vector<1x16xf32>,
      %get3A_463 = vector.shape_cast %get3A_462 : vector<1x16xf32> to vector<16xf32>
      %mul3A_464 = arith.mulf %get3A_463, %get3A_380 : vector<16xf32>
      %swap3A_465 = arith.index_cast %scan3A_374 : i32 to index
      %swap3A_466 = arith.constant 128 : index
      %swap3A_467 = tpu.vector_load %arg10[%swap3A_465, %swap3A_466] {strides = array<i32>} : memref<128x256xf32, #tpu.memory_space<vmem>>, vector<1x16xf32>,
      %swap3A_468 = vector.shape_cast %swap3A_467 : vector<1x16xf32> to vector<16xf32>
      %swap3A_469 = vector.shape_cast %mul3A_464 : vector<16xf32> to vector<1x16xf32>
      tpu.vector_store %arg10[%swap3A_465, %swap3A_466], %swap3A_469 {strides = array<i32>} : memref<128x256xf32, #tpu.memory_space<vmem>>, vector<1x16xf32>,
      %get3A_470 = arith.index_cast %scan3A_374 : i32 to index
      %get3A_471 = arith.constant 144 : index
      %get3A_472 = tpu.vector_load %arg10[%get3A_470, %get3A_471] {strides = array<i32>} : memref<128x256xf32, #tpu.memory_space<vmem>>, vector<1x16xf32>,
      %get3A_473 = vector.shape_cast %get3A_472 : vector<1x16xf32> to vector<16xf32>
      %mul3A_474 = arith.mulf %get3A_473, %get3A_380 : vector<16xf32>
      %swap3A_475 = arith.index_cast %scan3A_374 : i32 to index
      %swap3A_476 = arith.constant 144 : index
      %swap3A_477 = tpu.vector_load %arg10[%swap3A_475, %swap3A_476] {strides = array<i32>} : memref<128x256xf32, #tpu.memory_space<vmem>>, vector<1x16xf32>,
      %swap3A_478 = vector.shape_cast %swap3A_477 : vector<1x16xf32> to vector<16xf32>
      %swap3A_479 = vector.shape_cast %mul3A_474 : vector<16xf32> to vector<1x16xf32>
      tpu.vector_store %arg10[%swap3A_475, %swap3A_476], %swap3A_479 {strides = array<i32>} : memref<128x256xf32, #tpu.memory_space<vmem>>, vector<1x16xf32>,
      %get3A_480 = arith.index_cast %scan3A_374 : i32 to index
      %get3A_481 = arith.constant 160 : index
      %get3A_482 = tpu.vector_load %arg10[%get3A_480, %get3A_481] {strides = array<i32>} : memref<128x256xf32, #tpu.memory_space<vmem>>, vector<1x16xf32>,
      %get3A_483 = vector.shape_cast %get3A_482 : vector<1x16xf32> to vector<16xf32>
      %mul3A_484 = arith.mulf %get3A_483, %get3A_380 : vector<16xf32>
      %swap3A_485 = arith.index_cast %scan3A_374 : i32 to index
      %swap3A_486 = arith.constant 160 : index
      %swap3A_487 = tpu.vector_load %arg10[%swap3A_485, %swap3A_486] {strides = array<i32>} : memref<128x256xf32, #tpu.memory_space<vmem>>, vector<1x16xf32>,
      %swap3A_488 = vector.shape_cast %swap3A_487 : vector<1x16xf32> to vector<16xf32>
      %swap3A_489 = vector.shape_cast %mul3A_484 : vector<16xf32> to vector<1x16xf32>
      tpu.vector_store %arg10[%swap3A_485, %swap3A_486], %swap3A_489 {strides = array<i32>} : memref<128x256xf32, #tpu.memory_space<vmem>>, vector<1x16xf32>,
      %get3A_490 = arith.index_cast %scan3A_374 : i32 to index
      %get3A_491 = arith.constant 176 : index
      %get3A_492 = tpu.vector_load %arg10[%get3A_490, %get3A_491] {strides = array<i32>} : memref<128x256xf32, #tpu.memory_space<vmem>>, vector<1x16xf32>,
      %get3A_493 = vector.shape_cast %get3A_492 : vector<1x16xf32> to vector<16xf32>
      %mul3A_494 = arith.mulf %get3A_493, %get3A_380 : vector<16xf32>
      %swap3A_495 = arith.index_cast %scan3A_374 : i32 to index
      %swap3A_496 = arith.constant 176 : index
      %swap3A_497 = tpu.vector_load %arg10[%swap3A_495, %swap3A_496] {strides = array<i32>} : memref<128x256xf32, #tpu.memory_space<vmem>>, vector<1x16xf32>,
      %swap3A_498 = vector.shape_cast %swap3A_497 : vector<1x16xf32> to vector<16xf32>
      %swap3A_499 = vector.shape_cast %mul3A_494 : vector<16xf32> to vector<1x16xf32>
      tpu.vector_store %arg10[%swap3A_495, %swap3A_496], %swap3A_499 {strides = array<i32>} : memref<128x256xf32, #tpu.memory_space<vmem>>, vector<1x16xf32>,
      %get3A_500 = arith.index_cast %scan3A_374 : i32 to index
      %get3A_501 = arith.constant 192 : index
      %get3A_502 = tpu.vector_load %arg10[%get3A_500, %get3A_501] {strides = array<i32>} : memref<128x256xf32, #tpu.memory_space<vmem>>, vector<1x16xf32>,
      %get3A_503 = vector.shape_cast %get3A_502 : vector<1x16xf32> to vector<16xf32>
      %mul3A_504 = arith.mulf %get3A_503, %get3A_380 : vector<16xf32>
      %swap3A_505 = arith.index_cast %scan3A_374 : i32 to index
      %swap3A_506 = arith.constant 192 : index
      %swap3A_507 = tpu.vector_load %arg10[%swap3A_505, %swap3A_506] {strides = array<i32>} : memref<128x256xf32, #tpu.memory_space<vmem>>, vector<1x16xf32>,
      %swap3A_508 = vector.shape_cast %swap3A_507 : vector<1x16xf32> to vector<16xf32>
      %swap3A_509 = vector.shape_cast %mul3A_504 : vector<16xf32> to vector<1x16xf32>
      tpu.vector_store %arg10[%swap3A_505, %swap3A_506], %swap3A_509 {strides = array<i32>} : memref<128x256xf32, #tpu.memory_space<vmem>>, vector<1x16xf32>,
      %get3A_510 = arith.index_cast %scan3A_374 : i32 to index
      %get3A_511 = arith.constant 208 : index
      %get3A_512 = tpu.vector_load %arg10[%get3A_510, %get3A_511] {strides = array<i32>} : memref<128x256xf32, #tpu.memory_space<vmem>>, vector<1x16xf32>,
      %get3A_513 = vector.shape_cast %get3A_512 : vector<1x16xf32> to vector<16xf32>
      %mul3A_514 = arith.mulf %get3A_513, %get3A_380 : vector<16xf32>
      %swap3A_515 = arith.index_cast %scan3A_374 : i32 to index
      %swap3A_516 = arith.constant 208 : index
      %swap3A_517 = tpu.vector_load %arg10[%swap3A_515, %swap3A_516] {strides = array<i32>} : memref<128x256xf32, #tpu.memory_space<vmem>>, vector<1x16xf32>,
      %swap3A_518 = vector.shape_cast %swap3A_517 : vector<1x16xf32> to vector<16xf32>
      %swap3A_519 = vector.shape_cast %mul3A_514 : vector<16xf32> to vector<1x16xf32>
      tpu.vector_store %arg10[%swap3A_515, %swap3A_516], %swap3A_519 {strides = array<i32>} : memref<128x256xf32, #tpu.memory_space<vmem>>, vector<1x16xf32>,
      %get3A_520 = arith.index_cast %scan3A_374 : i32 to index
      %get3A_521 = arith.constant 224 : index
      %get3A_522 = tpu.vector_load %arg10[%get3A_520, %get3A_521] {strides = array<i32>} : memref<128x256xf32, #tpu.memory_space<vmem>>, vector<1x16xf32>,
      %get3A_523 = vector.shape_cast %get3A_522 : vector<1x16xf32> to vector<16xf32>
      %mul3A_524 = arith.mulf %get3A_523, %get3A_380 : vector<16xf32>
      %swap3A_525 = arith.index_cast %scan3A_374 : i32 to index
      %swap3A_526 = arith.constant 224 : index
      %swap3A_527 = tpu.vector_load %arg10[%swap3A_525, %swap3A_526] {strides = array<i32>} : memref<128x256xf32, #tpu.memory_space<vmem>>, vector<1x16xf32>,
      %swap3A_528 = vector.shape_cast %swap3A_527 : vector<1x16xf32> to vector<16xf32>
      %swap3A_529 = vector.shape_cast %mul3A_524 : vector<16xf32> to vector<1x16xf32>
      tpu.vector_store %arg10[%swap3A_525, %swap3A_526], %swap3A_529 {strides = array<i32>} : memref<128x256xf32, #tpu.memory_space<vmem>>, vector<1x16xf32>,
      %get3A_530 = arith.index_cast %scan3A_374 : i32 to index
      %get3A_531 = arith.constant 240 : index
      %get3A_532 = tpu.vector_load %arg10[%get3A_530, %get3A_531] {strides = array<i32>} : memref<128x256xf32, #tpu.memory_space<vmem>>, vector<1x16xf32>,
      %get3A_533 = vector.shape_cast %get3A_532 : vector<1x16xf32> to vector<16xf32>
      %mul3A_534 = arith.mulf %get3A_533, %get3A_380 : vector<16xf32>
      %swap3A_535 = arith.index_cast %scan3A_374 : i32 to index
      %swap3A_536 = arith.constant 240 : index
      %swap3A_537 = tpu.vector_load %arg10[%swap3A_535, %swap3A_536] {strides = array<i32>} : memref<128x256xf32, #tpu.memory_space<vmem>>, vector<1x16xf32>,
      %swap3A_538 = vector.shape_cast %swap3A_537 : vector<1x16xf32> to vector<16xf32>
      %swap3A_539 = vector.shape_cast %mul3A_534 : vector<16xf32> to vector<1x16xf32>
      tpu.vector_store %arg10[%swap3A_535, %swap3A_536], %swap3A_539 {strides = array<i32>} : memref<128x256xf32, #tpu.memory_space<vmem>>, vector<1x16xf32>,
    }
    %scan3A_287 = arith.constant 128 : i32
    %add3A_288 = arith.constant 512 : i32
    %add3A_289 = arith.addi %mul3A_2, %add3A_288 : i32
    %dma_start3A_290 = arith.constant 0 : i32
    %dma_start3A_291 = tpu.memref_slice %arg5[%add3A_289, %dma_start3A_290] : memref<32768x256xf32, #tpu.memory_space<hbm>> -> memref<128x256xf32, #tpu.memory_space<hbm>>
    %dma_start3A_292 = arith.constant 0 : i32
    %dma_start3A_293 = tpu.memref_slice %arg5[%add3A_289, %dma_start3A_292] : memref<32768x256xf32, #tpu.memory_space<hbm>> -> memref<128x256xf32, #tpu.memory_space<hbm>>
    tpu.enqueue_dma source(%arg10 : memref<128x256xf32, #tpu.memory_space<vmem>>) target(%dma_start3A_293 : memref<128x256xf32, #tpu.memory_space<hbm>>) target_semaphore(%arg16 : memref<!tpu.dma_semaphore, #tpu.memory_space<semaphore_mem>>)
    %dma_wait3A_294 = arith.constant 5 : i32
    %dma_wait3A_295 = arith.constant 0 : i32
    %dma_wait3A_296 = tpu.memref_slice %arg6[%dma_wait3A_294, %dma_wait3A_295] : memref<8x128xi32, #tpu.memory_space<vmem>> -> memref<1x128xi32, #tpu.memory_space<vmem>>
    %dma_wait3A_297 = tpu.memref_squeeze %dma_wait3A_296 : memref<1x128xi32, #tpu.memory_space<vmem>> -> memref<128xi32, #tpu.memory_space<vmem>>
    %dma_wait3A_298 = arith.constant 0 : i32
    %dma_wait3A_299 = arith.constant 0 : i32
    %dma_wait3A_300 = tpu.memref_slice %arg2[%dma_wait3A_298, %dma_wait3A_299] : memref<8192x256xf32, #tpu.memory_space<hbm>> -> memref<8192x256xf32, #tpu.memory_space<hbm>>
    tpu.wait_indirect_dma semaphore(%arg14 : memref<!tpu.dma_semaphore, #tpu.memory_space<semaphore_mem>>) src(%dma_wait3A_300 : memref<8192x256xf32, #tpu.memory_space<hbm>>) dst(%arg11 : memref<128x256xf32, #tpu.memory_space<vmem>>)
    %dma_wait3A_301 = arith.constant 0 : i32
    %dma_wait3A_302 = tpu.memref_slice %arg5[%add3A_289, %dma_wait3A_301] : memref<32768x256xf32, #tpu.memory_space<hbm>> -> memref<128x256xf32, #tpu.memory_space<hbm>>
    %dma_wait3A_303 = arith.constant 0 : i32
    %dma_wait3A_304 = tpu.memref_slice %arg5[%add3A_289, %dma_wait3A_303] : memref<32768x256xf32, #tpu.memory_space<hbm>> -> memref<128x256xf32, #tpu.memory_space<hbm>>
    tpu.wait_dma2 semaphore(%arg16 : memref<!tpu.dma_semaphore, #tpu.memory_space<semaphore_mem>>) src(%arg10 : memref<128x256xf32, #tpu.memory_space<vmem>>) dst(%dma_wait3A_304 : memref<128x256xf32, #tpu.memory_space<hbm>>)
    %dma_start3A_305 = arith.constant 7 : i32
    %dma_start3A_306 = arith.constant 0 : i32
    %dma_start3A_307 = tpu.memref_slice %arg6[%dma_start3A_305, %dma_start3A_306] : memref<8x128xi32, #tpu.memory_space<vmem>> -> memref<1x128xi32, #tpu.memory_space<vmem>>
    %dma_start3A_308 = tpu.memref_squeeze %dma_start3A_307 : memref<1x128xi32, #tpu.memory_space<vmem>> -> memref<128xi32, #tpu.memory_space<vmem>>
    %dma_start3A_309 = arith.constant 0 : i32
    %dma_start3A_310 = arith.constant 0 : i32
    %dma_start3A_311 = tpu.memref_slice %arg2[%dma_start3A_309, %dma_start3A_310] : memref<8192x256xf32, #tpu.memory_space<hbm>> -> memref<8192x256xf32, #tpu.memory_space<hbm>>
    tpu.enqueue_indirect_dma source(%dma_start3A_311 : memref<8192x256xf32, #tpu.memory_space<hbm>>) target(%arg10 : memref<128x256xf32, #tpu.memory_space<vmem>>) offsets(%dma_start3A_308 : memref<128xi32, #tpu.memory_space<vmem>>) semaphore(%arg13 : memref<!tpu.dma_semaphore, #tpu.memory_space<semaphore_mem>>)
    %scan3A_312 = arith.constant 0 : i32
    %scan3A_313 = arith.constant 0 : i32
    %scan3A_314 = arith.constant 128 : i32
    %scan3A_315 = arith.addi %scan3A_313, %scan3A_314 : i32
    %scan3A_316 = arith.constant 1 : i32
    scf.for %scan3A_374 = %scan3A_313 to %scan3A_315 step %scan3A_316  : i32 {
      %add3A_375 = arith.constant 640 : i32
      %add3A_376 = arith.addi %add3A_375, %scan3A_374 : i32
      %mul3A_377 = arith.constant 16 : i32
      %mul3A_378 = arith.muli %add3A_376, %mul3A_377 : i32
      %get3A = arith.index_cast %mul3A_378 : i32 to index
      %get3A_379 = tpu.vector_load %arg8[%get3A] {strides = array<i32>} : memref<16384xf32, #tpu.memory_space<vmem>>, vector<16xf32>,
      %get3A_380 = vector.shape_cast %get3A_379 : vector<16xf32> to vector<16xf32>
      %get3A_381 = arith.index_cast %scan3A_374 : i32 to index
      %get3A_382 = arith.constant 0 : index
      %get3A_383 = tpu.vector_load %arg11[%get3A_381, %get3A_382] {strides = array<i32>} : memref<128x256xf32, #tpu.memory_space<vmem>>, vector<1x16xf32>,
      %get3A_384 = vector.shape_cast %get3A_383 : vector<1x16xf32> to vector<16xf32>
      %mul3A_385 = arith.mulf %get3A_384, %get3A_380 : vector<16xf32>
      %swap3A = arith.index_cast %scan3A_374 : i32 to index
      %swap3A_386 = arith.constant 0 : index
      %swap3A_387 = tpu.vector_load %arg11[%swap3A, %swap3A_386] {strides = array<i32>} : memref<128x256xf32, #tpu.memory_space<vmem>>, vector<1x16xf32>,
      %swap3A_388 = vector.shape_cast %swap3A_387 : vector<1x16xf32> to vector<16xf32>
      %swap3A_389 = vector.shape_cast %mul3A_385 : vector<16xf32> to vector<1x16xf32>
      tpu.vector_store %arg11[%swap3A, %swap3A_386], %swap3A_389 {strides = array<i32>} : memref<128x256xf32, #tpu.memory_space<vmem>>, vector<1x16xf32>,
      %get3A_390 = arith.index_cast %scan3A_374 : i32 to index
      %get3A_391 = arith.constant 16 : index
      %get3A_392 = tpu.vector_load %arg11[%get3A_390, %get3A_391] {strides = array<i32>} : memref<128x256xf32, #tpu.memory_space<vmem>>, vector<1x16xf32>,
      %get3A_393 = vector.shape_cast %get3A_392 : vector<1x16xf32> to vector<16xf32>
      %mul3A_394 = arith.mulf %get3A_393, %get3A_380 : vector<16xf32>
      %swap3A_395 = arith.index_cast %scan3A_374 : i32 to index
      %swap3A_396 = arith.constant 16 : index
      %swap3A_397 = tpu.vector_load %arg11[%swap3A_395, %swap3A_396] {strides = array<i32>} : memref<128x256xf32, #tpu.memory_space<vmem>>, vector<1x16xf32>,
      %swap3A_398 = vector.shape_cast %swap3A_397 : vector<1x16xf32> to vector<16xf32>
      %swap3A_399 = vector.shape_cast %mul3A_394 : vector<16xf32> to vector<1x16xf32>
      tpu.vector_store %arg11[%swap3A_395, %swap3A_396], %swap3A_399 {strides = array<i32>} : memref<128x256xf32, #tpu.memory_space<vmem>>, vector<1x16xf32>,
      %get3A_400 = arith.index_cast %scan3A_374 : i32 to index
      %get3A_401 = arith.constant 32 : index
      %get3A_402 = tpu.vector_load %arg11[%get3A_400, %get3A_401] {strides = array<i32>} : memref<128x256xf32, #tpu.memory_space<vmem>>, vector<1x16xf32>,
      %get3A_403 = vector.shape_cast %get3A_402 : vector<1x16xf32> to vector<16xf32>
      %mul3A_404 = arith.mulf %get3A_403, %get3A_380 : vector<16xf32>
      %swap3A_405 = arith.index_cast %scan3A_374 : i32 to index
      %swap3A_406 = arith.constant 32 : index
      %swap3A_407 = tpu.vector_load %arg11[%swap3A_405, %swap3A_406] {strides = array<i32>} : memref<128x256xf32, #tpu.memory_space<vmem>>, vector<1x16xf32>,
      %swap3A_408 = vector.shape_cast %swap3A_407 : vector<1x16xf32> to vector<16xf32>
      %swap3A_409 = vector.shape_cast %mul3A_404 : vector<16xf32> to vector<1x16xf32>
      tpu.vector_store %arg11[%swap3A_405, %swap3A_406], %swap3A_409 {strides = array<i32>} : memref<128x256xf32, #tpu.memory_space<vmem>>, vector<1x16xf32>,
      %get3A_410 = arith.index_cast %scan3A_374 : i32 to index
      %get3A_411 = arith.constant 48 : index
      %get3A_412 = tpu.vector_load %arg11[%get3A_410, %get3A_411] {strides = array<i32>} : memref<128x256xf32, #tpu.memory_space<vmem>>, vector<1x16xf32>,
      %get3A_413 = vector.shape_cast %get3A_412 : vector<1x16xf32> to vector<16xf32>
      %mul3A_414 = arith.mulf %get3A_413, %get3A_380 : vector<16xf32>
      %swap3A_415 = arith.index_cast %scan3A_374 : i32 to index
      %swap3A_416 = arith.constant 48 : index
      %swap3A_417 = tpu.vector_load %arg11[%swap3A_415, %swap3A_416] {strides = array<i32>} : memref<128x256xf32, #tpu.memory_space<vmem>>, vector<1x16xf32>,
      %swap3A_418 = vector.shape_cast %swap3A_417 : vector<1x16xf32> to vector<16xf32>
      %swap3A_419 = vector.shape_cast %mul3A_414 : vector<16xf32> to vector<1x16xf32>
      tpu.vector_store %arg11[%swap3A_415, %swap3A_416], %swap3A_419 {strides = array<i32>} : memref<128x256xf32, #tpu.memory_space<vmem>>, vector<1x16xf32>,
      %get3A_420 = arith.index_cast %scan3A_374 : i32 to index
      %get3A_421 = arith.constant 64 : index
      %get3A_422 = tpu.vector_load %arg11[%get3A_420, %get3A_421] {strides = array<i32>} : memref<128x256xf32, #tpu.memory_space<vmem>>, vector<1x16xf32>,
      %get3A_423 = vector.shape_cast %get3A_422 : vector<1x16xf32> to vector<16xf32>
      %mul3A_424 = arith.mulf %get3A_423, %get3A_380 : vector<16xf32>
      %swap3A_425 = arith.index_cast %scan3A_374 : i32 to index
      %swap3A_426 = arith.constant 64 : index
      %swap3A_427 = tpu.vector_load %arg11[%swap3A_425, %swap3A_426] {strides = array<i32>} : memref<128x256xf32, #tpu.memory_space<vmem>>, vector<1x16xf32>,
      %swap3A_428 = vector.shape_cast %swap3A_427 : vector<1x16xf32> to vector<16xf32>
      %swap3A_429 = vector.shape_cast %mul3A_424 : vector<16xf32> to vector<1x16xf32>
      tpu.vector_store %arg11[%swap3A_425, %swap3A_426], %swap3A_429 {strides = array<i32>} : memref<128x256xf32, #tpu.memory_space<vmem>>, vector<1x16xf32>,
      %get3A_430 = arith.index_cast %scan3A_374 : i32 to index
      %get3A_431 = arith.constant 80 : index
      %get3A_432 = tpu.vector_load %arg11[%get3A_430, %get3A_431] {strides = array<i32>} : memref<128x256xf32, #tpu.memory_space<vmem>>, vector<1x16xf32>,
      %get3A_433 = vector.shape_cast %get3A_432 : vector<1x16xf32> to vector<16xf32>
      %mul3A_434 = arith.mulf %get3A_433, %get3A_380 : vector<16xf32>
      %swap3A_435 = arith.index_cast %scan3A_374 : i32 to index
      %swap3A_436 = arith.constant 80 : index
      %swap3A_437 = tpu.vector_load %arg11[%swap3A_435, %swap3A_436] {strides = array<i32>} : memref<128x256xf32, #tpu.memory_space<vmem>>, vector<1x16xf32>,
      %swap3A_438 = vector.shape_cast %swap3A_437 : vector<1x16xf32> to vector<16xf32>
      %swap3A_439 = vector.shape_cast %mul3A_434 : vector<16xf32> to vector<1x16xf32>
      tpu.vector_store %arg11[%swap3A_435, %swap3A_436], %swap3A_439 {strides = array<i32>} : memref<128x256xf32, #tpu.memory_space<vmem>>, vector<1x16xf32>,
      %get3A_440 = arith.index_cast %scan3A_374 : i32 to index
      %get3A_441 = arith.constant 96 : index
      %get3A_442 = tpu.vector_load %arg11[%get3A_440, %get3A_441] {strides = array<i32>} : memref<128x256xf32, #tpu.memory_space<vmem>>, vector<1x16xf32>,
      %get3A_443 = vector.shape_cast %get3A_442 : vector<1x16xf32> to vector<16xf32>
      %mul3A_444 = arith.mulf %get3A_443, %get3A_380 : vector<16xf32>
      %swap3A_445 = arith.index_cast %scan3A_374 : i32 to index
      %swap3A_446 = arith.constant 96 : index
      %swap3A_447 = tpu.vector_load %arg11[%swap3A_445, %swap3A_446] {strides = array<i32>} : memref<128x256xf32, #tpu.memory_space<vmem>>, vector<1x16xf32>,
      %swap3A_448 = vector.shape_cast %swap3A_447 : vector<1x16xf32> to vector<16xf32>
      %swap3A_449 = vector.shape_cast %mul3A_444 : vector<16xf32> to vector<1x16xf32>
      tpu.vector_store %arg11[%swap3A_445, %swap3A_446], %swap3A_449 {strides = array<i32>} : memref<128x256xf32, #tpu.memory_space<vmem>>, vector<1x16xf32>,
      %get3A_450 = arith.index_cast %scan3A_374 : i32 to index
      %get3A_451 = arith.constant 112 : index
      %get3A_452 = tpu.vector_load %arg11[%get3A_450, %get3A_451] {strides = array<i32>} : memref<128x256xf32, #tpu.memory_space<vmem>>, vector<1x16xf32>,
      %get3A_453 = vector.shape_cast %get3A_452 : vector<1x16xf32> to vector<16xf32>
      %mul3A_454 = arith.mulf %get3A_453, %get3A_380 : vector<16xf32>
      %swap3A_455 = arith.index_cast %scan3A_374 : i32 to index
      %swap3A_456 = arith.constant 112 : index
      %swap3A_457 = tpu.vector_load %arg11[%swap3A_455, %swap3A_456] {strides = array<i32>} : memref<128x256xf32, #tpu.memory_space<vmem>>, vector<1x16xf32>,
      %swap3A_458 = vector.shape_cast %swap3A_457 : vector<1x16xf32> to vector<16xf32>
      %swap3A_459 = vector.shape_cast %mul3A_454 : vector<16xf32> to vector<1x16xf32>
      tpu.vector_store %arg11[%swap3A_455, %swap3A_456], %swap3A_459 {strides = array<i32>} : memref<128x256xf32, #tpu.memory_space<vmem>>, vector<1x16xf32>,
      %get3A_460 = arith.index_cast %scan3A_374 : i32 to index
      %get3A_461 = arith.constant 128 : index
      %get3A_462 = tpu.vector_load %arg11[%get3A_460, %get3A_461] {strides = array<i32>} : memref<128x256xf32, #tpu.memory_space<vmem>>, vector<1x16xf32>,
      %get3A_463 = vector.shape_cast %get3A_462 : vector<1x16xf32> to vector<16xf32>
      %mul3A_464 = arith.mulf %get3A_463, %get3A_380 : vector<16xf32>
      %swap3A_465 = arith.index_cast %scan3A_374 : i32 to index
      %swap3A_466 = arith.constant 128 : index
      %swap3A_467 = tpu.vector_load %arg11[%swap3A_465, %swap3A_466] {strides = array<i32>} : memref<128x256xf32, #tpu.memory_space<vmem>>, vector<1x16xf32>,
      %swap3A_468 = vector.shape_cast %swap3A_467 : vector<1x16xf32> to vector<16xf32>
      %swap3A_469 = vector.shape_cast %mul3A_464 : vector<16xf32> to vector<1x16xf32>
      tpu.vector_store %arg11[%swap3A_465, %swap3A_466], %swap3A_469 {strides = array<i32>} : memref<128x256xf32, #tpu.memory_space<vmem>>, vector<1x16xf32>,
      %get3A_470 = arith.index_cast %scan3A_374 : i32 to index
      %get3A_471 = arith.constant 144 : index
      %get3A_472 = tpu.vector_load %arg11[%get3A_470, %get3A_471] {strides = array<i32>} : memref<128x256xf32, #tpu.memory_space<vmem>>, vector<1x16xf32>,
      %get3A_473 = vector.shape_cast %get3A_472 : vector<1x16xf32> to vector<16xf32>
      %mul3A_474 = arith.mulf %get3A_473, %get3A_380 : vector<16xf32>
      %swap3A_475 = arith.index_cast %scan3A_374 : i32 to index
      %swap3A_476 = arith.constant 144 : index
      %swap3A_477 = tpu.vector_load %arg11[%swap3A_475, %swap3A_476] {strides = array<i32>} : memref<128x256xf32, #tpu.memory_space<vmem>>, vector<1x16xf32>,
      %swap3A_478 = vector.shape_cast %swap3A_477 : vector<1x16xf32> to vector<16xf32>
      %swap3A_479 = vector.shape_cast %mul3A_474 : vector<16xf32> to vector<1x16xf32>
      tpu.vector_store %arg11[%swap3A_475, %swap3A_476], %swap3A_479 {strides = array<i32>} : memref<128x256xf32, #tpu.memory_space<vmem>>, vector<1x16xf32>,
      %get3A_480 = arith.index_cast %scan3A_374 : i32 to index
      %get3A_481 = arith.constant 160 : index
      %get3A_482 = tpu.vector_load %arg11[%get3A_480, %get3A_481] {strides = array<i32>} : memref<128x256xf32, #tpu.memory_space<vmem>>, vector<1x16xf32>,
      %get3A_483 = vector.shape_cast %get3A_482 : vector<1x16xf32> to vector<16xf32>
      %mul3A_484 = arith.mulf %get3A_483, %get3A_380 : vector<16xf32>
      %swap3A_485 = arith.index_cast %scan3A_374 : i32 to index
      %swap3A_486 = arith.constant 160 : index
      %swap3A_487 = tpu.vector_load %arg11[%swap3A_485, %swap3A_486] {strides = array<i32>} : memref<128x256xf32, #tpu.memory_space<vmem>>, vector<1x16xf32>,
      %swap3A_488 = vector.shape_cast %swap3A_487 : vector<1x16xf32> to vector<16xf32>
      %swap3A_489 = vector.shape_cast %mul3A_484 : vector<16xf32> to vector<1x16xf32>
      tpu.vector_store %arg11[%swap3A_485, %swap3A_486], %swap3A_489 {strides = array<i32>} : memref<128x256xf32, #tpu.memory_space<vmem>>, vector<1x16xf32>,
      %get3A_490 = arith.index_cast %scan3A_374 : i32 to index
      %get3A_491 = arith.constant 176 : index
      %get3A_492 = tpu.vector_load %arg11[%get3A_490, %get3A_491] {strides = array<i32>} : memref<128x256xf32, #tpu.memory_space<vmem>>, vector<1x16xf32>,
      %get3A_493 = vector.shape_cast %get3A_492 : vector<1x16xf32> to vector<16xf32>
      %mul3A_494 = arith.mulf %get3A_493, %get3A_380 : vector<16xf32>
      %swap3A_495 = arith.index_cast %scan3A_374 : i32 to index
      %swap3A_496 = arith.constant 176 : index
      %swap3A_497 = tpu.vector_load %arg11[%swap3A_495, %swap3A_496] {strides = array<i32>} : memref<128x256xf32, #tpu.memory_space<vmem>>, vector<1x16xf32>,
      %swap3A_498 = vector.shape_cast %swap3A_497 : vector<1x16xf32> to vector<16xf32>
      %swap3A_499 = vector.shape_cast %mul3A_494 : vector<16xf32> to vector<1x16xf32>
      tpu.vector_store %arg11[%swap3A_495, %swap3A_496], %swap3A_499 {strides = array<i32>} : memref<128x256xf32, #tpu.memory_space<vmem>>, vector<1x16xf32>,
      %get3A_500 = arith.index_cast %scan3A_374 : i32 to index
      %get3A_501 = arith.constant 192 : index
      %get3A_502 = tpu.vector_load %arg11[%get3A_500, %get3A_501] {strides = array<i32>} : memref<128x256xf32, #tpu.memory_space<vmem>>, vector<1x16xf32>,
      %get3A_503 = vector.shape_cast %get3A_502 : vector<1x16xf32> to vector<16xf32>
      %mul3A_504 = arith.mulf %get3A_503, %get3A_380 : vector<16xf32>
      %swap3A_505 = arith.index_cast %scan3A_374 : i32 to index
      %swap3A_506 = arith.constant 192 : index
      %swap3A_507 = tpu.vector_load %arg11[%swap3A_505, %swap3A_506] {strides = array<i32>} : memref<128x256xf32, #tpu.memory_space<vmem>>, vector<1x16xf32>,
      %swap3A_508 = vector.shape_cast %swap3A_507 : vector<1x16xf32> to vector<16xf32>
      %swap3A_509 = vector.shape_cast %mul3A_504 : vector<16xf32> to vector<1x16xf32>
      tpu.vector_store %arg11[%swap3A_505, %swap3A_506], %swap3A_509 {strides = array<i32>} : memref<128x256xf32, #tpu.memory_space<vmem>>, vector<1x16xf32>,
      %get3A_510 = arith.index_cast %scan3A_374 : i32 to index
      %get3A_511 = arith.constant 208 : index
      %get3A_512 = tpu.vector_load %arg11[%get3A_510, %get3A_511] {strides = array<i32>} : memref<128x256xf32, #tpu.memory_space<vmem>>, vector<1x16xf32>,
      %get3A_513 = vector.shape_cast %get3A_512 : vector<1x16xf32> to vector<16xf32>
      %mul3A_514 = arith.mulf %get3A_513, %get3A_380 : vector<16xf32>
      %swap3A_515 = arith.index_cast %scan3A_374 : i32 to index
      %swap3A_516 = arith.constant 208 : index
      %swap3A_517 = tpu.vector_load %arg11[%swap3A_515, %swap3A_516] {strides = array<i32>} : memref<128x256xf32, #tpu.memory_space<vmem>>, vector<1x16xf32>,
      %swap3A_518 = vector.shape_cast %swap3A_517 : vector<1x16xf32> to vector<16xf32>
      %swap3A_519 = vector.shape_cast %mul3A_514 : vector<16xf32> to vector<1x16xf32>
      tpu.vector_store %arg11[%swap3A_515, %swap3A_516], %swap3A_519 {strides = array<i32>} : memref<128x256xf32, #tpu.memory_space<vmem>>, vector<1x16xf32>,
      %get3A_520 = arith.index_cast %scan3A_374 : i32 to index
      %get3A_521 = arith.constant 224 : index
      %get3A_522 = tpu.vector_load %arg11[%get3A_520, %get3A_521] {strides = array<i32>} : memref<128x256xf32, #tpu.memory_space<vmem>>, vector<1x16xf32>,
      %get3A_523 = vector.shape_cast %get3A_522 : vector<1x16xf32> to vector<16xf32>
      %mul3A_524 = arith.mulf %get3A_523, %get3A_380 : vector<16xf32>
      %swap3A_525 = arith.index_cast %scan3A_374 : i32 to index
      %swap3A_526 = arith.constant 224 : index
      %swap3A_527 = tpu.vector_load %arg11[%swap3A_525, %swap3A_526] {strides = array<i32>} : memref<128x256xf32, #tpu.memory_space<vmem>>, vector<1x16xf32>,
      %swap3A_528 = vector.shape_cast %swap3A_527 : vector<1x16xf32> to vector<16xf32>
      %swap3A_529 = vector.shape_cast %mul3A_524 : vector<16xf32> to vector<1x16xf32>
      tpu.vector_store %arg11[%swap3A_525, %swap3A_526], %swap3A_529 {strides = array<i32>} : memref<128x256xf32, #tpu.memory_space<vmem>>, vector<1x16xf32>,
      %get3A_530 = arith.index_cast %scan3A_374 : i32 to index
      %get3A_531 = arith.constant 240 : index
      %get3A_532 = tpu.vector_load %arg11[%get3A_530, %get3A_531] {strides = array<i32>} : memref<128x256xf32, #tpu.memory_space<vmem>>, vector<1x16xf32>,
      %get3A_533 = vector.shape_cast %get3A_532 : vector<1x16xf32> to vector<16xf32>
      %mul3A_534 = arith.mulf %get3A_533, %get3A_380 : vector<16xf32>
      %swap3A_535 = arith.index_cast %scan3A_374 : i32 to index
      %swap3A_536 = arith.constant 240 : index
      %swap3A_537 = tpu.vector_load %arg11[%swap3A_535, %swap3A_536] {strides = array<i32>} : memref<128x256xf32, #tpu.memory_space<vmem>>, vector<1x16xf32>,
      %swap3A_538 = vector.shape_cast %swap3A_537 : vector<1x16xf32> to vector<16xf32>
      %swap3A_539 = vector.shape_cast %mul3A_534 : vector<16xf32> to vector<1x16xf32>
      tpu.vector_store %arg11[%swap3A_535, %swap3A_536], %swap3A_539 {strides = array<i32>} : memref<128x256xf32, #tpu.memory_space<vmem>>, vector<1x16xf32>,
    }
    %scan3A_317 = arith.constant 128 : i32
    %add3A_318 = arith.constant 640 : i32
    %add3A_319 = arith.addi %mul3A_2, %add3A_318 : i32
    %dma_start3A_320 = arith.constant 0 : i32
    %dma_start3A_321 = tpu.memref_slice %arg5[%add3A_319, %dma_start3A_320] : memref<32768x256xf32, #tpu.memory_space<hbm>> -> memref<128x256xf32, #tpu.memory_space<hbm>>
    %dma_start3A_322 = arith.constant 0 : i32
    %dma_start3A_323 = tpu.memref_slice %arg5[%add3A_319, %dma_start3A_322] : memref<32768x256xf32, #tpu.memory_space<hbm>> -> memref<128x256xf32, #tpu.memory_space<hbm>>
    tpu.enqueue_dma source(%arg11 : memref<128x256xf32, #tpu.memory_space<vmem>>) target(%dma_start3A_323 : memref<128x256xf32, #tpu.memory_space<hbm>>) target_semaphore(%arg17 : memref<!tpu.dma_semaphore, #tpu.memory_space<semaphore_mem>>)
    %dma_wait3A_324 = arith.constant 6 : i32
    %dma_wait3A_325 = arith.constant 0 : i32
    %dma_wait3A_326 = tpu.memref_slice %arg6[%dma_wait3A_324, %dma_wait3A_325] : memref<8x128xi32, #tpu.memory_space<vmem>> -> memref<1x128xi32, #tpu.memory_space<vmem>>
    %dma_wait3A_327 = tpu.memref_squeeze %dma_wait3A_326 : memref<1x128xi32, #tpu.memory_space<vmem>> -> memref<128xi32, #tpu.memory_space<vmem>>
    %dma_wait3A_328 = arith.constant 0 : i32
    %dma_wait3A_329 = arith.constant 0 : i32
    %dma_wait3A_330 = tpu.memref_slice %arg2[%dma_wait3A_328, %dma_wait3A_329] : memref<8192x256xf32, #tpu.memory_space<hbm>> -> memref<8192x256xf32, #tpu.memory_space<hbm>>
    tpu.wait_indirect_dma semaphore(%arg12 : memref<!tpu.dma_semaphore, #tpu.memory_space<semaphore_mem>>) src(%dma_wait3A_330 : memref<8192x256xf32, #tpu.memory_space<hbm>>) dst(%arg9 : memref<128x256xf32, #tpu.memory_space<vmem>>)
    %scan3A_331 = arith.constant 0 : i32
    %scan3A_332 = arith.constant 0 : i32
    %scan3A_333 = arith.constant 128 : i32
    %scan3A_334 = arith.addi %scan3A_332, %scan3A_333 : i32
    %scan3A_335 = arith.constant 1 : i32
    scf.for %scan3A_374 = %scan3A_332 to %scan3A_334 step %scan3A_335  : i32 {
      %add3A_375 = arith.constant 768 : i32
      %add3A_376 = arith.addi %add3A_375, %scan3A_374 : i32
      %mul3A_377 = arith.constant 16 : i32
      %mul3A_378 = arith.muli %add3A_376, %mul3A_377 : i32
      %get3A = arith.index_cast %mul3A_378 : i32 to index
      %get3A_379 = tpu.vector_load %arg8[%get3A] {strides = array<i32>} : memref<16384xf32, #tpu.memory_space<vmem>>, vector<16xf32>,
      %get3A_380 = vector.shape_cast %get3A_379 : vector<16xf32> to vector<16xf32>
      %get3A_381 = arith.index_cast %scan3A_374 : i32 to index
      %get3A_382 = arith.constant 0 : index
      %get3A_383 = tpu.vector_load %arg9[%get3A_381, %get3A_382] {strides = array<i32>} : memref<128x256xf32, #tpu.memory_space<vmem>>, vector<1x16xf32>,
      %get3A_384 = vector.shape_cast %get3A_383 : vector<1x16xf32> to vector<16xf32>
      %mul3A_385 = arith.mulf %get3A_384, %get3A_380 : vector<16xf32>
      %swap3A = arith.index_cast %scan3A_374 : i32 to index
      %swap3A_386 = arith.constant 0 : index
      %swap3A_387 = tpu.vector_load %arg9[%swap3A, %swap3A_386] {strides = array<i32>} : memref<128x256xf32, #tpu.memory_space<vmem>>, vector<1x16xf32>,
      %swap3A_388 = vector.shape_cast %swap3A_387 : vector<1x16xf32> to vector<16xf32>
      %swap3A_389 = vector.shape_cast %mul3A_385 : vector<16xf32> to vector<1x16xf32>
      tpu.vector_store %arg9[%swap3A, %swap3A_386], %swap3A_389 {strides = array<i32>} : memref<128x256xf32, #tpu.memory_space<vmem>>, vector<1x16xf32>,
      %get3A_390 = arith.index_cast %scan3A_374 : i32 to index
      %get3A_391 = arith.constant 16 : index
      %get3A_392 = tpu.vector_load %arg9[%get3A_390, %get3A_391] {strides = array<i32>} : memref<128x256xf32, #tpu.memory_space<vmem>>, vector<1x16xf32>,
      %get3A_393 = vector.shape_cast %get3A_392 : vector<1x16xf32> to vector<16xf32>
      %mul3A_394 = arith.mulf %get3A_393, %get3A_380 : vector<16xf32>
      %swap3A_395 = arith.index_cast %scan3A_374 : i32 to index
      %swap3A_396 = arith.constant 16 : index
      %swap3A_397 = tpu.vector_load %arg9[%swap3A_395, %swap3A_396] {strides = array<i32>} : memref<128x256xf32, #tpu.memory_space<vmem>>, vector<1x16xf32>,
      %swap3A_398 = vector.shape_cast %swap3A_397 : vector<1x16xf32> to vector<16xf32>
      %swap3A_399 = vector.shape_cast %mul3A_394 : vector<16xf32> to vector<1x16xf32>
      tpu.vector_store %arg9[%swap3A_395, %swap3A_396], %swap3A_399 {strides = array<i32>} : memref<128x256xf32, #tpu.memory_space<vmem>>, vector<1x16xf32>,
      %get3A_400 = arith.index_cast %scan3A_374 : i32 to index
      %get3A_401 = arith.constant 32 : index
      %get3A_402 = tpu.vector_load %arg9[%get3A_400, %get3A_401] {strides = array<i32>} : memref<128x256xf32, #tpu.memory_space<vmem>>, vector<1x16xf32>,
      %get3A_403 = vector.shape_cast %get3A_402 : vector<1x16xf32> to vector<16xf32>
      %mul3A_404 = arith.mulf %get3A_403, %get3A_380 : vector<16xf32>
      %swap3A_405 = arith.index_cast %scan3A_374 : i32 to index
      %swap3A_406 = arith.constant 32 : index
      %swap3A_407 = tpu.vector_load %arg9[%swap3A_405, %swap3A_406] {strides = array<i32>} : memref<128x256xf32, #tpu.memory_space<vmem>>, vector<1x16xf32>,
      %swap3A_408 = vector.shape_cast %swap3A_407 : vector<1x16xf32> to vector<16xf32>
      %swap3A_409 = vector.shape_cast %mul3A_404 : vector<16xf32> to vector<1x16xf32>
      tpu.vector_store %arg9[%swap3A_405, %swap3A_406], %swap3A_409 {strides = array<i32>} : memref<128x256xf32, #tpu.memory_space<vmem>>, vector<1x16xf32>,
      %get3A_410 = arith.index_cast %scan3A_374 : i32 to index
      %get3A_411 = arith.constant 48 : index
      %get3A_412 = tpu.vector_load %arg9[%get3A_410, %get3A_411] {strides = array<i32>} : memref<128x256xf32, #tpu.memory_space<vmem>>, vector<1x16xf32>,
      %get3A_413 = vector.shape_cast %get3A_412 : vector<1x16xf32> to vector<16xf32>
      %mul3A_414 = arith.mulf %get3A_413, %get3A_380 : vector<16xf32>
      %swap3A_415 = arith.index_cast %scan3A_374 : i32 to index
      %swap3A_416 = arith.constant 48 : index
      %swap3A_417 = tpu.vector_load %arg9[%swap3A_415, %swap3A_416] {strides = array<i32>} : memref<128x256xf32, #tpu.memory_space<vmem>>, vector<1x16xf32>,
      %swap3A_418 = vector.shape_cast %swap3A_417 : vector<1x16xf32> to vector<16xf32>
      %swap3A_419 = vector.shape_cast %mul3A_414 : vector<16xf32> to vector<1x16xf32>
      tpu.vector_store %arg9[%swap3A_415, %swap3A_416], %swap3A_419 {strides = array<i32>} : memref<128x256xf32, #tpu.memory_space<vmem>>, vector<1x16xf32>,
      %get3A_420 = arith.index_cast %scan3A_374 : i32 to index
      %get3A_421 = arith.constant 64 : index
      %get3A_422 = tpu.vector_load %arg9[%get3A_420, %get3A_421] {strides = array<i32>} : memref<128x256xf32, #tpu.memory_space<vmem>>, vector<1x16xf32>,
      %get3A_423 = vector.shape_cast %get3A_422 : vector<1x16xf32> to vector<16xf32>
      %mul3A_424 = arith.mulf %get3A_423, %get3A_380 : vector<16xf32>
      %swap3A_425 = arith.index_cast %scan3A_374 : i32 to index
      %swap3A_426 = arith.constant 64 : index
      %swap3A_427 = tpu.vector_load %arg9[%swap3A_425, %swap3A_426] {strides = array<i32>} : memref<128x256xf32, #tpu.memory_space<vmem>>, vector<1x16xf32>,
      %swap3A_428 = vector.shape_cast %swap3A_427 : vector<1x16xf32> to vector<16xf32>
      %swap3A_429 = vector.shape_cast %mul3A_424 : vector<16xf32> to vector<1x16xf32>
      tpu.vector_store %arg9[%swap3A_425, %swap3A_426], %swap3A_429 {strides = array<i32>} : memref<128x256xf32, #tpu.memory_space<vmem>>, vector<1x16xf32>,
      %get3A_430 = arith.index_cast %scan3A_374 : i32 to index
      %get3A_431 = arith.constant 80 : index
      %get3A_432 = tpu.vector_load %arg9[%get3A_430, %get3A_431] {strides = array<i32>} : memref<128x256xf32, #tpu.memory_space<vmem>>, vector<1x16xf32>,
      %get3A_433 = vector.shape_cast %get3A_432 : vector<1x16xf32> to vector<16xf32>
      %mul3A_434 = arith.mulf %get3A_433, %get3A_380 : vector<16xf32>
      %swap3A_435 = arith.index_cast %scan3A_374 : i32 to index
      %swap3A_436 = arith.constant 80 : index
      %swap3A_437 = tpu.vector_load %arg9[%swap3A_435, %swap3A_436] {strides = array<i32>} : memref<128x256xf32, #tpu.memory_space<vmem>>, vector<1x16xf32>,
      %swap3A_438 = vector.shape_cast %swap3A_437 : vector<1x16xf32> to vector<16xf32>
      %swap3A_439 = vector.shape_cast %mul3A_434 : vector<16xf32> to vector<1x16xf32>
      tpu.vector_store %arg9[%swap3A_435, %swap3A_436], %swap3A_439 {strides = array<i32>} : memref<128x256xf32, #tpu.memory_space<vmem>>, vector<1x16xf32>,
      %get3A_440 = arith.index_cast %scan3A_374 : i32 to index
      %get3A_441 = arith.constant 96 : index
      %get3A_442 = tpu.vector_load %arg9[%get3A_440, %get3A_441] {strides = array<i32>} : memref<128x256xf32, #tpu.memory_space<vmem>>, vector<1x16xf32>,
      %get3A_443 = vector.shape_cast %get3A_442 : vector<1x16xf32> to vector<16xf32>
      %mul3A_444 = arith.mulf %get3A_443, %get3A_380 : vector<16xf32>
      %swap3A_445 = arith.index_cast %scan3A_374 : i32 to index
      %swap3A_446 = arith.constant 96 : index
      %swap3A_447 = tpu.vector_load %arg9[%swap3A_445, %swap3A_446] {strides = array<i32>} : memref<128x256xf32, #tpu.memory_space<vmem>>, vector<1x16xf32>,
      %swap3A_448 = vector.shape_cast %swap3A_447 : vector<1x16xf32> to vector<16xf32>
      %swap3A_449 = vector.shape_cast %mul3A_444 : vector<16xf32> to vector<1x16xf32>
      tpu.vector_store %arg9[%swap3A_445, %swap3A_446], %swap3A_449 {strides = array<i32>} : memref<128x256xf32, #tpu.memory_space<vmem>>, vector<1x16xf32>,
      %get3A_450 = arith.index_cast %scan3A_374 : i32 to index
      %get3A_451 = arith.constant 112 : index
      %get3A_452 = tpu.vector_load %arg9[%get3A_450, %get3A_451] {strides = array<i32>} : memref<128x256xf32, #tpu.memory_space<vmem>>, vector<1x16xf32>,
      %get3A_453 = vector.shape_cast %get3A_452 : vector<1x16xf32> to vector<16xf32>
      %mul3A_454 = arith.mulf %get3A_453, %get3A_380 : vector<16xf32>
      %swap3A_455 = arith.index_cast %scan3A_374 : i32 to index
      %swap3A_456 = arith.constant 112 : index
      %swap3A_457 = tpu.vector_load %arg9[%swap3A_455, %swap3A_456] {strides = array<i32>} : memref<128x256xf32, #tpu.memory_space<vmem>>, vector<1x16xf32>,
      %swap3A_458 = vector.shape_cast %swap3A_457 : vector<1x16xf32> to vector<16xf32>
      %swap3A_459 = vector.shape_cast %mul3A_454 : vector<16xf32> to vector<1x16xf32>
      tpu.vector_store %arg9[%swap3A_455, %swap3A_456], %swap3A_459 {strides = array<i32>} : memref<128x256xf32, #tpu.memory_space<vmem>>, vector<1x16xf32>,
      %get3A_460 = arith.index_cast %scan3A_374 : i32 to index
      %get3A_461 = arith.constant 128 : index
      %get3A_462 = tpu.vector_load %arg9[%get3A_460, %get3A_461] {strides = array<i32>} : memref<128x256xf32, #tpu.memory_space<vmem>>, vector<1x16xf32>,
      %get3A_463 = vector.shape_cast %get3A_462 : vector<1x16xf32> to vector<16xf32>
      %mul3A_464 = arith.mulf %get3A_463, %get3A_380 : vector<16xf32>
      %swap3A_465 = arith.index_cast %scan3A_374 : i32 to index
      %swap3A_466 = arith.constant 128 : index
      %swap3A_467 = tpu.vector_load %arg9[%swap3A_465, %swap3A_466] {strides = array<i32>} : memref<128x256xf32, #tpu.memory_space<vmem>>, vector<1x16xf32>,
      %swap3A_468 = vector.shape_cast %swap3A_467 : vector<1x16xf32> to vector<16xf32>
      %swap3A_469 = vector.shape_cast %mul3A_464 : vector<16xf32> to vector<1x16xf32>
      tpu.vector_store %arg9[%swap3A_465, %swap3A_466], %swap3A_469 {strides = array<i32>} : memref<128x256xf32, #tpu.memory_space<vmem>>, vector<1x16xf32>,
      %get3A_470 = arith.index_cast %scan3A_374 : i32 to index
      %get3A_471 = arith.constant 144 : index
      %get3A_472 = tpu.vector_load %arg9[%get3A_470, %get3A_471] {strides = array<i32>} : memref<128x256xf32, #tpu.memory_space<vmem>>, vector<1x16xf32>,
      %get3A_473 = vector.shape_cast %get3A_472 : vector<1x16xf32> to vector<16xf32>
      %mul3A_474 = arith.mulf %get3A_473, %get3A_380 : vector<16xf32>
      %swap3A_475 = arith.index_cast %scan3A_374 : i32 to index
      %swap3A_476 = arith.constant 144 : index
      %swap3A_477 = tpu.vector_load %arg9[%swap3A_475, %swap3A_476] {strides = array<i32>} : memref<128x256xf32, #tpu.memory_space<vmem>>, vector<1x16xf32>,
      %swap3A_478 = vector.shape_cast %swap3A_477 : vector<1x16xf32> to vector<16xf32>
      %swap3A_479 = vector.shape_cast %mul3A_474 : vector<16xf32> to vector<1x16xf32>
      tpu.vector_store %arg9[%swap3A_475, %swap3A_476], %swap3A_479 {strides = array<i32>} : memref<128x256xf32, #tpu.memory_space<vmem>>, vector<1x16xf32>,
      %get3A_480 = arith.index_cast %scan3A_374 : i32 to index
      %get3A_481 = arith.constant 160 : index
      %get3A_482 = tpu.vector_load %arg9[%get3A_480, %get3A_481] {strides = array<i32>} : memref<128x256xf32, #tpu.memory_space<vmem>>, vector<1x16xf32>,
      %get3A_483 = vector.shape_cast %get3A_482 : vector<1x16xf32> to vector<16xf32>
      %mul3A_484 = arith.mulf %get3A_483, %get3A_380 : vector<16xf32>
      %swap3A_485 = arith.index_cast %scan3A_374 : i32 to index
      %swap3A_486 = arith.constant 160 : index
      %swap3A_487 = tpu.vector_load %arg9[%swap3A_485, %swap3A_486] {strides = array<i32>} : memref<128x256xf32, #tpu.memory_space<vmem>>, vector<1x16xf32>,
      %swap3A_488 = vector.shape_cast %swap3A_487 : vector<1x16xf32> to vector<16xf32>
      %swap3A_489 = vector.shape_cast %mul3A_484 : vector<16xf32> to vector<1x16xf32>
      tpu.vector_store %arg9[%swap3A_485, %swap3A_486], %swap3A_489 {strides = array<i32>} : memref<128x256xf32, #tpu.memory_space<vmem>>, vector<1x16xf32>,
      %get3A_490 = arith.index_cast %scan3A_374 : i32 to index
      %get3A_491 = arith.constant 176 : index
      %get3A_492 = tpu.vector_load %arg9[%get3A_490, %get3A_491] {strides = array<i32>} : memref<128x256xf32, #tpu.memory_space<vmem>>, vector<1x16xf32>,
      %get3A_493 = vector.shape_cast %get3A_492 : vector<1x16xf32> to vector<16xf32>
      %mul3A_494 = arith.mulf %get3A_493, %get3A_380 : vector<16xf32>
      %swap3A_495 = arith.index_cast %scan3A_374 : i32 to index
      %swap3A_496 = arith.constant 176 : index
      %swap3A_497 = tpu.vector_load %arg9[%swap3A_495, %swap3A_496] {strides = array<i32>} : memref<128x256xf32, #tpu.memory_space<vmem>>, vector<1x16xf32>,
      %swap3A_498 = vector.shape_cast %swap3A_497 : vector<1x16xf32> to vector<16xf32>
      %swap3A_499 = vector.shape_cast %mul3A_494 : vector<16xf32> to vector<1x16xf32>
      tpu.vector_store %arg9[%swap3A_495, %swap3A_496], %swap3A_499 {strides = array<i32>} : memref<128x256xf32, #tpu.memory_space<vmem>>, vector<1x16xf32>,
      %get3A_500 = arith.index_cast %scan3A_374 : i32 to index
      %get3A_501 = arith.constant 192 : index
      %get3A_502 = tpu.vector_load %arg9[%get3A_500, %get3A_501] {strides = array<i32>} : memref<128x256xf32, #tpu.memory_space<vmem>>, vector<1x16xf32>,
      %get3A_503 = vector.shape_cast %get3A_502 : vector<1x16xf32> to vector<16xf32>
      %mul3A_504 = arith.mulf %get3A_503, %get3A_380 : vector<16xf32>
      %swap3A_505 = arith.index_cast %scan3A_374 : i32 to index
      %swap3A_506 = arith.constant 192 : index
      %swap3A_507 = tpu.vector_load %arg9[%swap3A_505, %swap3A_506] {strides = array<i32>} : memref<128x256xf32, #tpu.memory_space<vmem>>, vector<1x16xf32>,
      %swap3A_508 = vector.shape_cast %swap3A_507 : vector<1x16xf32> to vector<16xf32>
      %swap3A_509 = vector.shape_cast %mul3A_504 : vector<16xf32> to vector<1x16xf32>
      tpu.vector_store %arg9[%swap3A_505, %swap3A_506], %swap3A_509 {strides = array<i32>} : memref<128x256xf32, #tpu.memory_space<vmem>>, vector<1x16xf32>,
      %get3A_510 = arith.index_cast %scan3A_374 : i32 to index
      %get3A_511 = arith.constant 208 : index
      %get3A_512 = tpu.vector_load %arg9[%get3A_510, %get3A_511] {strides = array<i32>} : memref<128x256xf32, #tpu.memory_space<vmem>>, vector<1x16xf32>,
      %get3A_513 = vector.shape_cast %get3A_512 : vector<1x16xf32> to vector<16xf32>
      %mul3A_514 = arith.mulf %get3A_513, %get3A_380 : vector<16xf32>
      %swap3A_515 = arith.index_cast %scan3A_374 : i32 to index
      %swap3A_516 = arith.constant 208 : index
      %swap3A_517 = tpu.vector_load %arg9[%swap3A_515, %swap3A_516] {strides = array<i32>} : memref<128x256xf32, #tpu.memory_space<vmem>>, vector<1x16xf32>,
      %swap3A_518 = vector.shape_cast %swap3A_517 : vector<1x16xf32> to vector<16xf32>
      %swap3A_519 = vector.shape_cast %mul3A_514 : vector<16xf32> to vector<1x16xf32>
      tpu.vector_store %arg9[%swap3A_515, %swap3A_516], %swap3A_519 {strides = array<i32>} : memref<128x256xf32, #tpu.memory_space<vmem>>, vector<1x16xf32>,
      %get3A_520 = arith.index_cast %scan3A_374 : i32 to index
      %get3A_521 = arith.constant 224 : index
      %get3A_522 = tpu.vector_load %arg9[%get3A_520, %get3A_521] {strides = array<i32>} : memref<128x256xf32, #tpu.memory_space<vmem>>, vector<1x16xf32>,
      %get3A_523 = vector.shape_cast %get3A_522 : vector<1x16xf32> to vector<16xf32>
      %mul3A_524 = arith.mulf %get3A_523, %get3A_380 : vector<16xf32>
      %swap3A_525 = arith.index_cast %scan3A_374 : i32 to index
      %swap3A_526 = arith.constant 224 : index
      %swap3A_527 = tpu.vector_load %arg9[%swap3A_525, %swap3A_526] {strides = array<i32>} : memref<128x256xf32, #tpu.memory_space<vmem>>, vector<1x16xf32>,
      %swap3A_528 = vector.shape_cast %swap3A_527 : vector<1x16xf32> to vector<16xf32>
      %swap3A_529 = vector.shape_cast %mul3A_524 : vector<16xf32> to vector<1x16xf32>
      tpu.vector_store %arg9[%swap3A_525, %swap3A_526], %swap3A_529 {strides = array<i32>} : memref<128x256xf32, #tpu.memory_space<vmem>>, vector<1x16xf32>,
      %get3A_530 = arith.index_cast %scan3A_374 : i32 to index
      %get3A_531 = arith.constant 240 : index
      %get3A_532 = tpu.vector_load %arg9[%get3A_530, %get3A_531] {strides = array<i32>} : memref<128x256xf32, #tpu.memory_space<vmem>>, vector<1x16xf32>,
      %get3A_533 = vector.shape_cast %get3A_532 : vector<1x16xf32> to vector<16xf32>
      %mul3A_534 = arith.mulf %get3A_533, %get3A_380 : vector<16xf32>
      %swap3A_535 = arith.index_cast %scan3A_374 : i32 to index
      %swap3A_536 = arith.constant 240 : index
      %swap3A_537 = tpu.vector_load %arg9[%swap3A_535, %swap3A_536] {strides = array<i32>} : memref<128x256xf32, #tpu.memory_space<vmem>>, vector<1x16xf32>,
      %swap3A_538 = vector.shape_cast %swap3A_537 : vector<1x16xf32> to vector<16xf32>
      %swap3A_539 = vector.shape_cast %mul3A_534 : vector<16xf32> to vector<1x16xf32>
      tpu.vector_store %arg9[%swap3A_535, %swap3A_536], %swap3A_539 {strides = array<i32>} : memref<128x256xf32, #tpu.memory_space<vmem>>, vector<1x16xf32>,
    }
    %scan3A_336 = arith.constant 128 : i32
    %add3A_337 = arith.constant 768 : i32
    %add3A_338 = arith.addi %mul3A_2, %add3A_337 : i32
    %dma_start3A_339 = arith.constant 0 : i32
    %dma_start3A_340 = tpu.memref_slice %arg5[%add3A_338, %dma_start3A_339] : memref<32768x256xf32, #tpu.memory_space<hbm>> -> memref<128x256xf32, #tpu.memory_space<hbm>>
    %dma_start3A_341 = arith.constant 0 : i32
    %dma_start3A_342 = tpu.memref_slice %arg5[%add3A_338, %dma_start3A_341] : memref<32768x256xf32, #tpu.memory_space<hbm>> -> memref<128x256xf32, #tpu.memory_space<hbm>>
    tpu.enqueue_dma source(%arg9 : memref<128x256xf32, #tpu.memory_space<vmem>>) target(%dma_start3A_342 : memref<128x256xf32, #tpu.memory_space<hbm>>) target_semaphore(%arg15 : memref<!tpu.dma_semaphore, #tpu.memory_space<semaphore_mem>>)
    %dma_wait3A_343 = arith.constant 7 : i32
    %dma_wait3A_344 = arith.constant 0 : i32
    %dma_wait3A_345 = tpu.memref_slice %arg6[%dma_wait3A_343, %dma_wait3A_344] : memref<8x128xi32, #tpu.memory_space<vmem>> -> memref<1x128xi32, #tpu.memory_space<vmem>>
    %dma_wait3A_346 = tpu.memref_squeeze %dma_wait3A_345 : memref<1x128xi32, #tpu.memory_space<vmem>> -> memref<128xi32, #tpu.memory_space<vmem>>
    %dma_wait3A_347 = arith.constant 0 : i32
    %dma_wait3A_348 = arith.constant 0 : i32
    %dma_wait3A_349 = tpu.memref_slice %arg2[%dma_wait3A_347, %dma_wait3A_348] : memref<8192x256xf32, #tpu.memory_space<hbm>> -> memref<8192x256xf32, #tpu.memory_space<hbm>>
    tpu.wait_indirect_dma semaphore(%arg13 : memref<!tpu.dma_semaphore, #tpu.memory_space<semaphore_mem>>) src(%dma_wait3A_349 : memref<8192x256xf32, #tpu.memory_space<hbm>>) dst(%arg10 : memref<128x256xf32, #tpu.memory_space<vmem>>)
    %scan3A_350 = arith.constant 0 : i32
    %scan3A_351 = arith.constant 0 : i32
    %scan3A_352 = arith.constant 128 : i32
    %scan3A_353 = arith.addi %scan3A_351, %scan3A_352 : i32
    %scan3A_354 = arith.constant 1 : i32
    scf.for %scan3A_374 = %scan3A_351 to %scan3A_353 step %scan3A_354  : i32 {
      %add3A_375 = arith.constant 896 : i32
      %add3A_376 = arith.addi %add3A_375, %scan3A_374 : i32
      %mul3A_377 = arith.constant 16 : i32
      %mul3A_378 = arith.muli %add3A_376, %mul3A_377 : i32
      %get3A = arith.index_cast %mul3A_378 : i32 to index
      %get3A_379 = tpu.vector_load %arg8[%get3A] {strides = array<i32>} : memref<16384xf32, #tpu.memory_space<vmem>>, vector<16xf32>,
      %get3A_380 = vector.shape_cast %get3A_379 : vector<16xf32> to vector<16xf32>
      %get3A_381 = arith.index_cast %scan3A_374 : i32 to index
      %get3A_382 = arith.constant 0 : index
      %get3A_383 = tpu.vector_load %arg10[%get3A_381, %get3A_382] {strides = array<i32>} : memref<128x256xf32, #tpu.memory_space<vmem>>, vector<1x16xf32>,
      %get3A_384 = vector.shape_cast %get3A_383 : vector<1x16xf32> to vector<16xf32>
      %mul3A_385 = arith.mulf %get3A_384, %get3A_380 : vector<16xf32>
      %swap3A = arith.index_cast %scan3A_374 : i32 to index
      %swap3A_386 = arith.constant 0 : index
      %swap3A_387 = tpu.vector_load %arg10[%swap3A, %swap3A_386] {strides = array<i32>} : memref<128x256xf32, #tpu.memory_space<vmem>>, vector<1x16xf32>,
      %swap3A_388 = vector.shape_cast %swap3A_387 : vector<1x16xf32> to vector<16xf32>
      %swap3A_389 = vector.shape_cast %mul3A_385 : vector<16xf32> to vector<1x16xf32>
      tpu.vector_store %arg10[%swap3A, %swap3A_386], %swap3A_389 {strides = array<i32>} : memref<128x256xf32, #tpu.memory_space<vmem>>, vector<1x16xf32>,
      %get3A_390 = arith.index_cast %scan3A_374 : i32 to index
      %get3A_391 = arith.constant 16 : index
      %get3A_392 = tpu.vector_load %arg10[%get3A_390, %get3A_391] {strides = array<i32>} : memref<128x256xf32, #tpu.memory_space<vmem>>, vector<1x16xf32>,
      %get3A_393 = vector.shape_cast %get3A_392 : vector<1x16xf32> to vector<16xf32>
      %mul3A_394 = arith.mulf %get3A_393, %get3A_380 : vector<16xf32>
      %swap3A_395 = arith.index_cast %scan3A_374 : i32 to index
      %swap3A_396 = arith.constant 16 : index
      %swap3A_397 = tpu.vector_load %arg10[%swap3A_395, %swap3A_396] {strides = array<i32>} : memref<128x256xf32, #tpu.memory_space<vmem>>, vector<1x16xf32>,
      %swap3A_398 = vector.shape_cast %swap3A_397 : vector<1x16xf32> to vector<16xf32>
      %swap3A_399 = vector.shape_cast %mul3A_394 : vector<16xf32> to vector<1x16xf32>
      tpu.vector_store %arg10[%swap3A_395, %swap3A_396], %swap3A_399 {strides = array<i32>} : memref<128x256xf32, #tpu.memory_space<vmem>>, vector<1x16xf32>,
      %get3A_400 = arith.index_cast %scan3A_374 : i32 to index
      %get3A_401 = arith.constant 32 : index
      %get3A_402 = tpu.vector_load %arg10[%get3A_400, %get3A_401] {strides = array<i32>} : memref<128x256xf32, #tpu.memory_space<vmem>>, vector<1x16xf32>,
      %get3A_403 = vector.shape_cast %get3A_402 : vector<1x16xf32> to vector<16xf32>
      %mul3A_404 = arith.mulf %get3A_403, %get3A_380 : vector<16xf32>
      %swap3A_405 = arith.index_cast %scan3A_374 : i32 to index
      %swap3A_406 = arith.constant 32 : index
      %swap3A_407 = tpu.vector_load %arg10[%swap3A_405, %swap3A_406] {strides = array<i32>} : memref<128x256xf32, #tpu.memory_space<vmem>>, vector<1x16xf32>,
      %swap3A_408 = vector.shape_cast %swap3A_407 : vector<1x16xf32> to vector<16xf32>
      %swap3A_409 = vector.shape_cast %mul3A_404 : vector<16xf32> to vector<1x16xf32>
      tpu.vector_store %arg10[%swap3A_405, %swap3A_406], %swap3A_409 {strides = array<i32>} : memref<128x256xf32, #tpu.memory_space<vmem>>, vector<1x16xf32>,
      %get3A_410 = arith.index_cast %scan3A_374 : i32 to index
      %get3A_411 = arith.constant 48 : index
      %get3A_412 = tpu.vector_load %arg10[%get3A_410, %get3A_411] {strides = array<i32>} : memref<128x256xf32, #tpu.memory_space<vmem>>, vector<1x16xf32>,
      %get3A_413 = vector.shape_cast %get3A_412 : vector<1x16xf32> to vector<16xf32>
      %mul3A_414 = arith.mulf %get3A_413, %get3A_380 : vector<16xf32>
      %swap3A_415 = arith.index_cast %scan3A_374 : i32 to index
      %swap3A_416 = arith.constant 48 : index
      %swap3A_417 = tpu.vector_load %arg10[%swap3A_415, %swap3A_416] {strides = array<i32>} : memref<128x256xf32, #tpu.memory_space<vmem>>, vector<1x16xf32>,
      %swap3A_418 = vector.shape_cast %swap3A_417 : vector<1x16xf32> to vector<16xf32>
      %swap3A_419 = vector.shape_cast %mul3A_414 : vector<16xf32> to vector<1x16xf32>
      tpu.vector_store %arg10[%swap3A_415, %swap3A_416], %swap3A_419 {strides = array<i32>} : memref<128x256xf32, #tpu.memory_space<vmem>>, vector<1x16xf32>,
      %get3A_420 = arith.index_cast %scan3A_374 : i32 to index
      %get3A_421 = arith.constant 64 : index
      %get3A_422 = tpu.vector_load %arg10[%get3A_420, %get3A_421] {strides = array<i32>} : memref<128x256xf32, #tpu.memory_space<vmem>>, vector<1x16xf32>,
      %get3A_423 = vector.shape_cast %get3A_422 : vector<1x16xf32> to vector<16xf32>
      %mul3A_424 = arith.mulf %get3A_423, %get3A_380 : vector<16xf32>
      %swap3A_425 = arith.index_cast %scan3A_374 : i32 to index
      %swap3A_426 = arith.constant 64 : index
      %swap3A_427 = tpu.vector_load %arg10[%swap3A_425, %swap3A_426] {strides = array<i32>} : memref<128x256xf32, #tpu.memory_space<vmem>>, vector<1x16xf32>,
      %swap3A_428 = vector.shape_cast %swap3A_427 : vector<1x16xf32> to vector<16xf32>
      %swap3A_429 = vector.shape_cast %mul3A_424 : vector<16xf32> to vector<1x16xf32>
      tpu.vector_store %arg10[%swap3A_425, %swap3A_426], %swap3A_429 {strides = array<i32>} : memref<128x256xf32, #tpu.memory_space<vmem>>, vector<1x16xf32>,
      %get3A_430 = arith.index_cast %scan3A_374 : i32 to index
      %get3A_431 = arith.constant 80 : index
      %get3A_432 = tpu.vector_load %arg10[%get3A_430, %get3A_431] {strides = array<i32>} : memref<128x256xf32, #tpu.memory_space<vmem>>, vector<1x16xf32>,
      %get3A_433 = vector.shape_cast %get3A_432 : vector<1x16xf32> to vector<16xf32>
      %mul3A_434 = arith.mulf %get3A_433, %get3A_380 : vector<16xf32>
      %swap3A_435 = arith.index_cast %scan3A_374 : i32 to index
      %swap3A_436 = arith.constant 80 : index
      %swap3A_437 = tpu.vector_load %arg10[%swap3A_435, %swap3A_436] {strides = array<i32>} : memref<128x256xf32, #tpu.memory_space<vmem>>, vector<1x16xf32>,
      %swap3A_438 = vector.shape_cast %swap3A_437 : vector<1x16xf32> to vector<16xf32>
      %swap3A_439 = vector.shape_cast %mul3A_434 : vector<16xf32> to vector<1x16xf32>
      tpu.vector_store %arg10[%swap3A_435, %swap3A_436], %swap3A_439 {strides = array<i32>} : memref<128x256xf32, #tpu.memory_space<vmem>>, vector<1x16xf32>,
      %get3A_440 = arith.index_cast %scan3A_374 : i32 to index
      %get3A_441 = arith.constant 96 : index
      %get3A_442 = tpu.vector_load %arg10[%get3A_440, %get3A_441] {strides = array<i32>} : memref<128x256xf32, #tpu.memory_space<vmem>>, vector<1x16xf32>,
      %get3A_443 = vector.shape_cast %get3A_442 : vector<1x16xf32> to vector<16xf32>
      %mul3A_444 = arith.mulf %get3A_443, %get3A_380 : vector<16xf32>
      %swap3A_445 = arith.index_cast %scan3A_374 : i32 to index
      %swap3A_446 = arith.constant 96 : index
      %swap3A_447 = tpu.vector_load %arg10[%swap3A_445, %swap3A_446] {strides = array<i32>} : memref<128x256xf32, #tpu.memory_space<vmem>>, vector<1x16xf32>,
      %swap3A_448 = vector.shape_cast %swap3A_447 : vector<1x16xf32> to vector<16xf32>
      %swap3A_449 = vector.shape_cast %mul3A_444 : vector<16xf32> to vector<1x16xf32>
      tpu.vector_store %arg10[%swap3A_445, %swap3A_446], %swap3A_449 {strides = array<i32>} : memref<128x256xf32, #tpu.memory_space<vmem>>, vector<1x16xf32>,
      %get3A_450 = arith.index_cast %scan3A_374 : i32 to index
      %get3A_451 = arith.constant 112 : index
      %get3A_452 = tpu.vector_load %arg10[%get3A_450, %get3A_451] {strides = array<i32>} : memref<128x256xf32, #tpu.memory_space<vmem>>, vector<1x16xf32>,
      %get3A_453 = vector.shape_cast %get3A_452 : vector<1x16xf32> to vector<16xf32>
      %mul3A_454 = arith.mulf %get3A_453, %get3A_380 : vector<16xf32>
      %swap3A_455 = arith.index_cast %scan3A_374 : i32 to index
      %swap3A_456 = arith.constant 112 : index
      %swap3A_457 = tpu.vector_load %arg10[%swap3A_455, %swap3A_456] {strides = array<i32>} : memref<128x256xf32, #tpu.memory_space<vmem>>, vector<1x16xf32>,
      %swap3A_458 = vector.shape_cast %swap3A_457 : vector<1x16xf32> to vector<16xf32>
      %swap3A_459 = vector.shape_cast %mul3A_454 : vector<16xf32> to vector<1x16xf32>
      tpu.vector_store %arg10[%swap3A_455, %swap3A_456], %swap3A_459 {strides = array<i32>} : memref<128x256xf32, #tpu.memory_space<vmem>>, vector<1x16xf32>,
      %get3A_460 = arith.index_cast %scan3A_374 : i32 to index
      %get3A_461 = arith.constant 128 : index
      %get3A_462 = tpu.vector_load %arg10[%get3A_460, %get3A_461] {strides = array<i32>} : memref<128x256xf32, #tpu.memory_space<vmem>>, vector<1x16xf32>,
      %get3A_463 = vector.shape_cast %get3A_462 : vector<1x16xf32> to vector<16xf32>
      %mul3A_464 = arith.mulf %get3A_463, %get3A_380 : vector<16xf32>
      %swap3A_465 = arith.index_cast %scan3A_374 : i32 to index
      %swap3A_466 = arith.constant 128 : index
      %swap3A_467 = tpu.vector_load %arg10[%swap3A_465, %swap3A_466] {strides = array<i32>} : memref<128x256xf32, #tpu.memory_space<vmem>>, vector<1x16xf32>,
      %swap3A_468 = vector.shape_cast %swap3A_467 : vector<1x16xf32> to vector<16xf32>
      %swap3A_469 = vector.shape_cast %mul3A_464 : vector<16xf32> to vector<1x16xf32>
      tpu.vector_store %arg10[%swap3A_465, %swap3A_466], %swap3A_469 {strides = array<i32>} : memref<128x256xf32, #tpu.memory_space<vmem>>, vector<1x16xf32>,
      %get3A_470 = arith.index_cast %scan3A_374 : i32 to index
      %get3A_471 = arith.constant 144 : index
      %get3A_472 = tpu.vector_load %arg10[%get3A_470, %get3A_471] {strides = array<i32>} : memref<128x256xf32, #tpu.memory_space<vmem>>, vector<1x16xf32>,
      %get3A_473 = vector.shape_cast %get3A_472 : vector<1x16xf32> to vector<16xf32>
      %mul3A_474 = arith.mulf %get3A_473, %get3A_380 : vector<16xf32>
      %swap3A_475 = arith.index_cast %scan3A_374 : i32 to index
      %swap3A_476 = arith.constant 144 : index
      %swap3A_477 = tpu.vector_load %arg10[%swap3A_475, %swap3A_476] {strides = array<i32>} : memref<128x256xf32, #tpu.memory_space<vmem>>, vector<1x16xf32>,
      %swap3A_478 = vector.shape_cast %swap3A_477 : vector<1x16xf32> to vector<16xf32>
      %swap3A_479 = vector.shape_cast %mul3A_474 : vector<16xf32> to vector<1x16xf32>
      tpu.vector_store %arg10[%swap3A_475, %swap3A_476], %swap3A_479 {strides = array<i32>} : memref<128x256xf32, #tpu.memory_space<vmem>>, vector<1x16xf32>,
      %get3A_480 = arith.index_cast %scan3A_374 : i32 to index
      %get3A_481 = arith.constant 160 : index
      %get3A_482 = tpu.vector_load %arg10[%get3A_480, %get3A_481] {strides = array<i32>} : memref<128x256xf32, #tpu.memory_space<vmem>>, vector<1x16xf32>,
      %get3A_483 = vector.shape_cast %get3A_482 : vector<1x16xf32> to vector<16xf32>
      %mul3A_484 = arith.mulf %get3A_483, %get3A_380 : vector<16xf32>
      %swap3A_485 = arith.index_cast %scan3A_374 : i32 to index
      %swap3A_486 = arith.constant 160 : index
      %swap3A_487 = tpu.vector_load %arg10[%swap3A_485, %swap3A_486] {strides = array<i32>} : memref<128x256xf32, #tpu.memory_space<vmem>>, vector<1x16xf32>,
      %swap3A_488 = vector.shape_cast %swap3A_487 : vector<1x16xf32> to vector<16xf32>
      %swap3A_489 = vector.shape_cast %mul3A_484 : vector<16xf32> to vector<1x16xf32>
      tpu.vector_store %arg10[%swap3A_485, %swap3A_486], %swap3A_489 {strides = array<i32>} : memref<128x256xf32, #tpu.memory_space<vmem>>, vector<1x16xf32>,
      %get3A_490 = arith.index_cast %scan3A_374 : i32 to index
      %get3A_491 = arith.constant 176 : index
      %get3A_492 = tpu.vector_load %arg10[%get3A_490, %get3A_491] {strides = array<i32>} : memref<128x256xf32, #tpu.memory_space<vmem>>, vector<1x16xf32>,
      %get3A_493 = vector.shape_cast %get3A_492 : vector<1x16xf32> to vector<16xf32>
      %mul3A_494 = arith.mulf %get3A_493, %get3A_380 : vector<16xf32>
      %swap3A_495 = arith.index_cast %scan3A_374 : i32 to index
      %swap3A_496 = arith.constant 176 : index
      %swap3A_497 = tpu.vector_load %arg10[%swap3A_495, %swap3A_496] {strides = array<i32>} : memref<128x256xf32, #tpu.memory_space<vmem>>, vector<1x16xf32>,
      %swap3A_498 = vector.shape_cast %swap3A_497 : vector<1x16xf32> to vector<16xf32>
      %swap3A_499 = vector.shape_cast %mul3A_494 : vector<16xf32> to vector<1x16xf32>
      tpu.vector_store %arg10[%swap3A_495, %swap3A_496], %swap3A_499 {strides = array<i32>} : memref<128x256xf32, #tpu.memory_space<vmem>>, vector<1x16xf32>,
      %get3A_500 = arith.index_cast %scan3A_374 : i32 to index
      %get3A_501 = arith.constant 192 : index
      %get3A_502 = tpu.vector_load %arg10[%get3A_500, %get3A_501] {strides = array<i32>} : memref<128x256xf32, #tpu.memory_space<vmem>>, vector<1x16xf32>,
      %get3A_503 = vector.shape_cast %get3A_502 : vector<1x16xf32> to vector<16xf32>
      %mul3A_504 = arith.mulf %get3A_503, %get3A_380 : vector<16xf32>
      %swap3A_505 = arith.index_cast %scan3A_374 : i32 to index
      %swap3A_506 = arith.constant 192 : index
      %swap3A_507 = tpu.vector_load %arg10[%swap3A_505, %swap3A_506] {strides = array<i32>} : memref<128x256xf32, #tpu.memory_space<vmem>>, vector<1x16xf32>,
      %swap3A_508 = vector.shape_cast %swap3A_507 : vector<1x16xf32> to vector<16xf32>
      %swap3A_509 = vector.shape_cast %mul3A_504 : vector<16xf32> to vector<1x16xf32>
      tpu.vector_store %arg10[%swap3A_505, %swap3A_506], %swap3A_509 {strides = array<i32>} : memref<128x256xf32, #tpu.memory_space<vmem>>, vector<1x16xf32>,
      %get3A_510 = arith.index_cast %scan3A_374 : i32 to index
      %get3A_511 = arith.constant 208 : index
      %get3A_512 = tpu.vector_load %arg10[%get3A_510, %get3A_511] {strides = array<i32>} : memref<128x256xf32, #tpu.memory_space<vmem>>, vector<1x16xf32>,
      %get3A_513 = vector.shape_cast %get3A_512 : vector<1x16xf32> to vector<16xf32>
      %mul3A_514 = arith.mulf %get3A_513, %get3A_380 : vector<16xf32>
      %swap3A_515 = arith.index_cast %scan3A_374 : i32 to index
      %swap3A_516 = arith.constant 208 : index
      %swap3A_517 = tpu.vector_load %arg10[%swap3A_515, %swap3A_516] {strides = array<i32>} : memref<128x256xf32, #tpu.memory_space<vmem>>, vector<1x16xf32>,
      %swap3A_518 = vector.shape_cast %swap3A_517 : vector<1x16xf32> to vector<16xf32>
      %swap3A_519 = vector.shape_cast %mul3A_514 : vector<16xf32> to vector<1x16xf32>
      tpu.vector_store %arg10[%swap3A_515, %swap3A_516], %swap3A_519 {strides = array<i32>} : memref<128x256xf32, #tpu.memory_space<vmem>>, vector<1x16xf32>,
      %get3A_520 = arith.index_cast %scan3A_374 : i32 to index
      %get3A_521 = arith.constant 224 : index
      %get3A_522 = tpu.vector_load %arg10[%get3A_520, %get3A_521] {strides = array<i32>} : memref<128x256xf32, #tpu.memory_space<vmem>>, vector<1x16xf32>,
      %get3A_523 = vector.shape_cast %get3A_522 : vector<1x16xf32> to vector<16xf32>
      %mul3A_524 = arith.mulf %get3A_523, %get3A_380 : vector<16xf32>
      %swap3A_525 = arith.index_cast %scan3A_374 : i32 to index
      %swap3A_526 = arith.constant 224 : index
      %swap3A_527 = tpu.vector_load %arg10[%swap3A_525, %swap3A_526] {strides = array<i32>} : memref<128x256xf32, #tpu.memory_space<vmem>>, vector<1x16xf32>,
      %swap3A_528 = vector.shape_cast %swap3A_527 : vector<1x16xf32> to vector<16xf32>
      %swap3A_529 = vector.shape_cast %mul3A_524 : vector<16xf32> to vector<1x16xf32>
      tpu.vector_store %arg10[%swap3A_525, %swap3A_526], %swap3A_529 {strides = array<i32>} : memref<128x256xf32, #tpu.memory_space<vmem>>, vector<1x16xf32>,
      %get3A_530 = arith.index_cast %scan3A_374 : i32 to index
      %get3A_531 = arith.constant 240 : index
      %get3A_532 = tpu.vector_load %arg10[%get3A_530, %get3A_531] {strides = array<i32>} : memref<128x256xf32, #tpu.memory_space<vmem>>, vector<1x16xf32>,
      %get3A_533 = vector.shape_cast %get3A_532 : vector<1x16xf32> to vector<16xf32>
      %mul3A_534 = arith.mulf %get3A_533, %get3A_380 : vector<16xf32>
      %swap3A_535 = arith.index_cast %scan3A_374 : i32 to index
      %swap3A_536 = arith.constant 240 : index
      %swap3A_537 = tpu.vector_load %arg10[%swap3A_535, %swap3A_536] {strides = array<i32>} : memref<128x256xf32, #tpu.memory_space<vmem>>, vector<1x16xf32>,
      %swap3A_538 = vector.shape_cast %swap3A_537 : vector<1x16xf32> to vector<16xf32>
      %swap3A_539 = vector.shape_cast %mul3A_534 : vector<16xf32> to vector<1x16xf32>
      tpu.vector_store %arg10[%swap3A_535, %swap3A_536], %swap3A_539 {strides = array<i32>} : memref<128x256xf32, #tpu.memory_space<vmem>>, vector<1x16xf32>,
    }
    %scan3A_355 = arith.constant 128 : i32
    %add3A_356 = arith.constant 896 : i32
    %add3A_357 = arith.addi %mul3A_2, %add3A_356 : i32
    %dma_start3A_358 = arith.constant 0 : i32
    %dma_start3A_359 = tpu.memref_slice %arg5[%add3A_357, %dma_start3A_358] : memref<32768x256xf32, #tpu.memory_space<hbm>> -> memref<128x256xf32, #tpu.memory_space<hbm>>
    %dma_start3A_360 = arith.constant 0 : i32
    %dma_start3A_361 = tpu.memref_slice %arg5[%add3A_357, %dma_start3A_360] : memref<32768x256xf32, #tpu.memory_space<hbm>> -> memref<128x256xf32, #tpu.memory_space<hbm>>
    tpu.enqueue_dma source(%arg10 : memref<128x256xf32, #tpu.memory_space<vmem>>) target(%dma_start3A_361 : memref<128x256xf32, #tpu.memory_space<hbm>>) target_semaphore(%arg16 : memref<!tpu.dma_semaphore, #tpu.memory_space<semaphore_mem>>)
    %dma_wait3A_362 = arith.constant 0 : i32
    %dma_wait3A_363 = tpu.memref_slice %arg5[%add3A_319, %dma_wait3A_362] : memref<32768x256xf32, #tpu.memory_space<hbm>> -> memref<128x256xf32, #tpu.memory_space<hbm>>
    %dma_wait3A_364 = arith.constant 0 : i32
    %dma_wait3A_365 = tpu.memref_slice %arg5[%add3A_319, %dma_wait3A_364] : memref<32768x256xf32, #tpu.memory_space<hbm>> -> memref<128x256xf32, #tpu.memory_space<hbm>>
    tpu.wait_dma2 semaphore(%arg17 : memref<!tpu.dma_semaphore, #tpu.memory_space<semaphore_mem>>) src(%arg11 : memref<128x256xf32, #tpu.memory_space<vmem>>) dst(%dma_wait3A_365 : memref<128x256xf32, #tpu.memory_space<hbm>>)
    %dma_wait3A_366 = arith.constant 0 : i32
    %dma_wait3A_367 = tpu.memref_slice %arg5[%add3A_338, %dma_wait3A_366] : memref<32768x256xf32, #tpu.memory_space<hbm>> -> memref<128x256xf32, #tpu.memory_space<hbm>>
    %dma_wait3A_368 = arith.constant 0 : i32
    %dma_wait3A_369 = tpu.memref_slice %arg5[%add3A_338, %dma_wait3A_368] : memref<32768x256xf32, #tpu.memory_space<hbm>> -> memref<128x256xf32, #tpu.memory_space<hbm>>
    tpu.wait_dma2 semaphore(%arg15 : memref<!tpu.dma_semaphore, #tpu.memory_space<semaphore_mem>>) src(%arg9 : memref<128x256xf32, #tpu.memory_space<vmem>>) dst(%dma_wait3A_369 : memref<128x256xf32, #tpu.memory_space<hbm>>)
    %dma_wait3A_370 = arith.constant 0 : i32
    %dma_wait3A_371 = tpu.memref_slice %arg5[%add3A_357, %dma_wait3A_370] : memref<32768x256xf32, #tpu.memory_space<hbm>> -> memref<128x256xf32, #tpu.memory_space<hbm>>
    %dma_wait3A_372 = arith.constant 0 : i32
    %dma_wait3A_373 = tpu.memref_slice %arg5[%add3A_357, %dma_wait3A_372] : memref<32768x256xf32, #tpu.memory_space<hbm>> -> memref<128x256xf32, #tpu.memory_space<hbm>>
    tpu.wait_dma2 semaphore(%arg16 : memref<!tpu.dma_semaphore, #tpu.memory_space<semaphore_mem>>) src(%arg10 : memref<128x256xf32, #tpu.memory_space<vmem>>) dst(%dma_wait3A_373 : memref<128x256xf32, #tpu.memory_space<hbm>>)
    return
  }
}

</mosaic_0001>

<sc_bundles>
// kernel: kernel.3.cloned.1.call-start
scs
__scs_entry_jumppad:
0x0: {  	(pc) =	sbr.rel $0x88, $3  }
0x1: {  	(tag) =	ssettag $0x0;
	lr =	simm.s32 $0x1  }
0x2: {  	[smem:$0x3F9E] =	sst lr;
	_ =	strace $0xD0000000  }
0x3: {  	_ = 	snop  }
0x4: {  	_ = 	snop  }
0x5: {  	_ = 	snop  }
0x6: {  	_ = 	snop  }
0x7: {  	_ = 	snop  }
__scs_overlays_trampoline_lowered:
0x8: {  	[smem:$0x3FAD] =	sst s0  }
0x9: {  	[smem:$0x3FAE] =	sst s1  }
0xa: {  	[smem:$0x3FAF] =	sst s2  }
0xb: {  	[smem:$0x3FB0] =	sst s3  }
0xc: {  	[smem:$0x3FB1] =	sst s4  }
0xd: {  	[smem:$0x3FB2] =	sst s5  }
0xe: {  	[smem:$0x3FB3] =	sst s6  }
0xf: {  	[smem:$0x3FB4] =	sst s7  }
0x10: {  	[smem:$0x3FB5] =	sst s8  }
0x11: {  	[smem:$0x3FB6] =	sst s9;
	s0 =	simm.s32 @!p0 $0x0  }
0x12: {  	s1 =	sld [smem:$0x3F9C];
	s0 =	simm.s32 @p0 $0x1  }
0x13: {  	[smem:$0x3FB7] =	sst s0;
	s0 =	simm.s32 @!p1 $0x0  }
0x14: {  	s2 =	sld [smem:$0x3F9B];
	s0 =	simm.s32 @p1 $0x1  }
0x15: {  	[smem:$0x3FB8] =	sst s0;
	s0 =	simm.s32 @!p2 $0x0  }
0x16: {  	s3 =	sld [smem:$0x3FDB];
	s0 =	simm.s32 @p2 $0x1  }
0x17: {  	s4 =	simm.s32 $0x1BF5;
	[smem:$0x3FBA] =	sst s0  }
0x18: {  	s0 =	sld [smem:$0x3F9D];
	_ =	swait.ge [sflag:s4], $0x0  }
0x19: {  	s7 =	sld [smem:$0x3F9E]  }
0x1a: {  	s8 =	sadd.s32 $0xFFFFE003, lr  }
0x1b: {  	s9 =	sadd.s32 $0xFFFFFEF7, lr;
	s5 =	simm.s32 $0xFFFFFFFF;
	p2 =	slt.u32 s8, $0xFFFFF086  }
0x1c: {  	p1 =	slt.u32 s9, $0xF7A;
	s5 =	simm.s32 @!p2 $0x0  }
0x1d: {  	s5 =	simm.s32 @p1 $0x1;
	p0 =	seq.s32 s7, s2  }
0x1e: {  	s7 =	smul.u32 @!p0 $0xF7A, s2;
	p2 =	seq.s32 @!p0 s5, $0x0  }
0x1f: {  	s9 =	smul.u32 $0xF7A, s1;
	s8 =	simm.s32 @!p0 $0x1BF5;
	p2 =	por !p2, p0  }
0x20: {  	[sflag:s8] =	ssyncset.s32 @!p0 $0xFFFFF086;
	s6 =	sadd.s32 @!p0 s3, s7;
	s7 =	simm.s32 @!p0 $0x108  }
0x21: {  	s3 =	sadd.s32 s3, s9;
	s6 =	sadd.s32 @!p0 $0x88, s6;
	s7 =	simm.s32 @p2 $0x1082  }
0x22: {  	[simem:s7], [sflag:s8] =	dma.local @!p0 [hbm:s6], $0xF7A  }
0x23: {  	s9 =	sor.u32 $0xD0000000, s2;
	s6 =	simm.s32 $0x108;
	_ =	swait.ge @!p0 [sflag:s8], $0x0  }
0x24: {  	s3 =	sadd.s32 $0x88, s3;
	s6 =	simm.s32 @!p1 $0x1082;
	[sflag:s4] =	ssyncset.s32 $0xFFFFF086  }
0x25: {  	[simem:s6], [sflag:s4] =	dma.local [hbm:s3], $0xF7A  }
0x26: {  	[smem:$0x3F9E] =	sst s1;
	(tag) =	ssettag s2;
	_ =	strace s9  }
0x27: {  	s1 =	sld [smem:$0x3FAE]  }
0x28: {  	s2 =	sld [smem:$0x3FAF]  }
0x29: {  	s4 =	sld [smem:$0x3FB1]  }
0x2a: {  	p0 =	seq.s32 s5, $0x0;
	s5 =	sld [smem:$0x3FB2]  }
0x2b: {  	s6 =	sld [smem:$0x3FB3]  }
0x2c: {  	s7 =	sld [smem:$0x3FB4]  }
0x2d: {  	s3 =	simm.s32 $0x108;
	s8 =	sld [smem:$0x3FB5]  }
0x2e: {  	s3 =	simm.s32 @!p0 $0x1082;
	s9 =	sld [smem:$0x3FB6]  }
0x2f: {  	lr =	sadd.s32 s0, s3;
	s0 =	sld [smem:$0x3FAD]  }
0x30: {  	s3 =	sld [smem:$0x3FB0]  }
0x31: {  	[smem:$0x3FB9] =	sst s10  }
0x32: {  	s10 =	sld [smem:$0x3FB7];
	_ =	sdelay $0x3  }
0x33: {  	p0 =	seq.s32 s10, $0x1;
	s10 =	sld [smem:$0x3FB9];
	_ =	sdelay $0x3  }
0x34: {  	[smem:$0x3FB9] =	sst s10  }
0x35: {  	s10 =	sld [smem:$0x3FB8];
	_ =	sdelay $0x3  }
0x36: {  	p1 =	seq.s32 s10, $0x1;
	s10 =	sld [smem:$0x3FB9];
	_ =	sdelay $0x3  }
0x37: {  	[smem:$0x3FB9] =	sst s10  }
0x38: {  	s10 =	sld [smem:$0x3FBA]  }
0x39: {  	_ = 	snop;
	(pc) =	sbr.ind lr, $3  }
0x3a: {  	_ = 	snop  }
0x3b: {  	_ = 	snop  }
0x3c: {  	p2 =	seq.s32 s10, $0x1;
	s10 =	sld [smem:$0x3FB9]  }
0x3d: {  	_ =	shalt  }
0x3e: {  	_ =	shalt  }
0x3f: {  	_ =	shalt  }
0x40: {  	_ =	shalt  }
0x41: {  	_ =	shalt  }
0x42: {  	_ =	shalt  }
0x43: {  	_ =	shalt  }
0x44: {  	_ =	shalt  }
0x45: {  	_ =	shalt  }
0x46: {  	_ =	shalt  }
0x47: {  	_ =	shalt  }
0x48: {  	_ =	shalt  }
0x49: {  	_ =	shalt  }
0x4a: {  	_ =	shalt  }
0x4b: {  	_ =	shalt  }
0x4c: {  	_ =	shalt  }
0x4d: {  	_ =	shalt  }
0x4e: {  	_ =	shalt  }
0x4f: {  	_ =	shalt  }
0x50: {  	_ =	shalt  }
0x51: {  	_ =	shalt  }
0x52: {  	_ =	shalt  }
0x53: {  	_ =	shalt  }
0x54: {  	_ =	shalt  }
0x55: {  	_ =	shalt  }
0x56: {  	_ =	shalt  }
0x57: {  	_ =	shalt  }
0x58: {  	_ =	shalt  }
0x59: {  	_ =	shalt  }
0x5a: {  	_ =	shalt  }
0x5b: {  	_ =	shalt  }
0x5c: {  	_ =	shalt  }
0x5d: {  	_ =	shalt  }
0x5e: {  	_ =	shalt  }
0x5f: {  	_ =	shalt  }
0x60: {  	_ =	shalt  }
0x61: {  	_ =	shalt  }
0x62: {  	_ =	shalt  }
0x63: {  	_ =	shalt  }
0x64: {  	_ =	shalt  }
0x65: {  	_ =	shalt  }
0x66: {  	_ =	shalt  }
0x67: {  	_ =	shalt  }
0x68: {  	_ =	shalt  }
0x69: {  	_ =	shalt  }
0x6a: {  	_ =	shalt  }
0x6b: {  	_ =	shalt  }
0x6c: {  	_ =	shalt  }
0x6d: {  	_ =	shalt  }
0x6e: {  	_ =	shalt  }
0x6f: {  	_ =	shalt  }
0x70: {  	_ =	shalt  }
0x71: {  	_ =	shalt  }
0x72: {  	_ =	shalt  }
0x73: {  	_ =	shalt  }
0x74: {  	_ =	shalt  }
0x75: {  	_ =	shalt  }
0x76: {  	_ =	shalt  }
0x77: {  	_ =	shalt  }
0x78: {  	_ =	shalt  }
0x79: {  	_ =	shalt  }
0x7a: {  	_ =	shalt  }
0x7b: {  	_ =	shalt  }
0x7c: {  	_ =	shalt  }
0x7d: {  	_ =	shalt  }
0x7e: {  	_ =	shalt  }
0x7f: {  	_ =	shalt  }
0x80: {  	_ =	shalt  }
0x81: {  	_ =	shalt  }
0x82: {  	_ =	shalt  }
0x83: {  	_ =	shalt  }
0x84: {  	_ =	shalt  }
0x85: {  	_ =	shalt  }
0x86: {  	_ =	shalt  }
0x87: {  	_ =	shalt  }
.Lfunc_end0:
.L_simem_size_0:
called_computation_lowered:
.L_overlay_start_0:
0x88: {  	s2 =	sld [smem:$0x3FD9]  }
0x89: {  	s3 =	sld [smem:$0x3FFE];
	_ =	sdelay $0x1  }
0x8a: {  	s1 =	srdreg.scid  }
0x8b: {  	s0 =	sand.u32 $0x1, s1  }
0x8c: {  	s17 =	sshll.u32 s0, $0xA;
	s2 =	sadd.s32 s3, s2  }
0x8d: {  	s2 =	sadd.s32 s2, s17  }
0x8e: {  	[smem:$0x3FC5] =	sst s2  }
0x8f: {  	_ = 	snop  }
0x90: {  	s2 =	sld [smem:$0x3FC8]  }
0x91: {  	s18 =	sld [smem:$0x3FC7]  }
0x92: {  	s4 =	sld [smem:$0x3FD0];
	(tm) =	ssettm $0x1  }
0x93: {  	s5 =	sld [smem:$0x3FFB];
	_ =	sdelay $0x3  }
0x94: {  	_ =	strace s5  }
0x95: {  	s5 =	sld [smem:$0x3FFC];
	_ =	sdelay $0x3  }
0x96: {  	_ =	strace s5  }
0x97: {  	s5 =	sld [smem:$0x3FFD];
	_ =	sdelay $0x3  }
0x98: {  	_ =	strace s5  }
0x99: {  	_ =	strace $0x8FFFFFFF  }
0x9a: {  	s19 =	sld [smem:$0x3FDB];
	_ =	sdelay $0x1  }
0x9b: {  	s6 =	simm.s32 $_scs_section_size  }
0x9c: {  	s7 =	simm.s32 $_size__tile_overlayer_lowered;
	s8 =	simm.s32 $_tile_overlayer_lowered  }
0x9d: {  	s22 =	simm.s32 $0x1BFF;
	s21 =	sshll.u32 s8, $0x1;
	s5 =	sadd.s32 s6, s19  }
0x9e: {  	s9 =	simm.s32 $0x0;
	s20 =	sshll.u32 s7, $0x1;
	s7 =	sadd.s32 s21, s5  }
0x9f: {  	[timem:s9], [sflag:s22] =	dma.local [hbm:s7], s20  }
0xa0: {  	_ =	swait.ge [sflag:s22], s20  }
0xa1: {  	s6 =	ssub.s32 $0x0, s20;
	[sflag:s22] =	ssyncset.done $0x0  }
0xa2: {  	[sflag:s22] =	ssyncadd.s32 s6;
	_ =	sdelay $0x1  }
0xa3: {  	s23 =	simm.s32 $0x1B8B  }
0xa4: {  	_ =	swait.ge [sflag:s23], $0x1  }
0xa5: {  	[sflag:s23] =	ssyncset.done $0x0  }
0xa6: {  	s25 =	simm.s32 $0x1B8E;
	s24 =	sld [smem:$0x3FFE];
	[sflag:s23] =	ssyncadd.s32 $0xFFFFFFFF  }
0xa7: {  	s26 =	simm.s32 $execute0_lowered;
	[smem:$0x3FD2] =	sst s25  }
0xa8: {  	s7 =	sshll.u32 s26, $0x1;
	_ =	strace $0x80000046;
	[dreg:$0x1] =	wrdreg $0xFFFFFFFF  }
0xa9: {  	s28 =	simm.s32 $_size_execute0_lowered;
	s5 =	sadd.s32 s5, s7;
	[dreg:$0x0] =	wrdreg $0x0  }
0xaa: {  	s7 =	sshll.u32 s28, $0x1;
	[dreg:$0x2] =	wrdreg s5  }
0xab: {  	[dreg:$0x3] =	wrdreg s7  }
0xac: {  	[dreg:$0x4] =	wrdreg $0xC0  }
0xad: {  	_ =	task [dreg:s9], $0x5FFFF  }
0xae: {  	[dreg:$0x1] =	wrdreg $0xFFFFFFFF  }
0xaf: {  	[dreg:$0x0] =	wrdreg $0x60  }
0xb0: {  	[dreg:$0x2] =	wrdreg s2  }
0xb1: {  	[dreg:$0x3] =	wrdreg s18  }
0xb2: {  	[dreg:$0x4] =	wrdreg s24  }
0xb3: {  	[dreg:$0x5] =	wrdreg s4  }
0xb4: {  	[dreg:$0x6] =	wrdreg $0x9  }
0xb5: {  	_ =	task.clear_ibuf [dreg:s9], $0x7FFFF;
	_ =	strace $0x90000046  }
0xb6: {  	s29 =	simm.s32 $0x9;
	_ =	strace $0x80000048  }
0xb7: {  	_ =	swait.ge [sflag:s29], $0x1  }
0xb8: {  	[sflag:s29] =	ssyncadd.s32 $0xFFFFFFFF  }
0xb9: {  	_ =	strace $0x90000048  }
0xba: {  	_ =	sfence  }
0xbb: {  	s30 =	sld [smem:$0x0];
	_ =	sdelay $0x2  }
0xbc: {  	s31 =	sshll.u32 s1, $0xD;
	s1 =	sshrl.u32 s1, $0x2  }
0xbd: {  	s3 =	sand.u32 $0x4000, s31;
	s1 =	sadd.s32 s1, s30  }
0xbe: {  	s0 =	sor.u32 s3, s0;
	s1 =	sshll.u32 s1, $0x11  }
0xbf: {  	s0 =	sor.u32 s1, s0  }
0xc0: {  	s0 =	sadd.s32 $0x8F2B, s0  }
0xc1: {  	[sflag:s0] =	ssyncadd.remote.s32 $0x1  }
0xc2: {  	_ =	sfence.sel $0xFFFF  }
0xc3: {  	[dreg:$0x0] =	wrdreg $0xFFFFFFFF;
	(pc) =	sbr.abs _section_cstart, $3  }
0xc4: {  	[dreg:$0x1] =	wrdreg $0xFFFFFFFF  }
0xc5: {  	_ =	task.clear_ibuf [dreg:s9], $0x2FFFF;
	_ =	strace $0x9FFFFFFF  }
0xc6: {  	(tm) =	ssettm $0x7FFFFFFF  }
0xc7: {  	_ =	shalt  }
tec
execute0_lowered:
.L_overlay_start_1:
0x0: {  	(tag) =	ssettag $0x1  }
0x1: {  	s1 =	rddreg [dreg:$0x0]  }
0x2: {  	s2 =	rddreg [dreg:$0x1]  }
0x3: {  	s0 =	rddreg [dreg:$0x2]  }
0x4: {  	s3 =	rddreg [dreg:$0x3];
	s5 =	srdreg.scid;
	s4 =	simm.s32 $0x0  }
0x5: {  	s6 =	stileid.u32;
	s16 =	simm.s32 $0x80;
	s13 =	simm.s32 $0x10000  }
0x6: {  	s14 =	simm.s32 $0x10800;
	s15 =	simm.s32 $0x11800;
	s5 =	sand.u32 $0x1, s5  }
0x7: {  	s17 =	simm.s32 $0x12800;
	s6 =	sshll.u32 s6, $0xB;
	s7 =	sshll.u32 s5, $0xA  }
0x8: {  	[smem:$0x7FF] =	sst s4;
	s5 =	ssub.s32 $0x2, s5;
	s6 =	sor.u32 s7, s6  }
0x9: {  	s8 =	sshrl.u32 s5, $0x1;
	s7 =	sshrl.u32 s6, $0x3;
	s6 =	sshll.u32 s6, $0x5  }
0xa: {  	_ =	strace $0x80000047;
	s5 =	ssub.s32 s5, s8;
	s3 =	sadd.s32 s3, s6  }
0xb: {  	s0 =	sadd.s32 s7, s0;
	s31 =	smax.u32 s5, $0x1;
	[dreg:$0x5] =	wrdreg s3  }
0xc: {  	s18 =	simm.s32 $0x13000;
	s0 =	sadd.s32 $0x400, s0;
	[dreg:$0xe] =	wrdreg s31  }
0xd: {  	s19 =	simm.s32 $0x13800;
	s20 =	sadd.s32 $0x1000, s3;
	[dreg:$0x6] =	wrdreg s0  }
0xe: {  	s28 =	simm.s32 $0x5;
	s21 =	sadd.s32 $0x2000, s3;
	[dreg:$0x7] =	wrdreg s20  }
0xf: {  	s29 =	simm.s32 $0x6;
	s22 =	sadd.s32 $0x3000, s3;
	[dreg:$0x8] =	wrdreg s21  }
0x10: {  	s30 =	simm.s32 $0x0;
	s23 =	sadd.s32 $0x4000, s3;
	[dreg:$0x9] =	wrdreg s22  }
0x11: {  	s6 =	simm.s32 $0xC800;
	s24 =	sadd.s32 $0x5000, s3;
	[dreg:$0xa] =	wrdreg s23  }
0x12: {  	s5 =	simm.s32 $0x11000;
	s25 =	sadd.s32 $0x6000, s3;
	[dreg:$0xb] =	wrdreg s24  }
0x13: {  	s26 =	sadd.s32 $0x7000, s3;
	s3 =	simm.s32 $0x12000;
	[dreg:$0xc] =	wrdreg s25  }
0x14: {  	v2 =	vlaneseq.u32;
	[dreg:$0xd] =	wrdreg s26;
	s0 =	simm.s32 $0x4800;
	s20 =	simm.s32 $0x14000  }
0x15: {  	vm0 =	vmmov $0xffff;
	v1 =	vshrl.u32 v2, $0x3;
	s21 =	simm.s32 $0x7;
	s22 =	simm.s32 $0x1;
	s23 =	simm.s32 $0x14800  }
0x16: {  	v0 =	vand.u32 $0x7, v2;
	v2 =	vor.u32 $0x8, v2;
	v1 =	vmul.u32 $0x8, v1;
	s24 =	simm.s32 $0x2;
	s25 =	simm.s32 $0x4;
	s26 =	simm.s32 $0x3  }
.LBB2_1:
0x17: {  	s7 =	rddreg [dreg:$0x6];
	s8 =	simm.s32 $0x8  }
0x18: {  	[tilespmem:s4], [sflag:$0x8] =	stream.linear.gather [hbm4b:s7+s4], $0x400, $0x38;
	[tilespmem:$0x1C800] =	vst v63  }
0x19: {  	_ =	swait.ge [sflag:s8], $0x400  }
0x1a: {  	[sflag:s8] =	ssyncset.done $0x0  }
0x1b: {  	s9 =	simm.s32 $0x400;
	[sflag:s8] =	ssyncadd.s32 $0xFFFFFC00  }
0x1c: {  	[tilespmem:s9], [sflag:$0x7] =	stream.indirect.gather [hbm4b:s2+s16], $0x1, s4, s16, $0xb8;
	[tilespmem:$0x1C800] =	vst v63  }
0x1d: {  	s10 =	simm.s32 $0x480  }
0x1e: {  	[tilespmem:s10], [sflag:$0x7] =	stream.indirect.gather [hbm4b:s2+s16], $0x1, s16, s16, $0xb8;
	[tilespmem:$0x1C800] =	vst v63  }
0x1f: {  	s11 =	simm.s32 $0x100;
	s8 =	simm.s32 $0x500  }
0x20: {  	[tilespmem:s8], [sflag:$0x7] =	stream.indirect.gather [hbm4b:s2+s16], $0x1, s11, s16, $0xb8;
	[tilespmem:$0x1C800] =	vst v63  }
0x21: {  	s12 =	simm.s32 $0x180;
	s31 =	simm.s32 $0x580  }
0x22: {  	[tilespmem:s31], [sflag:$0x7] =	stream.indirect.gather [hbm4b:s2+s16], $0x1, s12, s16, $0xb8;
	[tilespmem:$0x1C800] =	vst v63  }
0x23: {  	s9 =	simm.s32 $0x600;
	s8 =	simm.s32 $0x200  }
0x24: {  	[tilespmem:s9], [sflag:$0x7] =	stream.indirect.gather [hbm4b:s2+s16], $0x1, s8, s16, $0xb8;
	[tilespmem:$0x1C800] =	vst v63  }
0x25: {  	s10 =	simm.s32 $0x280;
	s11 =	simm.s32 $0x680  }
0x26: {  	[tilespmem:s11], [sflag:$0x7] =	stream.indirect.gather [hbm4b:s2+s16], $0x1, s10, s16, $0xb8;
	[tilespmem:$0x1C800] =	vst v63  }
0x27: {  	s12 =	simm.s32 $0x300;
	s31 =	simm.s32 $0x700  }
0x28: {  	[tilespmem:s31], [sflag:$0x7] =	stream.indirect.gather [hbm4b:s2+s16], $0x1, s12, s16, $0xb8;
	[tilespmem:$0x1C800] =	vst v63  }
0x29: {  	s8 =	simm.s32 $0x380;
	s9 =	simm.s32 $0x780  }
0x2a: {  	[tilespmem:s9], [sflag:$0x7] =	stream.indirect.gather [hbm4b:s2+s16], $0x1, s8, s16, $0xb8;
	[tilespmem:$0x1C800] =	vst v63  }
0x2b: {  	v3 =	vld [tilespmem:$0x0];
	_ =	sdelay $0x4  }
0x2c: {  	v4 =	vshll.u32 v3, $0x1  }
0x2d: {  	v3 =	vand.u32 $0x7, v3;
	v4 =	vand.u32 $0xFFFFFFF0, v4  }
0x2e: {  	v3 =	vor.u32 v3, v4  }
0x2f: {  	v4 =	vperm.xlane v3, v0;
	_ =	sdelay $0x1  }
0x30: {  	v3 =	vperm.xlane v3, v2;
	v4 =	vadd.s32 v1, v4;
	_ =	sdelay $0x1  }
0x31: {  	v3 =	vadd.s32 v1, v3;
	_ =	sdelay $0x2  }
0x32: {  	[tilespmem:s0], [sflag:$0x1] =	stream.indirect_vreg.gather [hbm4b:s1+s4], $0x80, v4, vm0, $0xb8;
	[tilespmem:$0x1C800] =	vst v63  }
0x33: {  	s10 =	simm.s32 $0x5000  }
0x34: {  	[tilespmem:s10], [sflag:$0x1] =	stream.indirect_vreg.gather [hbm4b:s1+s4], $0x80, v3, vm0, $0xb8;
	[tilespmem:$0x1C800] =	vst v63  }
0x35: {  	v3 =	vld [tilespmem:$0x10];
	_ =	sdelay $0x4  }
0x36: {  	v36 =	vshll.u32 v3, $0x1  }
0x37: {  	v3 =	vand.u32 $0x7, v3;
	v4 =	vand.u32 $0xFFFFFFF0, v36  }
0x38: {  	v3 =	vor.u32 v3, v4  }
0x39: {  	v4 =	vperm.xlane v3, v0;
	_ =	sdelay $0x1  }
0x3a: {  	v3 =	vperm.xlane v3, v2;
	v4 =	vadd.s32 v1, v4;
	_ =	sdelay $0x1  }
0x3b: {  	v3 =	vadd.s32 v1, v3;
	_ =	sdelay $0x1  }
0x3c: {  	s11 =	simm.s32 $0x5800  }
0x3d: {  	[tilespmem:s11], [sflag:$0x1] =	stream.indirect_vreg.gather [hbm4b:s1+s4], $0x80, v4, vm0, $0xb8;
	[tilespmem:$0x1C800] =	vst v63  }
0x3e: {  	s12 =	simm.s32 $0x6000  }
0x3f: {  	[tilespmem:s12], [sflag:$0x1] =	stream.indirect_vreg.gather [hbm4b:s1+s4], $0x80, v3, vm0, $0xb8;
	[tilespmem:$0x1C800] =	vst v63  }
0x40: {  	v3 =	vld [tilespmem:$0x20];
	_ =	sdelay $0x4  }
0x41: {  	v37 =	vshll.u32 v3, $0x1  }
0x42: {  	v3 =	vand.u32 $0x7, v3;
	v4 =	vand.u32 $0xFFFFFFF0, v37  }
0x43: {  	v3 =	vor.u32 v3, v4  }
0x44: {  	v4 =	vperm.xlane v3, v0;
	_ =	sdelay $0x1  }
0x45: {  	v3 =	vperm.xlane v3, v2;
	v4 =	vadd.s32 v1, v4;
	_ =	sdelay $0x1  }
0x46: {  	v3 =	vadd.s32 v1, v3;
	_ =	sdelay $0x1  }
0x47: {  	s31 =	simm.s32 $0x6800  }
0x48: {  	[tilespmem:s31], [sflag:$0x1] =	stream.indirect_vreg.gather [hbm4b:s1+s4], $0x80, v4, vm0, $0xb8;
	[tilespmem:$0x1C800] =	vst v63  }
0x49: {  	s8 =	simm.s32 $0x7000  }
0x4a: {  	[tilespmem:s8], [sflag:$0x1] =	stream.indirect_vreg.gather [hbm4b:s1+s4], $0x80, v3, vm0, $0xb8;
	[tilespmem:$0x1C800] =	vst v63  }
0x4b: {  	v3 =	vld [tilespmem:$0x30];
	_ =	sdelay $0x4  }
0x4c: {  	v38 =	vshll.u32 v3, $0x1  }
0x4d: {  	v3 =	vand.u32 $0x7, v3;
	v4 =	vand.u32 $0xFFFFFFF0, v38  }
0x4e: {  	v3 =	vor.u32 v3, v4  }
0x4f: {  	v4 =	vperm.xlane v3, v0;
	_ =	sdelay $0x1  }
0x50: {  	v3 =	vperm.xlane v3, v2;
	v4 =	vadd.s32 v1, v4;
	_ =	sdelay $0x1  }
0x51: {  	v3 =	vadd.s32 v1, v3;
	_ =	sdelay $0x1  }
0x52: {  	s9 =	simm.s32 $0x7800  }
0x53: {  	[tilespmem:s9], [sflag:$0x1] =	stream.indirect_vreg.gather [hbm4b:s1+s4], $0x80, v4, vm0, $0xb8;
	[tilespmem:$0x1C800] =	vst v63  }
0x54: {  	s10 =	simm.s32 $0x8000  }
0x55: {  	[tilespmem:s10], [sflag:$0x1] =	stream.indirect_vreg.gather [hbm4b:s1+s4], $0x80, v3, vm0, $0xb8;
	[tilespmem:$0x1C800] =	vst v63  }
0x56: {  	v3 =	vld [tilespmem:$0x40];
	_ =	sdelay $0x4  }
0x57: {  	v39 =	vshll.u32 v3, $0x1  }
0x58: {  	v3 =	vand.u32 $0x7, v3;
	v4 =	vand.u32 $0xFFFFFFF0, v39  }
0x59: {  	v3 =	vor.u32 v3, v4  }
0x5a: {  	v4 =	vperm.xlane v3, v0;
	_ =	sdelay $0x1  }
0x5b: {  	v3 =	vperm.xlane v3, v2;
	v4 =	vadd.s32 v1, v4;
	_ =	sdelay $0x1  }
0x5c: {  	v3 =	vadd.s32 v1, v3;
	_ =	sdelay $0x1  }
0x5d: {  	s11 =	simm.s32 $0x8800  }
0x5e: {  	[tilespmem:s11], [sflag:$0x1] =	stream.indirect_vreg.gather [hbm4b:s1+s4], $0x80, v4, vm0, $0xb8;
	[tilespmem:$0x1C800] =	vst v63  }
0x5f: {  	s12 =	simm.s32 $0x9000  }
0x60: {  	[tilespmem:s12], [sflag:$0x1] =	stream.indirect_vreg.gather [hbm4b:s1+s4], $0x80, v3, vm0, $0xb8;
	[tilespmem:$0x1C800] =	vst v63  }
0x61: {  	v3 =	vld [tilespmem:$0x50];
	_ =	sdelay $0x4  }
0x62: {  	v40 =	vshll.u32 v3, $0x1  }
0x63: {  	v3 =	vand.u32 $0x7, v3;
	v4 =	vand.u32 $0xFFFFFFF0, v40  }
0x64: {  	v3 =	vor.u32 v3, v4  }
0x65: {  	v4 =	vperm.xlane v3, v0;
	_ =	sdelay $0x1  }
0x66: {  	v3 =	vperm.xlane v3, v2;
	v4 =	vadd.s32 v1, v4;
	_ =	sdelay $0x1  }
0x67: {  	v3 =	vadd.s32 v1, v3;
	_ =	sdelay $0x1  }
0x68: {  	s31 =	simm.s32 $0x9800  }
0x69: {  	[tilespmem:s31], [sflag:$0x1] =	stream.indirect_vreg.gather [hbm4b:s1+s4], $0x80, v4, vm0, $0xb8;
	[tilespmem:$0x1C800] =	vst v63  }
0x6a: {  	s8 =	simm.s32 $0xA000  }
0x6b: {  	[tilespmem:s8], [sflag:$0x1] =	stream.indirect_vreg.gather [hbm4b:s1+s4], $0x80, v3, vm0, $0xb8;
	[tilespmem:$0x1C800] =	vst v63  }
0x6c: {  	v3 =	vld [tilespmem:$0x60];
	_ =	sdelay $0x4  }
0x6d: {  	v41 =	vshll.u32 v3, $0x1  }
0x6e: {  	v3 =	vand.u32 $0x7, v3;
	v4 =	vand.u32 $0xFFFFFFF0, v41  }
0x6f: {  	v3 =	vor.u32 v3, v4  }
0x70: {  	v4 =	vperm.xlane v3, v0;
	_ =	sdelay $0x1  }
0x71: {  	v3 =	vperm.xlane v3, v2;
	v4 =	vadd.s32 v1, v4;
	_ =	sdelay $0x1  }
0x72: {  	v3 =	vadd.s32 v1, v3;
	_ =	sdelay $0x1  }
0x73: {  	s9 =	simm.s32 $0xA800  }
0x74: {  	[tilespmem:s9], [sflag:$0x1] =	stream.indirect_vreg.gather [hbm4b:s1+s4], $0x80, v4, vm0, $0xb8;
	[tilespmem:$0x1C800] =	vst v63  }
0x75: {  	s10 =	simm.s32 $0xB000  }
0x76: {  	[tilespmem:s10], [sflag:$0x1] =	stream.indirect_vreg.gather [hbm4b:s1+s4], $0x80, v3, vm0, $0xb8;
	[tilespmem:$0x1C800] =	vst v63  }
0x77: {  	v3 =	vld [tilespmem:$0x70];
	_ =	sdelay $0x4  }
0x78: {  	v42 =	vshll.u32 v3, $0x1  }
0x79: {  	v3 =	vand.u32 $0x7, v3;
	v4 =	vand.u32 $0xFFFFFFF0, v42  }
0x7a: {  	v3 =	vor.u32 v3, v4  }
0x7b: {  	v4 =	vperm.xlane v3, v0;
	_ =	sdelay $0x1  }
0x7c: {  	v3 =	vperm.xlane v3, v2;
	v4 =	vadd.s32 v1, v4;
	_ =	sdelay $0x1  }
0x7d: {  	v3 =	vadd.s32 v1, v3;
	_ =	sdelay $0x1  }
0x7e: {  	s11 =	simm.s32 $0xB800  }
0x7f: {  	[tilespmem:s11], [sflag:$0x1] =	stream.indirect_vreg.gather [hbm4b:s1+s4], $0x80, v4, vm0, $0xb8;
	[tilespmem:$0x1C800] =	vst v63  }
0x80: {  	s12 =	simm.s32 $0xC000  }
0x81: {  	[tilespmem:s12], [sflag:$0x1] =	stream.indirect_vreg.gather [hbm4b:s1+s4], $0x80, v3, vm0, $0xb8;
	[tilespmem:$0x1C800] =	vst v63  }
0x82: {  	v3 =	vld [tilespmem:$0x80];
	_ =	sdelay $0x4  }
0x83: {  	v43 =	vshll.u32 v3, $0x1  }
0x84: {  	v3 =	vand.u32 $0x7, v3;
	v4 =	vand.u32 $0xFFFFFFF0, v43  }
0x85: {  	v3 =	vor.u32 v3, v4  }
0x86: {  	v4 =	vperm.xlane v3, v0;
	_ =	sdelay $0x1  }
0x87: {  	v3 =	vperm.xlane v3, v2;
	v4 =	vadd.s32 v1, v4;
	_ =	sdelay $0x1  }
0x88: {  	v3 =	vadd.s32 v1, v3;
	_ =	sdelay $0x2  }
0x89: {  	[tilespmem:s6], [sflag:$0x2] =	stream.indirect_vreg.gather [hbm4b:s1+s4], $0x80, v4, vm0, $0xb8;
	[tilespmem:$0x1C800] =	vst v63  }
0x8a: {  	s31 =	simm.s32 $0xD000  }
0x8b: {  	[tilespmem:s31], [sflag:$0x2] =	stream.indirect_vreg.gather [hbm4b:s1+s4], $0x80, v3, vm0, $0xb8;
	[tilespmem:$0x1C800] =	vst v63  }
0x8c: {  	v3 =	vld [tilespmem:$0x90];
	_ =	sdelay $0x4  }
0x8d: {  	v44 =	vshll.u32 v3, $0x1  }
0x8e: {  	v3 =	vand.u32 $0x7, v3;
	v4 =	vand.u32 $0xFFFFFFF0, v44  }
0x8f: {  	v3 =	vor.u32 v3, v4  }
0x90: {  	v4 =	vperm.xlane v3, v0;
	_ =	sdelay $0x1  }
0x91: {  	v3 =	vperm.xlane v3, v2;
	v4 =	vadd.s32 v1, v4;
	_ =	sdelay $0x1  }
0x92: {  	v3 =	vadd.s32 v1, v3;
	_ =	sdelay $0x1  }
0x93: {  	s8 =	simm.s32 $0xD800  }
0x94: {  	[tilespmem:s8], [sflag:$0x2] =	stream.indirect_vreg.gather [hbm4b:s1+s4], $0x80, v4, vm0, $0xb8;
	[tilespmem:$0x1C800] =	vst v63  }
0x95: {  	s9 =	simm.s32 $0xE000  }
0x96: {  	[tilespmem:s9], [sflag:$0x2] =	stream.indirect_vreg.gather [hbm4b:s1+s4], $0x80, v3, vm0, $0xb8;
	[tilespmem:$0x1C800] =	vst v63  }
0x97: {  	v3 =	vld [tilespmem:$0xA0];
	_ =	sdelay $0x4  }
0x98: {  	v45 =	vshll.u32 v3, $0x1  }
0x99: {  	v3 =	vand.u32 $0x7, v3;
	v4 =	vand.u32 $0xFFFFFFF0, v45  }
0x9a: {  	v3 =	vor.u32 v3, v4  }
0x9b: {  	v4 =	vperm.xlane v3, v0;
	_ =	sdelay $0x1  }
0x9c: {  	v3 =	vperm.xlane v3, v2;
	v4 =	vadd.s32 v1, v4;
	_ =	sdelay $0x1  }
0x9d: {  	v3 =	vadd.s32 v1, v3;
	_ =	sdelay $0x1  }
0x9e: {  	s10 =	simm.s32 $0xE800  }
0x9f: {  	[tilespmem:s10], [sflag:$0x2] =	stream.indirect_vreg.gather [hbm4b:s1+s4], $0x80, v4, vm0, $0xb8;
	[tilespmem:$0x1C800] =	vst v63  }
0xa0: {  	s11 =	simm.s32 $0xF000  }
0xa1: {  	[tilespmem:s11], [sflag:$0x2] =	stream.indirect_vreg.gather [hbm4b:s1+s4], $0x80, v3, vm0, $0xb8;
	[tilespmem:$0x1C800] =	vst v63  }
0xa2: {  	v3 =	vld [tilespmem:$0xB0];
	_ =	sdelay $0x4  }
0xa3: {  	v46 =	vshll.u32 v3, $0x1  }
0xa4: {  	v3 =	vand.u32 $0x7, v3;
	v4 =	vand.u32 $0xFFFFFFF0, v46  }
0xa5: {  	v3 =	vor.u32 v3, v4  }
0xa6: {  	v4 =	vperm.xlane v3, v0;
	_ =	sdelay $0x1  }
0xa7: {  	v3 =	vperm.xlane v3, v2;
	v4 =	vadd.s32 v1, v4;
	_ =	sdelay $0x1  }
0xa8: {  	v3 =	vadd.s32 v1, v3;
	_ =	sdelay $0x1  }
0xa9: {  	s12 =	simm.s32 $0xF800  }
0xaa: {  	[tilespmem:s12], [sflag:$0x2] =	stream.indirect_vreg.gather [hbm4b:s1+s4], $0x80, v4, vm0, $0xb8;
	[tilespmem:$0x1C800] =	vst v63  }
0xab: {  	_ = 	snop  }
0xac: {  	[tilespmem:s13], [sflag:$0x2] =	stream.indirect_vreg.gather [hbm4b:s1+s4], $0x80, v3, vm0, $0xb8;
	[tilespmem:$0x1C800] =	vst v63  }
0xad: {  	v3 =	vld [tilespmem:$0xC0];
	_ =	sdelay $0x4  }
0xae: {  	v47 =	vshll.u32 v3, $0x1  }
0xaf: {  	v3 =	vand.u32 $0x7, v3;
	v4 =	vand.u32 $0xFFFFFFF0, v47  }
0xb0: {  	v3 =	vor.u32 v3, v4  }
0xb1: {  	v4 =	vperm.xlane v3, v0;
	_ =	sdelay $0x1  }
0xb2: {  	v3 =	vperm.xlane v3, v2;
	v4 =	vadd.s32 v1, v4;
	_ =	sdelay $0x1  }
0xb3: {  	v3 =	vadd.s32 v1, v3;
	_ =	sdelay $0x2  }
0xb4: {  	[tilespmem:s14], [sflag:$0x2] =	stream.indirect_vreg.gather [hbm4b:s1+s4], $0x80, v4, vm0, $0xb8;
	[tilespmem:$0x1C800] =	vst v63  }
0xb5: {  	_ = 	snop  }
0xb6: {  	[tilespmem:s5], [sflag:$0x2] =	stream.indirect_vreg.gather [hbm4b:s1+s4], $0x80, v3, vm0, $0xb8;
	[tilespmem:$0x1C800] =	vst v63  }
0xb7: {  	v3 =	vld [tilespmem:$0xD0];
	_ =	sdelay $0x4  }
0xb8: {  	v48 =	vshll.u32 v3, $0x1  }
0xb9: {  	v3 =	vand.u32 $0x7, v3;
	v4 =	vand.u32 $0xFFFFFFF0, v48  }
0xba: {  	v3 =	vor.u32 v3, v4  }
0xbb: {  	v4 =	vperm.xlane v3, v0;
	_ =	sdelay $0x1  }
0xbc: {  	v3 =	vperm.xlane v3, v2;
	v4 =	vadd.s32 v1, v4;
	_ =	sdelay $0x1  }
0xbd: {  	v3 =	vadd.s32 v1, v3;
	_ =	sdelay $0x2  }
0xbe: {  	[tilespmem:s15], [sflag:$0x2] =	stream.indirect_vreg.gather [hbm4b:s1+s4], $0x80, v4, vm0, $0xb8;
	[tilespmem:$0x1C800] =	vst v63  }
0xbf: {  	_ = 	snop  }
0xc0: {  	[tilespmem:s3], [sflag:$0x2] =	stream.indirect_vreg.gather [hbm4b:s1+s4], $0x80, v3, vm0, $0xb8;
	[tilespmem:$0x1C800] =	vst v63  }
0xc1: {  	v3 =	vld [tilespmem:$0xE0];
	_ =	sdelay $0x4  }
0xc2: {  	v49 =	vshll.u32 v3, $0x1  }
0xc3: {  	v3 =	vand.u32 $0x7, v3;
	v4 =	vand.u32 $0xFFFFFFF0, v49  }
0xc4: {  	v3 =	vor.u32 v3, v4  }
0xc5: {  	v4 =	vperm.xlane v3, v0;
	_ =	sdelay $0x1  }
0xc6: {  	v3 =	vperm.xlane v3, v2;
	v4 =	vadd.s32 v1, v4;
	_ =	sdelay $0x1  }
0xc7: {  	v3 =	vadd.s32 v1, v3;
	_ =	sdelay $0x2  }
0xc8: {  	[tilespmem:s17], [sflag:$0x2] =	stream.indirect_vreg.gather [hbm4b:s1+s4], $0x80, v4, vm0, $0xb8;
	[tilespmem:$0x1C800] =	vst v63  }
0xc9: {  	_ = 	snop  }
0xca: {  	[tilespmem:s18], [sflag:$0x2] =	stream.indirect_vreg.gather [hbm4b:s1+s4], $0x80, v3, vm0, $0xb8;
	[tilespmem:$0x1C800] =	vst v63  }
0xcb: {  	v3 =	vld [tilespmem:$0xF0];
	_ =	sdelay $0x4  }
0xcc: {  	v50 =	vshll.u32 v3, $0x1  }
0xcd: {  	v3 =	vand.u32 $0x7, v3;
	v4 =	vand.u32 $0xFFFFFFF0, v50  }
0xce: {  	v3 =	vor.u32 v3, v4  }
0xcf: {  	v4 =	vperm.xlane v3, v0;
	_ =	sdelay $0x1  }
0xd0: {  	v3 =	vperm.xlane v3, v2;
	v4 =	vadd.s32 v1, v4;
	_ =	sdelay $0x1  }
0xd1: {  	v3 =	vadd.s32 v1, v3;
	_ =	sdelay $0x2  }
0xd2: {  	[tilespmem:s19], [sflag:$0x2] =	stream.indirect_vreg.gather [hbm4b:s1+s4], $0x80, v4, vm0, $0xb8;
	[tilespmem:$0x1C800] =	vst v63  }
0xd3: {  	_ = 	snop  }
0xd4: {  	[tilespmem:s20], [sflag:$0x2] =	stream.indirect_vreg.gather [hbm4b:s1+s4], $0x80, v3, vm0, $0xb8;
	[tilespmem:$0x1C800] =	vst v63  }
0xd5: {  	_ =	swait.ge [sflag:s21], $0x80  }
0xd6: {  	[sflag:s21] =	ssyncset.done $0x0  }
0xd7: {  	[sflag:s21] =	ssyncadd.s32 $0xFFFFFF80  }
0xd8: {  	_ =	swait.ge [sflag:s21], $0x80  }
0xd9: {  	[sflag:s21] =	ssyncset.done $0x0  }
0xda: {  	[sflag:s21] =	ssyncadd.s32 $0xFFFFFF80  }
0xdb: {  	_ =	swait.ge [sflag:s21], $0x80  }
0xdc: {  	[sflag:s21] =	ssyncset.done $0x0  }
0xdd: {  	[sflag:s21] =	ssyncadd.s32 $0xFFFFFF80  }
0xde: {  	_ =	swait.ge [sflag:s21], $0x80  }
0xdf: {  	[sflag:s21] =	ssyncset.done $0x0  }
0xe0: {  	[sflag:s21] =	ssyncadd.s32 $0xFFFFFF80  }
0xe1: {  	_ =	swait.ge [sflag:s21], $0x80  }
0xe2: {  	[sflag:s21] =	ssyncset.done $0x0  }
0xe3: {  	[sflag:s21] =	ssyncadd.s32 $0xFFFFFF80  }
0xe4: {  	_ =	swait.ge [sflag:s21], $0x80  }
0xe5: {  	[sflag:s21] =	ssyncset.done $0x0  }
0xe6: {  	[sflag:s21] =	ssyncadd.s32 $0xFFFFFF80  }
0xe7: {  	_ =	swait.ge [sflag:s21], $0x80  }
0xe8: {  	[sflag:s21] =	ssyncset.done $0x0  }
0xe9: {  	[sflag:s21] =	ssyncadd.s32 $0xFFFFFF80  }
0xea: {  	_ =	swait.ge [sflag:s21], $0x80  }
0xeb: {  	[sflag:s21] =	ssyncset.done $0x0  }
0xec: {  	s31 =	simm.s32 $0x0;
	[sflag:s21] =	ssyncadd.s32 $0xFFFFFF80  }
0xed: {  	v3 =	vld [tilespmem:s31+$0x400];
	_ =	sdelay $0x4  }
0xee: {  	(erf) = vrcp.f32 v3;
	_ =	sdelay $0x8  }
0xef: {  	v3 =	vpop (erf)  }
0xf0: {  	v51 =	vbroadcast v3, $0x0  }
0xf1: {  	s7 =	simm.s32 $0x880;
	v5 =	vbroadcast v3, $0x1  }
0xf2: {  	v6 =	vbroadcast v3, $0x2;
	[tilespmem:s7+$0xFFFFFF80] =	vst v51  }
0xf3: {  	v52 =	vbroadcast v3, $0x3;
	[tilespmem:s7+$0xFFFFFF90] =	vst v5  }
0xf4: {  	v53 =	vbroadcast v3, $0x4;
	[tilespmem:s7+$0xFFFFFFA0] =	vst v6  }
0xf5: {  	v54 =	vbroadcast v3, $0x5;
	[tilespmem:s7+$0xFFFFFFB0] =	vst v52  }
0xf6: {  	v55 =	vbroadcast v3, $0x6;
	[tilespmem:s7+$0xFFFFFFC0] =	vst v53  }
0xf7: {  	v56 =	vbroadcast v3, $0x7;
	[tilespmem:s7+$0xFFFFFFD0] =	vst v54  }
0xf8: {  	v57 =	vbroadcast v3, $0x8;
	[tilespmem:s7+$0xFFFFFFE0] =	vst v55  }
0xf9: {  	v58 =	vbroadcast v3, $0x9;
	[tilespmem:s7+$0xFFFFFFF0] =	vst v56  }
0xfa: {  	v59 =	vbroadcast v3, $0xA;
	[tilespmem:s7+$0x0] =	vst v57  }
0xfb: {  	v60 =	vbroadcast v3, $0xB;
	[tilespmem:s7+$0x10] =	vst v58  }
0xfc: {  	v61 =	vbroadcast v3, $0xC;
	[tilespmem:s7+$0x20] =	vst v59  }
0xfd: {  	v62 =	vbroadcast v3, $0xD;
	[tilespmem:s7+$0x30] =	vst v60  }
0xfe: {  	v63 =	vbroadcast v3, $0xE;
	[tilespmem:s7+$0x40] =	vst v61  }
0xff: {  	v3 =	vbroadcast v3, $0xF;
	[tilespmem:s7+$0x50] =	vst v62  }
0x100: {  	[tilespmem:s7+$0x60] =	vst v63  }
0x101: {  	s8 =	simm.s32 $0x80;
	s9 =	simm.s32 $0x10;
	[tilespmem:s7+$0x70] =	vst v3  }
.LBB2_2:
0x102: {  	p0 =	sne.s32 s8, $0xFC0;
	v3 =	vld [tilespmem:s9+$0x400];
	_ =	sdelay $0x4  }
0x103: {  	(erf) = vrcp.f32 v3;
	_ =	sdelay $0x8  }
0x104: {  	v3 =	vpop (erf)  }
0x105: {  	v4 =	vbroadcast v3, $0x0;
	v5 =	vbroadcast v3, $0x1  }
0x106: {  	s7 =	sadd.s32 $0x100, s7;
	v6 =	vbroadcast v3, $0x2;
	v7 =	vbroadcast v3, $0x3  }
0x107: {  	v8 =	vbroadcast v3, $0x5;
	[tilespmem:s7+$0xFFFFFF80] =	vst v4;
	v4 =	vbroadcast v3, $0x4  }
0x108: {  	v9 =	vbroadcast v3, $0x7;
	[tilespmem:s7+$0xFFFFFF90] =	vst v5;
	v5 =	vbroadcast v3, $0x6  }
0x109: {  	v10 =	vbroadcast v3, $0x9;
	[tilespmem:s7+$0xFFFFFFA0] =	vst v6;
	v6 =	vbroadcast v3, $0x8  }
0x10a: {  	v11 =	vbroadcast v3, $0xB;
	[tilespmem:s7+$0xFFFFFFB0] =	vst v7;
	v7 =	vbroadcast v3, $0xA  }
0x10b: {  	v12 =	vbroadcast v3, $0xD;
	[tilespmem:s7+$0xFFFFFFC0] =	vst v4;
	v4 =	vbroadcast v3, $0xC  }
0x10c: {  	[tilespmem:s7+$0xFFFFFFD0] =	vst v8;
	v8 =	vbroadcast v3, $0xE;
	v3 =	vbroadcast v3, $0xF  }
0x10d: {  	[tilespmem:s7+$0xFFFFFFE0] =	vst v5  }
0x10e: {  	[tilespmem:s7+$0xFFFFFFF0] =	vst v9  }
0x10f: {  	[tilespmem:s7+$0x0] =	vst v6  }
0x110: {  	[tilespmem:s7+$0x10] =	vst v10  }
0x111: {  	[tilespmem:s7+$0x20] =	vst v7  }
.Ltmp0:
0x112: {  	[tilespmem:s7+$0x30] =	vst v11;
	(pc) =	sbr.rel @p0 .LBB2_2-.Ltmp0, $4  }
0x113: {  	[tilespmem:s7+$0x40] =	vst v4  }
0x114: {  	[tilespmem:s7+$0x50] =	vst v12  }
0x115: {  	[tilespmem:s7+$0x60] =	vst v8  }
0x116: {  	s9 =	sshra.s32 s8, $0x2;
	s8 =	sadd.s32 $0x40, s8;
	[tilespmem:s7+$0x70] =	vst v3  }
0x117: {  	v3 =	vld [tilespmem:s9+$0x400];
	_ =	sdelay $0x4  }
0x118: {  	(erf) = vrcp.f32 v3;
	_ =	sdelay $0x8  }
0x119: {  	v3 =	vpop (erf)  }
0x11a: {  	v4 =	vbroadcast v3, $0x0  }
0x11b: {  	s7 =	sadd.s32 $0x100, s7;
	v5 =	vbroadcast v3, $0x1  }
0x11c: {  	v6 =	vbroadcast v3, $0x2;
	[tilespmem:s7+$0xFFFFFF80] =	vst v4  }
0x11d: {  	v4 =	vbroadcast v3, $0x3;
	[tilespmem:s7+$0xFFFFFF90] =	vst v5  }
0x11e: {  	v5 =	vbroadcast v3, $0x4;
	[tilespmem:s7+$0xFFFFFFA0] =	vst v6  }
0x11f: {  	v6 =	vbroadcast v3, $0x5;
	[tilespmem:s7+$0xFFFFFFB0] =	vst v4  }
0x120: {  	v4 =	vbroadcast v3, $0x6;
	[tilespmem:s7+$0xFFFFFFC0] =	vst v5  }
0x121: {  	v5 =	vbroadcast v3, $0x7;
	[tilespmem:s7+$0xFFFFFFD0] =	vst v6  }
0x122: {  	v6 =	vbroadcast v3, $0x8;
	[tilespmem:s7+$0xFFFFFFE0] =	vst v4  }
0x123: {  	v4 =	vbroadcast v3, $0x9;
	[tilespmem:s7+$0xFFFFFFF0] =	vst v5  }
0x124: {  	v5 =	vbroadcast v3, $0xA;
	[tilespmem:s7+$0x0] =	vst v6  }
0x125: {  	v6 =	vbroadcast v3, $0xB;
	[tilespmem:s7+$0x10] =	vst v4  }
0x126: {  	v4 =	vbroadcast v3, $0xC;
	[tilespmem:s7+$0x20] =	vst v5  }
0x127: {  	v5 =	vbroadcast v3, $0xD;
	[tilespmem:s7+$0x30] =	vst v6  }
0x128: {  	v6 =	vbroadcast v3, $0xE;
	[tilespmem:s7+$0x40] =	vst v4  }
0x129: {  	v3 =	vbroadcast v3, $0xF;
	[tilespmem:s7+$0x50] =	vst v5  }
0x12a: {  	[tilespmem:s7+$0x60] =	vst v6  }
0x12b: {  	[tilespmem:s7+$0x70] =	vst v3  }
0x12c: {  	_ =	swait.ge [sflag:s22], $0x8000  }
0x12d: {  	[sflag:s22] =	ssyncset.done $0x0  }
0x12e: {  	[sflag:s22] =	ssyncadd.s32 $0xFFFF8000  }
0x12f: {  	v3 =	vld [tilespmem:$0x100];
	_ =	sdelay $0x4  }
0x130: {  	v4 =	vshll.u32 v3, $0x1  }
0x131: {  	v3 =	vand.u32 $0x7, v3;
	v4 =	vand.u32 $0xFFFFFFF0, v4  }
0x132: {  	v3 =	vor.u32 v3, v4  }
0x133: {  	v4 =	vperm.xlane v3, v0;
	_ =	sdelay $0x1  }
0x134: {  	v3 =	vperm.xlane v3, v2;
	v4 =	vadd.s32 v1, v4;
	_ =	sdelay $0x1  }
0x135: {  	v3 =	vadd.s32 v1, v3;
	_ =	sdelay $0x1  }
0x136: {  	s7 =	simm.s32 $0x0  }
0x137: {  	[tilespmem:s23], [sflag:$0x3] =	stream.indirect_vreg.gather [hbm4b:s1+s7], $0x80, v4, vm0, $0xb8;
	[tilespmem:$0x1C800] =	vst v63  }
0x138: {  	s8 =	simm.s32 $0x15000  }
0x139: {  	[tilespmem:s8], [sflag:$0x3] =	stream.indirect_vreg.gather [hbm4b:s1+s7], $0x80, v3, vm0, $0xb8;
	[tilespmem:$0x1C800] =	vst v63  }
0x13a: {  	v3 =	vld [tilespmem:$0x110];
	_ =	sdelay $0x4  }
0x13b: {  	v4 =	vshll.u32 v3, $0x1  }
0x13c: {  	v3 =	vand.u32 $0x7, v3;
	v4 =	vand.u32 $0xFFFFFFF0, v4  }
0x13d: {  	v3 =	vor.u32 v3, v4  }
0x13e: {  	v4 =	vperm.xlane v3, v0;
	_ =	sdelay $0x1  }
0x13f: {  	v3 =	vperm.xlane v3, v2;
	v4 =	vadd.s32 v1, v4;
	_ =	sdelay $0x1  }
0x140: {  	v3 =	vadd.s32 v1, v3;
	_ =	sdelay $0x1  }
0x141: {  	s11 =	simm.s32 $0x15800  }
0x142: {  	[tilespmem:s11], [sflag:$0x3] =	stream.indirect_vreg.gather [hbm4b:s1+s7], $0x80, v4, vm0, $0xb8;
	[tilespmem:$0x1C800] =	vst v63  }
0x143: {  	s12 =	simm.s32 $0x16000  }
0x144: {  	[tilespmem:s12], [sflag:$0x3] =	stream.indirect_vreg.gather [hbm4b:s1+s7], $0x80, v3, vm0, $0xb8;
	[tilespmem:$0x1C800] =	vst v63  }
0x145: {  	v3 =	vld [tilespmem:$0x120];
	_ =	sdelay $0x4  }
0x146: {  	v4 =	vshll.u32 v3, $0x1  }
0x147: {  	v3 =	vand.u32 $0x7, v3;
	v4 =	vand.u32 $0xFFFFFFF0, v4  }
0x148: {  	v3 =	vor.u32 v3, v4  }
0x149: {  	v4 =	vperm.xlane v3, v0;
	_ =	sdelay $0x1  }
0x14a: {  	v3 =	vperm.xlane v3, v2;
	v4 =	vadd.s32 v1, v4;
	_ =	sdelay $0x1  }
0x14b: {  	v3 =	vadd.s32 v1, v3;
	_ =	sdelay $0x1  }
0x14c: {  	s9 =	simm.s32 $0x16800  }
0x14d: {  	[tilespmem:s9], [sflag:$0x3] =	stream.indirect_vreg.gather [hbm4b:s1+s7], $0x80, v4, vm0, $0xb8;
	[tilespmem:$0x1C800] =	vst v63  }
0x14e: {  	s10 =	simm.s32 $0x17000  }
0x14f: {  	[tilespmem:s10], [sflag:$0x3] =	stream.indirect_vreg.gather [hbm4b:s1+s7], $0x80, v3, vm0, $0xb8;
	[tilespmem:$0x1C800] =	vst v63  }
0x150: {  	v3 =	vld [tilespmem:$0x130];
	_ =	sdelay $0x4  }
0x151: {  	v4 =	vshll.u32 v3, $0x1  }
0x152: {  	v3 =	vand.u32 $0x7, v3;
	v4 =	vand.u32 $0xFFFFFFF0, v4  }
0x153: {  	v3 =	vor.u32 v3, v4  }
0x154: {  	v4 =	vperm.xlane v3, v0;
	_ =	sdelay $0x1  }
0x155: {  	v3 =	vperm.xlane v3, v2;
	v4 =	vadd.s32 v1, v4;
	_ =	sdelay $0x1  }
0x156: {  	v3 =	vadd.s32 v1, v3;
	_ =	sdelay $0x1  }
0x157: {  	s11 =	simm.s32 $0x17800  }
0x158: {  	[tilespmem:s11], [sflag:$0x3] =	stream.indirect_vreg.gather [hbm4b:s1+s7], $0x80, v4, vm0, $0xb8;
	[tilespmem:$0x1C800] =	vst v63  }
0x159: {  	s12 =	simm.s32 $0x18000  }
0x15a: {  	[tilespmem:s12], [sflag:$0x3] =	stream.indirect_vreg.gather [hbm4b:s1+s7], $0x80, v3, vm0, $0xb8;
	[tilespmem:$0x1C800] =	vst v63  }
0x15b: {  	v3 =	vld [tilespmem:$0x140];
	_ =	sdelay $0x4  }
0x15c: {  	v4 =	vshll.u32 v3, $0x1  }
0x15d: {  	v3 =	vand.u32 $0x7, v3;
	v4 =	vand.u32 $0xFFFFFFF0, v4  }
0x15e: {  	v3 =	vor.u32 v3, v4  }
0x15f: {  	v4 =	vperm.xlane v3, v0;
	_ =	sdelay $0x1  }
0x160: {  	v3 =	vperm.xlane v3, v2;
	v4 =	vadd.s32 v1, v4;
	_ =	sdelay $0x1  }
0x161: {  	v3 =	vadd.s32 v1, v3;
	_ =	sdelay $0x1  }
0x162: {  	s9 =	simm.s32 $0x18800  }
0x163: {  	[tilespmem:s9], [sflag:$0x3] =	stream.indirect_vreg.gather [hbm4b:s1+s7], $0x80, v4, vm0, $0xb8;
	[tilespmem:$0x1C800] =	vst v63  }
0x164: {  	s10 =	simm.s32 $0x19000  }
0x165: {  	[tilespmem:s10], [sflag:$0x3] =	stream.indirect_vreg.gather [hbm4b:s1+s7], $0x80, v3, vm0, $0xb8;
	[tilespmem:$0x1C800] =	vst v63  }
0x166: {  	v3 =	vld [tilespmem:$0x150];
	_ =	sdelay $0x4  }
0x167: {  	v4 =	vshll.u32 v3, $0x1  }
0x168: {  	v3 =	vand.u32 $0x7, v3;
	v4 =	vand.u32 $0xFFFFFFF0, v4  }
0x169: {  	v3 =	vor.u32 v3, v4  }
0x16a: {  	v4 =	vperm.xlane v3, v0;
	_ =	sdelay $0x1  }
0x16b: {  	v3 =	vperm.xlane v3, v2;
	v4 =	vadd.s32 v1, v4;
	_ =	sdelay $0x1  }
0x16c: {  	v3 =	vadd.s32 v1, v3;
	_ =	sdelay $0x1  }
0x16d: {  	s11 =	simm.s32 $0x19800  }
0x16e: {  	[tilespmem:s11], [sflag:$0x3] =	stream.indirect_vreg.gather [hbm4b:s1+s7], $0x80, v4, vm0, $0xb8;
	[tilespmem:$0x1C800] =	vst v63  }
0x16f: {  	s12 =	simm.s32 $0x1A000  }
0x170: {  	[tilespmem:s12], [sflag:$0x3] =	stream.indirect_vreg.gather [hbm4b:s1+s7], $0x80, v3, vm0, $0xb8;
	[tilespmem:$0x1C800] =	vst v63  }
0x171: {  	v3 =	vld [tilespmem:$0x160];
	_ =	sdelay $0x4  }
0x172: {  	v4 =	vshll.u32 v3, $0x1  }
0x173: {  	v3 =	vand.u32 $0x7, v3;
	v4 =	vand.u32 $0xFFFFFFF0, v4  }
0x174: {  	v3 =	vor.u32 v3, v4  }
0x175: {  	v4 =	vperm.xlane v3, v0;
	_ =	sdelay $0x1  }
0x176: {  	v3 =	vperm.xlane v3, v2;
	v4 =	vadd.s32 v1, v4;
	_ =	sdelay $0x1  }
0x177: {  	v3 =	vadd.s32 v1, v3;
	_ =	sdelay $0x1  }
0x178: {  	s9 =	simm.s32 $0x1A800  }
0x179: {  	[tilespmem:s9], [sflag:$0x3] =	stream.indirect_vreg.gather [hbm4b:s1+s7], $0x80, v4, vm0, $0xb8;
	[tilespmem:$0x1C800] =	vst v63  }
0x17a: {  	s10 =	simm.s32 $0x1B000  }
0x17b: {  	[tilespmem:s10], [sflag:$0x3] =	stream.indirect_vreg.gather [hbm4b:s1+s7], $0x80, v3, vm0, $0xb8;
	[tilespmem:$0x1C800] =	vst v63  }
0x17c: {  	v3 =	vld [tilespmem:$0x170];
	_ =	sdelay $0x4  }
0x17d: {  	v4 =	vshll.u32 v3, $0x1  }
0x17e: {  	v3 =	vand.u32 $0x7, v3;
	v4 =	vand.u32 $0xFFFFFFF0, v4  }
0x17f: {  	v3 =	vor.u32 v3, v4  }
0x180: {  	v4 =	vperm.xlane v3, v0;
	_ =	sdelay $0x1  }
0x181: {  	v3 =	vperm.xlane v3, v2;
	v4 =	vadd.s32 v1, v4;
	_ =	sdelay $0x1  }
0x182: {  	v3 =	vadd.s32 v1, v3;
	_ =	sdelay $0x1  }
0x183: {  	s11 =	simm.s32 $0x1B800  }
0x184: {  	[tilespmem:s11], [sflag:$0x3] =	stream.indirect_vreg.gather [hbm4b:s1+s7], $0x80, v4, vm0, $0xb8;
	[tilespmem:$0x1C800] =	vst v63  }
0x185: {  	s12 =	simm.s32 $0x1C000  }
0x186: {  	[tilespmem:s12], [sflag:$0x3] =	stream.indirect_vreg.gather [hbm4b:s1+s7], $0x80, v3, vm0, $0xb8;
	[tilespmem:$0x1C800] =	vst v63  }
0x187: {  	s9 =	sand.u32 $0x7800, s7;
	s10 =	simm.s32 $0x800;
	s7 =	sand.u32 $0x380, s7  }
0x188: {  	s31 =	sor.u32 s7, s9;
	v10 =	vld [tilespmem:s10+$0x0]  }
0x189: {  	v5 =	vld [tilespmem:s31+$0x4C30]  }
0x18a: {  	v7 =	vld [tilespmem:s31+$0x4C50]  }
0x18b: {  	v3 =	vld [tilespmem:s31+$0x4C40]  }
0x18c: {  	v8 =	vld [tilespmem:s31+$0x4C00]  }
0x18d: {  	v9 =	vld [tilespmem:s31+$0x4850]  }
0x18e: {  	v4 =	vld [tilespmem:s31+$0x4C10];
	v5 =	vmul.f32 v5, v10  }
0x18f: {  	v6 =	vld [tilespmem:s31+$0x4840];
	v7 =	vmul.f32 v7, v10  }
0x190: {  	v11 =	vld [tilespmem:s31+$0x4C70];
	v3 =	vmul.f32 v3, v10;
	[tilespmem:s31+$0x4C30] =	vst v5  }
0x191: {  	v13 =	vld [tilespmem:s31+$0x4830];
	v8 =	vmul.f32 v8, v10;
	[tilespmem:s31+$0x4C50] =	vst v7  }
0x192: {  	v14 =	vld [tilespmem:s31+$0x4820];
	v9 =	vmul.f32 v9, v10;
	[tilespmem:s31+$0x4C40] =	vst v3  }
0x193: {  	v12 =	vld [tilespmem:s31+$0x4C20];
	v4 =	vmul.f32 v4, v10;
	[tilespmem:s31+$0x4C00] =	vst v8  }
0x194: {  	s11 =	simm.s32 $0x100;
	s7 =	simm.s32 $0x80;
	v6 =	vmul.f32 v6, v10;
	v7 =	vld [tilespmem:s31+$0x4860];
	[tilespmem:s31+$0x4850] =	vst v9  }
0x195: {  	s8 =	sand.u32 $0x7800, s11;
	s12 =	sand.u32 $0x380, s7;
	v11 =	vmul.f32 v11, v10;
	v5 =	vld [tilespmem:s31+$0x4C60];
	[tilespmem:s31+$0x4C10] =	vst v4  }
0x196: {  	s8 =	sor.u32 s12, s8;
	v3 =	vld [tilespmem:s31+$0x4870];
	v9 =	vmul.f32 v13, v10;
	[tilespmem:s31+$0x4840] =	vst v6  }
0x197: {  	v4 =	vmul.f32 v14, v10;
	v6 =	vld [tilespmem:s8+$0x4C40];
	[tilespmem:s31+$0x4C70] =	vst v11  }
0x198: {  	v8 =	vld [tilespmem:s31+$0x4810];
	[tilespmem:s31+$0x4830] =	vst v9;
	v9 =	vmul.f32 v12, v10  }
0x199: {  	v62 =	vld [tilespmem:s31+$0x4800];
	[tilespmem:s31+$0x4820] =	vst v4;
	v7 =	vmul.f32 v7, v10  }
0x19a: {  	v4 =	vld [tilespmem:s8+$0x4C10];
	[tilespmem:s31+$0x4C20] =	vst v9;
	v5 =	vmul.f32 v5, v10  }
0x19b: {  	v3 =	vmul.f32 v3, v10;
	v9 =	vld [tilespmem:s8+$0x4C00];
	[tilespmem:s31+$0x4860] =	vst v7  }
0x19c: {  	[tilespmem:s31+$0x4C60] =	vst v5;
	v7 =	vld [tilespmem:s8+$0x4840]  }
0x19d: {  	v63 =	vmul.f32 v8, v10;
	[tilespmem:s31+$0x4870] =	vst v3;
	v5 =	vld [tilespmem:s8+$0x4C70]  }
0x19e: {  	v10 =	vmul.f32 v62, v10;
	v3 =	vld [tilespmem:s8+$0x4870]  }
0x19f: {  	s11 =	simm.s32 $0x810;
	s9 =	simm.s32 $0x810;
	s10 =	simm.s32 $0x200;
	[tilespmem:s31+$0x4810] =	vst v63;
	v8 =	vld [tilespmem:s8+$0x4850]  }
.LBB2_4:
0x1a0: {  	p0 =	sne.s32 s10, $0x7F00;
	v11 =	vld [tilespmem:s8+$0x4C30];
	s7 =	sadd.s32 $0x80, s7;
	s9 =	sadd.s32 $0x10, s9;
	[tilespmem:s31+$0x4800] =	vst v10  }
0x1a1: {  	s12 =	smov.u32 s10;
	s10 =	sadd.s32 $0x100, s10;
	v12 =	vld [tilespmem:s11+$0x0];
	s11 =	smov.u32 s9  }
0x1a2: {  	s31 =	smov.u32 s8;
	v10 =	vld [tilespmem:s8+$0x4C50]  }
0x1a3: {  	v13 =	vld [tilespmem:s31+$0x4820]  }
0x1a4: {  	v14 =	vld [tilespmem:s31+$0x4C20]  }
0x1a5: {  	v15 =	vld [tilespmem:s31+$0x4830]  }
0x1a6: {  	v16 =	vld [tilespmem:s31+$0x4800];
	v11 =	vmul.f32 v11, v12  }
0x1a7: {  	v17 =	vld [tilespmem:s31+$0x4810];
	v10 =	vmul.f32 v10, v12  }
0x1a8: {  	v7 =	vmul.f32 v7, v12;
	v6 =	vmul.f32 v6, v12;
	[tilespmem:s31+$0x4C30] =	vst v11;
	v11 =	vld [tilespmem:s31+$0x4C60]  }
0x1a9: {  	v9 =	vmul.f32 v9, v12;
	v18 =	vld [tilespmem:s31+$0x4860];
	v14 =	vmul.f32 v14, v12;
	[tilespmem:s31+$0x4C50] =	vst v10  }
0x1aa: {  	v8 =	vmul.f32 v8, v12;
	v15 =	vmul.f32 v15, v12;
	[tilespmem:s31+$0x4C40] =	vst v6  }
0x1ab: {  	v4 =	vmul.f32 v4, v12;
	v10 =	vmul.f32 v16, v12;
	[tilespmem:s31+$0x4C00] =	vst v9  }
0x1ac: {  	v3 =	vmul.f32 v3, v12;
	v16 =	vmul.f32 v17, v12;
	[tilespmem:s31+$0x4850] =	vst v8  }
0x1ad: {  	v5 =	vmul.f32 v5, v12;
	[tilespmem:s31+$0x4C10] =	vst v4;
	v11 =	vmul.f32 v11, v12  }
0x1ae: {  	s8 =	sand.u32 $0x7800, s12;
	s12 =	sand.u32 $0x380, s7;
	v4 =	vmul.f32 v13, v12;
	[tilespmem:s31+$0x4840] =	vst v7;
	v7 =	vmul.f32 v18, v12  }
0x1af: {  	s8 =	sor.u32 s12, s8;
	[tilespmem:s31+$0x4830] =	vst v15  }
0x1b0: {  	v6 =	vld [tilespmem:s8+$0x4C40];
	[tilespmem:s31+$0x4820] =	vst v4  }
0x1b1: {  	v4 =	vld [tilespmem:s8+$0x4C10];
	[tilespmem:s31+$0x4860] =	vst v7  }
.Ltmp1:
0x1b2: {  	v7 =	vld [tilespmem:s8+$0x4840];
	[tilespmem:s31+$0x4870] =	vst v3;
	(pc) =	sbr.rel @p0 .LBB2_4-.Ltmp1, $4  }
0x1b3: {  	v3 =	vld [tilespmem:s8+$0x4870];
	[tilespmem:s31+$0x4C20] =	vst v14  }
0x1b4: {  	v9 =	vld [tilespmem:s8+$0x4C00];
	[tilespmem:s31+$0x4C70] =	vst v5  }
0x1b5: {  	v8 =	vld [tilespmem:s8+$0x4850];
	[tilespmem:s31+$0x4C60] =	vst v11  }
0x1b6: {  	v5 =	vld [tilespmem:s8+$0x4C70];
	[tilespmem:s31+$0x4810] =	vst v16  }
0x1b7: {  	v11 =	vld [tilespmem:s8+$0x4C30];
	[tilespmem:s31+$0x4800] =	vst v10  }
0x1b8: {  	v10 =	vld [tilespmem:s11+$0x0]  }
0x1b9: {  	v12 =	vld [tilespmem:s8+$0x4C50];
	_ =	sdelay $0x3  }
0x1ba: {  	v11 =	vmul.f32 v11, v10  }
0x1bb: {  	v12 =	vmul.f32 v12, v10  }
0x1bc: {  	v6 =	vmul.f32 v6, v10;
	[tilespmem:s8+$0x4C30] =	vst v11  }
0x1bd: {  	v9 =	vmul.f32 v9, v10;
	[tilespmem:s8+$0x4C50] =	vst v12  }
0x1be: {  	v14 =	vld [tilespmem:s8+$0x4830];
	v8 =	vmul.f32 v8, v10;
	[tilespmem:s8+$0x4C40] =	vst v6  }
0x1bf: {  	v15 =	vld [tilespmem:s8+$0x4820];
	v4 =	vmul.f32 v4, v10;
	[tilespmem:s8+$0x4C00] =	vst v9  }
0x1c0: {  	v63 =	vld [tilespmem:s8+$0x4860];
	v3 =	vmul.f32 v3, v10;
	[tilespmem:s8+$0x4850] =	vst v8  }
0x1c1: {  	v13 =	vld [tilespmem:s8+$0x4C20];
	v5 =	vmul.f32 v5, v10;
	[tilespmem:s8+$0x4C10] =	vst v4  }
0x1c2: {  	v11 =	vld [tilespmem:s8+$0x4C60];
	v6 =	vmul.f32 v7, v10;
	[tilespmem:s8+$0x4870] =	vst v3  }
0x1c3: {  	v7 =	vld [tilespmem:s8+$0x4810];
	v8 =	vmul.f32 v14, v10;
	[tilespmem:s8+$0x4C70] =	vst v5  }
0x1c4: {  	v4 =	vld [tilespmem:s8+$0x4800];
	v9 =	vmul.f32 v15, v10;
	[tilespmem:s8+$0x4840] =	vst v6  }
0x1c5: {  	v6 =	vmul.f32 v63, v10;
	[tilespmem:s8+$0x4830] =	vst v8  }
0x1c6: {  	[tilespmem:s8+$0x4820] =	vst v9;
	v8 =	vmul.f32 v13, v10  }
0x1c7: {  	[tilespmem:s8+$0x4860] =	vst v6;
	v3 =	vmul.f32 v11, v10  }
0x1c8: {  	[tilespmem:s8+$0x4C20] =	vst v8;
	v6 =	vmul.f32 v7, v10  }
0x1c9: {  	v4 =	vmul.f32 v4, v10;
	[tilespmem:s8+$0x4C60] =	vst v3  }
0x1ca: {  	[tilespmem:s8+$0x4810] =	vst v6  }
0x1cb: {  	s31 =	simm.s32 $0x0;
	s7 =	rddreg [dreg:$0x5];
	[tilespmem:s8+$0x4800] =	vst v4  }
0x1cc: {  	[hbm4b:s7+s31] =	stream.linear.scatter [tilespmem:s0], [sflag:$0x4], $0x8000, $0x38;
	[tilespmem:$0x1C800] =	vst v63  }
0x1cd: {  	_ =	swait.ge [sflag:s24], $0x8000  }
0x1ce: {  	[sflag:s24] =	ssyncset.done $0x0  }
0x1cf: {  	[sflag:s24] =	ssyncadd.s32 $0xFFFF8000  }
0x1d0: {  	_ =	swait.ge [sflag:s25], $0x8000  }
0x1d1: {  	[sflag:s25] =	ssyncset.done $0x0  }
0x1d2: {  	[sflag:s25] =	ssyncadd.s32 $0xFFFF8000  }
0x1d3: {  	v3 =	vld [tilespmem:$0x180];
	_ =	sdelay $0x4  }
0x1d4: {  	v4 =	vshll.u32 v3, $0x1  }
0x1d5: {  	v3 =	vand.u32 $0x7, v3;
	v4 =	vand.u32 $0xFFFFFFF0, v4  }
0x1d6: {  	v3 =	vor.u32 v3, v4  }
0x1d7: {  	v4 =	vperm.xlane v3, v0;
	_ =	sdelay $0x1  }
0x1d8: {  	v3 =	vperm.xlane v3, v2;
	v4 =	vadd.s32 v1, v4;
	_ =	sdelay $0x1  }
0x1d9: {  	v3 =	vadd.s32 v1, v3;
	_ =	sdelay $0x2  }
0x1da: {  	[tilespmem:s0], [sflag:$0x1] =	stream.indirect_vreg.gather [hbm4b:s1+s31], $0x80, v4, vm0, $0xb8;
	[tilespmem:$0x1C800] =	vst v63  }
0x1db: {  	s10 =	simm.s32 $0x5000  }
0x1dc: {  	[tilespmem:s10], [sflag:$0x1] =	stream.indirect_vreg.gather [hbm4b:s1+s31], $0x80, v3, vm0, $0xb8;
	[tilespmem:$0x1C800] =	vst v63  }
0x1dd: {  	v3 =	vld [tilespmem:$0x190];
	_ =	sdelay $0x4  }
0x1de: {  	v4 =	vshll.u32 v3, $0x1  }
0x1df: {  	v3 =	vand.u32 $0x7, v3;
	v4 =	vand.u32 $0xFFFFFFF0, v4  }
0x1e0: {  	v3 =	vor.u32 v3, v4  }
0x1e1: {  	v4 =	vperm.xlane v3, v0;
	_ =	sdelay $0x1  }
0x1e2: {  	v3 =	vperm.xlane v3, v2;
	v4 =	vadd.s32 v1, v4;
	_ =	sdelay $0x1  }
0x1e3: {  	v3 =	vadd.s32 v1, v3;
	_ =	sdelay $0x1  }
0x1e4: {  	s11 =	simm.s32 $0x5800  }
0x1e5: {  	[tilespmem:s11], [sflag:$0x1] =	stream.indirect_vreg.gather [hbm4b:s1+s31], $0x80, v4, vm0, $0xb8;
	[tilespmem:$0x1C800] =	vst v63  }
0x1e6: {  	s12 =	simm.s32 $0x6000  }
0x1e7: {  	[tilespmem:s12], [sflag:$0x1] =	stream.indirect_vreg.gather [hbm4b:s1+s31], $0x80, v3, vm0, $0xb8;
	[tilespmem:$0x1C800] =	vst v63  }
0x1e8: {  	v3 =	vld [tilespmem:$0x1A0];
	_ =	sdelay $0x4  }
0x1e9: {  	v4 =	vshll.u32 v3, $0x1  }
0x1ea: {  	v3 =	vand.u32 $0x7, v3;
	v4 =	vand.u32 $0xFFFFFFF0, v4  }
0x1eb: {  	v3 =	vor.u32 v3, v4  }
0x1ec: {  	v4 =	vperm.xlane v3, v0;
	_ =	sdelay $0x1  }
0x1ed: {  	v3 =	vperm.xlane v3, v2;
	v4 =	vadd.s32 v1, v4;
	_ =	sdelay $0x1  }
0x1ee: {  	v3 =	vadd.s32 v1, v3;
	_ =	sdelay $0x1  }
0x1ef: {  	s8 =	simm.s32 $0x6800  }
0x1f0: {  	[tilespmem:s8], [sflag:$0x1] =	stream.indirect_vreg.gather [hbm4b:s1+s31], $0x80, v4, vm0, $0xb8;
	[tilespmem:$0x1C800] =	vst v63  }
0x1f1: {  	s9 =	simm.s32 $0x7000  }
0x1f2: {  	[tilespmem:s9], [sflag:$0x1] =	stream.indirect_vreg.gather [hbm4b:s1+s31], $0x80, v3, vm0, $0xb8;
	[tilespmem:$0x1C800] =	vst v63  }
0x1f3: {  	v3 =	vld [tilespmem:$0x1B0];
	_ =	sdelay $0x4  }
0x1f4: {  	v4 =	vshll.u32 v3, $0x1  }
0x1f5: {  	v3 =	vand.u32 $0x7, v3;
	v4 =	vand.u32 $0xFFFFFFF0, v4  }
0x1f6: {  	v3 =	vor.u32 v3, v4  }
0x1f7: {  	v4 =	vperm.xlane v3, v0;
	_ =	sdelay $0x1  }
0x1f8: {  	v3 =	vperm.xlane v3, v2;
	v4 =	vadd.s32 v1, v4;
	_ =	sdelay $0x1  }
0x1f9: {  	v3 =	vadd.s32 v1, v3;
	_ =	sdelay $0x1  }
0x1fa: {  	s10 =	simm.s32 $0x7800  }
0x1fb: {  	[tilespmem:s10], [sflag:$0x1] =	stream.indirect_vreg.gather [hbm4b:s1+s31], $0x80, v4, vm0, $0xb8;
	[tilespmem:$0x1C800] =	vst v63  }
0x1fc: {  	s11 =	simm.s32 $0x8000  }
0x1fd: {  	[tilespmem:s11], [sflag:$0x1] =	stream.indirect_vreg.gather [hbm4b:s1+s31], $0x80, v3, vm0, $0xb8;
	[tilespmem:$0x1C800] =	vst v63  }
0x1fe: {  	v3 =	vld [tilespmem:$0x1C0];
	_ =	sdelay $0x4  }
0x1ff: {  	v4 =	vshll.u32 v3, $0x1  }
0x200: {  	v3 =	vand.u32 $0x7, v3;
	v4 =	vand.u32 $0xFFFFFFF0, v4  }
0x201: {  	v3 =	vor.u32 v3, v4  }
0x202: {  	v4 =	vperm.xlane v3, v0;
	_ =	sdelay $0x1  }
0x203: {  	v3 =	vperm.xlane v3, v2;
	v4 =	vadd.s32 v1, v4;
	_ =	sdelay $0x1  }
0x204: {  	v3 =	vadd.s32 v1, v3;
	_ =	sdelay $0x1  }
0x205: {  	s12 =	simm.s32 $0x8800  }
0x206: {  	[tilespmem:s12], [sflag:$0x1] =	stream.indirect_vreg.gather [hbm4b:s1+s31], $0x80, v4, vm0, $0xb8;
	[tilespmem:$0x1C800] =	vst v63  }
0x207: {  	s8 =	simm.s32 $0x9000  }
0x208: {  	[tilespmem:s8], [sflag:$0x1] =	stream.indirect_vreg.gather [hbm4b:s1+s31], $0x80, v3, vm0, $0xb8;
	[tilespmem:$0x1C800] =	vst v63  }
0x209: {  	v3 =	vld [tilespmem:$0x1D0];
	_ =	sdelay $0x4  }
0x20a: {  	v4 =	vshll.u32 v3, $0x1  }
0x20b: {  	v3 =	vand.u32 $0x7, v3;
	v4 =	vand.u32 $0xFFFFFFF0, v4  }
0x20c: {  	v3 =	vor.u32 v3, v4  }
0x20d: {  	v4 =	vperm.xlane v3, v0;
	_ =	sdelay $0x1  }
0x20e: {  	v3 =	vperm.xlane v3, v2;
	v4 =	vadd.s32 v1, v4;
	_ =	sdelay $0x1  }
0x20f: {  	v3 =	vadd.s32 v1, v3;
	_ =	sdelay $0x1  }
0x210: {  	s9 =	simm.s32 $0x9800  }
0x211: {  	[tilespmem:s9], [sflag:$0x1] =	stream.indirect_vreg.gather [hbm4b:s1+s31], $0x80, v4, vm0, $0xb8;
	[tilespmem:$0x1C800] =	vst v63  }
0x212: {  	s10 =	simm.s32 $0xA000  }
0x213: {  	[tilespmem:s10], [sflag:$0x1] =	stream.indirect_vreg.gather [hbm4b:s1+s31], $0x80, v3, vm0, $0xb8;
	[tilespmem:$0x1C800] =	vst v63  }
0x214: {  	v3 =	vld [tilespmem:$0x1E0];
	_ =	sdelay $0x4  }
0x215: {  	v4 =	vshll.u32 v3, $0x1  }
0x216: {  	v3 =	vand.u32 $0x7, v3;
	v4 =	vand.u32 $0xFFFFFFF0, v4  }
0x217: {  	v3 =	vor.u32 v3, v4  }
0x218: {  	v4 =	vperm.xlane v3, v0;
	_ =	sdelay $0x1  }
0x219: {  	v3 =	vperm.xlane v3, v2;
	v4 =	vadd.s32 v1, v4;
	_ =	sdelay $0x1  }
0x21a: {  	v3 =	vadd.s32 v1, v3;
	_ =	sdelay $0x1  }
0x21b: {  	s11 =	simm.s32 $0xA800  }
0x21c: {  	[tilespmem:s11], [sflag:$0x1] =	stream.indirect_vreg.gather [hbm4b:s1+s31], $0x80, v4, vm0, $0xb8;
	[tilespmem:$0x1C800] =	vst v63  }
0x21d: {  	s12 =	simm.s32 $0xB000  }
0x21e: {  	[tilespmem:s12], [sflag:$0x1] =	stream.indirect_vreg.gather [hbm4b:s1+s31], $0x80, v3, vm0, $0xb8;
	[tilespmem:$0x1C800] =	vst v63  }
0x21f: {  	v3 =	vld [tilespmem:$0x1F0];
	_ =	sdelay $0x4  }
0x220: {  	v4 =	vshll.u32 v3, $0x1  }
0x221: {  	v3 =	vand.u32 $0x7, v3;
	v4 =	vand.u32 $0xFFFFFFF0, v4  }
0x222: {  	v3 =	vor.u32 v3, v4  }
0x223: {  	v4 =	vperm.xlane v3, v0;
	_ =	sdelay $0x1  }
0x224: {  	v3 =	vperm.xlane v3, v2;
	v4 =	vadd.s32 v1, v4;
	_ =	sdelay $0x1  }
0x225: {  	v3 =	vadd.s32 v1, v3;
	_ =	sdelay $0x1  }
0x226: {  	s8 =	simm.s32 $0xB800;
	s10 =	sand.u32 $0x7800, s31;
	s11 =	sand.u32 $0x380, s31  }
0x227: {  	[tilespmem:s8], [sflag:$0x1] =	stream.indirect_vreg.gather [hbm4b:s1+s31], $0x80, v4, vm0, $0xb8;
	[tilespmem:$0x1C800] =	vst v63  }
0x228: {  	s9 =	simm.s32 $0xC000;
	s7 =	sor.u32 s11, s10  }
0x229: {  	[tilespmem:s9], [sflag:$0x1] =	stream.indirect_vreg.gather [hbm4b:s1+s31], $0x80, v3, vm0, $0xb8;
	[tilespmem:$0x1C800] =	vst v63  }
0x22a: {  	v7 =	vld [tilespmem:s7+$0xC870]  }
0x22b: {  	v9 =	vld [tilespmem:s7+$0xCC70]  }
0x22c: {  	v8 =	vld [tilespmem:s7+$0xCC40]  }
0x22d: {  	s12 =	sand.u32 $0x7F0, s31;
	v4 =	vld [tilespmem:s7+$0xCC10]  }
0x22e: {  	v3 =	vld [tilespmem:s12+$0x1000]  }
0x22f: {  	v5 =	vld [tilespmem:s7+$0xCC50]  }
0x230: {  	s8 =	simm.s32 $0x10;
	s9 =	simm.s32 $0x0;
	v6 =	vld [tilespmem:s7+$0xCC20]  }
.LBB2_6:
0x231: {  	p0 =	sne.s32 s8, $0x7F0;
	v10 =	vld [tilespmem:s7+$0xCC00];
	s31 =	sadd.s32 $0x80, s31;
	s9 =	sadd.s32 $0x100, s9  }
0x232: {  	s10 =	smov.u32 s8;
	s8 =	sadd.s32 $0x10, s8;
	v11 =	vld [tilespmem:s7+$0xC860]  }
0x233: {  	v12 =	vld [tilespmem:s7+$0xC850];
	v7 =	vmul.f32 v7, v3;
	v9 =	vmul.f32 v9, v3  }
0x234: {  	v8 =	vmul.f32 v8, v3;
	v13 =	vld [tilespmem:s7+$0xCC30]  }
0x235: {  	v4 =	vmul.f32 v4, v3;
	v14 =	vld [tilespmem:s7+$0xC840];
	[tilespmem:s7+$0xC870] =	vst v7;
	v6 =	vmul.f32 v6, v3  }
0x236: {  	v5 =	vmul.f32 v5, v3;
	v7 =	vld [tilespmem:s7+$0xC800];
	v10 =	vmul.f32 v10, v3;
	[tilespmem:s7+$0xCC70] =	vst v9  }
0x237: {  	v9 =	vld [tilespmem:s7+$0xC830];
	v11 =	vmul.f32 v11, v3;
	[tilespmem:s7+$0xCC40] =	vst v8  }
0x238: {  	v8 =	vld [tilespmem:s7+$0xC810];
	v12 =	vmul.f32 v12, v3;
	[tilespmem:s7+$0xCC00] =	vst v10  }
0x239: {  	v10 =	vld [tilespmem:s7+$0xC820];
	[tilespmem:s7+$0xC860] =	vst v11;
	v11 =	vmul.f32 v13, v3  }
0x23a: {  	v13 =	vmul.f32 v14, v3;
	[tilespmem:s7+$0xC850] =	vst v12;
	v12 =	vld [tilespmem:s7+$0xCC60]  }
0x23b: {  	v14 =	vmul.f32 v7, v3;
	[tilespmem:s7+$0xCC50] =	vst v5  }
0x23c: {  	v5 =	vmul.f32 v9, v3;
	[tilespmem:s7+$0xCC10] =	vst v4  }
0x23d: {  	v4 =	vmul.f32 v8, v3;
	[tilespmem:s7+$0xCC20] =	vst v6  }
0x23e: {  	v6 =	vmul.f32 v10, v3;
	[tilespmem:s7+$0xC840] =	vst v13  }
0x23f: {  	s11 =	sand.u32 $0x7800, s9;
	s12 =	sand.u32 $0x380, s31;
	[tilespmem:s7+$0xC830] =	vst v5;
	v3 =	vmul.f32 v12, v3  }
0x240: {  	s11 =	sor.u32 s12, s11;
	[tilespmem:s7+$0xC820] =	vst v6  }
0x241: {  	v7 =	vld [tilespmem:s11+$0xC870];
	[tilespmem:s7+$0xC800] =	vst v14  }
0x242: {  	v9 =	vld [tilespmem:s11+$0xCC70];
	[tilespmem:s7+$0xCC30] =	vst v11  }
.Ltmp2:
0x243: {  	v8 =	vld [tilespmem:s11+$0xCC40];
	[tilespmem:s7+$0xC810] =	vst v4;
	(pc) =	sbr.rel @p0 .LBB2_6-.Ltmp2, $4  }
0x244: {  	s10 =	sand.u32 $0x7F0, s10;
	v4 =	vld [tilespmem:s11+$0xCC10];
	[tilespmem:s7+$0xCC60] =	vst v3;
	s7 =	smov.u32 s11  }
0x245: {  	v3 =	vld [tilespmem:s10+$0x1000]  }
0x246: {  	v5 =	vld [tilespmem:s7+$0xCC50]  }
0x247: {  	v6 =	vld [tilespmem:s7+$0xCC20]  }
0x248: {  	_ =	sdelay $0x1  }
0x249: {  	v7 =	vmul.f32 v7, v3  }
0x24a: {  	v10 =	vld [tilespmem:s7+$0xCC00];
	v9 =	vmul.f32 v9, v3  }
0x24b: {  	v11 =	vld [tilespmem:s7+$0xC860];
	v8 =	vmul.f32 v8, v3;
	[tilespmem:s7+$0xC870] =	vst v7  }
0x24c: {  	v12 =	vld [tilespmem:s7+$0xC850];
	v4 =	vmul.f32 v4, v3;
	[tilespmem:s7+$0xCC70] =	vst v9  }
0x24d: {  	v13 =	vld [tilespmem:s7+$0xC840];
	v5 =	vmul.f32 v5, v3;
	[tilespmem:s7+$0xCC40] =	vst v8  }
0x24e: {  	v8 =	vld [tilespmem:s7+$0xC830];
	v6 =	vmul.f32 v6, v3;
	[tilespmem:s7+$0xCC10] =	vst v4  }
0x24f: {  	v9 =	vld [tilespmem:s7+$0xC800];
	v10 =	vmul.f32 v10, v3;
	[tilespmem:s7+$0xCC50] =	vst v5  }
0x250: {  	v11 =	vmul.f32 v11, v3;
	v5 =	vld [tilespmem:s7+$0xC810];
	[tilespmem:s7+$0xCC20] =	vst v6  }
0x251: {  	v7 =	vld [tilespmem:s7+$0xCC30];
	v12 =	vmul.f32 v12, v3;
	[tilespmem:s7+$0xCC00] =	vst v10  }
0x252: {  	v63 =	vmul.f32 v13, v3;
	v10 =	vld [tilespmem:s7+$0xC820];
	[tilespmem:s7+$0xC860] =	vst v11  }
0x253: {  	[tilespmem:s7+$0xC850] =	vst v12;
	v11 =	vld [tilespmem:s7+$0xCC60];
	v4 =	vmul.f32 v8, v3  }
0x254: {  	[tilespmem:s7+$0xC840] =	vst v63;
	v8 =	vmul.f32 v9, v3  }
0x255: {  	v5 =	vmul.f32 v5, v3;
	[tilespmem:s7+$0xC830] =	vst v4  }
0x256: {  	v4 =	vmul.f32 v7, v3;
	[tilespmem:s7+$0xC800] =	vst v8  }
0x257: {  	v6 =	vmul.f32 v10, v3;
	[tilespmem:s7+$0xC810] =	vst v5  }
0x258: {  	v3 =	vmul.f32 v11, v3;
	[tilespmem:s7+$0xCC30] =	vst v4  }
0x259: {  	[tilespmem:s7+$0xC820] =	vst v6  }
0x25a: {  	s31 =	simm.s32 $0x0;
	s9 =	rddreg [dreg:$0x7];
	[tilespmem:s7+$0xCC60] =	vst v3  }
0x25b: {  	[hbm4b:s9+s31] =	stream.linear.scatter [tilespmem:s6], [sflag:$0x5], $0x8000, $0x38;
	[tilespmem:$0x1C800] =	vst v63  }
0x25c: {  	_ =	swait.ge [sflag:s26], $0x8000  }
0x25d: {  	[sflag:s26] =	ssyncset.done $0x0  }
0x25e: {  	[sflag:s26] =	ssyncadd.s32 $0xFFFF8000  }
0x25f: {  	_ =	swait.ge [sflag:s28], $0x8000  }
0x260: {  	[sflag:s28] =	ssyncset.done $0x0  }
0x261: {  	[sflag:s28] =	ssyncadd.s32 $0xFFFF8000  }
0x262: {  	v3 =	vld [tilespmem:$0x200];
	_ =	sdelay $0x4  }
0x263: {  	v4 =	vshll.u32 v3, $0x1  }
0x264: {  	v3 =	vand.u32 $0x7, v3;
	v4 =	vand.u32 $0xFFFFFFF0, v4  }
0x265: {  	v3 =	vor.u32 v3, v4  }
0x266: {  	v4 =	vperm.xlane v3, v0;
	_ =	sdelay $0x1  }
0x267: {  	v3 =	vperm.xlane v3, v2;
	v4 =	vadd.s32 v1, v4;
	_ =	sdelay $0x1  }
0x268: {  	v3 =	vadd.s32 v1, v3;
	_ =	sdelay $0x2  }
0x269: {  	[tilespmem:s6], [sflag:$0x2] =	stream.indirect_vreg.gather [hbm4b:s1+s31], $0x80, v4, vm0, $0xb8;
	[tilespmem:$0x1C800] =	vst v63  }
0x26a: {  	s10 =	simm.s32 $0xD000  }
0x26b: {  	[tilespmem:s10], [sflag:$0x2] =	stream.indirect_vreg.gather [hbm4b:s1+s31], $0x80, v3, vm0, $0xb8;
	[tilespmem:$0x1C800] =	vst v63  }
0x26c: {  	v3 =	vld [tilespmem:$0x210];
	_ =	sdelay $0x4  }
0x26d: {  	v4 =	vshll.u32 v3, $0x1  }
0x26e: {  	v3 =	vand.u32 $0x7, v3;
	v4 =	vand.u32 $0xFFFFFFF0, v4  }
0x26f: {  	v3 =	vor.u32 v3, v4  }
0x270: {  	v4 =	vperm.xlane v3, v0;
	_ =	sdelay $0x1  }
0x271: {  	v3 =	vperm.xlane v3, v2;
	v4 =	vadd.s32 v1, v4;
	_ =	sdelay $0x1  }
0x272: {  	v3 =	vadd.s32 v1, v3;
	_ =	sdelay $0x1  }
0x273: {  	s11 =	simm.s32 $0xD800  }
0x274: {  	[tilespmem:s11], [sflag:$0x2] =	stream.indirect_vreg.gather [hbm4b:s1+s31], $0x80, v4, vm0, $0xb8;
	[tilespmem:$0x1C800] =	vst v63  }
0x275: {  	s12 =	simm.s32 $0xE000  }
0x276: {  	[tilespmem:s12], [sflag:$0x2] =	stream.indirect_vreg.gather [hbm4b:s1+s31], $0x80, v3, vm0, $0xb8;
	[tilespmem:$0x1C800] =	vst v63  }
0x277: {  	v3 =	vld [tilespmem:$0x220];
	_ =	sdelay $0x4  }
0x278: {  	v4 =	vshll.u32 v3, $0x1  }
0x279: {  	v3 =	vand.u32 $0x7, v3;
	v4 =	vand.u32 $0xFFFFFFF0, v4  }
0x27a: {  	v3 =	vor.u32 v3, v4  }
0x27b: {  	v4 =	vperm.xlane v3, v0;
	_ =	sdelay $0x1  }
0x27c: {  	v3 =	vperm.xlane v3, v2;
	v4 =	vadd.s32 v1, v4;
	_ =	sdelay $0x1  }
0x27d: {  	v3 =	vadd.s32 v1, v3;
	_ =	sdelay $0x1  }
0x27e: {  	s8 =	simm.s32 $0xE800  }
0x27f: {  	[tilespmem:s8], [sflag:$0x2] =	stream.indirect_vreg.gather [hbm4b:s1+s31], $0x80, v4, vm0, $0xb8;
	[tilespmem:$0x1C800] =	vst v63  }
0x280: {  	s9 =	simm.s32 $0xF000  }
0x281: {  	[tilespmem:s9], [sflag:$0x2] =	stream.indirect_vreg.gather [hbm4b:s1+s31], $0x80, v3, vm0, $0xb8;
	[tilespmem:$0x1C800] =	vst v63  }
0x282: {  	v3 =	vld [tilespmem:$0x230];
	_ =	sdelay $0x4  }
0x283: {  	v4 =	vshll.u32 v3, $0x1  }
0x284: {  	v3 =	vand.u32 $0x7, v3;
	v4 =	vand.u32 $0xFFFFFFF0, v4  }
0x285: {  	v3 =	vor.u32 v3, v4  }
0x286: {  	v4 =	vperm.xlane v3, v0;
	_ =	sdelay $0x1  }
0x287: {  	v3 =	vperm.xlane v3, v2;
	v4 =	vadd.s32 v1, v4;
	_ =	sdelay $0x1  }
0x288: {  	v3 =	vadd.s32 v1, v3;
	_ =	sdelay $0x1  }
0x289: {  	s10 =	simm.s32 $0xF800  }
0x28a: {  	[tilespmem:s10], [sflag:$0x2] =	stream.indirect_vreg.gather [hbm4b:s1+s31], $0x80, v4, vm0, $0xb8;
	[tilespmem:$0x1C800] =	vst v63  }
0x28b: {  	_ = 	snop  }
0x28c: {  	[tilespmem:s13], [sflag:$0x2] =	stream.indirect_vreg.gather [hbm4b:s1+s31], $0x80, v3, vm0, $0xb8;
	[tilespmem:$0x1C800] =	vst v63  }
0x28d: {  	v3 =	vld [tilespmem:$0x240];
	_ =	sdelay $0x4  }
0x28e: {  	v4 =	vshll.u32 v3, $0x1  }
0x28f: {  	v3 =	vand.u32 $0x7, v3;
	v4 =	vand.u32 $0xFFFFFFF0, v4  }
0x290: {  	v3 =	vor.u32 v3, v4  }
0x291: {  	v4 =	vperm.xlane v3, v0;
	_ =	sdelay $0x1  }
0x292: {  	v3 =	vperm.xlane v3, v2;
	v4 =	vadd.s32 v1, v4;
	_ =	sdelay $0x1  }
0x293: {  	v3 =	vadd.s32 v1, v3;
	_ =	sdelay $0x2  }
0x294: {  	[tilespmem:s14], [sflag:$0x2] =	stream.indirect_vreg.gather [hbm4b:s1+s31], $0x80, v4, vm0, $0xb8;
	[tilespmem:$0x1C800] =	vst v63  }
0x295: {  	_ = 	snop  }
0x296: {  	[tilespmem:s5], [sflag:$0x2] =	stream.indirect_vreg.gather [hbm4b:s1+s31], $0x80, v3, vm0, $0xb8;
	[tilespmem:$0x1C800] =	vst v63  }
0x297: {  	v3 =	vld [tilespmem:$0x250];
	_ =	sdelay $0x4  }
0x298: {  	v4 =	vshll.u32 v3, $0x1  }
0x299: {  	v3 =	vand.u32 $0x7, v3;
	v4 =	vand.u32 $0xFFFFFFF0, v4  }
0x29a: {  	v3 =	vor.u32 v3, v4  }
0x29b: {  	v4 =	vperm.xlane v3, v0;
	_ =	sdelay $0x1  }
0x29c: {  	v3 =	vperm.xlane v3, v2;
	v4 =	vadd.s32 v1, v4;
	_ =	sdelay $0x1  }
0x29d: {  	v3 =	vadd.s32 v1, v3;
	_ =	sdelay $0x2  }
0x29e: {  	[tilespmem:s15], [sflag:$0x2] =	stream.indirect_vreg.gather [hbm4b:s1+s31], $0x80, v4, vm0, $0xb8;
	[tilespmem:$0x1C800] =	vst v63  }
0x29f: {  	_ = 	snop  }
0x2a0: {  	[tilespmem:s3], [sflag:$0x2] =	stream.indirect_vreg.gather [hbm4b:s1+s31], $0x80, v3, vm0, $0xb8;
	[tilespmem:$0x1C800] =	vst v63  }
0x2a1: {  	v3 =	vld [tilespmem:$0x260];
	_ =	sdelay $0x4  }
0x2a2: {  	v4 =	vshll.u32 v3, $0x1  }
0x2a3: {  	v3 =	vand.u32 $0x7, v3;
	v4 =	vand.u32 $0xFFFFFFF0, v4  }
0x2a4: {  	v3 =	vor.u32 v3, v4  }
0x2a5: {  	v4 =	vperm.xlane v3, v0;
	_ =	sdelay $0x1  }
0x2a6: {  	v3 =	vperm.xlane v3, v2;
	v4 =	vadd.s32 v1, v4;
	_ =	sdelay $0x1  }
0x2a7: {  	v3 =	vadd.s32 v1, v3;
	_ =	sdelay $0x2  }
0x2a8: {  	[tilespmem:s17], [sflag:$0x2] =	stream.indirect_vreg.gather [hbm4b:s1+s31], $0x80, v4, vm0, $0xb8;
	[tilespmem:$0x1C800] =	vst v63  }
0x2a9: {  	_ = 	snop  }
0x2aa: {  	[tilespmem:s18], [sflag:$0x2] =	stream.indirect_vreg.gather [hbm4b:s1+s31], $0x80, v3, vm0, $0xb8;
	[tilespmem:$0x1C800] =	vst v63  }
0x2ab: {  	v3 =	vld [tilespmem:$0x270];
	_ =	sdelay $0x4  }
0x2ac: {  	v4 =	vshll.u32 v3, $0x1  }
0x2ad: {  	v3 =	vand.u32 $0x7, v3;
	v4 =	vand.u32 $0xFFFFFFF0, v4  }
0x2ae: {  	v3 =	vor.u32 v3, v4  }
0x2af: {  	v4 =	vperm.xlane v3, v0;
	_ =	sdelay $0x1  }
0x2b0: {  	v3 =	vperm.xlane v3, v2;
	v4 =	vadd.s32 v1, v4;
	_ =	sdelay $0x1  }
0x2b1: {  	v3 =	vadd.s32 v1, v3  }
0x2b2: {  	s11 =	sand.u32 $0x7800, s31;
	s8 =	sand.u32 $0x380, s31  }
0x2b3: {  	s10 =	sor.u32 s8, s11  }
0x2b4: {  	[tilespmem:s19], [sflag:$0x2] =	stream.indirect_vreg.gather [hbm4b:s1+s31], $0x80, v4, vm0, $0xb8;
	[tilespmem:$0x1C800] =	vst v63  }
0x2b5: {  	s7 =	sadd.s32 $0x14800, s10  }
0x2b6: {  	[tilespmem:s20], [sflag:$0x2] =	stream.indirect_vreg.gather [hbm4b:s1+s31], $0x80, v3, vm0, $0xb8;
	[tilespmem:$0x1C800] =	vst v63  }
0x2b7: {  	v6 =	vld [tilespmem:s7+$0x430]  }
0x2b8: {  	v4 =	vld [tilespmem:s7+$0x70]  }
0x2b9: {  	s12 =	sand.u32 $0x7F0, s31;
	v9 =	vld [tilespmem:s10+$0x14800]  }
0x2ba: {  	v3 =	vld [tilespmem:s12+$0x1800]  }
0x2bb: {  	v5 =	vld [tilespmem:s7+$0x410]  }
0x2bc: {  	v8 =	vld [tilespmem:s7+$0x50]  }
0x2bd: {  	s9 =	simm.s32 $0x0;
	s8 =	simm.s32 $0x10;
	v7 =	vld [tilespmem:s7+$0x450]  }
.LBB2_8:
0x2be: {  	p0 =	sne.s32 s8, $0x7F0;
	v10 =	vld [tilespmem:s7+$0x440];
	s31 =	sadd.s32 $0x80, s31;
	s9 =	sadd.s32 $0x100, s9  }
0x2bf: {  	s11 =	smov.u32 s8;
	s8 =	sadd.s32 $0x10, s8;
	v9 =	vmul.f32 v9, v3;
	v11 =	vld [tilespmem:s7+$0x400];
	v6 =	vmul.f32 v6, v3  }
0x2c0: {  	v12 =	vld [tilespmem:s7+$0x460]  }
0x2c1: {  	[tilespmem:s10+$0x14800] =	vst v9;
	v8 =	vmul.f32 v8, v3;
	v9 =	vld [tilespmem:s7+$0x420]  }
0x2c2: {  	v13 =	vld [tilespmem:s7+$0x60];
	[tilespmem:s7+$0x430] =	vst v6;
	v6 =	vmul.f32 v7, v3  }
0x2c3: {  	v7 =	vld [tilespmem:s7+$0x40];
	[tilespmem:s7+$0x50] =	vst v8;
	v8 =	vmul.f32 v10, v3  }
0x2c4: {  	s11 =	sand.u32 $0x7F0, s11;
	s12 =	sand.u32 $0x380, s31;
	v5 =	vmul.f32 v5, v3;
	s10 =	sand.u32 $0x7800, s9;
	v10 =	vld [tilespmem:s7+$0x10];
	v11 =	vmul.f32 v11, v3;
	[tilespmem:s7+$0x450] =	vst v6  }
0x2c5: {  	s10 =	sor.u32 s12, s10;
	v6 =	vld [tilespmem:s7+$0x20];
	[tilespmem:s7+$0x440] =	vst v8;
	v8 =	vmul.f32 v12, v3  }
0x2c6: {  	v4 =	vmul.f32 v4, v3;
	v12 =	vld [tilespmem:s7+$0x30];
	[tilespmem:s7+$0x400] =	vst v11  }
0x2c7: {  	v9 =	vmul.f32 v9, v3;
	[tilespmem:s7+$0x460] =	vst v8;
	v8 =	vld [tilespmem:s7+$0x470]  }
0x2c8: {  	v11 =	vmul.f32 v13, v3;
	v7 =	vmul.f32 v7, v3;
	[tilespmem:s7+$0x70] =	vst v4  }
0x2c9: {  	v10 =	vmul.f32 v10, v3;
	[tilespmem:s7+$0x420] =	vst v9  }
0x2ca: {  	v4 =	vmul.f32 v6, v3;
	[tilespmem:s7+$0x40] =	vst v7  }
0x2cb: {  	v6 =	vmul.f32 v12, v3;
	[tilespmem:s7+$0x60] =	vst v11  }
0x2cc: {  	[tilespmem:s7+$0x20] =	vst v4;
	v3 =	vmul.f32 v8, v3  }
0x2cd: {  	s12 =	sadd.s32 $0x14800, s10;
	[tilespmem:s7+$0x30] =	vst v6  }
0x2ce: {  	v6 =	vld [tilespmem:s12+$0x430];
	[tilespmem:s7+$0x470] =	vst v3  }
0x2cf: {  	v4 =	vld [tilespmem:s12+$0x70];
	[tilespmem:s7+$0x10] =	vst v10  }
.Ltmp3:
0x2d0: {  	v9 =	vld [tilespmem:s10+$0x14800];
	[tilespmem:s7+$0x410] =	vst v5;
	s7 =	smov.u32 s12;
	(pc) =	sbr.rel @p0 .LBB2_8-.Ltmp3, $4  }
0x2d1: {  	v3 =	vld [tilespmem:s11+$0x1800]  }
0x2d2: {  	v5 =	vld [tilespmem:s7+$0x410]  }
0x2d3: {  	v8 =	vld [tilespmem:s7+$0x50]  }
0x2d4: {  	v7 =	vld [tilespmem:s7+$0x450]  }
0x2d5: {  	v10 =	vld [tilespmem:s7+$0x440]  }
0x2d6: {  	v11 =	vld [tilespmem:s7+$0x400];
	v9 =	vmul.f32 v9, v3  }
0x2d7: {  	v12 =	vld [tilespmem:s7+$0x460];
	v6 =	vmul.f32 v6, v3  }
0x2d8: {  	[tilespmem:s10+$0x14800] =	vst v9;
	v8 =	vmul.f32 v8, v3  }
0x2d9: {  	v13 =	vld [tilespmem:s7+$0x420];
	[tilespmem:s7+$0x430] =	vst v6;
	v6 =	vmul.f32 v7, v3  }
0x2da: {  	v9 =	vld [tilespmem:s7+$0x60];
	[tilespmem:s7+$0x50] =	vst v8;
	v8 =	vmul.f32 v10, v3  }
0x2db: {  	v7 =	vld [tilespmem:s7+$0x40];
	v10 =	vmul.f32 v11, v3;
	[tilespmem:s7+$0x450] =	vst v6  }
0x2dc: {  	v11 =	vld [tilespmem:s7+$0x20];
	v6 =	vmul.f32 v12, v3;
	[tilespmem:s7+$0x440] =	vst v8  }
0x2dd: {  	v4 =	vmul.f32 v4, v3;
	v8 =	vld [tilespmem:s7+$0x30];
	[tilespmem:s7+$0x400] =	vst v10  }
0x2de: {  	v10 =	vld [tilespmem:s7+$0x470];
	[tilespmem:s7+$0x460] =	vst v6;
	v6 =	vmul.f32 v13, v3  }
0x2df: {  	[tilespmem:s7+$0x70] =	vst v4;
	v63 =	vld [tilespmem:s7+$0x10];
	v4 =	vmul.f32 v9, v3  }
0x2e0: {  	v7 =	vmul.f32 v7, v3;
	[tilespmem:s7+$0x420] =	vst v6  }
0x2e1: {  	v6 =	vmul.f32 v11, v3;
	[tilespmem:s7+$0x60] =	vst v4  }
0x2e2: {  	[tilespmem:s7+$0x40] =	vst v7;
	v7 =	vmul.f32 v8, v3  }
0x2e3: {  	[tilespmem:s7+$0x20] =	vst v6;
	v4 =	vmul.f32 v10, v3  }
0x2e4: {  	v6 =	vmul.f32 v63, v3;
	[tilespmem:s7+$0x30] =	vst v7  }
0x2e5: {  	v3 =	vmul.f32 v5, v3;
	[tilespmem:s7+$0x470] =	vst v4  }
0x2e6: {  	[tilespmem:s7+$0x10] =	vst v6  }
0x2e7: {  	s31 =	simm.s32 $0x0;
	s10 =	rddreg [dreg:$0x8];
	[tilespmem:s7+$0x410] =	vst v3  }
0x2e8: {  	[hbm4b:s10+s31] =	stream.linear.scatter [tilespmem:s23], [sflag:$0x6], $0x8000, $0x38;
	[tilespmem:$0x1C800] =	vst v63  }
0x2e9: {  	_ =	swait.ge [sflag:s22], $0x8000  }
0x2ea: {  	[sflag:s22] =	ssyncset.done $0x0  }
0x2eb: {  	[sflag:s22] =	ssyncadd.s32 $0xFFFF8000  }
0x2ec: {  	_ =	swait.ge [sflag:s29], $0x8000  }
0x2ed: {  	[sflag:s29] =	ssyncset.done $0x0  }
0x2ee: {  	[sflag:s29] =	ssyncadd.s32 $0xFFFF8000  }
0x2ef: {  	v3 =	vld [tilespmem:$0x280];
	_ =	sdelay $0x4  }
0x2f0: {  	v4 =	vshll.u32 v3, $0x1  }
0x2f1: {  	v3 =	vand.u32 $0x7, v3;
	v4 =	vand.u32 $0xFFFFFFF0, v4  }
0x2f2: {  	v3 =	vor.u32 v3, v4  }
0x2f3: {  	v4 =	vperm.xlane v3, v0;
	_ =	sdelay $0x1  }
0x2f4: {  	v3 =	vperm.xlane v3, v2;
	v4 =	vadd.s32 v1, v4;
	_ =	sdelay $0x1  }
0x2f5: {  	v3 =	vadd.s32 v1, v3;
	_ =	sdelay $0x2  }
0x2f6: {  	[tilespmem:s23], [sflag:$0x3] =	stream.indirect_vreg.gather [hbm4b:s1+s31], $0x80, v4, vm0, $0xb8;
	[tilespmem:$0x1C800] =	vst v63  }
0x2f7: {  	s11 =	simm.s32 $0x15000  }
0x2f8: {  	[tilespmem:s11], [sflag:$0x3] =	stream.indirect_vreg.gather [hbm4b:s1+s31], $0x80, v3, vm0, $0xb8;
	[tilespmem:$0x1C800] =	vst v63  }
0x2f9: {  	v3 =	vld [tilespmem:$0x290];
	_ =	sdelay $0x4  }
0x2fa: {  	v4 =	vshll.u32 v3, $0x1  }
0x2fb: {  	v3 =	vand.u32 $0x7, v3;
	v4 =	vand.u32 $0xFFFFFFF0, v4  }
0x2fc: {  	v3 =	vor.u32 v3, v4  }
0x2fd: {  	v4 =	vperm.xlane v3, v0;
	_ =	sdelay $0x1  }
0x2fe: {  	v3 =	vperm.xlane v3, v2;
	v4 =	vadd.s32 v1, v4;
	_ =	sdelay $0x1  }
0x2ff: {  	v3 =	vadd.s32 v1, v3;
	_ =	sdelay $0x1  }
0x300: {  	s12 =	simm.s32 $0x15800  }
0x301: {  	[tilespmem:s12], [sflag:$0x3] =	stream.indirect_vreg.gather [hbm4b:s1+s31], $0x80, v4, vm0, $0xb8;
	[tilespmem:$0x1C800] =	vst v63  }
0x302: {  	s8 =	simm.s32 $0x16000  }
0x303: {  	[tilespmem:s8], [sflag:$0x3] =	stream.indirect_vreg.gather [hbm4b:s1+s31], $0x80, v3, vm0, $0xb8;
	[tilespmem:$0x1C800] =	vst v63  }
0x304: {  	v3 =	vld [tilespmem:$0x2A0];
	_ =	sdelay $0x4  }
0x305: {  	v4 =	vshll.u32 v3, $0x1  }
0x306: {  	v3 =	vand.u32 $0x7, v3;
	v4 =	vand.u32 $0xFFFFFFF0, v4  }
0x307: {  	v3 =	vor.u32 v3, v4  }
0x308: {  	v4 =	vperm.xlane v3, v0;
	_ =	sdelay $0x1  }
0x309: {  	v3 =	vperm.xlane v3, v2;
	v4 =	vadd.s32 v1, v4;
	_ =	sdelay $0x1  }
0x30a: {  	v3 =	vadd.s32 v1, v3;
	_ =	sdelay $0x1  }
0x30b: {  	s9 =	simm.s32 $0x16800  }
0x30c: {  	[tilespmem:s9], [sflag:$0x3] =	stream.indirect_vreg.gather [hbm4b:s1+s31], $0x80, v4, vm0, $0xb8;
	[tilespmem:$0x1C800] =	vst v63  }
0x30d: {  	s10 =	simm.s32 $0x17000  }
0x30e: {  	[tilespmem:s10], [sflag:$0x3] =	stream.indirect_vreg.gather [hbm4b:s1+s31], $0x80, v3, vm0, $0xb8;
	[tilespmem:$0x1C800] =	vst v63  }
0x30f: {  	v3 =	vld [tilespmem:$0x2B0];
	_ =	sdelay $0x4  }
0x310: {  	v4 =	vshll.u32 v3, $0x1  }
0x311: {  	v3 =	vand.u32 $0x7, v3;
	v4 =	vand.u32 $0xFFFFFFF0, v4  }
0x312: {  	v3 =	vor.u32 v3, v4  }
0x313: {  	v4 =	vperm.xlane v3, v0;
	_ =	sdelay $0x1  }
0x314: {  	v3 =	vperm.xlane v3, v2;
	v4 =	vadd.s32 v1, v4;
	_ =	sdelay $0x1  }
0x315: {  	v3 =	vadd.s32 v1, v3;
	_ =	sdelay $0x1  }
0x316: {  	s11 =	simm.s32 $0x17800  }
0x317: {  	[tilespmem:s11], [sflag:$0x3] =	stream.indirect_vreg.gather [hbm4b:s1+s31], $0x80, v4, vm0, $0xb8;
	[tilespmem:$0x1C800] =	vst v63  }
0x318: {  	s12 =	simm.s32 $0x18000  }
0x319: {  	[tilespmem:s12], [sflag:$0x3] =	stream.indirect_vreg.gather [hbm4b:s1+s31], $0x80, v3, vm0, $0xb8;
	[tilespmem:$0x1C800] =	vst v63  }
0x31a: {  	v3 =	vld [tilespmem:$0x2C0];
	_ =	sdelay $0x4  }
0x31b: {  	v4 =	vshll.u32 v3, $0x1  }
0x31c: {  	v3 =	vand.u32 $0x7, v3;
	v4 =	vand.u32 $0xFFFFFFF0, v4  }
0x31d: {  	v3 =	vor.u32 v3, v4  }
0x31e: {  	v4 =	vperm.xlane v3, v0;
	_ =	sdelay $0x1  }
0x31f: {  	v3 =	vperm.xlane v3, v2;
	v4 =	vadd.s32 v1, v4;
	_ =	sdelay $0x1  }
0x320: {  	v3 =	vadd.s32 v1, v3;
	_ =	sdelay $0x1  }
0x321: {  	s8 =	simm.s32 $0x18800  }
0x322: {  	[tilespmem:s8], [sflag:$0x3] =	stream.indirect_vreg.gather [hbm4b:s1+s31], $0x80, v4, vm0, $0xb8;
	[tilespmem:$0x1C800] =	vst v63  }
0x323: {  	s9 =	simm.s32 $0x19000  }
0x324: {  	[tilespmem:s9], [sflag:$0x3] =	stream.indirect_vreg.gather [hbm4b:s1+s31], $0x80, v3, vm0, $0xb8;
	[tilespmem:$0x1C800] =	vst v63  }
0x325: {  	v3 =	vld [tilespmem:$0x2D0];
	_ =	sdelay $0x4  }
0x326: {  	v4 =	vshll.u32 v3, $0x1  }
0x327: {  	v3 =	vand.u32 $0x7, v3;
	v4 =	vand.u32 $0xFFFFFFF0, v4  }
0x328: {  	v3 =	vor.u32 v3, v4  }
0x329: {  	v4 =	vperm.xlane v3, v0;
	_ =	sdelay $0x1  }
0x32a: {  	v3 =	vperm.xlane v3, v2;
	v4 =	vadd.s32 v1, v4;
	_ =	sdelay $0x1  }
0x32b: {  	v3 =	vadd.s32 v1, v3;
	_ =	sdelay $0x1  }
0x32c: {  	s10 =	simm.s32 $0x19800  }
0x32d: {  	[tilespmem:s10], [sflag:$0x3] =	stream.indirect_vreg.gather [hbm4b:s1+s31], $0x80, v4, vm0, $0xb8;
	[tilespmem:$0x1C800] =	vst v63  }
0x32e: {  	s11 =	simm.s32 $0x1A000  }
0x32f: {  	[tilespmem:s11], [sflag:$0x3] =	stream.indirect_vreg.gather [hbm4b:s1+s31], $0x80, v3, vm0, $0xb8;
	[tilespmem:$0x1C800] =	vst v63  }
0x330: {  	v3 =	vld [tilespmem:$0x2E0];
	_ =	sdelay $0x4  }
0x331: {  	v4 =	vshll.u32 v3, $0x1  }
0x332: {  	v3 =	vand.u32 $0x7, v3;
	v4 =	vand.u32 $0xFFFFFFF0, v4  }
0x333: {  	v3 =	vor.u32 v3, v4  }
0x334: {  	v4 =	vperm.xlane v3, v0;
	_ =	sdelay $0x1  }
0x335: {  	v3 =	vperm.xlane v3, v2;
	v4 =	vadd.s32 v1, v4;
	_ =	sdelay $0x1  }
0x336: {  	v3 =	vadd.s32 v1, v3;
	_ =	sdelay $0x1  }
0x337: {  	s12 =	simm.s32 $0x1A800  }
0x338: {  	[tilespmem:s12], [sflag:$0x3] =	stream.indirect_vreg.gather [hbm4b:s1+s31], $0x80, v4, vm0, $0xb8;
	[tilespmem:$0x1C800] =	vst v63  }
0x339: {  	s8 =	simm.s32 $0x1B000  }
0x33a: {  	[tilespmem:s8], [sflag:$0x3] =	stream.indirect_vreg.gather [hbm4b:s1+s31], $0x80, v3, vm0, $0xb8;
	[tilespmem:$0x1C800] =	vst v63  }
0x33b: {  	v3 =	vld [tilespmem:$0x2F0];
	_ =	sdelay $0x4  }
0x33c: {  	v4 =	vshll.u32 v3, $0x1  }
0x33d: {  	v3 =	vand.u32 $0x7, v3;
	v4 =	vand.u32 $0xFFFFFFF0, v4  }
0x33e: {  	v3 =	vor.u32 v3, v4  }
0x33f: {  	v4 =	vperm.xlane v3, v0;
	_ =	sdelay $0x1  }
0x340: {  	v3 =	vperm.xlane v3, v2;
	v4 =	vadd.s32 v1, v4;
	_ =	sdelay $0x1  }
0x341: {  	v3 =	vadd.s32 v1, v3;
	_ =	sdelay $0x1  }
0x342: {  	s9 =	simm.s32 $0x1B800;
	s11 =	sand.u32 $0x7800, s31;
	s8 =	sand.u32 $0x380, s31  }
0x343: {  	[tilespmem:s9], [sflag:$0x3] =	stream.indirect_vreg.gather [hbm4b:s1+s31], $0x80, v4, vm0, $0xb8;
	[tilespmem:$0x1C800] =	vst v63  }
0x344: {  	s10 =	simm.s32 $0x1C000;
	s7 =	sor.u32 s8, s11  }
0x345: {  	[tilespmem:s10], [sflag:$0x3] =	stream.indirect_vreg.gather [hbm4b:s1+s31], $0x80, v3, vm0, $0xb8;
	[tilespmem:$0x1C800] =	vst v63  }
0x346: {  	v7 =	vld [tilespmem:s7+$0x4870]  }
0x347: {  	v9 =	vld [tilespmem:s7+$0x4C70]  }
0x348: {  	v8 =	vld [tilespmem:s7+$0x4C40]  }
0x349: {  	s12 =	sand.u32 $0x7F0, s31;
	v4 =	vld [tilespmem:s7+$0x4C10]  }
0x34a: {  	v3 =	vld [tilespmem:s12+$0x2000]  }
0x34b: {  	v5 =	vld [tilespmem:s7+$0x4C50]  }
0x34c: {  	s8 =	simm.s32 $0x10;
	s9 =	simm.s32 $0x0;
	v6 =	vld [tilespmem:s7+$0x4C20]  }
.LBB2_10:
0x34d: {  	p0 =	sne.s32 s8, $0x7F0;
	v10 =	vld [tilespmem:s7+$0x4C00];
	s31 =	sadd.s32 $0x80, s31;
	s9 =	sadd.s32 $0x100, s9  }
0x34e: {  	s10 =	smov.u32 s8;
	s8 =	sadd.s32 $0x10, s8;
	v11 =	vld [tilespmem:s7+$0x4860]  }
0x34f: {  	v12 =	vld [tilespmem:s7+$0x4850];
	v7 =	vmul.f32 v7, v3;
	v9 =	vmul.f32 v9, v3  }
0x350: {  	v8 =	vmul.f32 v8, v3;
	v13 =	vld [tilespmem:s7+$0x4C30]  }
0x351: {  	v4 =	vmul.f32 v4, v3;
	v14 =	vld [tilespmem:s7+$0x4840];
	[tilespmem:s7+$0x4870] =	vst v7;
	v6 =	vmul.f32 v6, v3  }
0x352: {  	v5 =	vmul.f32 v5, v3;
	v7 =	vld [tilespmem:s7+$0x4800];
	v10 =	vmul.f32 v10, v3;
	[tilespmem:s7+$0x4C70] =	vst v9  }
0x353: {  	v9 =	vld [tilespmem:s7+$0x4830];
	v11 =	vmul.f32 v11, v3;
	[tilespmem:s7+$0x4C40] =	vst v8  }
0x354: {  	v8 =	vld [tilespmem:s7+$0x4810];
	v12 =	vmul.f32 v12, v3;
	[tilespmem:s7+$0x4C00] =	vst v10  }
0x355: {  	v10 =	vld [tilespmem:s7+$0x4820];
	[tilespmem:s7+$0x4860] =	vst v11;
	v11 =	vmul.f32 v13, v3  }
0x356: {  	v13 =	vmul.f32 v14, v3;
	[tilespmem:s7+$0x4850] =	vst v12;
	v12 =	vld [tilespmem:s7+$0x4C60]  }
0x357: {  	v14 =	vmul.f32 v7, v3;
	[tilespmem:s7+$0x4C50] =	vst v5  }
0x358: {  	v5 =	vmul.f32 v9, v3;
	[tilespmem:s7+$0x4C10] =	vst v4  }
0x359: {  	v4 =	vmul.f32 v8, v3;
	[tilespmem:s7+$0x4C20] =	vst v6  }
0x35a: {  	v6 =	vmul.f32 v10, v3;
	[tilespmem:s7+$0x4840] =	vst v13  }
0x35b: {  	s11 =	sand.u32 $0x7800, s9;
	s12 =	sand.u32 $0x380, s31;
	[tilespmem:s7+$0x4830] =	vst v5;
	v3 =	vmul.f32 v12, v3  }
0x35c: {  	s11 =	sor.u32 s12, s11;
	[tilespmem:s7+$0x4820] =	vst v6  }
0x35d: {  	v7 =	vld [tilespmem:s11+$0x4870];
	[tilespmem:s7+$0x4800] =	vst v14  }
0x35e: {  	v9 =	vld [tilespmem:s11+$0x4C70];
	[tilespmem:s7+$0x4C30] =	vst v11  }
.Ltmp4:
0x35f: {  	v8 =	vld [tilespmem:s11+$0x4C40];
	[tilespmem:s7+$0x4810] =	vst v4;
	(pc) =	sbr.rel @p0 .LBB2_10-.Ltmp4, $4  }
0x360: {  	s10 =	sand.u32 $0x7F0, s10;
	v4 =	vld [tilespmem:s11+$0x4C10];
	[tilespmem:s7+$0x4C60] =	vst v3;
	s7 =	smov.u32 s11  }
0x361: {  	v3 =	vld [tilespmem:s10+$0x2000]  }
0x362: {  	v5 =	vld [tilespmem:s7+$0x4C50]  }
0x363: {  	v6 =	vld [tilespmem:s7+$0x4C20]  }
0x364: {  	_ =	sdelay $0x1  }
0x365: {  	v7 =	vmul.f32 v7, v3  }
0x366: {  	v10 =	vld [tilespmem:s7+$0x4C00];
	v9 =	vmul.f32 v9, v3  }
0x367: {  	v11 =	vld [tilespmem:s7+$0x4860];
	v8 =	vmul.f32 v8, v3;
	[tilespmem:s7+$0x4870] =	vst v7  }
0x368: {  	v12 =	vld [tilespmem:s7+$0x4850];
	v4 =	vmul.f32 v4, v3;
	[tilespmem:s7+$0x4C70] =	vst v9  }
0x369: {  	v13 =	vld [tilespmem:s7+$0x4840];
	v5 =	vmul.f32 v5, v3;
	[tilespmem:s7+$0x4C40] =	vst v8  }
0x36a: {  	v8 =	vld [tilespmem:s7+$0x4830];
	v6 =	vmul.f32 v6, v3;
	[tilespmem:s7+$0x4C10] =	vst v4  }
0x36b: {  	v9 =	vld [tilespmem:s7+$0x4800];
	v10 =	vmul.f32 v10, v3;
	[tilespmem:s7+$0x4C50] =	vst v5  }
0x36c: {  	v11 =	vmul.f32 v11, v3;
	v5 =	vld [tilespmem:s7+$0x4810];
	[tilespmem:s7+$0x4C20] =	vst v6  }
0x36d: {  	v7 =	vld [tilespmem:s7+$0x4C30];
	v12 =	vmul.f32 v12, v3;
	[tilespmem:s7+$0x4C00] =	vst v10  }
0x36e: {  	v63 =	vmul.f32 v13, v3;
	v10 =	vld [tilespmem:s7+$0x4820];
	[tilespmem:s7+$0x4860] =	vst v11  }
0x36f: {  	[tilespmem:s7+$0x4850] =	vst v12;
	v11 =	vld [tilespmem:s7+$0x4C60];
	v4 =	vmul.f32 v8, v3  }
0x370: {  	[tilespmem:s7+$0x4840] =	vst v63;
	v8 =	vmul.f32 v9, v3  }
0x371: {  	v5 =	vmul.f32 v5, v3;
	[tilespmem:s7+$0x4830] =	vst v4  }
0x372: {  	v4 =	vmul.f32 v7, v3;
	[tilespmem:s7+$0x4800] =	vst v8  }
0x373: {  	v6 =	vmul.f32 v10, v3;
	[tilespmem:s7+$0x4810] =	vst v5  }
0x374: {  	v3 =	vmul.f32 v11, v3;
	[tilespmem:s7+$0x4C30] =	vst v4  }
0x375: {  	[tilespmem:s7+$0x4820] =	vst v6  }
0x376: {  	s31 =	simm.s32 $0x0;
	s10 =	rddreg [dreg:$0x9];
	[tilespmem:s7+$0x4C60] =	vst v3  }
0x377: {  	[hbm4b:s10+s31] =	stream.linear.scatter [tilespmem:s0], [sflag:$0x4], $0x8000, $0x38;
	[tilespmem:$0x1C800] =	vst v63  }
0x378: {  	_ =	swait.ge [sflag:s24], $0x8000  }
0x379: {  	[sflag:s24] =	ssyncset.done $0x0  }
0x37a: {  	[sflag:s24] =	ssyncadd.s32 $0xFFFF8000  }
0x37b: {  	_ =	swait.ge [sflag:s25], $0x8000  }
0x37c: {  	[sflag:s25] =	ssyncset.done $0x0  }
0x37d: {  	[sflag:s25] =	ssyncadd.s32 $0xFFFF8000  }
0x37e: {  	v3 =	vld [tilespmem:$0x300];
	_ =	sdelay $0x4  }
0x37f: {  	v4 =	vshll.u32 v3, $0x1  }
0x380: {  	v3 =	vand.u32 $0x7, v3;
	v4 =	vand.u32 $0xFFFFFFF0, v4  }
0x381: {  	v3 =	vor.u32 v3, v4  }
0x382: {  	v4 =	vperm.xlane v3, v0;
	_ =	sdelay $0x1  }
0x383: {  	v3 =	vperm.xlane v3, v2;
	v4 =	vadd.s32 v1, v4;
	_ =	sdelay $0x1  }
0x384: {  	v3 =	vadd.s32 v1, v3;
	_ =	sdelay $0x2  }
0x385: {  	[tilespmem:s0], [sflag:$0x1] =	stream.indirect_vreg.gather [hbm4b:s1+s31], $0x80, v4, vm0, $0xb8;
	[tilespmem:$0x1C800] =	vst v63  }
0x386: {  	s11 =	simm.s32 $0x5000  }
0x387: {  	[tilespmem:s11], [sflag:$0x1] =	stream.indirect_vreg.gather [hbm4b:s1+s31], $0x80, v3, vm0, $0xb8;
	[tilespmem:$0x1C800] =	vst v63  }
0x388: {  	v3 =	vld [tilespmem:$0x310];
	_ =	sdelay $0x4  }
0x389: {  	v4 =	vshll.u32 v3, $0x1  }
0x38a: {  	v3 =	vand.u32 $0x7, v3;
	v4 =	vand.u32 $0xFFFFFFF0, v4  }
0x38b: {  	v3 =	vor.u32 v3, v4  }
0x38c: {  	v4 =	vperm.xlane v3, v0;
	_ =	sdelay $0x1  }
0x38d: {  	v3 =	vperm.xlane v3, v2;
	v4 =	vadd.s32 v1, v4;
	_ =	sdelay $0x1  }
0x38e: {  	v3 =	vadd.s32 v1, v3;
	_ =	sdelay $0x1  }
0x38f: {  	s12 =	simm.s32 $0x5800  }
0x390: {  	[tilespmem:s12], [sflag:$0x1] =	stream.indirect_vreg.gather [hbm4b:s1+s31], $0x80, v4, vm0, $0xb8;
	[tilespmem:$0x1C800] =	vst v63  }
0x391: {  	s8 =	simm.s32 $0x6000  }
0x392: {  	[tilespmem:s8], [sflag:$0x1] =	stream.indirect_vreg.gather [hbm4b:s1+s31], $0x80, v3, vm0, $0xb8;
	[tilespmem:$0x1C800] =	vst v63  }
0x393: {  	v3 =	vld [tilespmem:$0x320];
	_ =	sdelay $0x4  }
0x394: {  	v4 =	vshll.u32 v3, $0x1  }
0x395: {  	v3 =	vand.u32 $0x7, v3;
	v4 =	vand.u32 $0xFFFFFFF0, v4  }
0x396: {  	v3 =	vor.u32 v3, v4  }
0x397: {  	v4 =	vperm.xlane v3, v0;
	_ =	sdelay $0x1  }
0x398: {  	v3 =	vperm.xlane v3, v2;
	v4 =	vadd.s32 v1, v4;
	_ =	sdelay $0x1  }
0x399: {  	v3 =	vadd.s32 v1, v3;
	_ =	sdelay $0x1  }
0x39a: {  	s9 =	simm.s32 $0x6800  }
0x39b: {  	[tilespmem:s9], [sflag:$0x1] =	stream.indirect_vreg.gather [hbm4b:s1+s31], $0x80, v4, vm0, $0xb8;
	[tilespmem:$0x1C800] =	vst v63  }
0x39c: {  	s10 =	simm.s32 $0x7000  }
0x39d: {  	[tilespmem:s10], [sflag:$0x1] =	stream.indirect_vreg.gather [hbm4b:s1+s31], $0x80, v3, vm0, $0xb8;
	[tilespmem:$0x1C800] =	vst v63  }
0x39e: {  	v3 =	vld [tilespmem:$0x330];
	_ =	sdelay $0x4  }
0x39f: {  	v4 =	vshll.u32 v3, $0x1  }
0x3a0: {  	v3 =	vand.u32 $0x7, v3;
	v4 =	vand.u32 $0xFFFFFFF0, v4  }
0x3a1: {  	v3 =	vor.u32 v3, v4  }
0x3a2: {  	v4 =	vperm.xlane v3, v0;
	_ =	sdelay $0x1  }
0x3a3: {  	v3 =	vperm.xlane v3, v2;
	v4 =	vadd.s32 v1, v4;
	_ =	sdelay $0x1  }
0x3a4: {  	v3 =	vadd.s32 v1, v3;
	_ =	sdelay $0x1  }
0x3a5: {  	s11 =	simm.s32 $0x7800  }
0x3a6: {  	[tilespmem:s11], [sflag:$0x1] =	stream.indirect_vreg.gather [hbm4b:s1+s31], $0x80, v4, vm0, $0xb8;
	[tilespmem:$0x1C800] =	vst v63  }
0x3a7: {  	s12 =	simm.s32 $0x8000  }
0x3a8: {  	[tilespmem:s12], [sflag:$0x1] =	stream.indirect_vreg.gather [hbm4b:s1+s31], $0x80, v3, vm0, $0xb8;
	[tilespmem:$0x1C800] =	vst v63  }
0x3a9: {  	v3 =	vld [tilespmem:$0x340];
	_ =	sdelay $0x4  }
0x3aa: {  	v4 =	vshll.u32 v3, $0x1  }
0x3ab: {  	v3 =	vand.u32 $0x7, v3;
	v4 =	vand.u32 $0xFFFFFFF0, v4  }
0x3ac: {  	v3 =	vor.u32 v3, v4  }
0x3ad: {  	v4 =	vperm.xlane v3, v0;
	_ =	sdelay $0x1  }
0x3ae: {  	v3 =	vperm.xlane v3, v2;
	v4 =	vadd.s32 v1, v4;
	_ =	sdelay $0x1  }
0x3af: {  	v3 =	vadd.s32 v1, v3;
	_ =	sdelay $0x1  }
0x3b0: {  	s8 =	simm.s32 $0x8800  }
0x3b1: {  	[tilespmem:s8], [sflag:$0x1] =	stream.indirect_vreg.gather [hbm4b:s1+s31], $0x80, v4, vm0, $0xb8;
	[tilespmem:$0x1C800] =	vst v63  }
0x3b2: {  	s9 =	simm.s32 $0x9000  }
0x3b3: {  	[tilespmem:s9], [sflag:$0x1] =	stream.indirect_vreg.gather [hbm4b:s1+s31], $0x80, v3, vm0, $0xb8;
	[tilespmem:$0x1C800] =	vst v63  }
0x3b4: {  	v3 =	vld [tilespmem:$0x350];
	_ =	sdelay $0x4  }
0x3b5: {  	v4 =	vshll.u32 v3, $0x1  }
0x3b6: {  	v3 =	vand.u32 $0x7, v3;
	v4 =	vand.u32 $0xFFFFFFF0, v4  }
0x3b7: {  	v3 =	vor.u32 v3, v4  }
0x3b8: {  	v4 =	vperm.xlane v3, v0;
	_ =	sdelay $0x1  }
0x3b9: {  	v3 =	vperm.xlane v3, v2;
	v4 =	vadd.s32 v1, v4;
	_ =	sdelay $0x1  }
0x3ba: {  	v3 =	vadd.s32 v1, v3;
	_ =	sdelay $0x1  }
0x3bb: {  	s10 =	simm.s32 $0x9800  }
0x3bc: {  	[tilespmem:s10], [sflag:$0x1] =	stream.indirect_vreg.gather [hbm4b:s1+s31], $0x80, v4, vm0, $0xb8;
	[tilespmem:$0x1C800] =	vst v63  }
0x3bd: {  	s11 =	simm.s32 $0xA000  }
0x3be: {  	[tilespmem:s11], [sflag:$0x1] =	stream.indirect_vreg.gather [hbm4b:s1+s31], $0x80, v3, vm0, $0xb8;
	[tilespmem:$0x1C800] =	vst v63  }
0x3bf: {  	v3 =	vld [tilespmem:$0x360];
	_ =	sdelay $0x4  }
0x3c0: {  	v4 =	vshll.u32 v3, $0x1  }
0x3c1: {  	v3 =	vand.u32 $0x7, v3;
	v4 =	vand.u32 $0xFFFFFFF0, v4  }
0x3c2: {  	v3 =	vor.u32 v3, v4  }
0x3c3: {  	v4 =	vperm.xlane v3, v0;
	_ =	sdelay $0x1  }
0x3c4: {  	v3 =	vperm.xlane v3, v2;
	v4 =	vadd.s32 v1, v4;
	_ =	sdelay $0x1  }
0x3c5: {  	v3 =	vadd.s32 v1, v3;
	_ =	sdelay $0x1  }
0x3c6: {  	s12 =	simm.s32 $0xA800  }
0x3c7: {  	[tilespmem:s12], [sflag:$0x1] =	stream.indirect_vreg.gather [hbm4b:s1+s31], $0x80, v4, vm0, $0xb8;
	[tilespmem:$0x1C800] =	vst v63  }
0x3c8: {  	s8 =	simm.s32 $0xB000  }
0x3c9: {  	[tilespmem:s8], [sflag:$0x1] =	stream.indirect_vreg.gather [hbm4b:s1+s31], $0x80, v3, vm0, $0xb8;
	[tilespmem:$0x1C800] =	vst v63  }
0x3ca: {  	v3 =	vld [tilespmem:$0x370];
	_ =	sdelay $0x4  }
0x3cb: {  	v4 =	vshll.u32 v3, $0x1  }
0x3cc: {  	v3 =	vand.u32 $0x7, v3;
	v4 =	vand.u32 $0xFFFFFFF0, v4  }
0x3cd: {  	v3 =	vor.u32 v3, v4  }
0x3ce: {  	v4 =	vperm.xlane v3, v0;
	_ =	sdelay $0x1  }
0x3cf: {  	v3 =	vperm.xlane v3, v2;
	v4 =	vadd.s32 v1, v4;
	_ =	sdelay $0x1  }
0x3d0: {  	v3 =	vadd.s32 v1, v3;
	_ =	sdelay $0x1  }
0x3d1: {  	s9 =	simm.s32 $0xB800;
	s11 =	sand.u32 $0x7800, s31;
	s8 =	sand.u32 $0x380, s31  }
0x3d2: {  	[tilespmem:s9], [sflag:$0x1] =	stream.indirect_vreg.gather [hbm4b:s1+s31], $0x80, v4, vm0, $0xb8;
	[tilespmem:$0x1C800] =	vst v63  }
0x3d3: {  	s10 =	simm.s32 $0xC000;
	s7 =	sor.u32 s8, s11  }
0x3d4: {  	[tilespmem:s10], [sflag:$0x1] =	stream.indirect_vreg.gather [hbm4b:s1+s31], $0x80, v3, vm0, $0xb8;
	[tilespmem:$0x1C800] =	vst v63  }
0x3d5: {  	v7 =	vld [tilespmem:s7+$0xC870]  }
0x3d6: {  	v9 =	vld [tilespmem:s7+$0xCC70]  }
0x3d7: {  	v8 =	vld [tilespmem:s7+$0xCC40]  }
0x3d8: {  	s12 =	sand.u32 $0x7F0, s31;
	v4 =	vld [tilespmem:s7+$0xCC10]  }
0x3d9: {  	v3 =	vld [tilespmem:s12+$0x2800]  }
0x3da: {  	v5 =	vld [tilespmem:s7+$0xCC50]  }
0x3db: {  	s8 =	simm.s32 $0x10;
	s9 =	simm.s32 $0x0;
	v6 =	vld [tilespmem:s7+$0xCC20]  }
.LBB2_12:
0x3dc: {  	p0 =	sne.s32 s8, $0x7F0;
	v10 =	vld [tilespmem:s7+$0xCC00];
	s31 =	sadd.s32 $0x80, s31;
	s9 =	sadd.s32 $0x100, s9  }
0x3dd: {  	s10 =	smov.u32 s8;
	s8 =	sadd.s32 $0x10, s8;
	v11 =	vld [tilespmem:s7+$0xC860]  }
0x3de: {  	v12 =	vld [tilespmem:s7+$0xC850];
	v7 =	vmul.f32 v7, v3;
	v9 =	vmul.f32 v9, v3  }
0x3df: {  	v8 =	vmul.f32 v8, v3;
	v13 =	vld [tilespmem:s7+$0xCC30]  }
0x3e0: {  	v4 =	vmul.f32 v4, v3;
	v14 =	vld [tilespmem:s7+$0xC840];
	[tilespmem:s7+$0xC870] =	vst v7;
	v6 =	vmul.f32 v6, v3  }
0x3e1: {  	v5 =	vmul.f32 v5, v3;
	v7 =	vld [tilespmem:s7+$0xC800];
	v10 =	vmul.f32 v10, v3;
	[tilespmem:s7+$0xCC70] =	vst v9  }
0x3e2: {  	v9 =	vld [tilespmem:s7+$0xC830];
	v11 =	vmul.f32 v11, v3;
	[tilespmem:s7+$0xCC40] =	vst v8  }
0x3e3: {  	v8 =	vld [tilespmem:s7+$0xC810];
	v12 =	vmul.f32 v12, v3;
	[tilespmem:s7+$0xCC00] =	vst v10  }
0x3e4: {  	v10 =	vld [tilespmem:s7+$0xC820];
	[tilespmem:s7+$0xC860] =	vst v11;
	v11 =	vmul.f32 v13, v3  }
0x3e5: {  	v13 =	vmul.f32 v14, v3;
	[tilespmem:s7+$0xC850] =	vst v12;
	v12 =	vld [tilespmem:s7+$0xCC60]  }
0x3e6: {  	v14 =	vmul.f32 v7, v3;
	[tilespmem:s7+$0xCC50] =	vst v5  }
0x3e7: {  	v5 =	vmul.f32 v9, v3;
	[tilespmem:s7+$0xCC10] =	vst v4  }
0x3e8: {  	v4 =	vmul.f32 v8, v3;
	[tilespmem:s7+$0xCC20] =	vst v6  }
0x3e9: {  	v6 =	vmul.f32 v10, v3;
	[tilespmem:s7+$0xC840] =	vst v13  }
0x3ea: {  	s11 =	sand.u32 $0x7800, s9;
	s12 =	sand.u32 $0x380, s31;
	[tilespmem:s7+$0xC830] =	vst v5;
	v3 =	vmul.f32 v12, v3  }
0x3eb: {  	s11 =	sor.u32 s12, s11;
	[tilespmem:s7+$0xC820] =	vst v6  }
0x3ec: {  	v7 =	vld [tilespmem:s11+$0xC870];
	[tilespmem:s7+$0xC800] =	vst v14  }
0x3ed: {  	v9 =	vld [tilespmem:s11+$0xCC70];
	[tilespmem:s7+$0xCC30] =	vst v11  }
.Ltmp5:
0x3ee: {  	v8 =	vld [tilespmem:s11+$0xCC40];
	[tilespmem:s7+$0xC810] =	vst v4;
	(pc) =	sbr.rel @p0 .LBB2_12-.Ltmp5, $4  }
0x3ef: {  	s10 =	sand.u32 $0x7F0, s10;
	v4 =	vld [tilespmem:s11+$0xCC10];
	[tilespmem:s7+$0xCC60] =	vst v3;
	s7 =	smov.u32 s11  }
0x3f0: {  	v3 =	vld [tilespmem:s10+$0x2800]  }
0x3f1: {  	v5 =	vld [tilespmem:s7+$0xCC50]  }
0x3f2: {  	v6 =	vld [tilespmem:s7+$0xCC20]  }
0x3f3: {  	_ =	sdelay $0x1  }
0x3f4: {  	v7 =	vmul.f32 v7, v3  }
0x3f5: {  	v10 =	vld [tilespmem:s7+$0xCC00];
	v9 =	vmul.f32 v9, v3  }
0x3f6: {  	v11 =	vld [tilespmem:s7+$0xC860];
	v8 =	vmul.f32 v8, v3;
	[tilespmem:s7+$0xC870] =	vst v7  }
0x3f7: {  	v12 =	vld [tilespmem:s7+$0xC850];
	v4 =	vmul.f32 v4, v3;
	[tilespmem:s7+$0xCC70] =	vst v9  }
0x3f8: {  	v13 =	vld [tilespmem:s7+$0xC840];
	v5 =	vmul.f32 v5, v3;
	[tilespmem:s7+$0xCC40] =	vst v8  }
0x3f9: {  	v8 =	vld [tilespmem:s7+$0xC830];
	v6 =	vmul.f32 v6, v3;
	[tilespmem:s7+$0xCC10] =	vst v4  }
0x3fa: {  	v9 =	vld [tilespmem:s7+$0xC800];
	v10 =	vmul.f32 v10, v3;
	[tilespmem:s7+$0xCC50] =	vst v5  }
0x3fb: {  	v11 =	vmul.f32 v11, v3;
	v5 =	vld [tilespmem:s7+$0xC810];
	[tilespmem:s7+$0xCC20] =	vst v6  }
0x3fc: {  	v7 =	vld [tilespmem:s7+$0xCC30];
	v12 =	vmul.f32 v12, v3;
	[tilespmem:s7+$0xCC00] =	vst v10  }
0x3fd: {  	v63 =	vmul.f32 v13, v3;
	v10 =	vld [tilespmem:s7+$0xC820];
	[tilespmem:s7+$0xC860] =	vst v11  }
0x3fe: {  	[tilespmem:s7+$0xC850] =	vst v12;
	v11 =	vld [tilespmem:s7+$0xCC60];
	v4 =	vmul.f32 v8, v3  }
0x3ff: {  	[tilespmem:s7+$0xC840] =	vst v63;
	v8 =	vmul.f32 v9, v3  }
0x400: {  	v5 =	vmul.f32 v5, v3;
	[tilespmem:s7+$0xC830] =	vst v4  }
0x401: {  	v4 =	vmul.f32 v7, v3;
	[tilespmem:s7+$0xC800] =	vst v8  }
0x402: {  	v6 =	vmul.f32 v10, v3;
	[tilespmem:s7+$0xC810] =	vst v5  }
0x403: {  	v3 =	vmul.f32 v11, v3;
	[tilespmem:s7+$0xCC30] =	vst v4  }
0x404: {  	[tilespmem:s7+$0xC820] =	vst v6  }
0x405: {  	s31 =	simm.s32 $0x0;
	s9 =	rddreg [dreg:$0xa];
	[tilespmem:s7+$0xCC60] =	vst v3  }
0x406: {  	[hbm4b:s9+s31] =	stream.linear.scatter [tilespmem:s6], [sflag:$0x5], $0x8000, $0x38;
	[tilespmem:$0x1C800] =	vst v63  }
0x407: {  	_ =	swait.ge [sflag:s26], $0x8000  }
0x408: {  	[sflag:s26] =	ssyncset.done $0x0  }
0x409: {  	[sflag:s26] =	ssyncadd.s32 $0xFFFF8000  }
0x40a: {  	_ =	swait.ge [sflag:s28], $0x8000  }
0x40b: {  	[sflag:s28] =	ssyncset.done $0x0  }
0x40c: {  	[sflag:s28] =	ssyncadd.s32 $0xFFFF8000  }
0x40d: {  	v3 =	vld [tilespmem:$0x380];
	_ =	sdelay $0x4  }
0x40e: {  	v4 =	vshll.u32 v3, $0x1  }
0x40f: {  	v3 =	vand.u32 $0x7, v3;
	v4 =	vand.u32 $0xFFFFFFF0, v4  }
0x410: {  	v3 =	vor.u32 v3, v4  }
0x411: {  	v4 =	vperm.xlane v3, v0;
	_ =	sdelay $0x1  }
0x412: {  	v3 =	vperm.xlane v3, v2;
	v4 =	vadd.s32 v1, v4;
	_ =	sdelay $0x1  }
0x413: {  	v3 =	vadd.s32 v1, v3;
	_ =	sdelay $0x2  }
0x414: {  	[tilespmem:s6], [sflag:$0x2] =	stream.indirect_vreg.gather [hbm4b:s1+s31], $0x80, v4, vm0, $0xb8;
	[tilespmem:$0x1C800] =	vst v63  }
0x415: {  	s10 =	simm.s32 $0xD000  }
0x416: {  	[tilespmem:s10], [sflag:$0x2] =	stream.indirect_vreg.gather [hbm4b:s1+s31], $0x80, v3, vm0, $0xb8;
	[tilespmem:$0x1C800] =	vst v63  }
0x417: {  	v3 =	vld [tilespmem:$0x390];
	_ =	sdelay $0x4  }
0x418: {  	v4 =	vshll.u32 v3, $0x1  }
0x419: {  	v3 =	vand.u32 $0x7, v3;
	v4 =	vand.u32 $0xFFFFFFF0, v4  }
0x41a: {  	v3 =	vor.u32 v3, v4  }
0x41b: {  	v4 =	vperm.xlane v3, v0;
	_ =	sdelay $0x1  }
0x41c: {  	v3 =	vperm.xlane v3, v2;
	v4 =	vadd.s32 v1, v4;
	_ =	sdelay $0x1  }
0x41d: {  	v3 =	vadd.s32 v1, v3;
	_ =	sdelay $0x1  }
0x41e: {  	s11 =	simm.s32 $0xD800  }
0x41f: {  	[tilespmem:s11], [sflag:$0x2] =	stream.indirect_vreg.gather [hbm4b:s1+s31], $0x80, v4, vm0, $0xb8;
	[tilespmem:$0x1C800] =	vst v63  }
0x420: {  	s12 =	simm.s32 $0xE000  }
0x421: {  	[tilespmem:s12], [sflag:$0x2] =	stream.indirect_vreg.gather [hbm4b:s1+s31], $0x80, v3, vm0, $0xb8;
	[tilespmem:$0x1C800] =	vst v63  }
0x422: {  	v3 =	vld [tilespmem:$0x3A0];
	_ =	sdelay $0x4  }
0x423: {  	v4 =	vshll.u32 v3, $0x1  }
0x424: {  	v3 =	vand.u32 $0x7, v3;
	v4 =	vand.u32 $0xFFFFFFF0, v4  }
0x425: {  	v3 =	vor.u32 v3, v4  }
0x426: {  	v4 =	vperm.xlane v3, v0;
	_ =	sdelay $0x1  }
0x427: {  	v3 =	vperm.xlane v3, v2;
	v4 =	vadd.s32 v1, v4;
	_ =	sdelay $0x1  }
0x428: {  	v3 =	vadd.s32 v1, v3;
	_ =	sdelay $0x1  }
0x429: {  	s8 =	simm.s32 $0xE800  }
0x42a: {  	[tilespmem:s8], [sflag:$0x2] =	stream.indirect_vreg.gather [hbm4b:s1+s31], $0x80, v4, vm0, $0xb8;
	[tilespmem:$0x1C800] =	vst v63  }
0x42b: {  	s9 =	simm.s32 $0xF000  }
0x42c: {  	[tilespmem:s9], [sflag:$0x2] =	stream.indirect_vreg.gather [hbm4b:s1+s31], $0x80, v3, vm0, $0xb8;
	[tilespmem:$0x1C800] =	vst v63  }
0x42d: {  	v3 =	vld [tilespmem:$0x3B0];
	_ =	sdelay $0x4  }
0x42e: {  	v4 =	vshll.u32 v3, $0x1  }
0x42f: {  	v3 =	vand.u32 $0x7, v3;
	v4 =	vand.u32 $0xFFFFFFF0, v4  }
0x430: {  	v3 =	vor.u32 v3, v4  }
0x431: {  	v4 =	vperm.xlane v3, v0;
	_ =	sdelay $0x1  }
0x432: {  	v3 =	vperm.xlane v3, v2;
	v4 =	vadd.s32 v1, v4;
	_ =	sdelay $0x1  }
0x433: {  	v3 =	vadd.s32 v1, v3;
	_ =	sdelay $0x1  }
0x434: {  	s10 =	simm.s32 $0xF800  }
0x435: {  	[tilespmem:s10], [sflag:$0x2] =	stream.indirect_vreg.gather [hbm4b:s1+s31], $0x80, v4, vm0, $0xb8;
	[tilespmem:$0x1C800] =	vst v63  }
0x436: {  	_ = 	snop  }
0x437: {  	[tilespmem:s13], [sflag:$0x2] =	stream.indirect_vreg.gather [hbm4b:s1+s31], $0x80, v3, vm0, $0xb8;
	[tilespmem:$0x1C800] =	vst v63  }
0x438: {  	v3 =	vld [tilespmem:$0x3C0];
	_ =	sdelay $0x4  }
0x439: {  	v4 =	vshll.u32 v3, $0x1  }
0x43a: {  	v3 =	vand.u32 $0x7, v3;
	v4 =	vand.u32 $0xFFFFFFF0, v4  }
0x43b: {  	v3 =	vor.u32 v3, v4  }
0x43c: {  	v4 =	vperm.xlane v3, v0;
	_ =	sdelay $0x1  }
0x43d: {  	v3 =	vperm.xlane v3, v2;
	v4 =	vadd.s32 v1, v4;
	_ =	sdelay $0x1  }
0x43e: {  	v3 =	vadd.s32 v1, v3;
	_ =	sdelay $0x2  }
0x43f: {  	[tilespmem:s14], [sflag:$0x2] =	stream.indirect_vreg.gather [hbm4b:s1+s31], $0x80, v4, vm0, $0xb8;
	[tilespmem:$0x1C800] =	vst v63  }
0x440: {  	_ = 	snop  }
0x441: {  	[tilespmem:s5], [sflag:$0x2] =	stream.indirect_vreg.gather [hbm4b:s1+s31], $0x80, v3, vm0, $0xb8;
	[tilespmem:$0x1C800] =	vst v63  }
0x442: {  	v3 =	vld [tilespmem:$0x3D0];
	_ =	sdelay $0x4  }
0x443: {  	v4 =	vshll.u32 v3, $0x1  }
0x444: {  	v3 =	vand.u32 $0x7, v3;
	v4 =	vand.u32 $0xFFFFFFF0, v4  }
0x445: {  	v3 =	vor.u32 v3, v4  }
0x446: {  	v4 =	vperm.xlane v3, v0;
	_ =	sdelay $0x1  }
0x447: {  	v3 =	vperm.xlane v3, v2;
	v4 =	vadd.s32 v1, v4;
	_ =	sdelay $0x1  }
0x448: {  	v3 =	vadd.s32 v1, v3;
	_ =	sdelay $0x2  }
0x449: {  	[tilespmem:s15], [sflag:$0x2] =	stream.indirect_vreg.gather [hbm4b:s1+s31], $0x80, v4, vm0, $0xb8;
	[tilespmem:$0x1C800] =	vst v63  }
0x44a: {  	_ = 	snop  }
0x44b: {  	[tilespmem:s3], [sflag:$0x2] =	stream.indirect_vreg.gather [hbm4b:s1+s31], $0x80, v3, vm0, $0xb8;
	[tilespmem:$0x1C800] =	vst v63  }
0x44c: {  	v3 =	vld [tilespmem:$0x3E0];
	_ =	sdelay $0x4  }
0x44d: {  	v4 =	vshll.u32 v3, $0x1  }
0x44e: {  	v3 =	vand.u32 $0x7, v3;
	v4 =	vand.u32 $0xFFFFFFF0, v4  }
0x44f: {  	v3 =	vor.u32 v3, v4  }
0x450: {  	v4 =	vperm.xlane v3, v0;
	_ =	sdelay $0x1  }
0x451: {  	v3 =	vperm.xlane v3, v2;
	v4 =	vadd.s32 v1, v4;
	_ =	sdelay $0x1  }
0x452: {  	v3 =	vadd.s32 v1, v3;
	_ =	sdelay $0x2  }
0x453: {  	[tilespmem:s17], [sflag:$0x2] =	stream.indirect_vreg.gather [hbm4b:s1+s31], $0x80, v4, vm0, $0xb8;
	[tilespmem:$0x1C800] =	vst v63  }
0x454: {  	_ = 	snop  }
0x455: {  	[tilespmem:s18], [sflag:$0x2] =	stream.indirect_vreg.gather [hbm4b:s1+s31], $0x80, v3, vm0, $0xb8;
	[tilespmem:$0x1C800] =	vst v63  }
0x456: {  	v3 =	vld [tilespmem:$0x3F0];
	_ =	sdelay $0x4  }
0x457: {  	v4 =	vshll.u32 v3, $0x1  }
0x458: {  	v3 =	vand.u32 $0x7, v3;
	v4 =	vand.u32 $0xFFFFFFF0, v4  }
0x459: {  	v3 =	vor.u32 v3, v4  }
0x45a: {  	v4 =	vperm.xlane v3, v0;
	_ =	sdelay $0x1  }
0x45b: {  	v3 =	vperm.xlane v3, v2;
	v4 =	vadd.s32 v1, v4;
	_ =	sdelay $0x1  }
0x45c: {  	v3 =	vadd.s32 v1, v3  }
0x45d: {  	s11 =	sand.u32 $0x7800, s31;
	s8 =	sand.u32 $0x380, s31  }
0x45e: {  	s10 =	sor.u32 s8, s11  }
0x45f: {  	[tilespmem:s19], [sflag:$0x2] =	stream.indirect_vreg.gather [hbm4b:s1+s31], $0x80, v4, vm0, $0xb8;
	[tilespmem:$0x1C800] =	vst v63  }
0x460: {  	s7 =	sadd.s32 $0x14800, s10  }
0x461: {  	[tilespmem:s20], [sflag:$0x2] =	stream.indirect_vreg.gather [hbm4b:s1+s31], $0x80, v3, vm0, $0xb8;
	[tilespmem:$0x1C800] =	vst v63  }
0x462: {  	v6 =	vld [tilespmem:s7+$0x430]  }
0x463: {  	v4 =	vld [tilespmem:s7+$0x70]  }
0x464: {  	s12 =	sand.u32 $0x7F0, s31;
	v9 =	vld [tilespmem:s10+$0x14800]  }
0x465: {  	v3 =	vld [tilespmem:s12+$0x3000]  }
0x466: {  	v5 =	vld [tilespmem:s7+$0x410]  }
0x467: {  	v8 =	vld [tilespmem:s7+$0x50]  }
0x468: {  	s9 =	simm.s32 $0x0;
	s8 =	simm.s32 $0x10;
	v7 =	vld [tilespmem:s7+$0x450]  }
.LBB2_14:
0x469: {  	p0 =	sne.s32 s8, $0x7F0;
	v10 =	vld [tilespmem:s7+$0x440];
	s31 =	sadd.s32 $0x80, s31;
	s9 =	sadd.s32 $0x100, s9  }
0x46a: {  	s11 =	smov.u32 s8;
	s8 =	sadd.s32 $0x10, s8;
	v9 =	vmul.f32 v9, v3;
	v11 =	vld [tilespmem:s7+$0x400];
	v6 =	vmul.f32 v6, v3  }
0x46b: {  	v12 =	vld [tilespmem:s7+$0x460]  }
0x46c: {  	[tilespmem:s10+$0x14800] =	vst v9;
	v8 =	vmul.f32 v8, v3;
	v9 =	vld [tilespmem:s7+$0x420]  }
0x46d: {  	v13 =	vld [tilespmem:s7+$0x60];
	[tilespmem:s7+$0x430] =	vst v6;
	v6 =	vmul.f32 v7, v3  }
0x46e: {  	v7 =	vld [tilespmem:s7+$0x40];
	[tilespmem:s7+$0x50] =	vst v8;
	v8 =	vmul.f32 v10, v3  }
0x46f: {  	s11 =	sand.u32 $0x7F0, s11;
	s12 =	sand.u32 $0x380, s31;
	v5 =	vmul.f32 v5, v3;
	s10 =	sand.u32 $0x7800, s9;
	v10 =	vld [tilespmem:s7+$0x10];
	v11 =	vmul.f32 v11, v3;
	[tilespmem:s7+$0x450] =	vst v6  }
0x470: {  	s10 =	sor.u32 s12, s10;
	v6 =	vld [tilespmem:s7+$0x20];
	[tilespmem:s7+$0x440] =	vst v8;
	v8 =	vmul.f32 v12, v3  }
0x471: {  	v4 =	vmul.f32 v4, v3;
	v12 =	vld [tilespmem:s7+$0x30];
	[tilespmem:s7+$0x400] =	vst v11  }
0x472: {  	v9 =	vmul.f32 v9, v3;
	[tilespmem:s7+$0x460] =	vst v8;
	v8 =	vld [tilespmem:s7+$0x470]  }
0x473: {  	v11 =	vmul.f32 v13, v3;
	v7 =	vmul.f32 v7, v3;
	[tilespmem:s7+$0x70] =	vst v4  }
0x474: {  	v10 =	vmul.f32 v10, v3;
	[tilespmem:s7+$0x420] =	vst v9  }
0x475: {  	v4 =	vmul.f32 v6, v3;
	[tilespmem:s7+$0x40] =	vst v7  }
0x476: {  	v6 =	vmul.f32 v12, v3;
	[tilespmem:s7+$0x60] =	vst v11  }
0x477: {  	[tilespmem:s7+$0x20] =	vst v4;
	v3 =	vmul.f32 v8, v3  }
0x478: {  	s12 =	sadd.s32 $0x14800, s10;
	[tilespmem:s7+$0x30] =	vst v6  }
0x479: {  	v6 =	vld [tilespmem:s12+$0x430];
	[tilespmem:s7+$0x470] =	vst v3  }
0x47a: {  	v4 =	vld [tilespmem:s12+$0x70];
	[tilespmem:s7+$0x10] =	vst v10  }
.Ltmp6:
0x47b: {  	v9 =	vld [tilespmem:s10+$0x14800];
	[tilespmem:s7+$0x410] =	vst v5;
	s7 =	smov.u32 s12;
	(pc) =	sbr.rel @p0 .LBB2_14-.Ltmp6, $4  }
0x47c: {  	v3 =	vld [tilespmem:s11+$0x3000]  }
0x47d: {  	v5 =	vld [tilespmem:s7+$0x410]  }
0x47e: {  	v8 =	vld [tilespmem:s7+$0x50]  }
0x47f: {  	v7 =	vld [tilespmem:s7+$0x450]  }
0x480: {  	v10 =	vld [tilespmem:s7+$0x440]  }
0x481: {  	v11 =	vld [tilespmem:s7+$0x400];
	v9 =	vmul.f32 v9, v3  }
0x482: {  	v12 =	vld [tilespmem:s7+$0x460];
	v6 =	vmul.f32 v6, v3  }
0x483: {  	[tilespmem:s10+$0x14800] =	vst v9;
	v8 =	vmul.f32 v8, v3  }
0x484: {  	v13 =	vld [tilespmem:s7+$0x420];
	[tilespmem:s7+$0x430] =	vst v6;
	v6 =	vmul.f32 v7, v3  }
0x485: {  	v9 =	vld [tilespmem:s7+$0x60];
	[tilespmem:s7+$0x50] =	vst v8;
	v8 =	vmul.f32 v10, v3  }
0x486: {  	v7 =	vld [tilespmem:s7+$0x40];
	v10 =	vmul.f32 v11, v3;
	[tilespmem:s7+$0x450] =	vst v6  }
0x487: {  	v11 =	vld [tilespmem:s7+$0x20];
	v6 =	vmul.f32 v12, v3;
	[tilespmem:s7+$0x440] =	vst v8  }
0x488: {  	v4 =	vmul.f32 v4, v3;
	v8 =	vld [tilespmem:s7+$0x30];
	[tilespmem:s7+$0x400] =	vst v10  }
0x489: {  	v10 =	vld [tilespmem:s7+$0x470];
	[tilespmem:s7+$0x460] =	vst v6;
	v6 =	vmul.f32 v13, v3  }
0x48a: {  	[tilespmem:s7+$0x70] =	vst v4;
	v63 =	vld [tilespmem:s7+$0x10];
	v4 =	vmul.f32 v9, v3  }
0x48b: {  	v7 =	vmul.f32 v7, v3;
	[tilespmem:s7+$0x420] =	vst v6  }
0x48c: {  	v6 =	vmul.f32 v11, v3;
	[tilespmem:s7+$0x60] =	vst v4  }
0x48d: {  	[tilespmem:s7+$0x40] =	vst v7;
	v7 =	vmul.f32 v8, v3  }
0x48e: {  	[tilespmem:s7+$0x20] =	vst v6;
	v4 =	vmul.f32 v10, v3  }
0x48f: {  	v6 =	vmul.f32 v63, v3;
	[tilespmem:s7+$0x30] =	vst v7  }
0x490: {  	v3 =	vmul.f32 v5, v3;
	[tilespmem:s7+$0x470] =	vst v4  }
0x491: {  	[tilespmem:s7+$0x10] =	vst v6  }
0x492: {  	s8 =	simm.s32 $0x0;
	s11 =	rddreg [dreg:$0xb];
	[tilespmem:s7+$0x410] =	vst v3  }
0x493: {  	[hbm4b:s11+s8] =	stream.linear.scatter [tilespmem:s23], [sflag:$0x6], $0x8000, $0x38;
	[tilespmem:$0x1C800] =	vst v63  }
0x494: {  	_ =	swait.ge [sflag:s22], $0x8000  }
0x495: {  	s12 =	sand.u32 $0x7800, s8;
	s9 =	sand.u32 $0x380, s8;
	[sflag:s22] =	ssyncset.done $0x0  }
0x496: {  	s7 =	sor.u32 s9, s12;
	[sflag:s22] =	ssyncadd.s32 $0xFFFF8000  }
0x497: {  	v7 =	vld [tilespmem:s7+$0x4870]  }
0x498: {  	v9 =	vld [tilespmem:s7+$0x4C70]  }
0x499: {  	v8 =	vld [tilespmem:s7+$0x4C40]  }
0x49a: {  	s31 =	sand.u32 $0x7F0, s8;
	v4 =	vld [tilespmem:s7+$0x4C10]  }
0x49b: {  	v3 =	vld [tilespmem:s31+$0x3800]  }
0x49c: {  	v5 =	vld [tilespmem:s7+$0x4C50]  }
0x49d: {  	s10 =	simm.s32 $0x0;
	s9 =	simm.s32 $0x10;
	v6 =	vld [tilespmem:s7+$0x4C20]  }
.LBB2_16:
0x49e: {  	p0 =	sne.s32 s9, $0x7F0;
	v10 =	vld [tilespmem:s7+$0x4C00];
	s8 =	sadd.s32 $0x80, s8;
	s10 =	sadd.s32 $0x100, s10  }
0x49f: {  	s11 =	smov.u32 s9;
	s9 =	sadd.s32 $0x10, s9;
	v11 =	vld [tilespmem:s7+$0x4860]  }
0x4a0: {  	v12 =	vld [tilespmem:s7+$0x4850];
	v7 =	vmul.f32 v7, v3;
	v9 =	vmul.f32 v9, v3  }
0x4a1: {  	v8 =	vmul.f32 v8, v3;
	v13 =	vld [tilespmem:s7+$0x4C30]  }
0x4a2: {  	v4 =	vmul.f32 v4, v3;
	v14 =	vld [tilespmem:s7+$0x4840];
	[tilespmem:s7+$0x4870] =	vst v7;
	v6 =	vmul.f32 v6, v3  }
0x4a3: {  	v5 =	vmul.f32 v5, v3;
	v7 =	vld [tilespmem:s7+$0x4800];
	v10 =	vmul.f32 v10, v3;
	[tilespmem:s7+$0x4C70] =	vst v9  }
0x4a4: {  	v9 =	vld [tilespmem:s7+$0x4830];
	v11 =	vmul.f32 v11, v3;
	[tilespmem:s7+$0x4C40] =	vst v8  }
0x4a5: {  	v8 =	vld [tilespmem:s7+$0x4810];
	v12 =	vmul.f32 v12, v3;
	[tilespmem:s7+$0x4C00] =	vst v10  }
0x4a6: {  	v10 =	vld [tilespmem:s7+$0x4820];
	[tilespmem:s7+$0x4860] =	vst v11;
	v11 =	vmul.f32 v13, v3  }
0x4a7: {  	v13 =	vmul.f32 v14, v3;
	[tilespmem:s7+$0x4850] =	vst v12;
	v12 =	vld [tilespmem:s7+$0x4C60]  }
0x4a8: {  	v14 =	vmul.f32 v7, v3;
	[tilespmem:s7+$0x4C50] =	vst v5  }
0x4a9: {  	v5 =	vmul.f32 v9, v3;
	[tilespmem:s7+$0x4C10] =	vst v4  }
0x4aa: {  	v4 =	vmul.f32 v8, v3;
	[tilespmem:s7+$0x4C20] =	vst v6  }
0x4ab: {  	v6 =	vmul.f32 v10, v3;
	[tilespmem:s7+$0x4840] =	vst v13  }
0x4ac: {  	s12 =	sand.u32 $0x7800, s10;
	s31 =	sand.u32 $0x380, s8;
	[tilespmem:s7+$0x4830] =	vst v5;
	v3 =	vmul.f32 v12, v3  }
0x4ad: {  	s12 =	sor.u32 s31, s12;
	[tilespmem:s7+$0x4820] =	vst v6  }
0x4ae: {  	v7 =	vld [tilespmem:s12+$0x4870];
	[tilespmem:s7+$0x4800] =	vst v14  }
0x4af: {  	v9 =	vld [tilespmem:s12+$0x4C70];
	[tilespmem:s7+$0x4C30] =	vst v11  }
.Ltmp7:
0x4b0: {  	v8 =	vld [tilespmem:s12+$0x4C40];
	[tilespmem:s7+$0x4810] =	vst v4;
	(pc) =	sbr.rel @p0 .LBB2_16-.Ltmp7, $4  }
0x4b1: {  	s11 =	sand.u32 $0x7F0, s11;
	v4 =	vld [tilespmem:s12+$0x4C10];
	[tilespmem:s7+$0x4C60] =	vst v3;
	s7 =	smov.u32 s12  }
0x4b2: {  	v3 =	vld [tilespmem:s11+$0x3800]  }
0x4b3: {  	v5 =	vld [tilespmem:s7+$0x4C50]  }
0x4b4: {  	v6 =	vld [tilespmem:s7+$0x4C20]  }
0x4b5: {  	_ =	sdelay $0x1  }
0x4b6: {  	v7 =	vmul.f32 v7, v3  }
0x4b7: {  	v10 =	vld [tilespmem:s7+$0x4C00];
	v9 =	vmul.f32 v9, v3  }
0x4b8: {  	v11 =	vld [tilespmem:s7+$0x4860];
	v8 =	vmul.f32 v8, v3;
	[tilespmem:s7+$0x4870] =	vst v7  }
0x4b9: {  	v12 =	vld [tilespmem:s7+$0x4850];
	v4 =	vmul.f32 v4, v3;
	[tilespmem:s7+$0x4C70] =	vst v9  }
0x4ba: {  	v13 =	vld [tilespmem:s7+$0x4840];
	v5 =	vmul.f32 v5, v3;
	[tilespmem:s7+$0x4C40] =	vst v8  }
0x4bb: {  	v8 =	vld [tilespmem:s7+$0x4830];
	v6 =	vmul.f32 v6, v3;
	[tilespmem:s7+$0x4C10] =	vst v4  }
0x4bc: {  	v9 =	vld [tilespmem:s7+$0x4800];
	v10 =	vmul.f32 v10, v3;
	[tilespmem:s7+$0x4C50] =	vst v5  }
0x4bd: {  	v11 =	vmul.f32 v11, v3;
	v5 =	vld [tilespmem:s7+$0x4810];
	[tilespmem:s7+$0x4C20] =	vst v6  }
0x4be: {  	v7 =	vld [tilespmem:s7+$0x4C30];
	v12 =	vmul.f32 v12, v3;
	[tilespmem:s7+$0x4C00] =	vst v10  }
0x4bf: {  	v63 =	vmul.f32 v13, v3;
	v10 =	vld [tilespmem:s7+$0x4820];
	[tilespmem:s7+$0x4860] =	vst v11  }
0x4c0: {  	[tilespmem:s7+$0x4850] =	vst v12;
	v11 =	vld [tilespmem:s7+$0x4C60];
	v4 =	vmul.f32 v8, v3  }
0x4c1: {  	[tilespmem:s7+$0x4840] =	vst v63;
	v8 =	vmul.f32 v9, v3  }
0x4c2: {  	v5 =	vmul.f32 v5, v3;
	[tilespmem:s7+$0x4830] =	vst v4  }
0x4c3: {  	v4 =	vmul.f32 v7, v3;
	[tilespmem:s7+$0x4800] =	vst v8  }
0x4c4: {  	v6 =	vmul.f32 v10, v3;
	[tilespmem:s7+$0x4810] =	vst v5  }
0x4c5: {  	v3 =	vmul.f32 v11, v3;
	[tilespmem:s7+$0x4C30] =	vst v4  }
0x4c6: {  	[tilespmem:s7+$0x4820] =	vst v6  }
0x4c7: {  	s8 =	simm.s32 $0x0;
	s11 =	rddreg [dreg:$0xc];
	[tilespmem:s7+$0x4C60] =	vst v3  }
0x4c8: {  	[hbm4b:s11+s8] =	stream.linear.scatter [tilespmem:s0], [sflag:$0x4], $0x8000, $0x38;
	[tilespmem:$0x1C800] =	vst v63  }
0x4c9: {  	_ =	swait.ge [sflag:s24], $0x8000  }
0x4ca: {  	s12 =	sand.u32 $0x7800, s8;
	s9 =	sand.u32 $0x380, s8;
	[sflag:s24] =	ssyncset.done $0x0  }
0x4cb: {  	s7 =	sor.u32 s9, s12;
	[sflag:s24] =	ssyncadd.s32 $0xFFFF8000  }
0x4cc: {  	v7 =	vld [tilespmem:s7+$0xC870]  }
0x4cd: {  	v9 =	vld [tilespmem:s7+$0xCC70]  }
0x4ce: {  	v8 =	vld [tilespmem:s7+$0xCC40]  }
0x4cf: {  	s31 =	sand.u32 $0x7F0, s8;
	v4 =	vld [tilespmem:s7+$0xCC10]  }
0x4d0: {  	v3 =	vld [tilespmem:s31+$0x4000]  }
0x4d1: {  	v5 =	vld [tilespmem:s7+$0xCC50]  }
0x4d2: {  	s10 =	simm.s32 $0x0;
	s9 =	simm.s32 $0x10;
	v6 =	vld [tilespmem:s7+$0xCC20]  }
.LBB2_18:
0x4d3: {  	p0 =	sne.s32 s9, $0x7F0;
	v10 =	vld [tilespmem:s7+$0xCC00];
	s8 =	sadd.s32 $0x80, s8;
	s10 =	sadd.s32 $0x100, s10  }
0x4d4: {  	s11 =	smov.u32 s9;
	s9 =	sadd.s32 $0x10, s9;
	v11 =	vld [tilespmem:s7+$0xC860]  }
0x4d5: {  	v12 =	vld [tilespmem:s7+$0xC850];
	v7 =	vmul.f32 v7, v3;
	v9 =	vmul.f32 v9, v3  }
0x4d6: {  	v8 =	vmul.f32 v8, v3;
	v13 =	vld [tilespmem:s7+$0xCC30]  }
0x4d7: {  	v4 =	vmul.f32 v4, v3;
	v14 =	vld [tilespmem:s7+$0xC840];
	[tilespmem:s7+$0xC870] =	vst v7;
	v6 =	vmul.f32 v6, v3  }
0x4d8: {  	v5 =	vmul.f32 v5, v3;
	v7 =	vld [tilespmem:s7+$0xC800];
	v10 =	vmul.f32 v10, v3;
	[tilespmem:s7+$0xCC70] =	vst v9  }
0x4d9: {  	v9 =	vld [tilespmem:s7+$0xC830];
	v11 =	vmul.f32 v11, v3;
	[tilespmem:s7+$0xCC40] =	vst v8  }
0x4da: {  	v8 =	vld [tilespmem:s7+$0xC810];
	v12 =	vmul.f32 v12, v3;
	[tilespmem:s7+$0xCC00] =	vst v10  }
0x4db: {  	v10 =	vld [tilespmem:s7+$0xC820];
	[tilespmem:s7+$0xC860] =	vst v11;
	v11 =	vmul.f32 v13, v3  }
0x4dc: {  	v13 =	vmul.f32 v14, v3;
	[tilespmem:s7+$0xC850] =	vst v12;
	v12 =	vld [tilespmem:s7+$0xCC60]  }
0x4dd: {  	v14 =	vmul.f32 v7, v3;
	[tilespmem:s7+$0xCC50] =	vst v5  }
0x4de: {  	v5 =	vmul.f32 v9, v3;
	[tilespmem:s7+$0xCC10] =	vst v4  }
0x4df: {  	v4 =	vmul.f32 v8, v3;
	[tilespmem:s7+$0xCC20] =	vst v6  }
0x4e0: {  	v6 =	vmul.f32 v10, v3;
	[tilespmem:s7+$0xC840] =	vst v13  }
0x4e1: {  	s12 =	sand.u32 $0x7800, s10;
	s31 =	sand.u32 $0x380, s8;
	[tilespmem:s7+$0xC830] =	vst v5;
	v3 =	vmul.f32 v12, v3  }
0x4e2: {  	s12 =	sor.u32 s31, s12;
	[tilespmem:s7+$0xC820] =	vst v6  }
0x4e3: {  	v7 =	vld [tilespmem:s12+$0xC870];
	[tilespmem:s7+$0xC800] =	vst v14  }
0x4e4: {  	v9 =	vld [tilespmem:s12+$0xCC70];
	[tilespmem:s7+$0xCC30] =	vst v11  }
.Ltmp8:
0x4e5: {  	v8 =	vld [tilespmem:s12+$0xCC40];
	[tilespmem:s7+$0xC810] =	vst v4;
	(pc) =	sbr.rel @p0 .LBB2_18-.Ltmp8, $4  }
0x4e6: {  	s11 =	sand.u32 $0x7F0, s11;
	v4 =	vld [tilespmem:s12+$0xCC10];
	[tilespmem:s7+$0xCC60] =	vst v3;
	s7 =	smov.u32 s12  }
0x4e7: {  	v3 =	vld [tilespmem:s11+$0x4000]  }
0x4e8: {  	v5 =	vld [tilespmem:s7+$0xCC50]  }
0x4e9: {  	v6 =	vld [tilespmem:s7+$0xCC20]  }
0x4ea: {  	_ =	sdelay $0x1  }
0x4eb: {  	v7 =	vmul.f32 v7, v3  }
0x4ec: {  	v10 =	vld [tilespmem:s7+$0xCC00];
	v9 =	vmul.f32 v9, v3  }
0x4ed: {  	v11 =	vld [tilespmem:s7+$0xC860];
	v8 =	vmul.f32 v8, v3;
	[tilespmem:s7+$0xC870] =	vst v7  }
0x4ee: {  	v12 =	vld [tilespmem:s7+$0xC850];
	v4 =	vmul.f32 v4, v3;
	[tilespmem:s7+$0xCC70] =	vst v9  }
0x4ef: {  	v13 =	vld [tilespmem:s7+$0xC840];
	v5 =	vmul.f32 v5, v3;
	[tilespmem:s7+$0xCC40] =	vst v8  }
0x4f0: {  	v55 =	vld [tilespmem:s7+$0xC830];
	v6 =	vmul.f32 v6, v3;
	[tilespmem:s7+$0xCC10] =	vst v4  }
0x4f1: {  	v56 =	vld [tilespmem:s7+$0xC820];
	v10 =	vmul.f32 v10, v3;
	[tilespmem:s7+$0xCC50] =	vst v5  }
0x4f2: {  	v54 =	vld [tilespmem:s7+$0xC800];
	v11 =	vmul.f32 v11, v3;
	[tilespmem:s7+$0xCC20] =	vst v6  }
0x4f3: {  	v53 =	vld [tilespmem:s7+$0xCC30];
	v12 =	vmul.f32 v12, v3;
	[tilespmem:s7+$0xCC00] =	vst v10  }
0x4f4: {  	v58 =	vld [tilespmem:s7+$0xC810];
	v59 =	vmul.f32 v13, v3;
	[tilespmem:s7+$0xC860] =	vst v11  }
0x4f5: {  	v57 =	vld [tilespmem:s7+$0xCC60];
	v60 =	vmul.f32 v55, v3;
	[tilespmem:s7+$0xC850] =	vst v12  }
0x4f6: {  	v61 =	vmul.f32 v56, v3;
	[tilespmem:s7+$0xC840] =	vst v59  }
0x4f7: {  	v62 =	vmul.f32 v54, v3;
	[tilespmem:s7+$0xC830] =	vst v60  }
0x4f8: {  	v63 =	vmul.f32 v53, v3;
	[tilespmem:s7+$0xC820] =	vst v61  }
0x4f9: {  	v5 =	vmul.f32 v58, v3;
	[tilespmem:s7+$0xC800] =	vst v62  }
0x4fa: {  	v3 =	vmul.f32 v57, v3;
	[tilespmem:s7+$0xCC30] =	vst v63  }
0x4fb: {  	[tilespmem:s7+$0xC810] =	vst v5  }
0x4fc: {  	s12 =	rddreg [dreg:$0xd];
	[tilespmem:s7+$0xCC60] =	vst v3  }
0x4fd: {  	[hbm4b:s12+s4] =	stream.linear.scatter [tilespmem:s6], [sflag:$0x5], $0x8000, $0x38;
	[tilespmem:$0x1C800] =	vst v63  }
0x4fe: {  	_ =	swait.ge [sflag:s29], $0x8000  }
0x4ff: {  	[sflag:s29] =	ssyncset.done $0x0  }
0x500: {  	[sflag:s29] =	ssyncadd.s32 $0xFFFF8000  }
0x501: {  	_ =	swait.ge [sflag:s25], $0x8000  }
0x502: {  	[sflag:s25] =	ssyncset.done $0x0  }
0x503: {  	[sflag:s25] =	ssyncadd.s32 $0xFFFF8000  }
0x504: {  	_ =	swait.ge [sflag:s28], $0x8000  }
0x505: {  	s30 =	sadd.s32 $0x1, s30;
	s31 =	rddreg [dreg:$0xe]  }
0x506: {  	p0 =	sne.s32 s30, s31  }
.Ltmp9:
0x507: {  	_ = 	snop;
	(pc) =	sbr.rel @p0 .LBB2_1-.Ltmp9, $3  }
0x508: {  	_ =	sdelay $0x1  }
0x509: {  	[sflag:s28] =	ssyncset.done $0x0  }
0x50a: {  	[sflag:s28] =	ssyncadd.s32 $0xFFFF8000  }
0x50b: {  	_ =	sfence.sel $0x180000  }
0x50c: {  	[bflag:$0x0] =	sbarrier.arrive $0xFFFF  }
0x50d: {  	_ =	strace $0x90000047  }
0x50e: {  	s0 =	stileid.u32;
	[bflag:$0x2] =	sbarrier.arrive $0xFFFF  }
0x50f: {  	p0 =	sne.s32 s0, $0x0;
	s0 =	rddreg [dreg:$0x4]  }
0x510: {  	s0 =	sadd.s32 @!p0 $0x100000, s0  }
0x511: {  	[sflag:s0] =	ssyncadd.tile.s32 @!p0 $0x1;
	_ =	shalt  }
.Lfunc_end2:
_tile_overlayer_lowered:
.L_overlay_start_2:
0x512: {  	(tag) =	ssettag $0x2  }
0x513: {  	s0 =	rddreg [dreg:$0x0];
	s2 =	stileid.u32  }
0x514: {  	s1 =	rddreg [dreg:$0x1];
	p0 =	sne.s32 s2, $0x0  }
0x515: {  	s3 =	rddreg [dreg:$0x2];
	[bflag:$0x3] =	sbarrier.arrive $0xFFFF;
	s2 =	simm.s32 @!p0 $0x1C08  }
0x516: {  	[timem:s3], [sflag:s2] =	dma.local @!p0 [hbm:s0], s1  }
0x517: {  	s0 =	simm.s32 @!p0 $0x8  }
0x518: {  	_ =	swait.ge @!p0 [sflag:s0], s1  }
0x519: {  	s1 =	ssub.s32 @!p0 $0x0, s1;
	[sflag:s0] =	ssyncset.done @!p0 $0x0  }
0x51a: {  	[sflag:s0] =	ssyncadd.s32 @!p0 s1  }
0x51b: {  	[bflag:$0x3] =	sbarrier.arrive $0xFFFF  }
0x51c: {  	_ =	shalt  }

</sc_bundles>
